<compile_context>
chip_gen: v7x
topology: tpu7x:2x2x1
jax: 0.10.2.dev20260603
libtpu: 0.0.44.dev20260713+nightly
codegen_flags: <defaults>
</compile_context>

<pallas_src>
import functools

import jax
import jax.numpy as jnp
from jax import lax
from jax.experimental import pallas as pl
from jax.experimental.pallas import tpu as pltpu
from jax.experimental.pallas import tpu_sc as plsc

D_FEAT = 128
D_EDGE = 16
N_NODES = 10000
N_EDGES = 320000
LAT = 32
WIDTH = 32
N_PASSES = 3

NODE_BLK = 2000
EDGE_BLK = 8000


def _full_spec(shape):
    return pl.BlockSpec(shape, lambda i: tuple(0 for _ in shape))


def _row_spec(blk, shape):
    rest = shape[1:]
    return pl.BlockSpec((blk,) + rest, lambda i: (i,) + tuple(0 for _ in rest))


def _mlp3(x, w1, b1, w2, b2, w3, b3, extra=None):
    h = jnp.dot(x, w1, preferred_element_type=jnp.float32) + b1
    if extra is not None:
        h = h + extra
    h = jnp.maximum(h, 0.0)
    h = jnp.maximum(jnp.dot(h, w2, preferred_element_type=jnp.float32) + b2, 0.0)
    return jnp.dot(h, w3, preferred_element_type=jnp.float32) + b3



N_SC_CORES = 2
N_SUBCORES = 16
N_WORKERS = N_SC_CORES * N_SUBCORES
EDGES_PER_W = N_EDGES // N_WORKERS
GC = 400
G_CHUNKS = EDGES_PER_W // GC
SC_C = 1000
S_CHUNKS = EDGES_PER_W // SC_C
ROWS_PER_SUB = N_NODES // N_SUBCORES

_SC_PARAMS = pltpu.CompilerParams(use_tc_tiling_on_sc=False)


def sc_gather(a_tab, b_tab, d_idx, s_idx):
    mesh = plsc.VectorSubcoreMesh(core_axis_name="c", subcore_axis_name="s")

    @functools.partial(
        pl.kernel,
        out_type=[jax.ShapeDtypeStruct((N_EDGES, LAT), jnp.float32)] * 2,
        mesh=mesh,
        compiler_params=_SC_PARAMS,
        scratch_types=[
            pltpu.VMEM((EDGES_PER_W,), jnp.int32),
            pltpu.VMEM((EDGES_PER_W,), jnp.int32),
            pltpu.VMEM((GC, LAT), jnp.float32),
            pltpu.VMEM((GC, LAT), jnp.float32),
            pltpu.VMEM((GC, LAT), jnp.float32),
            pltpu.VMEM((GC, LAT), jnp.float32),
            pltpu.SemaphoreType.DMA,
            pltpu.SemaphoreType.DMA,
            pltpu.SemaphoreType.DMA,
            pltpu.SemaphoreType.DMA,
            pltpu.SemaphoreType.DMA,
            pltpu.SemaphoreType.DMA,
        ],
    )
    def _k(a_hbm, b_hbm, di_hbm, si_hbm, g0_hbm, g1_hbm,
           idxd, idxs, ba0, bb0, ba1, bb1, sg0, sg1, sa0, sb0, sa1, sb1):
        wid = lax.axis_index("s") * N_SC_CORES + lax.axis_index("c")
        base_w = wid * EDGES_PER_W
        ba = (ba0, ba1)
        bb = (bb0, bb1)
        sa = (sa0, sa1)
        sb = (sb0, sb1)
        sg = (sg0, sg1)

        cd = pltpu.async_copy(di_hbm.at[pl.ds(base_w, EDGES_PER_W)], idxd, sg0)
        cs = pltpu.async_copy(si_hbm.at[pl.ds(base_w, EDGES_PER_W)], idxs, sg1)
        cd.wait()
        cs.wait()

        def run_chunk(ci, k, j, sync_store):
            off = pl.multiple_of(ci * GC, 8)
            base = base_w + off
            if j is not None:
                @pl.when(j > 0)
                def _drain():
                    pltpu.make_async_copy(g0_hbm.at[pl.ds(base, GC)], ba[k], sa[k]).wait()
                    pltpu.make_async_copy(g1_hbm.at[pl.ds(base, GC)], bb[k], sb[k]).wait()
            ga = pltpu.async_copy(a_hbm.at[idxd.at[pl.ds(off, GC)]], ba[k], sg[k])
            gb = pltpu.async_copy(b_hbm.at[idxs.at[pl.ds(off, GC)]], bb[k], sg[k])
            ga.wait()
            gb.wait()
            if sync_store:
                pltpu.sync_copy(ba[k], g0_hbm.at[pl.ds(base, GC)])
                pltpu.sync_copy(bb[k], g1_hbm.at[pl.ds(base, GC)])
            else:
                pltpu.async_copy(ba[k], g0_hbm.at[pl.ds(base, GC)], sa[k])
                pltpu.async_copy(bb[k], g1_hbm.at[pl.ds(base, GC)], sb[k])

        n_pairs = G_CHUNKS // 2

        @pl.loop(0, n_pairs)
        def _(j):
            run_chunk(2 * j, 0, j, False)
            run_chunk(2 * j + 1, 1, j, False)

        last = G_CHUNKS - 1
        pltpu.make_async_copy(g0_hbm.at[pl.ds(base_w, GC)], ba[0], sa[0]).wait()
        pltpu.make_async_copy(g1_hbm.at[pl.ds(base_w, GC)], bb[0], sb[0]).wait()
        run_chunk(last, 0, None, True)
        pltpu.make_async_copy(g0_hbm.at[pl.ds(base_w, GC)], ba[1], sa[1]).wait()
        pltpu.make_async_copy(g1_hbm.at[pl.ds(base_w, GC)], bb[1], sb[1]).wait()

    return _k(a_tab, b_tab, d_idx, s_idx)


def sc_scatter(e_new, d_idx, zeros):
    mesh = plsc.VectorSubcoreMesh(core_axis_name="c", subcore_axis_name="s")

    @functools.partial(
        pl.kernel,
        out_type=jax.ShapeDtypeStruct((N_SC_CORES * N_NODES, LAT), jnp.float32),
        mesh=mesh,
        compiler_params=_SC_PARAMS,
        scratch_types=[
            pltpu.VMEM((S_CHUNKS, SC_C), jnp.int32),
            pltpu.VMEM((SC_C, LAT), jnp.float32),
            pltpu.VMEM((SC_C, LAT), jnp.float32),
            pltpu.VMEM_SHARED((N_NODES, LAT), jnp.float32),
            pltpu.SemaphoreType.DMA,
            pltpu.SemaphoreType.DMA,
            pltpu.SemaphoreType.DMA,
            pltpu.SemaphoreType.DMA,
        ],
    )
    def _k(val_hbm, di_hbm, z_hbm, out_hbm, idx2, vb0, vb1, acc,
           sv0, sv1, sd0, sd1):
        cid = lax.axis_index("c")
        sid = lax.axis_index("s")
        wid = sid * N_SC_CORES + cid
        rbase = sid * ROWS_PER_SUB
        base_w = wid * EDGES_PER_W
        vb = (vb0, vb1)
        sv = (sv0, sv1)
        sd = (sd0, sd1)

        pltpu.sync_copy(z_hbm.at[pl.ds(rbase, ROWS_PER_SUB)],
                        acc.at[pl.ds(rbase, ROWS_PER_SUB)])

        idx_cps = [
            pltpu.async_copy(di_hbm.at[pl.ds(base_w + ci * SC_C, SC_C)],
                             idx2.at[ci], sv0)
            for ci in range(S_CHUNKS)
        ]
        for cp in idx_cps:
            cp.wait()
        plsc.subcore_barrier()

        @pl.loop(0, S_CHUNKS // 2)
        def _(j):
            for k in range(2):
                ci = 2 * j + k
                base = base_w + pl.multiple_of(ci * SC_C, 8)

                @pl.when(j > 0)
                def _drain(k=k, base=base):
                    pltpu.make_async_copy(val_hbm.at[pl.ds(base, SC_C)],
                                          vb[k], sd[k]).wait()

                cv = pltpu.async_copy(val_hbm.at[pl.ds(base, SC_C)], vb[k], sv[k])
                cv.wait()
                pltpu.async_copy(vb[k], acc.at[idx2.at[ci]], sd[k], add=True)

        pltpu.make_async_copy(val_hbm.at[pl.ds(base_w, SC_C)], vb[0], sd[0]).wait()
        pltpu.make_async_copy(val_hbm.at[pl.ds(base_w, SC_C)], vb[1], sd[1]).wait()
        plsc.subcore_barrier()
        pltpu.sync_copy(acc.at[pl.ds(rbase, ROWS_PER_SUB)],
                        out_hbm.at[pl.ds(cid * N_NODES + rbase, ROWS_PER_SUB)])

    return _k(e_new, d_idx, zeros)




def _node_encode_kernel(nf_ref, w1, b1, w2, b2, w3, b3, wa, wb,
                        nlat_ref, a_ref, b_ref):
    nlat = _mlp3(nf_ref[...], w1[...], b1[...], w2[...], b2[...], w3[...], b3[...])
    nlat_ref[...] = nlat
    a_ref[...] = jnp.dot(nlat, wa[...], preferred_element_type=jnp.float32)
    b_ref[...] = jnp.dot(nlat, wb[...], preferred_element_type=jnp.float32)


def node_encode(n_feats, p, wa, wb):
    n = n_feats.shape[0]
    grid = (n // NODE_BLK,)
    out_shape = [jax.ShapeDtypeStruct((n, LAT), jnp.float32)] * 3
    return pl.pallas_call(
        _node_encode_kernel,
        grid=grid,
        in_specs=[
            _row_spec(NODE_BLK, n_feats.shape),
            _full_spec((D_FEAT, WIDTH)), _full_spec((1, WIDTH)),
            _full_spec((WIDTH, WIDTH)), _full_spec((1, WIDTH)),
            _full_spec((WIDTH, LAT)), _full_spec((1, LAT)),
            _full_spec((LAT, WIDTH)), _full_spec((LAT, WIDTH)),
        ],
        out_specs=[_row_spec(NODE_BLK, (n, LAT))] * 3,
        out_shape=out_shape,
    )(n_feats, p['W1'], p['b1'].reshape(1, -1), p['W2'], p['b2'].reshape(1, -1),
      p['W3'], p['b3'].reshape(1, -1), wa, wb)


PACK = 4
EB4 = EDGE_BLK // PACK


def _bd(w):
    a, b = w.shape
    out = jnp.zeros((PACK, a, PACK, b), w.dtype)
    for i in range(PACK):
        out = out.at[i, :, i, :].set(w)
    return out.reshape(PACK * a, PACK * b)


def _bt(b):
    return jnp.tile(b.reshape(1, -1), (1, PACK))


def _edge_encode_kernel(ef_ref, w1, b1, w2, b2, w3, b3, out_ref):
    out_ref[...] = _mlp3(ef_ref[...], w1[...], b1[...], w2[...], b2[...],
                         w3[...], b3[...])


def edge_encode(e_feats_p, p):
    ep = e_feats_p.shape[0]
    grid = (ep // EB4,)
    return pl.pallas_call(
        _edge_encode_kernel,
        grid=grid,
        in_specs=[
            _row_spec(EB4, e_feats_p.shape),
            _full_spec((PACK * D_EDGE, PACK * WIDTH)), _full_spec((1, PACK * WIDTH)),
            _full_spec((PACK * WIDTH, PACK * WIDTH)), _full_spec((1, PACK * WIDTH)),
            _full_spec((PACK * WIDTH, PACK * LAT)), _full_spec((1, PACK * LAT)),
        ],
        out_specs=_row_spec(EB4, (ep, PACK * LAT)),
        out_shape=jax.ShapeDtypeStruct((ep, PACK * LAT), jnp.float32),
    )(e_feats_p, _bd(p['W1']), _bt(p['b1']), _bd(p['W2']), _bt(p['b2']),
      _bd(p['W3']), _bt(p['b3']))


def _edge_update_kernel(elat_ref, g0_ref, g1_ref, w1e, b1, w2, b2, w3, b3,
                        out_ref):
    e = elat_ref[...]
    out = _mlp3(e, w1e[...], b1[...], w2[...], b2[...], w3[...], b3[...],
                extra=g0_ref[...] + g1_ref[...])
    out_ref[...] = (out + e) * 0.5


def edge_update(e_lat, g0, g1, p):
    ep = e_lat.shape[0]
    grid = (ep // EB4,)
    w1e = p['W1'][:LAT]
    wl = PACK * LAT
    return pl.pallas_call(
        _edge_update_kernel,
        grid=grid,
        in_specs=[
            _row_spec(EB4, (ep, wl)),
            _row_spec(EB4, (ep, wl)),
            _row_spec(EB4, (ep, wl)),
            _full_spec((wl, wl)), _full_spec((1, wl)),
            _full_spec((wl, wl)), _full_spec((1, wl)),
            _full_spec((wl, wl)), _full_spec((1, wl)),
        ],
        out_specs=_row_spec(EB4, (ep, wl)),
        out_shape=jax.ShapeDtypeStruct((ep, wl), jnp.float32),
    )(e_lat, g0, g1, _bd(w1e), _bt(p['b1']), _bd(p['W2']), _bt(p['b2']),
      _bd(p['W3']), _bt(p['b3']))


def _node_update_kernel(nlat_ref, p0_ref, p1_ref, w1n, w1s, b1, w2, b2, w3, b3,
                        wa, wb, out_ref, a_ref, b_ref):
    nl = nlat_ref[...]
    seg = p0_ref[...] + p1_ref[...]
    h = (jnp.dot(nl, w1n[...], preferred_element_type=jnp.float32)
         + jnp.dot(seg, w1s[...], preferred_element_type=jnp.float32)
         + b1[...])
    h = jnp.maximum(h, 0.0)
    h = jnp.maximum(jnp.dot(h, w2[...], preferred_element_type=jnp.float32) + b2[...], 0.0)
    out = jnp.dot(h, w3[...], preferred_element_type=jnp.float32) + b3[...]
    nn = (out + nl) * 0.5
    out_ref[...] = nn
    a_ref[...] = jnp.dot(nn, wa[...], preferred_element_type=jnp.float32)
    b_ref[...] = jnp.dot(nn, wb[...], preferred_element_type=jnp.float32)


def node_update(n_lat, partials, p, wa, wb):
    n = n_lat.shape[0]
    grid = (n // NODE_BLK,)
    nblk = n // NODE_BLK
    w1n = p['W1'][:LAT]
    w1s = p['W1'][LAT:]
    p0_spec = pl.BlockSpec((NODE_BLK, LAT), lambda i: (i, 0))
    p1_spec = pl.BlockSpec((NODE_BLK, LAT), lambda i: (i + nblk, 0))
    return pl.pallas_call(
        _node_update_kernel,
        grid=grid,
        in_specs=[
            _row_spec(NODE_BLK, (n, LAT)),
            p0_spec,
            p1_spec,
            _full_spec((LAT, WIDTH)), _full_spec((LAT, WIDTH)), _full_spec((1, WIDTH)),
            _full_spec((WIDTH, WIDTH)), _full_spec((1, WIDTH)),
            _full_spec((WIDTH, LAT)), _full_spec((1, LAT)),
            _full_spec((LAT, WIDTH)), _full_spec((LAT, WIDTH)),
        ],
        out_specs=[_row_spec(NODE_BLK, (n, LAT))] * 3,
        out_shape=[jax.ShapeDtypeStruct((n, LAT), jnp.float32)] * 3,
    )(n_lat, partials, partials, w1n, w1s, p['b1'].reshape(1, -1),
      p['W2'], p['b2'].reshape(1, -1),
      p['W3'], p['b3'].reshape(1, -1), wa, wb)


def _decode_kernel(nlat_ref, nf_ref, w1, b1, w2, b2, w3, b3, out_ref):
    out_ref[...] = nf_ref[...] + _mlp3(
        nlat_ref[...], w1[...], b1[...], w2[...], b2[...], w3[...], b3[...])


def decode(n_lat, n_feats, p):
    n = n_lat.shape[0]
    grid = (n // NODE_BLK,)
    return pl.pallas_call(
        _decode_kernel,
        grid=grid,
        in_specs=[
            _row_spec(NODE_BLK, (n, LAT)),
            _row_spec(NODE_BLK, (n, D_FEAT)),
            _full_spec((LAT, WIDTH)), _full_spec((1, WIDTH)),
            _full_spec((WIDTH, WIDTH)), _full_spec((1, WIDTH)),
            _full_spec((WIDTH, D_FEAT)), _full_spec((1, D_FEAT)),
        ],
        out_specs=_row_spec(NODE_BLK, (n, D_FEAT)),
        out_shape=jax.ShapeDtypeStruct((n, D_FEAT), jnp.float32),
    )(n_lat, n_feats, p['W1'], p['b1'].reshape(1, -1), p['W2'], p['b2'].reshape(1, -1),
      p['W3'], p['b3'].reshape(1, -1))




@jax.jit
def _run(edges, n_feats, e_feats, params):
    d_idx = edges[:, 0]
    s_idx = edges[:, 1]
    zeros = jnp.zeros((N_NODES, LAT), jnp.float32)
    e_feats_p = e_feats.reshape(N_EDGES // PACK, PACK * D_EDGE)

    n_lat, a_tab, b_tab = node_encode(
        n_feats, params['n_enc'],
        params['e_proc_0']['W1'][LAT:2 * LAT], params['e_proc_0']['W1'][2 * LAT:])
    e_lat = edge_encode(e_feats_p, params['e_enc'])

    for i in range(N_PASSES):
        g0, g1 = sc_gather(a_tab, b_tab, d_idx, s_idx)
        g0 = g0.reshape(N_EDGES // PACK, PACK * LAT)
        g1 = g1.reshape(N_EDGES // PACK, PACK * LAT)
        e_lat = edge_update(e_lat, g0, g1, params['e_proc_%d' % i])
        partials = sc_scatter(e_lat.reshape(N_EDGES, LAT), d_idx, zeros)
        if i + 1 < N_PASSES:
            wnext = params['e_proc_%d' % (i + 1)]['W1']
            wa, wb = wnext[LAT:2 * LAT], wnext[2 * LAT:]
        else:
            wa = jnp.zeros((LAT, WIDTH), jnp.float32)
            wb = jnp.zeros((LAT, WIDTH), jnp.float32)
        n_lat, a_tab, b_tab = node_update(n_lat, partials, params['n_proc_%d' % i],
                                          wa, wb)

    return decode(n_lat, n_feats, params['dec'])


def kernel(edges, n_feats, e_feats, params):
    return _run(edges, n_feats, e_feats, params)

# --- scband reference (transcript-rebuilt; emitter-appended) ---
"""Pipeline reference for scband-gnn-59734405152882 (READ-ONLY COPY).

The authoritative reference and input builder live on the scoring server;
editing this copy changes nothing except your own understanding.
"""

import jax, jax.numpy as jnp
import numpy as np

D_FEAT = 128
D_EDGE = 16
N_NODES = 10000
N_EDGES = 320000
LAT = 32
WIDTH = 32
N_PASSES = 3


def _block(key, din, width, dout):
    k1, k2, k3 = jax.random.split(key, 3)
    def s(k, a, b):
        return jax.random.normal(k, (a, b), dtype=jnp.float32) * (1.0 / np.sqrt(a))
    return {
        'W1': s(k1, din, width), 'b1': jnp.zeros((width,), jnp.float32),
        'W2': s(k2, width, width), 'b2': jnp.zeros((width,), jnp.float32),
        'W3': s(k3, width, dout), 'b3': jnp.zeros((dout,), jnp.float32),
    }


def _mlp(p, x):
    h = jax.nn.relu(x @ p['W1'] + p['b1'])
    h = jax.nn.relu(h @ p['W2'] + p['b2'])
    return h @ p['W3'] + p['b3']


def setup_inputs(seed: int = 0):
    key = jax.random.key(seed)
    ks = jax.random.split(key, 16)
    edges = jax.random.randint(ks[0], (N_EDGES, 2), 0, N_NODES, dtype=jnp.int32)
    n_feats = jax.random.normal(ks[1], (N_NODES, D_FEAT), dtype=jnp.float32)
    e_feats = jax.random.normal(ks[2], (N_EDGES, D_EDGE), dtype=jnp.float32)
    params = {
        'e_enc': _block(ks[3], D_EDGE, WIDTH, LAT),
        'n_enc': _block(ks[4], D_FEAT, WIDTH, LAT),
        'dec': _block(ks[5], LAT, WIDTH, D_FEAT),
    }
    for i in range(N_PASSES):
        params['e_proc_%d' % i] = _block(ks[6 + 2 * i], 3 * LAT, WIDTH, LAT)
        params['n_proc_%d' % i] = _block(ks[7 + 2 * i], 2 * LAT, WIDTH, LAT)
    return {'edges': edges, 'n_feats': n_feats, 'e_feats': e_feats, 'params': params}


def reference(edges, n_feats, e_feats, params):
    # encode
    n_lat = _mlp(params['n_enc'], n_feats)
    e_lat = _mlp(params['e_enc'], e_feats)
    # message passing
    for i in range(N_PASSES):
        # gather endpoint node latents for each edge: [E, 2, LAT] -> [E, 2*LAT]
        nfe = jnp.take(n_lat, edges, axis=0).reshape(edges.shape[0], -1)
        e_in = jnp.concatenate([e_lat, nfe], axis=1)
        e_lat = (_mlp(params['e_proc_%d' % i], e_in) + e_lat) * 0.5
        # scatter-add edge latents onto destination nodes (edges[:, 0])
        edges_sum = jax.ops.segment_sum(e_lat, edges[:, 0], num_segments=n_feats.shape[0])
        n_in = jnp.concatenate([n_lat, edges_sum], axis=1)
        n_lat = (_mlp(params['n_proc_%d' % i], n_in) + n_lat) * 0.5
    # decode + residual on raw node features
    out = _mlp(params['dec'], n_lat)
    return n_feats + out

if __name__ == "__main__":
    import jax
    _d = setup_inputs()
    print(jax.jit(kernel)(*tuple(_d.values())))

</pallas_src>

<mosaic_0001>
#map = affine_map<(d0, d1) -> (0, 0)>
#map1 = affine_map<(d0, d1) -> (0)>
module attributes {stable_mosaic.version = 14 : i64} {
  func.func @_k(%arg0: i32, %arg1: i32, %arg2: memref<10000x32xf32, #tpu.memory_space<hbm>>, %arg3: memref<10000x32xf32, #tpu.memory_space<hbm>>, %arg4: memref<320000xi32, #tpu.memory_space<hbm>>, %arg5: memref<320000xi32, #tpu.memory_space<hbm>>, %arg6: memref<320000x32xf32, #tpu.memory_space<hbm>>, %arg7: memref<320000x32xf32, #tpu.memory_space<hbm>>, %arg8: memref<10000xi32, #tpu.memory_space<vmem>>, %arg9: memref<10000xi32, #tpu.memory_space<vmem>>, %arg10: memref<400x32xf32, #tpu.memory_space<vmem>>, %arg11: memref<400x32xf32, #tpu.memory_space<vmem>>, %arg12: memref<400x32xf32, #tpu.memory_space<vmem>>, %arg13: memref<400x32xf32, #tpu.memory_space<vmem>>, %arg14: memref<!tpu.dma_semaphore, #tpu.memory_space<semaphore_mem>>, %arg15: memref<!tpu.dma_semaphore, #tpu.memory_space<semaphore_mem>>, %arg16: memref<!tpu.dma_semaphore, #tpu.memory_space<semaphore_mem>>, %arg17: memref<!tpu.dma_semaphore, #tpu.memory_space<semaphore_mem>>, %arg18: memref<!tpu.dma_semaphore, #tpu.memory_space<semaphore_mem>>, %arg19: memref<!tpu.dma_semaphore, #tpu.memory_space<semaphore_mem>>) attributes {dimension_semantics = [#tpu.dimension_semantics<core_parallel>, #tpu.dimension_semantics<subcore_parallel>], iteration_bounds = array<i64: 2, 16>, scalar_prefetch = 0 : i64, scratch_operands = 12 : i64, tpu.core_type = #tpu.core_type<sc_vector_subcore>, window_params = [{transform_indices = #map}, {transform_indices = #map}, {transform_indices = #map1}, {transform_indices = #map1}, {transform_indices = #map}, {transform_indices = #map}]} {
    %mul3A = arith.constant 2 : i32
    %mul3A_0 = arith.muli %arg1, %mul3A : i32
    %add3A = arith.addi %mul3A_0, %arg0 : i32
    %mul3A_1 = arith.constant 10000 : i32
    %mul3A_2 = arith.muli %add3A, %mul3A_1 : i32
    %dma_start3A = tpu.memref_slice %arg4[%mul3A_2] : memref<320000xi32, #tpu.memory_space<hbm>> -> memref<10000xi32, #tpu.memory_space<hbm>>
    %dma_start3A_3 = tpu.memref_slice %arg4[%mul3A_2] : memref<320000xi32, #tpu.memory_space<hbm>> -> memref<10000xi32, #tpu.memory_space<hbm>>
    tpu.enqueue_dma source(%dma_start3A_3 : memref<10000xi32, #tpu.memory_space<hbm>>) target(%arg8 : memref<10000xi32, #tpu.memory_space<vmem>>) target_semaphore(%arg14 : memref<!tpu.dma_semaphore, #tpu.memory_space<semaphore_mem>>)
    %dma_start3A_4 = tpu.memref_slice %arg5[%mul3A_2] : memref<320000xi32, #tpu.memory_space<hbm>> -> memref<10000xi32, #tpu.memory_space<hbm>>
    %dma_start3A_5 = tpu.memref_slice %arg5[%mul3A_2] : memref<320000xi32, #tpu.memory_space<hbm>> -> memref<10000xi32, #tpu.memory_space<hbm>>
    tpu.enqueue_dma source(%dma_start3A_5 : memref<10000xi32, #tpu.memory_space<hbm>>) target(%arg9 : memref<10000xi32, #tpu.memory_space<vmem>>) target_semaphore(%arg15 : memref<!tpu.dma_semaphore, #tpu.memory_space<semaphore_mem>>)
    %dma_wait3A = tpu.memref_slice %arg4[%mul3A_2] : memref<320000xi32, #tpu.memory_space<hbm>> -> memref<10000xi32, #tpu.memory_space<hbm>>
    %dma_wait3A_6 = tpu.memref_slice %arg4[%mul3A_2] : memref<320000xi32, #tpu.memory_space<hbm>> -> memref<10000xi32, #tpu.memory_space<hbm>>
    tpu.wait_dma2 semaphore(%arg14 : memref<!tpu.dma_semaphore, #tpu.memory_space<semaphore_mem>>) src(%dma_wait3A_6 : memref<10000xi32, #tpu.memory_space<hbm>>) dst(%arg8 : memref<10000xi32, #tpu.memory_space<vmem>>)
    %dma_wait3A_7 = tpu.memref_slice %arg5[%mul3A_2] : memref<320000xi32, #tpu.memory_space<hbm>> -> memref<10000xi32, #tpu.memory_space<hbm>>
    %dma_wait3A_8 = tpu.memref_slice %arg5[%mul3A_2] : memref<320000xi32, #tpu.memory_space<hbm>> -> memref<10000xi32, #tpu.memory_space<hbm>>
    tpu.wait_dma2 semaphore(%arg15 : memref<!tpu.dma_semaphore, #tpu.memory_space<semaphore_mem>>) src(%dma_wait3A_8 : memref<10000xi32, #tpu.memory_space<hbm>>) dst(%arg9 : memref<10000xi32, #tpu.memory_space<vmem>>)
    %scan3A = arith.constant 0 : i32
    %scan3A_9 = arith.constant 12 : i32
    %scan3A_10 = arith.addi %scan3A, %scan3A_9 : i32
    %scan3A_11 = arith.constant 1 : i32
    scf.for %scan3A_47 = %scan3A to %scan3A_10 step %scan3A_11  : i32 {
      %mul3A_48 = arith.constant 1 : i32
      %mul3A_49 = arith.muli %scan3A_47, %mul3A_48 : i32
      %add3A_50 = arith.constant 0 : i32
      %add3A_51 = arith.addi %add3A_50, %mul3A_49 : i32
      %mul3A_52 = arith.constant 2 : i32
      %mul3A_53 = arith.muli %mul3A_52, %add3A_51 : i32
      %mul3A_54 = arith.constant 400 : i32
      %mul3A_55 = arith.muli %mul3A_53, %mul3A_54 : i32
      %multiple_of3A_56 = tpu.assume_multiple %mul3A_55, 8 : i32
      %add3A_57 = arith.addi %mul3A_2, %multiple_of3A_56 : i32
      %gt3A = arith.constant 0 : i32
      %gt3A_58 = arith.cmpi sgt, %add3A_51, %gt3A : i32
      %convert_element_type3A = arith.extui %gt3A_58 : i1 to i32
      %cond3A = arith.constant 0 : i32
      %cond3A_59 = arith.cmpi ne, %convert_element_type3A, %cond3A : i32
      scf.if %cond3A_59 {
        %dma_wait3A_121 = arith.constant 0 : i32
        %dma_wait3A_122 = tpu.memref_slice %arg6[%add3A_57, %dma_wait3A_121] : memref<320000x32xf32, #tpu.memory_space<hbm>> -> memref<400x32xf32, #tpu.memory_space<hbm>>
        %dma_wait3A_123 = arith.constant 0 : i32
        %dma_wait3A_124 = tpu.memref_slice %arg6[%add3A_57, %dma_wait3A_123] : memref<320000x32xf32, #tpu.memory_space<hbm>> -> memref<400x32xf32, #tpu.memory_space<hbm>>
        tpu.wait_dma2 semaphore(%arg16 : memref<!tpu.dma_semaphore, #tpu.memory_space<semaphore_mem>>) src(%dma_wait3A_124 : memref<400x32xf32, #tpu.memory_space<hbm>>) dst(%arg10 : memref<400x32xf32, #tpu.memory_space<vmem>>)
        %dma_wait3A_125 = arith.constant 0 : i32
        %dma_wait3A_126 = tpu.memref_slice %arg7[%add3A_57, %dma_wait3A_125] : memref<320000x32xf32, #tpu.memory_space<hbm>> -> memref<400x32xf32, #tpu.memory_space<hbm>>
        %dma_wait3A_127 = arith.constant 0 : i32
        %dma_wait3A_128 = tpu.memref_slice %arg7[%add3A_57, %dma_wait3A_127] : memref<320000x32xf32, #tpu.memory_space<hbm>> -> memref<400x32xf32, #tpu.memory_space<hbm>>
        tpu.wait_dma2 semaphore(%arg17 : memref<!tpu.dma_semaphore, #tpu.memory_space<semaphore_mem>>) src(%dma_wait3A_128 : memref<400x32xf32, #tpu.memory_space<hbm>>) dst(%arg11 : memref<400x32xf32, #tpu.memory_space<vmem>>)
      } else {
      }
      %dma_start3A_60 = tpu.memref_slice %arg8[%multiple_of3A_56] : memref<10000xi32, #tpu.memory_space<vmem>> -> memref<400xi32, #tpu.memory_space<vmem>>
      %dma_start3A_61 = arith.constant 0 : i32
      %dma_start3A_62 = arith.constant 0 : i32
      %dma_start3A_63 = tpu.memref_slice %arg2[%dma_start3A_61, %dma_start3A_62] : memref<10000x32xf32, #tpu.memory_space<hbm>> -> memref<10000x32xf32, #tpu.memory_space<hbm>>
      tpu.enqueue_indirect_dma source(%dma_start3A_63 : memref<10000x32xf32, #tpu.memory_space<hbm>>) target(%arg10 : memref<400x32xf32, #tpu.memory_space<vmem>>) offsets(%dma_start3A_60 : memref<400xi32, #tpu.memory_space<vmem>>) semaphore(%arg14 : memref<!tpu.dma_semaphore, #tpu.memory_space<semaphore_mem>>)
      %dma_start3A_64 = tpu.memref_slice %arg9[%multiple_of3A_56] : memref<10000xi32, #tpu.memory_space<vmem>> -> memref<400xi32, #tpu.memory_space<vmem>>
      %dma_start3A_65 = arith.constant 0 : i32
      %dma_start3A_66 = arith.constant 0 : i32
      %dma_start3A_67 = tpu.memref_slice %arg3[%dma_start3A_65, %dma_start3A_66] : memref<10000x32xf32, #tpu.memory_space<hbm>> -> memref<10000x32xf32, #tpu.memory_space<hbm>>
      tpu.enqueue_indirect_dma source(%dma_start3A_67 : memref<10000x32xf32, #tpu.memory_space<hbm>>) target(%arg11 : memref<400x32xf32, #tpu.memory_space<vmem>>) offsets(%dma_start3A_64 : memref<400xi32, #tpu.memory_space<vmem>>) semaphore(%arg14 : memref<!tpu.dma_semaphore, #tpu.memory_space<semaphore_mem>>)
      %dma_wait3A_68 = tpu.memref_slice %arg8[%multiple_of3A_56] : memref<10000xi32, #tpu.memory_space<vmem>> -> memref<400xi32, #tpu.memory_space<vmem>>
      %dma_wait3A_69 = arith.constant 0 : i32
      %dma_wait3A_70 = arith.constant 0 : i32
      %dma_wait3A_71 = tpu.memref_slice %arg2[%dma_wait3A_69, %dma_wait3A_70] : memref<10000x32xf32, #tpu.memory_space<hbm>> -> memref<10000x32xf32, #tpu.memory_space<hbm>>
      tpu.wait_indirect_dma semaphore(%arg14 : memref<!tpu.dma_semaphore, #tpu.memory_space<semaphore_mem>>) src(%dma_wait3A_71 : memref<10000x32xf32, #tpu.memory_space<hbm>>) dst(%arg10 : memref<400x32xf32, #tpu.memory_space<vmem>>)
      %dma_wait3A_72 = tpu.memref_slice %arg9[%multiple_of3A_56] : memref<10000xi32, #tpu.memory_space<vmem>> -> memref<400xi32, #tpu.memory_space<vmem>>
      %dma_wait3A_73 = arith.constant 0 : i32
      %dma_wait3A_74 = arith.constant 0 : i32
      %dma_wait3A_75 = tpu.memref_slice %arg3[%dma_wait3A_73, %dma_wait3A_74] : memref<10000x32xf32, #tpu.memory_space<hbm>> -> memref<10000x32xf32, #tpu.memory_space<hbm>>
      tpu.wait_indirect_dma semaphore(%arg14 : memref<!tpu.dma_semaphore, #tpu.memory_space<semaphore_mem>>) src(%dma_wait3A_75 : memref<10000x32xf32, #tpu.memory_space<hbm>>) dst(%arg11 : memref<400x32xf32, #tpu.memory_space<vmem>>)
      %dma_start3A_76 = arith.constant 0 : i32
      %dma_start3A_77 = tpu.memref_slice %arg6[%add3A_57, %dma_start3A_76] : memref<320000x32xf32, #tpu.memory_space<hbm>> -> memref<400x32xf32, #tpu.memory_space<hbm>>
      %dma_start3A_78 = arith.constant 0 : i32
      %dma_start3A_79 = tpu.memref_slice %arg6[%add3A_57, %dma_start3A_78] : memref<320000x32xf32, #tpu.memory_space<hbm>> -> memref<400x32xf32, #tpu.memory_space<hbm>>
      tpu.enqueue_dma source(%arg10 : memref<400x32xf32, #tpu.memory_space<vmem>>) target(%dma_start3A_79 : memref<400x32xf32, #tpu.memory_space<hbm>>) target_semaphore(%arg16 : memref<!tpu.dma_semaphore, #tpu.memory_space<semaphore_mem>>)
      %dma_start3A_80 = arith.constant 0 : i32
      %dma_start3A_81 = tpu.memref_slice %arg7[%add3A_57, %dma_start3A_80] : memref<320000x32xf32, #tpu.memory_space<hbm>> -> memref<400x32xf32, #tpu.memory_space<hbm>>
      %dma_start3A_82 = arith.constant 0 : i32
      %dma_start3A_83 = tpu.memref_slice %arg7[%add3A_57, %dma_start3A_82] : memref<320000x32xf32, #tpu.memory_space<hbm>> -> memref<400x32xf32, #tpu.memory_space<hbm>>
      tpu.enqueue_dma source(%arg11 : memref<400x32xf32, #tpu.memory_space<vmem>>) target(%dma_start3A_83 : memref<400x32xf32, #tpu.memory_space<hbm>>) target_semaphore(%arg17 : memref<!tpu.dma_semaphore, #tpu.memory_space<semaphore_mem>>)
      %mul3A_84 = arith.constant 2 : i32
      %mul3A_85 = arith.muli %mul3A_84, %add3A_51 : i32
      %add3A_86 = arith.constant 1 : i32
      %add3A_87 = arith.addi %mul3A_85, %add3A_86 : i32
      %mul3A_88 = arith.constant 400 : i32
      %mul3A_89 = arith.muli %add3A_87, %mul3A_88 : i32
      %multiple_of3A_90 = tpu.assume_multiple %mul3A_89, 8 : i32
      %add3A_91 = arith.addi %mul3A_2, %multiple_of3A_90 : i32
      %gt3A_92 = arith.constant 0 : i32
      %gt3A_93 = arith.cmpi sgt, %add3A_51, %gt3A_92 : i32
      %convert_element_type3A_94 = arith.extui %gt3A_93 : i1 to i32
      %cond3A_95 = arith.constant 0 : i32
      %cond3A_96 = arith.cmpi ne, %convert_element_type3A_94, %cond3A_95 : i32
      scf.if %cond3A_96 {
        %dma_wait3A_121 = arith.constant 0 : i32
        %dma_wait3A_122 = tpu.memref_slice %arg6[%add3A_91, %dma_wait3A_121] : memref<320000x32xf32, #tpu.memory_space<hbm>> -> memref<400x32xf32, #tpu.memory_space<hbm>>
        %dma_wait3A_123 = arith.constant 0 : i32
        %dma_wait3A_124 = tpu.memref_slice %arg6[%add3A_91, %dma_wait3A_123] : memref<320000x32xf32, #tpu.memory_space<hbm>> -> memref<400x32xf32, #tpu.memory_space<hbm>>
        tpu.wait_dma2 semaphore(%arg18 : memref<!tpu.dma_semaphore, #tpu.memory_space<semaphore_mem>>) src(%dma_wait3A_124 : memref<400x32xf32, #tpu.memory_space<hbm>>) dst(%arg12 : memref<400x32xf32, #tpu.memory_space<vmem>>)
        %dma_wait3A_125 = arith.constant 0 : i32
        %dma_wait3A_126 = tpu.memref_slice %arg7[%add3A_91, %dma_wait3A_125] : memref<320000x32xf32, #tpu.memory_space<hbm>> -> memref<400x32xf32, #tpu.memory_space<hbm>>
        %dma_wait3A_127 = arith.constant 0 : i32
        %dma_wait3A_128 = tpu.memref_slice %arg7[%add3A_91, %dma_wait3A_127] : memref<320000x32xf32, #tpu.memory_space<hbm>> -> memref<400x32xf32, #tpu.memory_space<hbm>>
        tpu.wait_dma2 semaphore(%arg19 : memref<!tpu.dma_semaphore, #tpu.memory_space<semaphore_mem>>) src(%dma_wait3A_128 : memref<400x32xf32, #tpu.memory_space<hbm>>) dst(%arg13 : memref<400x32xf32, #tpu.memory_space<vmem>>)
      } else {
      }
      %dma_start3A_97 = tpu.memref_slice %arg8[%multiple_of3A_90] : memref<10000xi32, #tpu.memory_space<vmem>> -> memref<400xi32, #tpu.memory_space<vmem>>
      %dma_start3A_98 = arith.constant 0 : i32
      %dma_start3A_99 = arith.constant 0 : i32
      %dma_start3A_100 = tpu.memref_slice %arg2[%dma_start3A_98, %dma_start3A_99] : memref<10000x32xf32, #tpu.memory_space<hbm>> -> memref<10000x32xf32, #tpu.memory_space<hbm>>
      tpu.enqueue_indirect_dma source(%dma_start3A_100 : memref<10000x32xf32, #tpu.memory_space<hbm>>) target(%arg12 : memref<400x32xf32, #tpu.memory_space<vmem>>) offsets(%dma_start3A_97 : memref<400xi32, #tpu.memory_space<vmem>>) semaphore(%arg15 : memref<!tpu.dma_semaphore, #tpu.memory_space<semaphore_mem>>)
      %dma_start3A_101 = tpu.memref_slice %arg9[%multiple_of3A_90] : memref<10000xi32, #tpu.memory_space<vmem>> -> memref<400xi32, #tpu.memory_space<vmem>>
      %dma_start3A_102 = arith.constant 0 : i32
      %dma_start3A_103 = arith.constant 0 : i32
      %dma_start3A_104 = tpu.memref_slice %arg3[%dma_start3A_102, %dma_start3A_103] : memref<10000x32xf32, #tpu.memory_space<hbm>> -> memref<10000x32xf32, #tpu.memory_space<hbm>>
      tpu.enqueue_indirect_dma source(%dma_start3A_104 : memref<10000x32xf32, #tpu.memory_space<hbm>>) target(%arg13 : memref<400x32xf32, #tpu.memory_space<vmem>>) offsets(%dma_start3A_101 : memref<400xi32, #tpu.memory_space<vmem>>) semaphore(%arg15 : memref<!tpu.dma_semaphore, #tpu.memory_space<semaphore_mem>>)
      %dma_wait3A_105 = tpu.memref_slice %arg8[%multiple_of3A_90] : memref<10000xi32, #tpu.memory_space<vmem>> -> memref<400xi32, #tpu.memory_space<vmem>>
      %dma_wait3A_106 = arith.constant 0 : i32
      %dma_wait3A_107 = arith.constant 0 : i32
      %dma_wait3A_108 = tpu.memref_slice %arg2[%dma_wait3A_106, %dma_wait3A_107] : memref<10000x32xf32, #tpu.memory_space<hbm>> -> memref<10000x32xf32, #tpu.memory_space<hbm>>
      tpu.wait_indirect_dma semaphore(%arg15 : memref<!tpu.dma_semaphore, #tpu.memory_space<semaphore_mem>>) src(%dma_wait3A_108 : memref<10000x32xf32, #tpu.memory_space<hbm>>) dst(%arg12 : memref<400x32xf32, #tpu.memory_space<vmem>>)
      %dma_wait3A_109 = tpu.memref_slice %arg9[%multiple_of3A_90] : memref<10000xi32, #tpu.memory_space<vmem>> -> memref<400xi32, #tpu.memory_space<vmem>>
      %dma_wait3A_110 = arith.constant 0 : i32
      %dma_wait3A_111 = arith.constant 0 : i32
      %dma_wait3A_112 = tpu.memref_slice %arg3[%dma_wait3A_110, %dma_wait3A_111] : memref<10000x32xf32, #tpu.memory_space<hbm>> -> memref<10000x32xf32, #tpu.memory_space<hbm>>
      tpu.wait_indirect_dma semaphore(%arg15 : memref<!tpu.dma_semaphore, #tpu.memory_space<semaphore_mem>>) src(%dma_wait3A_112 : memref<10000x32xf32, #tpu.memory_space<hbm>>) dst(%arg13 : memref<400x32xf32, #tpu.memory_space<vmem>>)
      %dma_start3A_113 = arith.constant 0 : i32
      %dma_start3A_114 = tpu.memref_slice %arg6[%add3A_91, %dma_start3A_113] : memref<320000x32xf32, #tpu.memory_space<hbm>> -> memref<400x32xf32, #tpu.memory_space<hbm>>
      %dma_start3A_115 = arith.constant 0 : i32
      %dma_start3A_116 = tpu.memref_slice %arg6[%add3A_91, %dma_start3A_115] : memref<320000x32xf32, #tpu.memory_space<hbm>> -> memref<400x32xf32, #tpu.memory_space<hbm>>
      tpu.enqueue_dma source(%arg12 : memref<400x32xf32, #tpu.memory_space<vmem>>) target(%dma_start3A_116 : memref<400x32xf32, #tpu.memory_space<hbm>>) target_semaphore(%arg18 : memref<!tpu.dma_semaphore, #tpu.memory_space<semaphore_mem>>)
      %dma_start3A_117 = arith.constant 0 : i32
      %dma_start3A_118 = tpu.memref_slice %arg7[%add3A_91, %dma_start3A_117] : memref<320000x32xf32, #tpu.memory_space<hbm>> -> memref<400x32xf32, #tpu.memory_space<hbm>>
      %dma_start3A_119 = arith.constant 0 : i32
      %dma_start3A_120 = tpu.memref_slice %arg7[%add3A_91, %dma_start3A_119] : memref<320000x32xf32, #tpu.memory_space<hbm>> -> memref<400x32xf32, #tpu.memory_space<hbm>>
      tpu.enqueue_dma source(%arg13 : memref<400x32xf32, #tpu.memory_space<vmem>>) target(%dma_start3A_120 : memref<400x32xf32, #tpu.memory_space<hbm>>) target_semaphore(%arg19 : memref<!tpu.dma_semaphore, #tpu.memory_space<semaphore_mem>>)
    }
    %scan3A_12 = arith.constant 12 : i32
    %dma_wait3A_13 = arith.constant 0 : i32
    %dma_wait3A_14 = tpu.memref_slice %arg6[%mul3A_2, %dma_wait3A_13] : memref<320000x32xf32, #tpu.memory_space<hbm>> -> memref<400x32xf32, #tpu.memory_space<hbm>>
    %dma_wait3A_15 = arith.constant 0 : i32
    %dma_wait3A_16 = tpu.memref_slice %arg6[%mul3A_2, %dma_wait3A_15] : memref<320000x32xf32, #tpu.memory_space<hbm>> -> memref<400x32xf32, #tpu.memory_space<hbm>>
    tpu.wait_dma2 semaphore(%arg16 : memref<!tpu.dma_semaphore, #tpu.memory_space<semaphore_mem>>) src(%dma_wait3A_16 : memref<400x32xf32, #tpu.memory_space<hbm>>) dst(%arg10 : memref<400x32xf32, #tpu.memory_space<vmem>>)
    %dma_wait3A_17 = arith.constant 0 : i32
    %dma_wait3A_18 = tpu.memref_slice %arg7[%mul3A_2, %dma_wait3A_17] : memref<320000x32xf32, #tpu.memory_space<hbm>> -> memref<400x32xf32, #tpu.memory_space<hbm>>
    %dma_wait3A_19 = arith.constant 0 : i32
    %dma_wait3A_20 = tpu.memref_slice %arg7[%mul3A_2, %dma_wait3A_19] : memref<320000x32xf32, #tpu.memory_space<hbm>> -> memref<400x32xf32, #tpu.memory_space<hbm>>
    tpu.wait_dma2 semaphore(%arg17 : memref<!tpu.dma_semaphore, #tpu.memory_space<semaphore_mem>>) src(%dma_wait3A_20 : memref<400x32xf32, #tpu.memory_space<hbm>>) dst(%arg11 : memref<400x32xf32, #tpu.memory_space<vmem>>)
    %multiple_of3A = arith.constant 9600 : i32
    %multiple_of3A_21 = tpu.assume_multiple %multiple_of3A, 8 : i32
    %add3A_22 = arith.addi %mul3A_2, %multiple_of3A_21 : i32
    %dma_start3A_23 = tpu.memref_slice %arg8[%multiple_of3A_21] : memref<10000xi32, #tpu.memory_space<vmem>> -> memref<400xi32, #tpu.memory_space<vmem>>
    %dma_start3A_24 = arith.constant 0 : i32
    %dma_start3A_25 = arith.constant 0 : i32
    %dma_start3A_26 = tpu.memref_slice %arg2[%dma_start3A_24, %dma_start3A_25] : memref<10000x32xf32, #tpu.memory_space<hbm>> -> memref<10000x32xf32, #tpu.memory_space<hbm>>
    tpu.enqueue_indirect_dma source(%dma_start3A_26 : memref<10000x32xf32, #tpu.memory_space<hbm>>) target(%arg10 : memref<400x32xf32, #tpu.memory_space<vmem>>) offsets(%dma_start3A_23 : memref<400xi32, #tpu.memory_space<vmem>>) semaphore(%arg14 : memref<!tpu.dma_semaphore, #tpu.memory_space<semaphore_mem>>)
    %dma_start3A_27 = tpu.memref_slice %arg9[%multiple_of3A_21] : memref<10000xi32, #tpu.memory_space<vmem>> -> memref<400xi32, #tpu.memory_space<vmem>>
    %dma_start3A_28 = arith.constant 0 : i32
    %dma_start3A_29 = arith.constant 0 : i32
    %dma_start3A_30 = tpu.memref_slice %arg3[%dma_start3A_28, %dma_start3A_29] : memref<10000x32xf32, #tpu.memory_space<hbm>> -> memref<10000x32xf32, #tpu.memory_space<hbm>>
    tpu.enqueue_indirect_dma source(%dma_start3A_30 : memref<10000x32xf32, #tpu.memory_space<hbm>>) target(%arg11 : memref<400x32xf32, #tpu.memory_space<vmem>>) offsets(%dma_start3A_27 : memref<400xi32, #tpu.memory_space<vmem>>) semaphore(%arg14 : memref<!tpu.dma_semaphore, #tpu.memory_space<semaphore_mem>>)
    %dma_wait3A_31 = tpu.memref_slice %arg8[%multiple_of3A_21] : memref<10000xi32, #tpu.memory_space<vmem>> -> memref<400xi32, #tpu.memory_space<vmem>>
    %dma_wait3A_32 = arith.constant 0 : i32
    %dma_wait3A_33 = arith.constant 0 : i32
    %dma_wait3A_34 = tpu.memref_slice %arg2[%dma_wait3A_32, %dma_wait3A_33] : memref<10000x32xf32, #tpu.memory_space<hbm>> -> memref<10000x32xf32, #tpu.memory_space<hbm>>
    tpu.wait_indirect_dma semaphore(%arg14 : memref<!tpu.dma_semaphore, #tpu.memory_space<semaphore_mem>>) src(%dma_wait3A_34 : memref<10000x32xf32, #tpu.memory_space<hbm>>) dst(%arg10 : memref<400x32xf32, #tpu.memory_space<vmem>>)
    %dma_wait3A_35 = tpu.memref_slice %arg9[%multiple_of3A_21] : memref<10000xi32, #tpu.memory_space<vmem>> -> memref<400xi32, #tpu.memory_space<vmem>>
    %dma_wait3A_36 = arith.constant 0 : i32
    %dma_wait3A_37 = arith.constant 0 : i32
    %dma_wait3A_38 = tpu.memref_slice %arg3[%dma_wait3A_36, %dma_wait3A_37] : memref<10000x32xf32, #tpu.memory_space<hbm>> -> memref<10000x32xf32, #tpu.memory_space<hbm>>
    tpu.wait_indirect_dma semaphore(%arg14 : memref<!tpu.dma_semaphore, #tpu.memory_space<semaphore_mem>>) src(%dma_wait3A_38 : memref<10000x32xf32, #tpu.memory_space<hbm>>) dst(%arg11 : memref<400x32xf32, #tpu.memory_space<vmem>>)
    "tpu.region"() ({
      %run_scoped3A = tpu.sem_alloc : memref<!tpu.dma_semaphore, #tpu.memory_space<semaphore_mem>>
      %dma_start3A_47 = arith.constant 0 : i32
      %dma_start3A_48 = tpu.memref_slice %arg6[%add3A_22, %dma_start3A_47] : memref<320000x32xf32, #tpu.memory_space<hbm>> -> memref<400x32xf32, #tpu.memory_space<hbm>>
      %dma_start3A_49 = arith.constant 0 : i32
      %dma_start3A_50 = tpu.memref_slice %arg6[%add3A_22, %dma_start3A_49] : memref<320000x32xf32, #tpu.memory_space<hbm>> -> memref<400x32xf32, #tpu.memory_space<hbm>>
      tpu.enqueue_dma source(%arg10 : memref<400x32xf32, #tpu.memory_space<vmem>>) target(%dma_start3A_50 : memref<400x32xf32, #tpu.memory_space<hbm>>) target_semaphore(%run_scoped3A : memref<!tpu.dma_semaphore, #tpu.memory_space<semaphore_mem>>)
      %dma_wait3A_51 = arith.constant 0 : i32
      %dma_wait3A_52 = tpu.memref_slice %arg6[%add3A_22, %dma_wait3A_51] : memref<320000x32xf32, #tpu.memory_space<hbm>> -> memref<400x32xf32, #tpu.memory_space<hbm>>
      %dma_wait3A_53 = arith.constant 0 : i32
      %dma_wait3A_54 = tpu.memref_slice %arg6[%add3A_22, %dma_wait3A_53] : memref<320000x32xf32, #tpu.memory_space<hbm>> -> memref<400x32xf32, #tpu.memory_space<hbm>>
      tpu.wait_dma2 semaphore(%run_scoped3A : memref<!tpu.dma_semaphore, #tpu.memory_space<semaphore_mem>>) src(%arg10 : memref<400x32xf32, #tpu.memory_space<vmem>>) dst(%dma_wait3A_54 : memref<400x32xf32, #tpu.memory_space<hbm>>)
      tpu.yield
    }) : () -> ()
    "tpu.region"() ({
      %run_scoped3A = tpu.sem_alloc : memref<!tpu.dma_semaphore, #tpu.memory_space<semaphore_mem>>
      %dma_start3A_47 = arith.constant 0 : i32
      %dma_start3A_48 = tpu.memref_slice %arg7[%add3A_22, %dma_start3A_47] : memref<320000x32xf32, #tpu.memory_space<hbm>> -> memref<400x32xf32, #tpu.memory_space<hbm>>
      %dma_start3A_49 = arith.constant 0 : i32
      %dma_start3A_50 = tpu.memref_slice %arg7[%add3A_22, %dma_start3A_49] : memref<320000x32xf32, #tpu.memory_space<hbm>> -> memref<400x32xf32, #tpu.memory_space<hbm>>
      tpu.enqueue_dma source(%arg11 : memref<400x32xf32, #tpu.memory_space<vmem>>) target(%dma_start3A_50 : memref<400x32xf32, #tpu.memory_space<hbm>>) target_semaphore(%run_scoped3A : memref<!tpu.dma_semaphore, #tpu.memory_space<semaphore_mem>>)
      %dma_wait3A_51 = arith.constant 0 : i32
      %dma_wait3A_52 = tpu.memref_slice %arg7[%add3A_22, %dma_wait3A_51] : memref<320000x32xf32, #tpu.memory_space<hbm>> -> memref<400x32xf32, #tpu.memory_space<hbm>>
      %dma_wait3A_53 = arith.constant 0 : i32
      %dma_wait3A_54 = tpu.memref_slice %arg7[%add3A_22, %dma_wait3A_53] : memref<320000x32xf32, #tpu.memory_space<hbm>> -> memref<400x32xf32, #tpu.memory_space<hbm>>
      tpu.wait_dma2 semaphore(%run_scoped3A : memref<!tpu.dma_semaphore, #tpu.memory_space<semaphore_mem>>) src(%arg11 : memref<400x32xf32, #tpu.memory_space<vmem>>) dst(%dma_wait3A_54 : memref<400x32xf32, #tpu.memory_space<hbm>>)
      tpu.yield
    }) : () -> ()
    %dma_wait3A_39 = arith.constant 0 : i32
    %dma_wait3A_40 = tpu.memref_slice %arg6[%mul3A_2, %dma_wait3A_39] : memref<320000x32xf32, #tpu.memory_space<hbm>> -> memref<400x32xf32, #tpu.memory_space<hbm>>
    %dma_wait3A_41 = arith.constant 0 : i32
    %dma_wait3A_42 = tpu.memref_slice %arg6[%mul3A_2, %dma_wait3A_41] : memref<320000x32xf32, #tpu.memory_space<hbm>> -> memref<400x32xf32, #tpu.memory_space<hbm>>
    tpu.wait_dma2 semaphore(%arg18 : memref<!tpu.dma_semaphore, #tpu.memory_space<semaphore_mem>>) src(%dma_wait3A_42 : memref<400x32xf32, #tpu.memory_space<hbm>>) dst(%arg12 : memref<400x32xf32, #tpu.memory_space<vmem>>)
    %dma_wait3A_43 = arith.constant 0 : i32
    %dma_wait3A_44 = tpu.memref_slice %arg7[%mul3A_2, %dma_wait3A_43] : memref<320000x32xf32, #tpu.memory_space<hbm>> -> memref<400x32xf32, #tpu.memory_space<hbm>>
    %dma_wait3A_45 = arith.constant 0 : i32
    %dma_wait3A_46 = tpu.memref_slice %arg7[%mul3A_2, %dma_wait3A_45] : memref<320000x32xf32, #tpu.memory_space<hbm>> -> memref<400x32xf32, #tpu.memory_space<hbm>>
    tpu.wait_dma2 semaphore(%arg19 : memref<!tpu.dma_semaphore, #tpu.memory_space<semaphore_mem>>) src(%dma_wait3A_46 : memref<400x32xf32, #tpu.memory_space<hbm>>) dst(%arg13 : memref<400x32xf32, #tpu.memory_space<vmem>>)
    return
  }
}

#map = affine_map<(d0, d1) -> (0, 0)>
#map1 = affine_map<(d0, d1) -> (0)>
module attributes {stable_mosaic.version = 14 : i64} {
  func.func @_k(%arg0: i32, %arg1: i32, %arg2: memref<320000x32xf32, #tpu.memory_space<hbm>>, %arg3: memref<320000xi32, #tpu.memory_space<hbm>>, %arg4: memref<10000x32xf32, #tpu.memory_space<hbm>>, %arg5: memref<20000x32xf32, #tpu.memory_space<hbm>>, %arg6: memref<10x1000xi32, #tpu.memory_space<vmem>>, %arg7: memref<1000x32xf32, #tpu.memory_space<vmem>>, %arg8: memref<1000x32xf32, #tpu.memory_space<vmem>>, %arg9: memref<10000x32xf32, #tpu.memory_space<vmem_shared>>, %arg10: memref<!tpu.dma_semaphore, #tpu.memory_space<semaphore_mem>>, %arg11: memref<!tpu.dma_semaphore, #tpu.memory_space<semaphore_mem>>, %arg12: memref<!tpu.dma_semaphore, #tpu.memory_space<semaphore_mem>>, %arg13: memref<!tpu.dma_semaphore, #tpu.memory_space<semaphore_mem>>) attributes {dimension_semantics = [#tpu.dimension_semantics<core_parallel>, #tpu.dimension_semantics<subcore_parallel>], iteration_bounds = array<i64: 2, 16>, scalar_prefetch = 0 : i64, scratch_operands = 8 : i64, tpu.core_type = #tpu.core_type<sc_vector_subcore>, window_params = [{transform_indices = #map}, {transform_indices = #map1}, {transform_indices = #map}, {transform_indices = #map}]} {
    %mul3A = arith.constant 2 : i32
    %mul3A_0 = arith.muli %arg1, %mul3A : i32
    %add3A = arith.addi %mul3A_0, %arg0 : i32
    %mul3A_1 = arith.constant 625 : i32
    %mul3A_2 = arith.muli %arg1, %mul3A_1 : i32
    %mul3A_3 = arith.constant 10000 : i32
    %mul3A_4 = arith.muli %add3A, %mul3A_3 : i32
    "tpu.region"() ({
      %run_scoped3A = tpu.sem_alloc : memref<!tpu.dma_semaphore, #tpu.memory_space<semaphore_mem>>
      %dma_start3A_219 = arith.constant 0 : i32
      %dma_start3A_220 = tpu.memref_slice %arg9[%mul3A_2, %dma_start3A_219] : memref<10000x32xf32, #tpu.memory_space<vmem_shared>> -> memref<625x32xf32, #tpu.memory_space<vmem_shared>>
      %dma_start3A_221 = arith.constant 0 : i32
      %dma_start3A_222 = tpu.memref_slice %arg4[%mul3A_2, %dma_start3A_221] : memref<10000x32xf32, #tpu.memory_space<hbm>> -> memref<625x32xf32, #tpu.memory_space<hbm>>
      tpu.enqueue_dma source(%dma_start3A_222 : memref<625x32xf32, #tpu.memory_space<hbm>>) target(%dma_start3A_220 : memref<625x32xf32, #tpu.memory_space<vmem_shared>>) target_semaphore(%run_scoped3A : memref<!tpu.dma_semaphore, #tpu.memory_space<semaphore_mem>>)
      %dma_wait3A_223 = arith.constant 0 : i32
      %dma_wait3A_224 = tpu.memref_slice %arg9[%mul3A_2, %dma_wait3A_223] : memref<10000x32xf32, #tpu.memory_space<vmem_shared>> -> memref<625x32xf32, #tpu.memory_space<vmem_shared>>
      %dma_wait3A_225 = arith.constant 0 : i32
      %dma_wait3A_226 = tpu.memref_slice %arg4[%mul3A_2, %dma_wait3A_225] : memref<10000x32xf32, #tpu.memory_space<hbm>> -> memref<625x32xf32, #tpu.memory_space<hbm>>
      tpu.wait_dma2 semaphore(%run_scoped3A : memref<!tpu.dma_semaphore, #tpu.memory_space<semaphore_mem>>) src(%dma_wait3A_226 : memref<625x32xf32, #tpu.memory_space<hbm>>) dst(%dma_wait3A_224 : memref<625x32xf32, #tpu.memory_space<vmem_shared>>)
      tpu.yield
    }) : () -> ()
    %add3A_5 = arith.constant 0 : i32
    %add3A_6 = arith.addi %mul3A_4, %add3A_5 : i32
    %dma_start3A = arith.constant 0 : i32
    %dma_start3A_7 = arith.constant 0 : i32
    %dma_start3A_8 = tpu.memref_slice %arg6[%dma_start3A, %dma_start3A_7] : memref<10x1000xi32, #tpu.memory_space<vmem>> -> memref<1x1000xi32, #tpu.memory_space<vmem>>
    %dma_start3A_9 = tpu.memref_squeeze %dma_start3A_8 : memref<1x1000xi32, #tpu.memory_space<vmem>> -> memref<1000xi32, #tpu.memory_space<vmem>>
    %dma_start3A_10 = tpu.memref_slice %arg3[%add3A_6] : memref<320000xi32, #tpu.memory_space<hbm>> -> memref<1000xi32, #tpu.memory_space<hbm>>
    %dma_start3A_11 = arith.constant 0 : i32
    %dma_start3A_12 = tpu.memref_slice %arg6[%dma_start3A, %dma_start3A_11] : memref<10x1000xi32, #tpu.memory_space<vmem>> -> memref<1x1000xi32, #tpu.memory_space<vmem>>
    %dma_start3A_13 = tpu.memref_squeeze %dma_start3A_12 : memref<1x1000xi32, #tpu.memory_space<vmem>> -> memref<1000xi32, #tpu.memory_space<vmem>>
    %dma_start3A_14 = tpu.memref_slice %arg3[%add3A_6] : memref<320000xi32, #tpu.memory_space<hbm>> -> memref<1000xi32, #tpu.memory_space<hbm>>
    tpu.enqueue_dma source(%dma_start3A_14 : memref<1000xi32, #tpu.memory_space<hbm>>) target(%dma_start3A_13 : memref<1000xi32, #tpu.memory_space<vmem>>) target_semaphore(%arg10 : memref<!tpu.dma_semaphore, #tpu.memory_space<semaphore_mem>>)
    %add3A_15 = arith.constant 1000 : i32
    %add3A_16 = arith.addi %mul3A_4, %add3A_15 : i32
    %dma_start3A_17 = arith.constant 1 : i32
    %dma_start3A_18 = arith.constant 0 : i32
    %dma_start3A_19 = tpu.memref_slice %arg6[%dma_start3A_17, %dma_start3A_18] : memref<10x1000xi32, #tpu.memory_space<vmem>> -> memref<1x1000xi32, #tpu.memory_space<vmem>>
    %dma_start3A_20 = tpu.memref_squeeze %dma_start3A_19 : memref<1x1000xi32, #tpu.memory_space<vmem>> -> memref<1000xi32, #tpu.memory_space<vmem>>
    %dma_start3A_21 = tpu.memref_slice %arg3[%add3A_16] : memref<320000xi32, #tpu.memory_space<hbm>> -> memref<1000xi32, #tpu.memory_space<hbm>>
    %dma_start3A_22 = arith.constant 0 : i32
    %dma_start3A_23 = tpu.memref_slice %arg6[%dma_start3A_17, %dma_start3A_22] : memref<10x1000xi32, #tpu.memory_space<vmem>> -> memref<1x1000xi32, #tpu.memory_space<vmem>>
    %dma_start3A_24 = tpu.memref_squeeze %dma_start3A_23 : memref<1x1000xi32, #tpu.memory_space<vmem>> -> memref<1000xi32, #tpu.memory_space<vmem>>
    %dma_start3A_25 = tpu.memref_slice %arg3[%add3A_16] : memref<320000xi32, #tpu.memory_space<hbm>> -> memref<1000xi32, #tpu.memory_space<hbm>>
    tpu.enqueue_dma source(%dma_start3A_25 : memref<1000xi32, #tpu.memory_space<hbm>>) target(%dma_start3A_24 : memref<1000xi32, #tpu.memory_space<vmem>>) target_semaphore(%arg10 : memref<!tpu.dma_semaphore, #tpu.memory_space<semaphore_mem>>)
    %add3A_26 = arith.constant 2000 : i32
    %add3A_27 = arith.addi %mul3A_4, %add3A_26 : i32
    %dma_start3A_28 = arith.constant 2 : i32
    %dma_start3A_29 = arith.constant 0 : i32
    %dma_start3A_30 = tpu.memref_slice %arg6[%dma_start3A_28, %dma_start3A_29] : memref<10x1000xi32, #tpu.memory_space<vmem>> -> memref<1x1000xi32, #tpu.memory_space<vmem>>
    %dma_start3A_31 = tpu.memref_squeeze %dma_start3A_30 : memref<1x1000xi32, #tpu.memory_space<vmem>> -> memref<1000xi32, #tpu.memory_space<vmem>>
    %dma_start3A_32 = tpu.memref_slice %arg3[%add3A_27] : memref<320000xi32, #tpu.memory_space<hbm>> -> memref<1000xi32, #tpu.memory_space<hbm>>
    %dma_start3A_33 = arith.constant 0 : i32
    %dma_start3A_34 = tpu.memref_slice %arg6[%dma_start3A_28, %dma_start3A_33] : memref<10x1000xi32, #tpu.memory_space<vmem>> -> memref<1x1000xi32, #tpu.memory_space<vmem>>
    %dma_start3A_35 = tpu.memref_squeeze %dma_start3A_34 : memref<1x1000xi32, #tpu.memory_space<vmem>> -> memref<1000xi32, #tpu.memory_space<vmem>>
    %dma_start3A_36 = tpu.memref_slice %arg3[%add3A_27] : memref<320000xi32, #tpu.memory_space<hbm>> -> memref<1000xi32, #tpu.memory_space<hbm>>
    tpu.enqueue_dma source(%dma_start3A_36 : memref<1000xi32, #tpu.memory_space<hbm>>) target(%dma_start3A_35 : memref<1000xi32, #tpu.memory_space<vmem>>) target_semaphore(%arg10 : memref<!tpu.dma_semaphore, #tpu.memory_space<semaphore_mem>>)
    %add3A_37 = arith.constant 3000 : i32
    %add3A_38 = arith.addi %mul3A_4, %add3A_37 : i32
    %dma_start3A_39 = arith.constant 3 : i32
    %dma_start3A_40 = arith.constant 0 : i32
    %dma_start3A_41 = tpu.memref_slice %arg6[%dma_start3A_39, %dma_start3A_40] : memref<10x1000xi32, #tpu.memory_space<vmem>> -> memref<1x1000xi32, #tpu.memory_space<vmem>>
    %dma_start3A_42 = tpu.memref_squeeze %dma_start3A_41 : memref<1x1000xi32, #tpu.memory_space<vmem>> -> memref<1000xi32, #tpu.memory_space<vmem>>
    %dma_start3A_43 = tpu.memref_slice %arg3[%add3A_38] : memref<320000xi32, #tpu.memory_space<hbm>> -> memref<1000xi32, #tpu.memory_space<hbm>>
    %dma_start3A_44 = arith.constant 0 : i32
    %dma_start3A_45 = tpu.memref_slice %arg6[%dma_start3A_39, %dma_start3A_44] : memref<10x1000xi32, #tpu.memory_space<vmem>> -> memref<1x1000xi32, #tpu.memory_space<vmem>>
    %dma_start3A_46 = tpu.memref_squeeze %dma_start3A_45 : memref<1x1000xi32, #tpu.memory_space<vmem>> -> memref<1000xi32, #tpu.memory_space<vmem>>
    %dma_start3A_47 = tpu.memref_slice %arg3[%add3A_38] : memref<320000xi32, #tpu.memory_space<hbm>> -> memref<1000xi32, #tpu.memory_space<hbm>>
    tpu.enqueue_dma source(%dma_start3A_47 : memref<1000xi32, #tpu.memory_space<hbm>>) target(%dma_start3A_46 : memref<1000xi32, #tpu.memory_space<vmem>>) target_semaphore(%arg10 : memref<!tpu.dma_semaphore, #tpu.memory_space<semaphore_mem>>)
    %add3A_48 = arith.constant 4000 : i32
    %add3A_49 = arith.addi %mul3A_4, %add3A_48 : i32
    %dma_start3A_50 = arith.constant 4 : i32
    %dma_start3A_51 = arith.constant 0 : i32
    %dma_start3A_52 = tpu.memref_slice %arg6[%dma_start3A_50, %dma_start3A_51] : memref<10x1000xi32, #tpu.memory_space<vmem>> -> memref<1x1000xi32, #tpu.memory_space<vmem>>
    %dma_start3A_53 = tpu.memref_squeeze %dma_start3A_52 : memref<1x1000xi32, #tpu.memory_space<vmem>> -> memref<1000xi32, #tpu.memory_space<vmem>>
    %dma_start3A_54 = tpu.memref_slice %arg3[%add3A_49] : memref<320000xi32, #tpu.memory_space<hbm>> -> memref<1000xi32, #tpu.memory_space<hbm>>
    %dma_start3A_55 = arith.constant 0 : i32
    %dma_start3A_56 = tpu.memref_slice %arg6[%dma_start3A_50, %dma_start3A_55] : memref<10x1000xi32, #tpu.memory_space<vmem>> -> memref<1x1000xi32, #tpu.memory_space<vmem>>
    %dma_start3A_57 = tpu.memref_squeeze %dma_start3A_56 : memref<1x1000xi32, #tpu.memory_space<vmem>> -> memref<1000xi32, #tpu.memory_space<vmem>>
    %dma_start3A_58 = tpu.memref_slice %arg3[%add3A_49] : memref<320000xi32, #tpu.memory_space<hbm>> -> memref<1000xi32, #tpu.memory_space<hbm>>
    tpu.enqueue_dma source(%dma_start3A_58 : memref<1000xi32, #tpu.memory_space<hbm>>) target(%dma_start3A_57 : memref<1000xi32, #tpu.memory_space<vmem>>) target_semaphore(%arg10 : memref<!tpu.dma_semaphore, #tpu.memory_space<semaphore_mem>>)
    %add3A_59 = arith.constant 5000 : i32
    %add3A_60 = arith.addi %mul3A_4, %add3A_59 : i32
    %dma_start3A_61 = arith.constant 5 : i32
    %dma_start3A_62 = arith.constant 0 : i32
    %dma_start3A_63 = tpu.memref_slice %arg6[%dma_start3A_61, %dma_start3A_62] : memref<10x1000xi32, #tpu.memory_space<vmem>> -> memref<1x1000xi32, #tpu.memory_space<vmem>>
    %dma_start3A_64 = tpu.memref_squeeze %dma_start3A_63 : memref<1x1000xi32, #tpu.memory_space<vmem>> -> memref<1000xi32, #tpu.memory_space<vmem>>
    %dma_start3A_65 = tpu.memref_slice %arg3[%add3A_60] : memref<320000xi32, #tpu.memory_space<hbm>> -> memref<1000xi32, #tpu.memory_space<hbm>>
    %dma_start3A_66 = arith.constant 0 : i32
    %dma_start3A_67 = tpu.memref_slice %arg6[%dma_start3A_61, %dma_start3A_66] : memref<10x1000xi32, #tpu.memory_space<vmem>> -> memref<1x1000xi32, #tpu.memory_space<vmem>>
    %dma_start3A_68 = tpu.memref_squeeze %dma_start3A_67 : memref<1x1000xi32, #tpu.memory_space<vmem>> -> memref<1000xi32, #tpu.memory_space<vmem>>
    %dma_start3A_69 = tpu.memref_slice %arg3[%add3A_60] : memref<320000xi32, #tpu.memory_space<hbm>> -> memref<1000xi32, #tpu.memory_space<hbm>>
    tpu.enqueue_dma source(%dma_start3A_69 : memref<1000xi32, #tpu.memory_space<hbm>>) target(%dma_start3A_68 : memref<1000xi32, #tpu.memory_space<vmem>>) target_semaphore(%arg10 : memref<!tpu.dma_semaphore, #tpu.memory_space<semaphore_mem>>)
    %add3A_70 = arith.constant 6000 : i32
    %add3A_71 = arith.addi %mul3A_4, %add3A_70 : i32
    %dma_start3A_72 = arith.constant 6 : i32
    %dma_start3A_73 = arith.constant 0 : i32
    %dma_start3A_74 = tpu.memref_slice %arg6[%dma_start3A_72, %dma_start3A_73] : memref<10x1000xi32, #tpu.memory_space<vmem>> -> memref<1x1000xi32, #tpu.memory_space<vmem>>
    %dma_start3A_75 = tpu.memref_squeeze %dma_start3A_74 : memref<1x1000xi32, #tpu.memory_space<vmem>> -> memref<1000xi32, #tpu.memory_space<vmem>>
    %dma_start3A_76 = tpu.memref_slice %arg3[%add3A_71] : memref<320000xi32, #tpu.memory_space<hbm>> -> memref<1000xi32, #tpu.memory_space<hbm>>
    %dma_start3A_77 = arith.constant 0 : i32
    %dma_start3A_78 = tpu.memref_slice %arg6[%dma_start3A_72, %dma_start3A_77] : memref<10x1000xi32, #tpu.memory_space<vmem>> -> memref<1x1000xi32, #tpu.memory_space<vmem>>
    %dma_start3A_79 = tpu.memref_squeeze %dma_start3A_78 : memref<1x1000xi32, #tpu.memory_space<vmem>> -> memref<1000xi32, #tpu.memory_space<vmem>>
    %dma_start3A_80 = tpu.memref_slice %arg3[%add3A_71] : memref<320000xi32, #tpu.memory_space<hbm>> -> memref<1000xi32, #tpu.memory_space<hbm>>
    tpu.enqueue_dma source(%dma_start3A_80 : memref<1000xi32, #tpu.memory_space<hbm>>) target(%dma_start3A_79 : memref<1000xi32, #tpu.memory_space<vmem>>) target_semaphore(%arg10 : memref<!tpu.dma_semaphore, #tpu.memory_space<semaphore_mem>>)
    %add3A_81 = arith.constant 7000 : i32
    %add3A_82 = arith.addi %mul3A_4, %add3A_81 : i32
    %dma_start3A_83 = arith.constant 7 : i32
    %dma_start3A_84 = arith.constant 0 : i32
    %dma_start3A_85 = tpu.memref_slice %arg6[%dma_start3A_83, %dma_start3A_84] : memref<10x1000xi32, #tpu.memory_space<vmem>> -> memref<1x1000xi32, #tpu.memory_space<vmem>>
    %dma_start3A_86 = tpu.memref_squeeze %dma_start3A_85 : memref<1x1000xi32, #tpu.memory_space<vmem>> -> memref<1000xi32, #tpu.memory_space<vmem>>
    %dma_start3A_87 = tpu.memref_slice %arg3[%add3A_82] : memref<320000xi32, #tpu.memory_space<hbm>> -> memref<1000xi32, #tpu.memory_space<hbm>>
    %dma_start3A_88 = arith.constant 0 : i32
    %dma_start3A_89 = tpu.memref_slice %arg6[%dma_start3A_83, %dma_start3A_88] : memref<10x1000xi32, #tpu.memory_space<vmem>> -> memref<1x1000xi32, #tpu.memory_space<vmem>>
    %dma_start3A_90 = tpu.memref_squeeze %dma_start3A_89 : memref<1x1000xi32, #tpu.memory_space<vmem>> -> memref<1000xi32, #tpu.memory_space<vmem>>
    %dma_start3A_91 = tpu.memref_slice %arg3[%add3A_82] : memref<320000xi32, #tpu.memory_space<hbm>> -> memref<1000xi32, #tpu.memory_space<hbm>>
    tpu.enqueue_dma source(%dma_start3A_91 : memref<1000xi32, #tpu.memory_space<hbm>>) target(%dma_start3A_90 : memref<1000xi32, #tpu.memory_space<vmem>>) target_semaphore(%arg10 : memref<!tpu.dma_semaphore, #tpu.memory_space<semaphore_mem>>)
    %add3A_92 = arith.constant 8000 : i32
    %add3A_93 = arith.addi %mul3A_4, %add3A_92 : i32
    %dma_start3A_94 = arith.constant 8 : i32
    %dma_start3A_95 = arith.constant 0 : i32
    %dma_start3A_96 = tpu.memref_slice %arg6[%dma_start3A_94, %dma_start3A_95] : memref<10x1000xi32, #tpu.memory_space<vmem>> -> memref<1x1000xi32, #tpu.memory_space<vmem>>
    %dma_start3A_97 = tpu.memref_squeeze %dma_start3A_96 : memref<1x1000xi32, #tpu.memory_space<vmem>> -> memref<1000xi32, #tpu.memory_space<vmem>>
    %dma_start3A_98 = tpu.memref_slice %arg3[%add3A_93] : memref<320000xi32, #tpu.memory_space<hbm>> -> memref<1000xi32, #tpu.memory_space<hbm>>
    %dma_start3A_99 = arith.constant 0 : i32
    %dma_start3A_100 = tpu.memref_slice %arg6[%dma_start3A_94, %dma_start3A_99] : memref<10x1000xi32, #tpu.memory_space<vmem>> -> memref<1x1000xi32, #tpu.memory_space<vmem>>
    %dma_start3A_101 = tpu.memref_squeeze %dma_start3A_100 : memref<1x1000xi32, #tpu.memory_space<vmem>> -> memref<1000xi32, #tpu.memory_space<vmem>>
    %dma_start3A_102 = tpu.memref_slice %arg3[%add3A_93] : memref<320000xi32, #tpu.memory_space<hbm>> -> memref<1000xi32, #tpu.memory_space<hbm>>
    tpu.enqueue_dma source(%dma_start3A_102 : memref<1000xi32, #tpu.memory_space<hbm>>) target(%dma_start3A_101 : memref<1000xi32, #tpu.memory_space<vmem>>) target_semaphore(%arg10 : memref<!tpu.dma_semaphore, #tpu.memory_space<semaphore_mem>>)
    %add3A_103 = arith.constant 9000 : i32
    %add3A_104 = arith.addi %mul3A_4, %add3A_103 : i32
    %dma_start3A_105 = arith.constant 9 : i32
    %dma_start3A_106 = arith.constant 0 : i32
    %dma_start3A_107 = tpu.memref_slice %arg6[%dma_start3A_105, %dma_start3A_106] : memref<10x1000xi32, #tpu.memory_space<vmem>> -> memref<1x1000xi32, #tpu.memory_space<vmem>>
    %dma_start3A_108 = tpu.memref_squeeze %dma_start3A_107 : memref<1x1000xi32, #tpu.memory_space<vmem>> -> memref<1000xi32, #tpu.memory_space<vmem>>
    %dma_start3A_109 = tpu.memref_slice %arg3[%add3A_104] : memref<320000xi32, #tpu.memory_space<hbm>> -> memref<1000xi32, #tpu.memory_space<hbm>>
    %dma_start3A_110 = arith.constant 0 : i32
    %dma_start3A_111 = tpu.memref_slice %arg6[%dma_start3A_105, %dma_start3A_110] : memref<10x1000xi32, #tpu.memory_space<vmem>> -> memref<1x1000xi32, #tpu.memory_space<vmem>>
    %dma_start3A_112 = tpu.memref_squeeze %dma_start3A_111 : memref<1x1000xi32, #tpu.memory_space<vmem>> -> memref<1000xi32, #tpu.memory_space<vmem>>
    %dma_start3A_113 = tpu.memref_slice %arg3[%add3A_104] : memref<320000xi32, #tpu.memory_space<hbm>> -> memref<1000xi32, #tpu.memory_space<hbm>>
    tpu.enqueue_dma source(%dma_start3A_113 : memref<1000xi32, #tpu.memory_space<hbm>>) target(%dma_start3A_112 : memref<1000xi32, #tpu.memory_space<vmem>>) target_semaphore(%arg10 : memref<!tpu.dma_semaphore, #tpu.memory_space<semaphore_mem>>)
    %dma_wait3A = arith.constant 0 : i32
    %dma_wait3A_114 = arith.constant 0 : i32
    %dma_wait3A_115 = tpu.memref_slice %arg6[%dma_wait3A, %dma_wait3A_114] : memref<10x1000xi32, #tpu.memory_space<vmem>> -> memref<1x1000xi32, #tpu.memory_space<vmem>>
    %dma_wait3A_116 = tpu.memref_squeeze %dma_wait3A_115 : memref<1x1000xi32, #tpu.memory_space<vmem>> -> memref<1000xi32, #tpu.memory_space<vmem>>
    %dma_wait3A_117 = tpu.memref_slice %arg3[%add3A_6] : memref<320000xi32, #tpu.memory_space<hbm>> -> memref<1000xi32, #tpu.memory_space<hbm>>
    %dma_wait3A_118 = arith.constant 0 : i32
    %dma_wait3A_119 = tpu.memref_slice %arg6[%dma_wait3A, %dma_wait3A_118] : memref<10x1000xi32, #tpu.memory_space<vmem>> -> memref<1x1000xi32, #tpu.memory_space<vmem>>
    %dma_wait3A_120 = tpu.memref_squeeze %dma_wait3A_119 : memref<1x1000xi32, #tpu.memory_space<vmem>> -> memref<1000xi32, #tpu.memory_space<vmem>>
    %dma_wait3A_121 = tpu.memref_slice %arg3[%add3A_6] : memref<320000xi32, #tpu.memory_space<hbm>> -> memref<1000xi32, #tpu.memory_space<hbm>>
    tpu.wait_dma2 semaphore(%arg10 : memref<!tpu.dma_semaphore, #tpu.memory_space<semaphore_mem>>) src(%dma_wait3A_121 : memref<1000xi32, #tpu.memory_space<hbm>>) dst(%dma_wait3A_120 : memref<1000xi32, #tpu.memory_space<vmem>>)
    %dma_wait3A_122 = arith.constant 1 : i32
    %dma_wait3A_123 = arith.constant 0 : i32
    %dma_wait3A_124 = tpu.memref_slice %arg6[%dma_wait3A_122, %dma_wait3A_123] : memref<10x1000xi32, #tpu.memory_space<vmem>> -> memref<1x1000xi32, #tpu.memory_space<vmem>>
    %dma_wait3A_125 = tpu.memref_squeeze %dma_wait3A_124 : memref<1x1000xi32, #tpu.memory_space<vmem>> -> memref<1000xi32, #tpu.memory_space<vmem>>
    %dma_wait3A_126 = tpu.memref_slice %arg3[%add3A_16] : memref<320000xi32, #tpu.memory_space<hbm>> -> memref<1000xi32, #tpu.memory_space<hbm>>
    %dma_wait3A_127 = arith.constant 0 : i32
    %dma_wait3A_128 = tpu.memref_slice %arg6[%dma_wait3A_122, %dma_wait3A_127] : memref<10x1000xi32, #tpu.memory_space<vmem>> -> memref<1x1000xi32, #tpu.memory_space<vmem>>
    %dma_wait3A_129 = tpu.memref_squeeze %dma_wait3A_128 : memref<1x1000xi32, #tpu.memory_space<vmem>> -> memref<1000xi32, #tpu.memory_space<vmem>>
    %dma_wait3A_130 = tpu.memref_slice %arg3[%add3A_16] : memref<320000xi32, #tpu.memory_space<hbm>> -> memref<1000xi32, #tpu.memory_space<hbm>>
    tpu.wait_dma2 semaphore(%arg10 : memref<!tpu.dma_semaphore, #tpu.memory_space<semaphore_mem>>) src(%dma_wait3A_130 : memref<1000xi32, #tpu.memory_space<hbm>>) dst(%dma_wait3A_129 : memref<1000xi32, #tpu.memory_space<vmem>>)
    %dma_wait3A_131 = arith.constant 2 : i32
    %dma_wait3A_132 = arith.constant 0 : i32
    %dma_wait3A_133 = tpu.memref_slice %arg6[%dma_wait3A_131, %dma_wait3A_132] : memref<10x1000xi32, #tpu.memory_space<vmem>> -> memref<1x1000xi32, #tpu.memory_space<vmem>>
    %dma_wait3A_134 = tpu.memref_squeeze %dma_wait3A_133 : memref<1x1000xi32, #tpu.memory_space<vmem>> -> memref<1000xi32, #tpu.memory_space<vmem>>
    %dma_wait3A_135 = tpu.memref_slice %arg3[%add3A_27] : memref<320000xi32, #tpu.memory_space<hbm>> -> memref<1000xi32, #tpu.memory_space<hbm>>
    %dma_wait3A_136 = arith.constant 0 : i32
    %dma_wait3A_137 = tpu.memref_slice %arg6[%dma_wait3A_131, %dma_wait3A_136] : memref<10x1000xi32, #tpu.memory_space<vmem>> -> memref<1x1000xi32, #tpu.memory_space<vmem>>
    %dma_wait3A_138 = tpu.memref_squeeze %dma_wait3A_137 : memref<1x1000xi32, #tpu.memory_space<vmem>> -> memref<1000xi32, #tpu.memory_space<vmem>>
    %dma_wait3A_139 = tpu.memref_slice %arg3[%add3A_27] : memref<320000xi32, #tpu.memory_space<hbm>> -> memref<1000xi32, #tpu.memory_space<hbm>>
    tpu.wait_dma2 semaphore(%arg10 : memref<!tpu.dma_semaphore, #tpu.memory_space<semaphore_mem>>) src(%dma_wait3A_139 : memref<1000xi32, #tpu.memory_space<hbm>>) dst(%dma_wait3A_138 : memref<1000xi32, #tpu.memory_space<vmem>>)
    %dma_wait3A_140 = arith.constant 3 : i32
    %dma_wait3A_141 = arith.constant 0 : i32
    %dma_wait3A_142 = tpu.memref_slice %arg6[%dma_wait3A_140, %dma_wait3A_141] : memref<10x1000xi32, #tpu.memory_space<vmem>> -> memref<1x1000xi32, #tpu.memory_space<vmem>>
    %dma_wait3A_143 = tpu.memref_squeeze %dma_wait3A_142 : memref<1x1000xi32, #tpu.memory_space<vmem>> -> memref<1000xi32, #tpu.memory_space<vmem>>
    %dma_wait3A_144 = tpu.memref_slice %arg3[%add3A_38] : memref<320000xi32, #tpu.memory_space<hbm>> -> memref<1000xi32, #tpu.memory_space<hbm>>
    %dma_wait3A_145 = arith.constant 0 : i32
    %dma_wait3A_146 = tpu.memref_slice %arg6[%dma_wait3A_140, %dma_wait3A_145] : memref<10x1000xi32, #tpu.memory_space<vmem>> -> memref<1x1000xi32, #tpu.memory_space<vmem>>
    %dma_wait3A_147 = tpu.memref_squeeze %dma_wait3A_146 : memref<1x1000xi32, #tpu.memory_space<vmem>> -> memref<1000xi32, #tpu.memory_space<vmem>>
    %dma_wait3A_148 = tpu.memref_slice %arg3[%add3A_38] : memref<320000xi32, #tpu.memory_space<hbm>> -> memref<1000xi32, #tpu.memory_space<hbm>>
    tpu.wait_dma2 semaphore(%arg10 : memref<!tpu.dma_semaphore, #tpu.memory_space<semaphore_mem>>) src(%dma_wait3A_148 : memref<1000xi32, #tpu.memory_space<hbm>>) dst(%dma_wait3A_147 : memref<1000xi32, #tpu.memory_space<vmem>>)
    %dma_wait3A_149 = arith.constant 4 : i32
    %dma_wait3A_150 = arith.constant 0 : i32
    %dma_wait3A_151 = tpu.memref_slice %arg6[%dma_wait3A_149, %dma_wait3A_150] : memref<10x1000xi32, #tpu.memory_space<vmem>> -> memref<1x1000xi32, #tpu.memory_space<vmem>>
    %dma_wait3A_152 = tpu.memref_squeeze %dma_wait3A_151 : memref<1x1000xi32, #tpu.memory_space<vmem>> -> memref<1000xi32, #tpu.memory_space<vmem>>
    %dma_wait3A_153 = tpu.memref_slice %arg3[%add3A_49] : memref<320000xi32, #tpu.memory_space<hbm>> -> memref<1000xi32, #tpu.memory_space<hbm>>
    %dma_wait3A_154 = arith.constant 0 : i32
    %dma_wait3A_155 = tpu.memref_slice %arg6[%dma_wait3A_149, %dma_wait3A_154] : memref<10x1000xi32, #tpu.memory_space<vmem>> -> memref<1x1000xi32, #tpu.memory_space<vmem>>
    %dma_wait3A_156 = tpu.memref_squeeze %dma_wait3A_155 : memref<1x1000xi32, #tpu.memory_space<vmem>> -> memref<1000xi32, #tpu.memory_space<vmem>>
    %dma_wait3A_157 = tpu.memref_slice %arg3[%add3A_49] : memref<320000xi32, #tpu.memory_space<hbm>> -> memref<1000xi32, #tpu.memory_space<hbm>>
    tpu.wait_dma2 semaphore(%arg10 : memref<!tpu.dma_semaphore, #tpu.memory_space<semaphore_mem>>) src(%dma_wait3A_157 : memref<1000xi32, #tpu.memory_space<hbm>>) dst(%dma_wait3A_156 : memref<1000xi32, #tpu.memory_space<vmem>>)
    %dma_wait3A_158 = arith.constant 5 : i32
    %dma_wait3A_159 = arith.constant 0 : i32
    %dma_wait3A_160 = tpu.memref_slice %arg6[%dma_wait3A_158, %dma_wait3A_159] : memref<10x1000xi32, #tpu.memory_space<vmem>> -> memref<1x1000xi32, #tpu.memory_space<vmem>>
    %dma_wait3A_161 = tpu.memref_squeeze %dma_wait3A_160 : memref<1x1000xi32, #tpu.memory_space<vmem>> -> memref<1000xi32, #tpu.memory_space<vmem>>
    %dma_wait3A_162 = tpu.memref_slice %arg3[%add3A_60] : memref<320000xi32, #tpu.memory_space<hbm>> -> memref<1000xi32, #tpu.memory_space<hbm>>
    %dma_wait3A_163 = arith.constant 0 : i32
    %dma_wait3A_164 = tpu.memref_slice %arg6[%dma_wait3A_158, %dma_wait3A_163] : memref<10x1000xi32, #tpu.memory_space<vmem>> -> memref<1x1000xi32, #tpu.memory_space<vmem>>
    %dma_wait3A_165 = tpu.memref_squeeze %dma_wait3A_164 : memref<1x1000xi32, #tpu.memory_space<vmem>> -> memref<1000xi32, #tpu.memory_space<vmem>>
    %dma_wait3A_166 = tpu.memref_slice %arg3[%add3A_60] : memref<320000xi32, #tpu.memory_space<hbm>> -> memref<1000xi32, #tpu.memory_space<hbm>>
    tpu.wait_dma2 semaphore(%arg10 : memref<!tpu.dma_semaphore, #tpu.memory_space<semaphore_mem>>) src(%dma_wait3A_166 : memref<1000xi32, #tpu.memory_space<hbm>>) dst(%dma_wait3A_165 : memref<1000xi32, #tpu.memory_space<vmem>>)
    %dma_wait3A_167 = arith.constant 6 : i32
    %dma_wait3A_168 = arith.constant 0 : i32
    %dma_wait3A_169 = tpu.memref_slice %arg6[%dma_wait3A_167, %dma_wait3A_168] : memref<10x1000xi32, #tpu.memory_space<vmem>> -> memref<1x1000xi32, #tpu.memory_space<vmem>>
    %dma_wait3A_170 = tpu.memref_squeeze %dma_wait3A_169 : memref<1x1000xi32, #tpu.memory_space<vmem>> -> memref<1000xi32, #tpu.memory_space<vmem>>
    %dma_wait3A_171 = tpu.memref_slice %arg3[%add3A_71] : memref<320000xi32, #tpu.memory_space<hbm>> -> memref<1000xi32, #tpu.memory_space<hbm>>
    %dma_wait3A_172 = arith.constant 0 : i32
    %dma_wait3A_173 = tpu.memref_slice %arg6[%dma_wait3A_167, %dma_wait3A_172] : memref<10x1000xi32, #tpu.memory_space<vmem>> -> memref<1x1000xi32, #tpu.memory_space<vmem>>
    %dma_wait3A_174 = tpu.memref_squeeze %dma_wait3A_173 : memref<1x1000xi32, #tpu.memory_space<vmem>> -> memref<1000xi32, #tpu.memory_space<vmem>>
    %dma_wait3A_175 = tpu.memref_slice %arg3[%add3A_71] : memref<320000xi32, #tpu.memory_space<hbm>> -> memref<1000xi32, #tpu.memory_space<hbm>>
    tpu.wait_dma2 semaphore(%arg10 : memref<!tpu.dma_semaphore, #tpu.memory_space<semaphore_mem>>) src(%dma_wait3A_175 : memref<1000xi32, #tpu.memory_space<hbm>>) dst(%dma_wait3A_174 : memref<1000xi32, #tpu.memory_space<vmem>>)
    %dma_wait3A_176 = arith.constant 7 : i32
    %dma_wait3A_177 = arith.constant 0 : i32
    %dma_wait3A_178 = tpu.memref_slice %arg6[%dma_wait3A_176, %dma_wait3A_177] : memref<10x1000xi32, #tpu.memory_space<vmem>> -> memref<1x1000xi32, #tpu.memory_space<vmem>>
    %dma_wait3A_179 = tpu.memref_squeeze %dma_wait3A_178 : memref<1x1000xi32, #tpu.memory_space<vmem>> -> memref<1000xi32, #tpu.memory_space<vmem>>
    %dma_wait3A_180 = tpu.memref_slice %arg3[%add3A_82] : memref<320000xi32, #tpu.memory_space<hbm>> -> memref<1000xi32, #tpu.memory_space<hbm>>
    %dma_wait3A_181 = arith.constant 0 : i32
    %dma_wait3A_182 = tpu.memref_slice %arg6[%dma_wait3A_176, %dma_wait3A_181] : memref<10x1000xi32, #tpu.memory_space<vmem>> -> memref<1x1000xi32, #tpu.memory_space<vmem>>
    %dma_wait3A_183 = tpu.memref_squeeze %dma_wait3A_182 : memref<1x1000xi32, #tpu.memory_space<vmem>> -> memref<1000xi32, #tpu.memory_space<vmem>>
    %dma_wait3A_184 = tpu.memref_slice %arg3[%add3A_82] : memref<320000xi32, #tpu.memory_space<hbm>> -> memref<1000xi32, #tpu.memory_space<hbm>>
    tpu.wait_dma2 semaphore(%arg10 : memref<!tpu.dma_semaphore, #tpu.memory_space<semaphore_mem>>) src(%dma_wait3A_184 : memref<1000xi32, #tpu.memory_space<hbm>>) dst(%dma_wait3A_183 : memref<1000xi32, #tpu.memory_space<vmem>>)
    %dma_wait3A_185 = arith.constant 8 : i32
    %dma_wait3A_186 = arith.constant 0 : i32
    %dma_wait3A_187 = tpu.memref_slice %arg6[%dma_wait3A_185, %dma_wait3A_186] : memref<10x1000xi32, #tpu.memory_space<vmem>> -> memref<1x1000xi32, #tpu.memory_space<vmem>>
    %dma_wait3A_188 = tpu.memref_squeeze %dma_wait3A_187 : memref<1x1000xi32, #tpu.memory_space<vmem>> -> memref<1000xi32, #tpu.memory_space<vmem>>
    %dma_wait3A_189 = tpu.memref_slice %arg3[%add3A_93] : memref<320000xi32, #tpu.memory_space<hbm>> -> memref<1000xi32, #tpu.memory_space<hbm>>
    %dma_wait3A_190 = arith.constant 0 : i32
    %dma_wait3A_191 = tpu.memref_slice %arg6[%dma_wait3A_185, %dma_wait3A_190] : memref<10x1000xi32, #tpu.memory_space<vmem>> -> memref<1x1000xi32, #tpu.memory_space<vmem>>
    %dma_wait3A_192 = tpu.memref_squeeze %dma_wait3A_191 : memref<1x1000xi32, #tpu.memory_space<vmem>> -> memref<1000xi32, #tpu.memory_space<vmem>>
    %dma_wait3A_193 = tpu.memref_slice %arg3[%add3A_93] : memref<320000xi32, #tpu.memory_space<hbm>> -> memref<1000xi32, #tpu.memory_space<hbm>>
    tpu.wait_dma2 semaphore(%arg10 : memref<!tpu.dma_semaphore, #tpu.memory_space<semaphore_mem>>) src(%dma_wait3A_193 : memref<1000xi32, #tpu.memory_space<hbm>>) dst(%dma_wait3A_192 : memref<1000xi32, #tpu.memory_space<vmem>>)
    %dma_wait3A_194 = arith.constant 9 : i32
    %dma_wait3A_195 = arith.constant 0 : i32
    %dma_wait3A_196 = tpu.memref_slice %arg6[%dma_wait3A_194, %dma_wait3A_195] : memref<10x1000xi32, #tpu.memory_space<vmem>> -> memref<1x1000xi32, #tpu.memory_space<vmem>>
    %dma_wait3A_197 = tpu.memref_squeeze %dma_wait3A_196 : memref<1x1000xi32, #tpu.memory_space<vmem>> -> memref<1000xi32, #tpu.memory_space<vmem>>
    %dma_wait3A_198 = tpu.memref_slice %arg3[%add3A_104] : memref<320000xi32, #tpu.memory_space<hbm>> -> memref<1000xi32, #tpu.memory_space<hbm>>
    %dma_wait3A_199 = arith.constant 0 : i32
    %dma_wait3A_200 = tpu.memref_slice %arg6[%dma_wait3A_194, %dma_wait3A_199] : memref<10x1000xi32, #tpu.memory_space<vmem>> -> memref<1x1000xi32, #tpu.memory_space<vmem>>
    %dma_wait3A_201 = tpu.memref_squeeze %dma_wait3A_200 : memref<1x1000xi32, #tpu.memory_space<vmem>> -> memref<1000xi32, #tpu.memory_space<vmem>>
    %dma_wait3A_202 = tpu.memref_slice %arg3[%add3A_104] : memref<320000xi32, #tpu.memory_space<hbm>> -> memref<1000xi32, #tpu.memory_space<hbm>>
    tpu.wait_dma2 semaphore(%arg10 : memref<!tpu.dma_semaphore, #tpu.memory_space<semaphore_mem>>) src(%dma_wait3A_202 : memref<1000xi32, #tpu.memory_space<hbm>>) dst(%dma_wait3A_201 : memref<1000xi32, #tpu.memory_space<vmem>>)
    %barrier3A = arith.constant 0 : index
    tpu.barrier barrier_id(%barrier3A)
    %scan3A = arith.constant 0 : i32
    %scan3A_203 = arith.constant 5 : i32
    %scan3A_204 = arith.addi %scan3A, %scan3A_203 : i32
    %scan3A_205 = arith.constant 1 : i32
    scf.for %scan3A_219 = %scan3A to %scan3A_204 step %scan3A_205  : i32 {
      %mul3A_220 = arith.constant 1 : i32
      %mul3A_221 = arith.muli %scan3A_219, %mul3A_220 : i32
      %add3A_222 = arith.constant 0 : i32
      %add3A_223 = arith.addi %add3A_222, %mul3A_221 : i32
      %mul3A_224 = arith.constant 2 : i32
      %mul3A_225 = arith.muli %mul3A_224, %add3A_223 : i32
      %add3A_226 = arith.constant 0 : i32
      %add3A_227 = arith.addi %mul3A_225, %add3A_226 : i32
      %mul3A_228 = arith.constant 1000 : i32
      %mul3A_229 = arith.muli %add3A_227, %mul3A_228 : i32
      %multiple_of3A = tpu.assume_multiple %mul3A_229, 8 : i32
      %add3A_230 = arith.addi %mul3A_4, %multiple_of3A : i32
      %gt3A = arith.constant 0 : i32
      %gt3A_231 = arith.cmpi sgt, %add3A_223, %gt3A : i32
      %convert_element_type3A = arith.extui %gt3A_231 : i1 to i32
      %cond3A = arith.constant 0 : i32
      %cond3A_232 = arith.cmpi ne, %convert_element_type3A, %cond3A : i32
      scf.if %cond3A_232 {
        %dma_wait3A_274 = arith.constant 0 : i32
        %dma_wait3A_275 = tpu.memref_slice %arg2[%add3A_230, %dma_wait3A_274] : memref<320000x32xf32, #tpu.memory_space<hbm>> -> memref<1000x32xf32, #tpu.memory_space<hbm>>
        %dma_wait3A_276 = arith.constant 0 : i32
        %dma_wait3A_277 = tpu.memref_slice %arg2[%add3A_230, %dma_wait3A_276] : memref<320000x32xf32, #tpu.memory_space<hbm>> -> memref<1000x32xf32, #tpu.memory_space<hbm>>
        tpu.wait_dma2 semaphore(%arg12 : memref<!tpu.dma_semaphore, #tpu.memory_space<semaphore_mem>>) src(%dma_wait3A_277 : memref<1000x32xf32, #tpu.memory_space<hbm>>) dst(%arg7 : memref<1000x32xf32, #tpu.memory_space<vmem>>)
      } else {
      }
      %dma_start3A_233 = arith.constant 0 : i32
      %dma_start3A_234 = tpu.memref_slice %arg2[%add3A_230, %dma_start3A_233] : memref<320000x32xf32, #tpu.memory_space<hbm>> -> memref<1000x32xf32, #tpu.memory_space<hbm>>
      %dma_start3A_235 = arith.constant 0 : i32
      %dma_start3A_236 = tpu.memref_slice %arg2[%add3A_230, %dma_start3A_235] : memref<320000x32xf32, #tpu.memory_space<hbm>> -> memref<1000x32xf32, #tpu.memory_space<hbm>>
      tpu.enqueue_dma source(%dma_start3A_236 : memref<1000x32xf32, #tpu.memory_space<hbm>>) target(%arg7 : memref<1000x32xf32, #tpu.memory_space<vmem>>) target_semaphore(%arg10 : memref<!tpu.dma_semaphore, #tpu.memory_space<semaphore_mem>>)
      %dma_wait3A_237 = arith.constant 0 : i32
      %dma_wait3A_238 = tpu.memref_slice %arg2[%add3A_230, %dma_wait3A_237] : memref<320000x32xf32, #tpu.memory_space<hbm>> -> memref<1000x32xf32, #tpu.memory_space<hbm>>
      %dma_wait3A_239 = arith.constant 0 : i32
      %dma_wait3A_240 = tpu.memref_slice %arg2[%add3A_230, %dma_wait3A_239] : memref<320000x32xf32, #tpu.memory_space<hbm>> -> memref<1000x32xf32, #tpu.memory_space<hbm>>
      tpu.wait_dma2 semaphore(%arg10 : memref<!tpu.dma_semaphore, #tpu.memory_space<semaphore_mem>>) src(%dma_wait3A_240 : memref<1000x32xf32, #tpu.memory_space<hbm>>) dst(%arg7 : memref<1000x32xf32, #tpu.memory_space<vmem>>)
      %dma_start3A_241 = arith.constant 0 : i32
      %dma_start3A_242 = tpu.memref_slice %arg6[%add3A_227, %dma_start3A_241] : memref<10x1000xi32, #tpu.memory_space<vmem>> -> memref<1x1000xi32, #tpu.memory_space<vmem>>
      %dma_start3A_243 = tpu.memref_squeeze %dma_start3A_242 : memref<1x1000xi32, #tpu.memory_space<vmem>> -> memref<1000xi32, #tpu.memory_space<vmem>>
      %dma_start3A_244 = arith.constant 0 : i32
      %dma_start3A_245 = arith.constant 0 : i32
      %dma_start3A_246 = tpu.memref_slice %arg9[%dma_start3A_244, %dma_start3A_245] : memref<10000x32xf32, #tpu.memory_space<vmem_shared>> -> memref<10000x32xf32, #tpu.memory_space<vmem_shared>>
      tpu.enqueue_indirect_dma source(%arg7 : memref<1000x32xf32, #tpu.memory_space<vmem>>) target(%dma_start3A_246 : memref<10000x32xf32, #tpu.memory_space<vmem_shared>>) offsets(%dma_start3A_243 : memref<1000xi32, #tpu.memory_space<vmem>>) semaphore(%arg12 : memref<!tpu.dma_semaphore, #tpu.memory_space<semaphore_mem>>) {add = true}
      %mul3A_247 = arith.constant 2 : i32
      %mul3A_248 = arith.muli %mul3A_247, %add3A_223 : i32
      %add3A_249 = arith.constant 1 : i32
      %add3A_250 = arith.addi %mul3A_248, %add3A_249 : i32
      %mul3A_251 = arith.constant 1000 : i32
      %mul3A_252 = arith.muli %add3A_250, %mul3A_251 : i32
      %multiple_of3A_253 = tpu.assume_multiple %mul3A_252, 8 : i32
      %add3A_254 = arith.addi %mul3A_4, %multiple_of3A_253 : i32
      %gt3A_255 = arith.constant 0 : i32
      %gt3A_256 = arith.cmpi sgt, %add3A_223, %gt3A_255 : i32
      %convert_element_type3A_257 = arith.extui %gt3A_256 : i1 to i32
      %cond3A_258 = arith.constant 0 : i32
      %cond3A_259 = arith.cmpi ne, %convert_element_type3A_257, %cond3A_258 : i32
      scf.if %cond3A_259 {
        %dma_wait3A_274 = arith.constant 0 : i32
        %dma_wait3A_275 = tpu.memref_slice %arg2[%add3A_254, %dma_wait3A_274] : memref<320000x32xf32, #tpu.memory_space<hbm>> -> memref<1000x32xf32, #tpu.memory_space<hbm>>
        %dma_wait3A_276 = arith.constant 0 : i32
        %dma_wait3A_277 = tpu.memref_slice %arg2[%add3A_254, %dma_wait3A_276] : memref<320000x32xf32, #tpu.memory_space<hbm>> -> memref<1000x32xf32, #tpu.memory_space<hbm>>
        tpu.wait_dma2 semaphore(%arg13 : memref<!tpu.dma_semaphore, #tpu.memory_space<semaphore_mem>>) src(%dma_wait3A_277 : memref<1000x32xf32, #tpu.memory_space<hbm>>) dst(%arg8 : memref<1000x32xf32, #tpu.memory_space<vmem>>)
      } else {
      }
      %dma_start3A_260 = arith.constant 0 : i32
      %dma_start3A_261 = tpu.memref_slice %arg2[%add3A_254, %dma_start3A_260] : memref<320000x32xf32, #tpu.memory_space<hbm>> -> memref<1000x32xf32, #tpu.memory_space<hbm>>
      %dma_start3A_262 = arith.constant 0 : i32
      %dma_start3A_263 = tpu.memref_slice %arg2[%add3A_254, %dma_start3A_262] : memref<320000x32xf32, #tpu.memory_space<hbm>> -> memref<1000x32xf32, #tpu.memory_space<hbm>>
      tpu.enqueue_dma source(%dma_start3A_263 : memref<1000x32xf32, #tpu.memory_space<hbm>>) target(%arg8 : memref<1000x32xf32, #tpu.memory_space<vmem>>) target_semaphore(%arg11 : memref<!tpu.dma_semaphore, #tpu.memory_space<semaphore_mem>>)
      %dma_wait3A_264 = arith.constant 0 : i32
      %dma_wait3A_265 = tpu.memref_slice %arg2[%add3A_254, %dma_wait3A_264] : memref<320000x32xf32, #tpu.memory_space<hbm>> -> memref<1000x32xf32, #tpu.memory_space<hbm>>
      %dma_wait3A_266 = arith.constant 0 : i32
      %dma_wait3A_267 = tpu.memref_slice %arg2[%add3A_254, %dma_wait3A_266] : memref<320000x32xf32, #tpu.memory_space<hbm>> -> memref<1000x32xf32, #tpu.memory_space<hbm>>
      tpu.wait_dma2 semaphore(%arg11 : memref<!tpu.dma_semaphore, #tpu.memory_space<semaphore_mem>>) src(%dma_wait3A_267 : memref<1000x32xf32, #tpu.memory_space<hbm>>) dst(%arg8 : memref<1000x32xf32, #tpu.memory_space<vmem>>)
      %dma_start3A_268 = arith.constant 0 : i32
      %dma_start3A_269 = tpu.memref_slice %arg6[%add3A_250, %dma_start3A_268] : memref<10x1000xi32, #tpu.memory_space<vmem>> -> memref<1x1000xi32, #tpu.memory_space<vmem>>
      %dma_start3A_270 = tpu.memref_squeeze %dma_start3A_269 : memref<1x1000xi32, #tpu.memory_space<vmem>> -> memref<1000xi32, #tpu.memory_space<vmem>>
      %dma_start3A_271 = arith.constant 0 : i32
      %dma_start3A_272 = arith.constant 0 : i32
      %dma_start3A_273 = tpu.memref_slice %arg9[%dma_start3A_271, %dma_start3A_272] : memref<10000x32xf32, #tpu.memory_space<vmem_shared>> -> memref<10000x32xf32, #tpu.memory_space<vmem_shared>>
      tpu.enqueue_indirect_dma source(%arg8 : memref<1000x32xf32, #tpu.memory_space<vmem>>) target(%dma_start3A_273 : memref<10000x32xf32, #tpu.memory_space<vmem_shared>>) offsets(%dma_start3A_270 : memref<1000xi32, #tpu.memory_space<vmem>>) semaphore(%arg13 : memref<!tpu.dma_semaphore, #tpu.memory_space<semaphore_mem>>) {add = true}
    }
    %scan3A_206 = arith.constant 5 : i32
    %dma_wait3A_207 = arith.constant 0 : i32
    %dma_wait3A_208 = tpu.memref_slice %arg2[%mul3A_4, %dma_wait3A_207] : memref<320000x32xf32, #tpu.memory_space<hbm>> -> memref<1000x32xf32, #tpu.memory_space<hbm>>
    %dma_wait3A_209 = arith.constant 0 : i32
    %dma_wait3A_210 = tpu.memref_slice %arg2[%mul3A_4, %dma_wait3A_209] : memref<320000x32xf32, #tpu.memory_space<hbm>> -> memref<1000x32xf32, #tpu.memory_space<hbm>>
    tpu.wait_dma2 semaphore(%arg12 : memref<!tpu.dma_semaphore, #tpu.memory_space<semaphore_mem>>) src(%dma_wait3A_210 : memref<1000x32xf32, #tpu.memory_space<hbm>>) dst(%arg7 : memref<1000x32xf32, #tpu.memory_space<vmem>>)
    %dma_wait3A_211 = arith.constant 0 : i32
    %dma_wait3A_212 = tpu.memref_slice %arg2[%mul3A_4, %dma_wait3A_211] : memref<320000x32xf32, #tpu.memory_space<hbm>> -> memref<1000x32xf32, #tpu.memory_space<hbm>>
    %dma_wait3A_213 = arith.constant 0 : i32
    %dma_wait3A_214 = tpu.memref_slice %arg2[%mul3A_4, %dma_wait3A_213] : memref<320000x32xf32, #tpu.memory_space<hbm>> -> memref<1000x32xf32, #tpu.memory_space<hbm>>
    tpu.wait_dma2 semaphore(%arg13 : memref<!tpu.dma_semaphore, #tpu.memory_space<semaphore_mem>>) src(%dma_wait3A_214 : memref<1000x32xf32, #tpu.memory_space<hbm>>) dst(%arg8 : memref<1000x32xf32, #tpu.memory_space<vmem>>)
    %barrier3A_215 = arith.constant 0 : index
    tpu.barrier barrier_id(%barrier3A_215)
    %mul3A_216 = arith.constant 10000 : i32
    %mul3A_217 = arith.muli %arg0, %mul3A_216 : i32
    %add3A_218 = arith.addi %mul3A_217, %mul3A_2 : i32
    "tpu.region"() ({
      %run_scoped3A = tpu.sem_alloc : memref<!tpu.dma_semaphore, #tpu.memory_space<semaphore_mem>>
      %dma_start3A_219 = arith.constant 0 : i32
      %dma_start3A_220 = tpu.memref_slice %arg5[%add3A_218, %dma_start3A_219] : memref<20000x32xf32, #tpu.memory_space<hbm>> -> memref<625x32xf32, #tpu.memory_space<hbm>>
      %dma_start3A_221 = arith.constant 0 : i32
      %dma_start3A_222 = tpu.memref_slice %arg9[%mul3A_2, %dma_start3A_221] : memref<10000x32xf32, #tpu.memory_space<vmem_shared>> -> memref<625x32xf32, #tpu.memory_space<vmem_shared>>
      tpu.enqueue_dma source(%dma_start3A_222 : memref<625x32xf32, #tpu.memory_space<vmem_shared>>) target(%dma_start3A_220 : memref<625x32xf32, #tpu.memory_space<hbm>>) target_semaphore(%run_scoped3A : memref<!tpu.dma_semaphore, #tpu.memory_space<semaphore_mem>>)
      %dma_wait3A_223 = arith.constant 0 : i32
      %dma_wait3A_224 = tpu.memref_slice %arg5[%add3A_218, %dma_wait3A_223] : memref<20000x32xf32, #tpu.memory_space<hbm>> -> memref<625x32xf32, #tpu.memory_space<hbm>>
      %dma_wait3A_225 = arith.constant 0 : i32
      %dma_wait3A_226 = tpu.memref_slice %arg9[%mul3A_2, %dma_wait3A_225] : memref<10000x32xf32, #tpu.memory_space<vmem_shared>> -> memref<625x32xf32, #tpu.memory_space<vmem_shared>>
      tpu.wait_dma2 semaphore(%run_scoped3A : memref<!tpu.dma_semaphore, #tpu.memory_space<semaphore_mem>>) src(%dma_wait3A_226 : memref<625x32xf32, #tpu.memory_space<vmem_shared>>) dst(%dma_wait3A_224 : memref<625x32xf32, #tpu.memory_space<hbm>>)
      tpu.yield
    }) : () -> ()
    return
  }
}

#map = affine_map<(d0, d1) -> (0, 0)>
#map1 = affine_map<(d0, d1) -> (0)>
module attributes {stable_mosaic.version = 14 : i64} {
  func.func @_k(%arg0: i32, %arg1: i32, %arg2: memref<10000x32xf32, #tpu.memory_space<hbm>>, %arg3: memref<10000x32xf32, #tpu.memory_space<hbm>>, %arg4: memref<320000xi32, #tpu.memory_space<hbm>>, %arg5: memref<320000xi32, #tpu.memory_space<hbm>>, %arg6: memref<320000x32xf32, #tpu.memory_space<hbm>>, %arg7: memref<320000x32xf32, #tpu.memory_space<hbm>>, %arg8: memref<10000xi32, #tpu.memory_space<vmem>>, %arg9: memref<10000xi32, #tpu.memory_space<vmem>>, %arg10: memref<400x32xf32, #tpu.memory_space<vmem>>, %arg11: memref<400x32xf32, #tpu.memory_space<vmem>>, %arg12: memref<400x32xf32, #tpu.memory_space<vmem>>, %arg13: memref<400x32xf32, #tpu.memory_space<vmem>>, %arg14: memref<!tpu.dma_semaphore, #tpu.memory_space<semaphore_mem>>, %arg15: memref<!tpu.dma_semaphore, #tpu.memory_space<semaphore_mem>>, %arg16: memref<!tpu.dma_semaphore, #tpu.memory_space<semaphore_mem>>, %arg17: memref<!tpu.dma_semaphore, #tpu.memory_space<semaphore_mem>>, %arg18: memref<!tpu.dma_semaphore, #tpu.memory_space<semaphore_mem>>, %arg19: memref<!tpu.dma_semaphore, #tpu.memory_space<semaphore_mem>>) attributes {dimension_semantics = [#tpu.dimension_semantics<core_parallel>, #tpu.dimension_semantics<subcore_parallel>], iteration_bounds = array<i64: 2, 16>, scalar_prefetch = 0 : i64, scratch_operands = 12 : i64, tpu.core_type = #tpu.core_type<sc_vector_subcore>, window_params = [{transform_indices = #map}, {transform_indices = #map}, {transform_indices = #map1}, {transform_indices = #map1}, {transform_indices = #map}, {transform_indices = #map}]} {
    %mul3A = arith.constant 2 : i32
    %mul3A_0 = arith.muli %arg1, %mul3A : i32
    %add3A = arith.addi %mul3A_0, %arg0 : i32
    %mul3A_1 = arith.constant 10000 : i32
    %mul3A_2 = arith.muli %add3A, %mul3A_1 : i32
    %dma_start3A = tpu.memref_slice %arg4[%mul3A_2] : memref<320000xi32, #tpu.memory_space<hbm>> -> memref<10000xi32, #tpu.memory_space<hbm>>
    %dma_start3A_3 = tpu.memref_slice %arg4[%mul3A_2] : memref<320000xi32, #tpu.memory_space<hbm>> -> memref<10000xi32, #tpu.memory_space<hbm>>
    tpu.enqueue_dma source(%dma_start3A_3 : memref<10000xi32, #tpu.memory_space<hbm>>) target(%arg8 : memref<10000xi32, #tpu.memory_space<vmem>>) target_semaphore(%arg14 : memref<!tpu.dma_semaphore, #tpu.memory_space<semaphore_mem>>)
    %dma_start3A_4 = tpu.memref_slice %arg5[%mul3A_2] : memref<320000xi32, #tpu.memory_space<hbm>> -> memref<10000xi32, #tpu.memory_space<hbm>>
    %dma_start3A_5 = tpu.memref_slice %arg5[%mul3A_2] : memref<320000xi32, #tpu.memory_space<hbm>> -> memref<10000xi32, #tpu.memory_space<hbm>>
    tpu.enqueue_dma source(%dma_start3A_5 : memref<10000xi32, #tpu.memory_space<hbm>>) target(%arg9 : memref<10000xi32, #tpu.memory_space<vmem>>) target_semaphore(%arg15 : memref<!tpu.dma_semaphore, #tpu.memory_space<semaphore_mem>>)
    %dma_wait3A = tpu.memref_slice %arg4[%mul3A_2] : memref<320000xi32, #tpu.memory_space<hbm>> -> memref<10000xi32, #tpu.memory_space<hbm>>
    %dma_wait3A_6 = tpu.memref_slice %arg4[%mul3A_2] : memref<320000xi32, #tpu.memory_space<hbm>> -> memref<10000xi32, #tpu.memory_space<hbm>>
    tpu.wait_dma2 semaphore(%arg14 : memref<!tpu.dma_semaphore, #tpu.memory_space<semaphore_mem>>) src(%dma_wait3A_6 : memref<10000xi32, #tpu.memory_space<hbm>>) dst(%arg8 : memref<10000xi32, #tpu.memory_space<vmem>>)
    %dma_wait3A_7 = tpu.memref_slice %arg5[%mul3A_2] : memref<320000xi32, #tpu.memory_space<hbm>> -> memref<10000xi32, #tpu.memory_space<hbm>>
    %dma_wait3A_8 = tpu.memref_slice %arg5[%mul3A_2] : memref<320000xi32, #tpu.memory_space<hbm>> -> memref<10000xi32, #tpu.memory_space<hbm>>
    tpu.wait_dma2 semaphore(%arg15 : memref<!tpu.dma_semaphore, #tpu.memory_space<semaphore_mem>>) src(%dma_wait3A_8 : memref<10000xi32, #tpu.memory_space<hbm>>) dst(%arg9 : memref<10000xi32, #tpu.memory_space<vmem>>)
    %scan3A = arith.constant 0 : i32
    %scan3A_9 = arith.constant 12 : i32
    %scan3A_10 = arith.addi %scan3A, %scan3A_9 : i32
    %scan3A_11 = arith.constant 1 : i32
    scf.for %scan3A_47 = %scan3A to %scan3A_10 step %scan3A_11  : i32 {
      %mul3A_48 = arith.constant 1 : i32
      %mul3A_49 = arith.muli %scan3A_47, %mul3A_48 : i32
      %add3A_50 = arith.constant 0 : i32
      %add3A_51 = arith.addi %add3A_50, %mul3A_49 : i32
      %mul3A_52 = arith.constant 2 : i32
      %mul3A_53 = arith.muli %mul3A_52, %add3A_51 : i32
      %mul3A_54 = arith.constant 400 : i32
      %mul3A_55 = arith.muli %mul3A_53, %mul3A_54 : i32
      %multiple_of3A_56 = tpu.assume_multiple %mul3A_55, 8 : i32
      %add3A_57 = arith.addi %mul3A_2, %multiple_of3A_56 : i32
      %gt3A = arith.constant 0 : i32
      %gt3A_58 = arith.cmpi sgt, %add3A_51, %gt3A : i32
      %convert_element_type3A = arith.extui %gt3A_58 : i1 to i32
      %cond3A = arith.constant 0 : i32
      %cond3A_59 = arith.cmpi ne, %convert_element_type3A, %cond3A : i32
      scf.if %cond3A_59 {
        %dma_wait3A_121 = arith.constant 0 : i32
        %dma_wait3A_122 = tpu.memref_slice %arg6[%add3A_57, %dma_wait3A_121] : memref<320000x32xf32, #tpu.memory_space<hbm>> -> memref<400x32xf32, #tpu.memory_space<hbm>>
        %dma_wait3A_123 = arith.constant 0 : i32
        %dma_wait3A_124 = tpu.memref_slice %arg6[%add3A_57, %dma_wait3A_123] : memref<320000x32xf32, #tpu.memory_space<hbm>> -> memref<400x32xf32, #tpu.memory_space<hbm>>
        tpu.wait_dma2 semaphore(%arg16 : memref<!tpu.dma_semaphore, #tpu.memory_space<semaphore_mem>>) src(%dma_wait3A_124 : memref<400x32xf32, #tpu.memory_space<hbm>>) dst(%arg10 : memref<400x32xf32, #tpu.memory_space<vmem>>)
        %dma_wait3A_125 = arith.constant 0 : i32
        %dma_wait3A_126 = tpu.memref_slice %arg7[%add3A_57, %dma_wait3A_125] : memref<320000x32xf32, #tpu.memory_space<hbm>> -> memref<400x32xf32, #tpu.memory_space<hbm>>
        %dma_wait3A_127 = arith.constant 0 : i32
        %dma_wait3A_128 = tpu.memref_slice %arg7[%add3A_57, %dma_wait3A_127] : memref<320000x32xf32, #tpu.memory_space<hbm>> -> memref<400x32xf32, #tpu.memory_space<hbm>>
        tpu.wait_dma2 semaphore(%arg17 : memref<!tpu.dma_semaphore, #tpu.memory_space<semaphore_mem>>) src(%dma_wait3A_128 : memref<400x32xf32, #tpu.memory_space<hbm>>) dst(%arg11 : memref<400x32xf32, #tpu.memory_space<vmem>>)
      } else {
      }
      %dma_start3A_60 = tpu.memref_slice %arg8[%multiple_of3A_56] : memref<10000xi32, #tpu.memory_space<vmem>> -> memref<400xi32, #tpu.memory_space<vmem>>
      %dma_start3A_61 = arith.constant 0 : i32
      %dma_start3A_62 = arith.constant 0 : i32
      %dma_start3A_63 = tpu.memref_slice %arg2[%dma_start3A_61, %dma_start3A_62] : memref<10000x32xf32, #tpu.memory_space<hbm>> -> memref<10000x32xf32, #tpu.memory_space<hbm>>
      tpu.enqueue_indirect_dma source(%dma_start3A_63 : memref<10000x32xf32, #tpu.memory_space<hbm>>) target(%arg10 : memref<400x32xf32, #tpu.memory_space<vmem>>) offsets(%dma_start3A_60 : memref<400xi32, #tpu.memory_space<vmem>>) semaphore(%arg14 : memref<!tpu.dma_semaphore, #tpu.memory_space<semaphore_mem>>)
      %dma_start3A_64 = tpu.memref_slice %arg9[%multiple_of3A_56] : memref<10000xi32, #tpu.memory_space<vmem>> -> memref<400xi32, #tpu.memory_space<vmem>>
      %dma_start3A_65 = arith.constant 0 : i32
      %dma_start3A_66 = arith.constant 0 : i32
      %dma_start3A_67 = tpu.memref_slice %arg3[%dma_start3A_65, %dma_start3A_66] : memref<10000x32xf32, #tpu.memory_space<hbm>> -> memref<10000x32xf32, #tpu.memory_space<hbm>>
      tpu.enqueue_indirect_dma source(%dma_start3A_67 : memref<10000x32xf32, #tpu.memory_space<hbm>>) target(%arg11 : memref<400x32xf32, #tpu.memory_space<vmem>>) offsets(%dma_start3A_64 : memref<400xi32, #tpu.memory_space<vmem>>) semaphore(%arg14 : memref<!tpu.dma_semaphore, #tpu.memory_space<semaphore_mem>>)
      %dma_wait3A_68 = tpu.memref_slice %arg8[%multiple_of3A_56] : memref<10000xi32, #tpu.memory_space<vmem>> -> memref<400xi32, #tpu.memory_space<vmem>>
      %dma_wait3A_69 = arith.constant 0 : i32
      %dma_wait3A_70 = arith.constant 0 : i32
      %dma_wait3A_71 = tpu.memref_slice %arg2[%dma_wait3A_69, %dma_wait3A_70] : memref<10000x32xf32, #tpu.memory_space<hbm>> -> memref<10000x32xf32, #tpu.memory_space<hbm>>
      tpu.wait_indirect_dma semaphore(%arg14 : memref<!tpu.dma_semaphore, #tpu.memory_space<semaphore_mem>>) src(%dma_wait3A_71 : memref<10000x32xf32, #tpu.memory_space<hbm>>) dst(%arg10 : memref<400x32xf32, #tpu.memory_space<vmem>>)
      %dma_wait3A_72 = tpu.memref_slice %arg9[%multiple_of3A_56] : memref<10000xi32, #tpu.memory_space<vmem>> -> memref<400xi32, #tpu.memory_space<vmem>>
      %dma_wait3A_73 = arith.constant 0 : i32
      %dma_wait3A_74 = arith.constant 0 : i32
      %dma_wait3A_75 = tpu.memref_slice %arg3[%dma_wait3A_73, %dma_wait3A_74] : memref<10000x32xf32, #tpu.memory_space<hbm>> -> memref<10000x32xf32, #tpu.memory_space<hbm>>
      tpu.wait_indirect_dma semaphore(%arg14 : memref<!tpu.dma_semaphore, #tpu.memory_space<semaphore_mem>>) src(%dma_wait3A_75 : memref<10000x32xf32, #tpu.memory_space<hbm>>) dst(%arg11 : memref<400x32xf32, #tpu.memory_space<vmem>>)
      %dma_start3A_76 = arith.constant 0 : i32
      %dma_start3A_77 = tpu.memref_slice %arg6[%add3A_57, %dma_start3A_76] : memref<320000x32xf32, #tpu.memory_space<hbm>> -> memref<400x32xf32, #tpu.memory_space<hbm>>
      %dma_start3A_78 = arith.constant 0 : i32
      %dma_start3A_79 = tpu.memref_slice %arg6[%add3A_57, %dma_start3A_78] : memref<320000x32xf32, #tpu.memory_space<hbm>> -> memref<400x32xf32, #tpu.memory_space<hbm>>
      tpu.enqueue_dma source(%arg10 : memref<400x32xf32, #tpu.memory_space<vmem>>) target(%dma_start3A_79 : memref<400x32xf32, #tpu.memory_space<hbm>>) target_semaphore(%arg16 : memref<!tpu.dma_semaphore, #tpu.memory_space<semaphore_mem>>)
      %dma_start3A_80 = arith.constant 0 : i32
      %dma_start3A_81 = tpu.memref_slice %arg7[%add3A_57, %dma_start3A_80] : memref<320000x32xf32, #tpu.memory_space<hbm>> -> memref<400x32xf32, #tpu.memory_space<hbm>>
      %dma_start3A_82 = arith.constant 0 : i32
      %dma_start3A_83 = tpu.memref_slice %arg7[%add3A_57, %dma_start3A_82] : memref<320000x32xf32, #tpu.memory_space<hbm>> -> memref<400x32xf32, #tpu.memory_space<hbm>>
      tpu.enqueue_dma source(%arg11 : memref<400x32xf32, #tpu.memory_space<vmem>>) target(%dma_start3A_83 : memref<400x32xf32, #tpu.memory_space<hbm>>) target_semaphore(%arg17 : memref<!tpu.dma_semaphore, #tpu.memory_space<semaphore_mem>>)
      %mul3A_84 = arith.constant 2 : i32
      %mul3A_85 = arith.muli %mul3A_84, %add3A_51 : i32
      %add3A_86 = arith.constant 1 : i32
      %add3A_87 = arith.addi %mul3A_85, %add3A_86 : i32
      %mul3A_88 = arith.constant 400 : i32
      %mul3A_89 = arith.muli %add3A_87, %mul3A_88 : i32
      %multiple_of3A_90 = tpu.assume_multiple %mul3A_89, 8 : i32
      %add3A_91 = arith.addi %mul3A_2, %multiple_of3A_90 : i32
      %gt3A_92 = arith.constant 0 : i32
      %gt3A_93 = arith.cmpi sgt, %add3A_51, %gt3A_92 : i32
      %convert_element_type3A_94 = arith.extui %gt3A_93 : i1 to i32
      %cond3A_95 = arith.constant 0 : i32
      %cond3A_96 = arith.cmpi ne, %convert_element_type3A_94, %cond3A_95 : i32
      scf.if %cond3A_96 {
        %dma_wait3A_121 = arith.constant 0 : i32
        %dma_wait3A_122 = tpu.memref_slice %arg6[%add3A_91, %dma_wait3A_121] : memref<320000x32xf32, #tpu.memory_space<hbm>> -> memref<400x32xf32, #tpu.memory_space<hbm>>
        %dma_wait3A_123 = arith.constant 0 : i32
        %dma_wait3A_124 = tpu.memref_slice %arg6[%add3A_91, %dma_wait3A_123] : memref<320000x32xf32, #tpu.memory_space<hbm>> -> memref<400x32xf32, #tpu.memory_space<hbm>>
        tpu.wait_dma2 semaphore(%arg18 : memref<!tpu.dma_semaphore, #tpu.memory_space<semaphore_mem>>) src(%dma_wait3A_124 : memref<400x32xf32, #tpu.memory_space<hbm>>) dst(%arg12 : memref<400x32xf32, #tpu.memory_space<vmem>>)
        %dma_wait3A_125 = arith.constant 0 : i32
        %dma_wait3A_126 = tpu.memref_slice %arg7[%add3A_91, %dma_wait3A_125] : memref<320000x32xf32, #tpu.memory_space<hbm>> -> memref<400x32xf32, #tpu.memory_space<hbm>>
        %dma_wait3A_127 = arith.constant 0 : i32
        %dma_wait3A_128 = tpu.memref_slice %arg7[%add3A_91, %dma_wait3A_127] : memref<320000x32xf32, #tpu.memory_space<hbm>> -> memref<400x32xf32, #tpu.memory_space<hbm>>
        tpu.wait_dma2 semaphore(%arg19 : memref<!tpu.dma_semaphore, #tpu.memory_space<semaphore_mem>>) src(%dma_wait3A_128 : memref<400x32xf32, #tpu.memory_space<hbm>>) dst(%arg13 : memref<400x32xf32, #tpu.memory_space<vmem>>)
      } else {
      }
      %dma_start3A_97 = tpu.memref_slice %arg8[%multiple_of3A_90] : memref<10000xi32, #tpu.memory_space<vmem>> -> memref<400xi32, #tpu.memory_space<vmem>>
      %dma_start3A_98 = arith.constant 0 : i32
      %dma_start3A_99 = arith.constant 0 : i32
      %dma_start3A_100 = tpu.memref_slice %arg2[%dma_start3A_98, %dma_start3A_99] : memref<10000x32xf32, #tpu.memory_space<hbm>> -> memref<10000x32xf32, #tpu.memory_space<hbm>>
      tpu.enqueue_indirect_dma source(%dma_start3A_100 : memref<10000x32xf32, #tpu.memory_space<hbm>>) target(%arg12 : memref<400x32xf32, #tpu.memory_space<vmem>>) offsets(%dma_start3A_97 : memref<400xi32, #tpu.memory_space<vmem>>) semaphore(%arg15 : memref<!tpu.dma_semaphore, #tpu.memory_space<semaphore_mem>>)
      %dma_start3A_101 = tpu.memref_slice %arg9[%multiple_of3A_90] : memref<10000xi32, #tpu.memory_space<vmem>> -> memref<400xi32, #tpu.memory_space<vmem>>
      %dma_start3A_102 = arith.constant 0 : i32
      %dma_start3A_103 = arith.constant 0 : i32
      %dma_start3A_104 = tpu.memref_slice %arg3[%dma_start3A_102, %dma_start3A_103] : memref<10000x32xf32, #tpu.memory_space<hbm>> -> memref<10000x32xf32, #tpu.memory_space<hbm>>
      tpu.enqueue_indirect_dma source(%dma_start3A_104 : memref<10000x32xf32, #tpu.memory_space<hbm>>) target(%arg13 : memref<400x32xf32, #tpu.memory_space<vmem>>) offsets(%dma_start3A_101 : memref<400xi32, #tpu.memory_space<vmem>>) semaphore(%arg15 : memref<!tpu.dma_semaphore, #tpu.memory_space<semaphore_mem>>)
      %dma_wait3A_105 = tpu.memref_slice %arg8[%multiple_of3A_90] : memref<10000xi32, #tpu.memory_space<vmem>> -> memref<400xi32, #tpu.memory_space<vmem>>
      %dma_wait3A_106 = arith.constant 0 : i32
      %dma_wait3A_107 = arith.constant 0 : i32
      %dma_wait3A_108 = tpu.memref_slice %arg2[%dma_wait3A_106, %dma_wait3A_107] : memref<10000x32xf32, #tpu.memory_space<hbm>> -> memref<10000x32xf32, #tpu.memory_space<hbm>>
      tpu.wait_indirect_dma semaphore(%arg15 : memref<!tpu.dma_semaphore, #tpu.memory_space<semaphore_mem>>) src(%dma_wait3A_108 : memref<10000x32xf32, #tpu.memory_space<hbm>>) dst(%arg12 : memref<400x32xf32, #tpu.memory_space<vmem>>)
      %dma_wait3A_109 = tpu.memref_slice %arg9[%multiple_of3A_90] : memref<10000xi32, #tpu.memory_space<vmem>> -> memref<400xi32, #tpu.memory_space<vmem>>
      %dma_wait3A_110 = arith.constant 0 : i32
      %dma_wait3A_111 = arith.constant 0 : i32
      %dma_wait3A_112 = tpu.memref_slice %arg3[%dma_wait3A_110, %dma_wait3A_111] : memref<10000x32xf32, #tpu.memory_space<hbm>> -> memref<10000x32xf32, #tpu.memory_space<hbm>>
      tpu.wait_indirect_dma semaphore(%arg15 : memref<!tpu.dma_semaphore, #tpu.memory_space<semaphore_mem>>) src(%dma_wait3A_112 : memref<10000x32xf32, #tpu.memory_space<hbm>>) dst(%arg13 : memref<400x32xf32, #tpu.memory_space<vmem>>)
      %dma_start3A_113 = arith.constant 0 : i32
      %dma_start3A_114 = tpu.memref_slice %arg6[%add3A_91, %dma_start3A_113] : memref<320000x32xf32, #tpu.memory_space<hbm>> -> memref<400x32xf32, #tpu.memory_space<hbm>>
      %dma_start3A_115 = arith.constant 0 : i32
      %dma_start3A_116 = tpu.memref_slice %arg6[%add3A_91, %dma_start3A_115] : memref<320000x32xf32, #tpu.memory_space<hbm>> -> memref<400x32xf32, #tpu.memory_space<hbm>>
      tpu.enqueue_dma source(%arg12 : memref<400x32xf32, #tpu.memory_space<vmem>>) target(%dma_start3A_116 : memref<400x32xf32, #tpu.memory_space<hbm>>) target_semaphore(%arg18 : memref<!tpu.dma_semaphore, #tpu.memory_space<semaphore_mem>>)
      %dma_start3A_117 = arith.constant 0 : i32
      %dma_start3A_118 = tpu.memref_slice %arg7[%add3A_91, %dma_start3A_117] : memref<320000x32xf32, #tpu.memory_space<hbm>> -> memref<400x32xf32, #tpu.memory_space<hbm>>
      %dma_start3A_119 = arith.constant 0 : i32
      %dma_start3A_120 = tpu.memref_slice %arg7[%add3A_91, %dma_start3A_119] : memref<320000x32xf32, #tpu.memory_space<hbm>> -> memref<400x32xf32, #tpu.memory_space<hbm>>
      tpu.enqueue_dma source(%arg13 : memref<400x32xf32, #tpu.memory_space<vmem>>) target(%dma_start3A_120 : memref<400x32xf32, #tpu.memory_space<hbm>>) target_semaphore(%arg19 : memref<!tpu.dma_semaphore, #tpu.memory_space<semaphore_mem>>)
    }
    %scan3A_12 = arith.constant 12 : i32
    %dma_wait3A_13 = arith.constant 0 : i32
    %dma_wait3A_14 = tpu.memref_slice %arg6[%mul3A_2, %dma_wait3A_13] : memref<320000x32xf32, #tpu.memory_space<hbm>> -> memref<400x32xf32, #tpu.memory_space<hbm>>
    %dma_wait3A_15 = arith.constant 0 : i32
    %dma_wait3A_16 = tpu.memref_slice %arg6[%mul3A_2, %dma_wait3A_15] : memref<320000x32xf32, #tpu.memory_space<hbm>> -> memref<400x32xf32, #tpu.memory_space<hbm>>
    tpu.wait_dma2 semaphore(%arg16 : memref<!tpu.dma_semaphore, #tpu.memory_space<semaphore_mem>>) src(%dma_wait3A_16 : memref<400x32xf32, #tpu.memory_space<hbm>>) dst(%arg10 : memref<400x32xf32, #tpu.memory_space<vmem>>)
    %dma_wait3A_17 = arith.constant 0 : i32
    %dma_wait3A_18 = tpu.memref_slice %arg7[%mul3A_2, %dma_wait3A_17] : memref<320000x32xf32, #tpu.memory_space<hbm>> -> memref<400x32xf32, #tpu.memory_space<hbm>>
    %dma_wait3A_19 = arith.constant 0 : i32
    %dma_wait3A_20 = tpu.memref_slice %arg7[%mul3A_2, %dma_wait3A_19] : memref<320000x32xf32, #tpu.memory_space<hbm>> -> memref<400x32xf32, #tpu.memory_space<hbm>>
    tpu.wait_dma2 semaphore(%arg17 : memref<!tpu.dma_semaphore, #tpu.memory_space<semaphore_mem>>) src(%dma_wait3A_20 : memref<400x32xf32, #tpu.memory_space<hbm>>) dst(%arg11 : memref<400x32xf32, #tpu.memory_space<vmem>>)
    %multiple_of3A = arith.constant 9600 : i32
    %multiple_of3A_21 = tpu.assume_multiple %multiple_of3A, 8 : i32
    %add3A_22 = arith.addi %mul3A_2, %multiple_of3A_21 : i32
    %dma_start3A_23 = tpu.memref_slice %arg8[%multiple_of3A_21] : memref<10000xi32, #tpu.memory_space<vmem>> -> memref<400xi32, #tpu.memory_space<vmem>>
    %dma_start3A_24 = arith.constant 0 : i32
    %dma_start3A_25 = arith.constant 0 : i32
    %dma_start3A_26 = tpu.memref_slice %arg2[%dma_start3A_24, %dma_start3A_25] : memref<10000x32xf32, #tpu.memory_space<hbm>> -> memref<10000x32xf32, #tpu.memory_space<hbm>>
    tpu.enqueue_indirect_dma source(%dma_start3A_26 : memref<10000x32xf32, #tpu.memory_space<hbm>>) target(%arg10 : memref<400x32xf32, #tpu.memory_space<vmem>>) offsets(%dma_start3A_23 : memref<400xi32, #tpu.memory_space<vmem>>) semaphore(%arg14 : memref<!tpu.dma_semaphore, #tpu.memory_space<semaphore_mem>>)
    %dma_start3A_27 = tpu.memref_slice %arg9[%multiple_of3A_21] : memref<10000xi32, #tpu.memory_space<vmem>> -> memref<400xi32, #tpu.memory_space<vmem>>
    %dma_start3A_28 = arith.constant 0 : i32
    %dma_start3A_29 = arith.constant 0 : i32
    %dma_start3A_30 = tpu.memref_slice %arg3[%dma_start3A_28, %dma_start3A_29] : memref<10000x32xf32, #tpu.memory_space<hbm>> -> memref<10000x32xf32, #tpu.memory_space<hbm>>
    tpu.enqueue_indirect_dma source(%dma_start3A_30 : memref<10000x32xf32, #tpu.memory_space<hbm>>) target(%arg11 : memref<400x32xf32, #tpu.memory_space<vmem>>) offsets(%dma_start3A_27 : memref<400xi32, #tpu.memory_space<vmem>>) semaphore(%arg14 : memref<!tpu.dma_semaphore, #tpu.memory_space<semaphore_mem>>)
    %dma_wait3A_31 = tpu.memref_slice %arg8[%multiple_of3A_21] : memref<10000xi32, #tpu.memory_space<vmem>> -> memref<400xi32, #tpu.memory_space<vmem>>
    %dma_wait3A_32 = arith.constant 0 : i32
    %dma_wait3A_33 = arith.constant 0 : i32
    %dma_wait3A_34 = tpu.memref_slice %arg2[%dma_wait3A_32, %dma_wait3A_33] : memref<10000x32xf32, #tpu.memory_space<hbm>> -> memref<10000x32xf32, #tpu.memory_space<hbm>>
    tpu.wait_indirect_dma semaphore(%arg14 : memref<!tpu.dma_semaphore, #tpu.memory_space<semaphore_mem>>) src(%dma_wait3A_34 : memref<10000x32xf32, #tpu.memory_space<hbm>>) dst(%arg10 : memref<400x32xf32, #tpu.memory_space<vmem>>)
    %dma_wait3A_35 = tpu.memref_slice %arg9[%multiple_of3A_21] : memref<10000xi32, #tpu.memory_space<vmem>> -> memref<400xi32, #tpu.memory_space<vmem>>
    %dma_wait3A_36 = arith.constant 0 : i32
    %dma_wait3A_37 = arith.constant 0 : i32
    %dma_wait3A_38 = tpu.memref_slice %arg3[%dma_wait3A_36, %dma_wait3A_37] : memref<10000x32xf32, #tpu.memory_space<hbm>> -> memref<10000x32xf32, #tpu.memory_space<hbm>>
    tpu.wait_indirect_dma semaphore(%arg14 : memref<!tpu.dma_semaphore, #tpu.memory_space<semaphore_mem>>) src(%dma_wait3A_38 : memref<10000x32xf32, #tpu.memory_space<hbm>>) dst(%arg11 : memref<400x32xf32, #tpu.memory_space<vmem>>)
    "tpu.region"() ({
      %run_scoped3A = tpu.sem_alloc : memref<!tpu.dma_semaphore, #tpu.memory_space<semaphore_mem>>
      %dma_start3A_47 = arith.constant 0 : i32
      %dma_start3A_48 = tpu.memref_slice %arg6[%add3A_22, %dma_start3A_47] : memref<320000x32xf32, #tpu.memory_space<hbm>> -> memref<400x32xf32, #tpu.memory_space<hbm>>
      %dma_start3A_49 = arith.constant 0 : i32
      %dma_start3A_50 = tpu.memref_slice %arg6[%add3A_22, %dma_start3A_49] : memref<320000x32xf32, #tpu.memory_space<hbm>> -> memref<400x32xf32, #tpu.memory_space<hbm>>
      tpu.enqueue_dma source(%arg10 : memref<400x32xf32, #tpu.memory_space<vmem>>) target(%dma_start3A_50 : memref<400x32xf32, #tpu.memory_space<hbm>>) target_semaphore(%run_scoped3A : memref<!tpu.dma_semaphore, #tpu.memory_space<semaphore_mem>>)
      %dma_wait3A_51 = arith.constant 0 : i32
      %dma_wait3A_52 = tpu.memref_slice %arg6[%add3A_22, %dma_wait3A_51] : memref<320000x32xf32, #tpu.memory_space<hbm>> -> memref<400x32xf32, #tpu.memory_space<hbm>>
      %dma_wait3A_53 = arith.constant 0 : i32
      %dma_wait3A_54 = tpu.memref_slice %arg6[%add3A_22, %dma_wait3A_53] : memref<320000x32xf32, #tpu.memory_space<hbm>> -> memref<400x32xf32, #tpu.memory_space<hbm>>
      tpu.wait_dma2 semaphore(%run_scoped3A : memref<!tpu.dma_semaphore, #tpu.memory_space<semaphore_mem>>) src(%arg10 : memref<400x32xf32, #tpu.memory_space<vmem>>) dst(%dma_wait3A_54 : memref<400x32xf32, #tpu.memory_space<hbm>>)
      tpu.yield
    }) : () -> ()
    "tpu.region"() ({
      %run_scoped3A = tpu.sem_alloc : memref<!tpu.dma_semaphore, #tpu.memory_space<semaphore_mem>>
      %dma_start3A_47 = arith.constant 0 : i32
      %dma_start3A_48 = tpu.memref_slice %arg7[%add3A_22, %dma_start3A_47] : memref<320000x32xf32, #tpu.memory_space<hbm>> -> memref<400x32xf32, #tpu.memory_space<hbm>>
      %dma_start3A_49 = arith.constant 0 : i32
      %dma_start3A_50 = tpu.memref_slice %arg7[%add3A_22, %dma_start3A_49] : memref<320000x32xf32, #tpu.memory_space<hbm>> -> memref<400x32xf32, #tpu.memory_space<hbm>>
      tpu.enqueue_dma source(%arg11 : memref<400x32xf32, #tpu.memory_space<vmem>>) target(%dma_start3A_50 : memref<400x32xf32, #tpu.memory_space<hbm>>) target_semaphore(%run_scoped3A : memref<!tpu.dma_semaphore, #tpu.memory_space<semaphore_mem>>)
      %dma_wait3A_51 = arith.constant 0 : i32
      %dma_wait3A_52 = tpu.memref_slice %arg7[%add3A_22, %dma_wait3A_51] : memref<320000x32xf32, #tpu.memory_space<hbm>> -> memref<400x32xf32, #tpu.memory_space<hbm>>
      %dma_wait3A_53 = arith.constant 0 : i32
      %dma_wait3A_54 = tpu.memref_slice %arg7[%add3A_22, %dma_wait3A_53] : memref<320000x32xf32, #tpu.memory_space<hbm>> -> memref<400x32xf32, #tpu.memory_space<hbm>>
      tpu.wait_dma2 semaphore(%run_scoped3A : memref<!tpu.dma_semaphore, #tpu.memory_space<semaphore_mem>>) src(%arg11 : memref<400x32xf32, #tpu.memory_space<vmem>>) dst(%dma_wait3A_54 : memref<400x32xf32, #tpu.memory_space<hbm>>)
      tpu.yield
    }) : () -> ()
    %dma_wait3A_39 = arith.constant 0 : i32
    %dma_wait3A_40 = tpu.memref_slice %arg6[%mul3A_2, %dma_wait3A_39] : memref<320000x32xf32, #tpu.memory_space<hbm>> -> memref<400x32xf32, #tpu.memory_space<hbm>>
    %dma_wait3A_41 = arith.constant 0 : i32
    %dma_wait3A_42 = tpu.memref_slice %arg6[%mul3A_2, %dma_wait3A_41] : memref<320000x32xf32, #tpu.memory_space<hbm>> -> memref<400x32xf32, #tpu.memory_space<hbm>>
    tpu.wait_dma2 semaphore(%arg18 : memref<!tpu.dma_semaphore, #tpu.memory_space<semaphore_mem>>) src(%dma_wait3A_42 : memref<400x32xf32, #tpu.memory_space<hbm>>) dst(%arg12 : memref<400x32xf32, #tpu.memory_space<vmem>>)
    %dma_wait3A_43 = arith.constant 0 : i32
    %dma_wait3A_44 = tpu.memref_slice %arg7[%mul3A_2, %dma_wait3A_43] : memref<320000x32xf32, #tpu.memory_space<hbm>> -> memref<400x32xf32, #tpu.memory_space<hbm>>
    %dma_wait3A_45 = arith.constant 0 : i32
    %dma_wait3A_46 = tpu.memref_slice %arg7[%mul3A_2, %dma_wait3A_45] : memref<320000x32xf32, #tpu.memory_space<hbm>> -> memref<400x32xf32, #tpu.memory_space<hbm>>
    tpu.wait_dma2 semaphore(%arg19 : memref<!tpu.dma_semaphore, #tpu.memory_space<semaphore_mem>>) src(%dma_wait3A_46 : memref<400x32xf32, #tpu.memory_space<hbm>>) dst(%arg13 : memref<400x32xf32, #tpu.memory_space<vmem>>)
    return
  }
}

#map = affine_map<(d0, d1) -> (0, 0)>
#map1 = affine_map<(d0, d1) -> (0)>
module attributes {stable_mosaic.version = 14 : i64} {
  func.func @_k(%arg0: i32, %arg1: i32, %arg2: memref<320000x32xf32, #tpu.memory_space<hbm>>, %arg3: memref<320000xi32, #tpu.memory_space<hbm>>, %arg4: memref<10000x32xf32, #tpu.memory_space<hbm>>, %arg5: memref<20000x32xf32, #tpu.memory_space<hbm>>, %arg6: memref<10x1000xi32, #tpu.memory_space<vmem>>, %arg7: memref<1000x32xf32, #tpu.memory_space<vmem>>, %arg8: memref<1000x32xf32, #tpu.memory_space<vmem>>, %arg9: memref<10000x32xf32, #tpu.memory_space<vmem_shared>>, %arg10: memref<!tpu.dma_semaphore, #tpu.memory_space<semaphore_mem>>, %arg11: memref<!tpu.dma_semaphore, #tpu.memory_space<semaphore_mem>>, %arg12: memref<!tpu.dma_semaphore, #tpu.memory_space<semaphore_mem>>, %arg13: memref<!tpu.dma_semaphore, #tpu.memory_space<semaphore_mem>>) attributes {dimension_semantics = [#tpu.dimension_semantics<core_parallel>, #tpu.dimension_semantics<subcore_parallel>], iteration_bounds = array<i64: 2, 16>, scalar_prefetch = 0 : i64, scratch_operands = 8 : i64, tpu.core_type = #tpu.core_type<sc_vector_subcore>, window_params = [{transform_indices = #map}, {transform_indices = #map1}, {transform_indices = #map}, {transform_indices = #map}]} {
    %mul3A = arith.constant 2 : i32
    %mul3A_0 = arith.muli %arg1, %mul3A : i32
    %add3A = arith.addi %mul3A_0, %arg0 : i32
    %mul3A_1 = arith.constant 625 : i32
    %mul3A_2 = arith.muli %arg1, %mul3A_1 : i32
    %mul3A_3 = arith.constant 10000 : i32
    %mul3A_4 = arith.muli %add3A, %mul3A_3 : i32
    "tpu.region"() ({
      %run_scoped3A = tpu.sem_alloc : memref<!tpu.dma_semaphore, #tpu.memory_space<semaphore_mem>>
      %dma_start3A_219 = arith.constant 0 : i32
      %dma_start3A_220 = tpu.memref_slice %arg9[%mul3A_2, %dma_start3A_219] : memref<10000x32xf32, #tpu.memory_space<vmem_shared>> -> memref<625x32xf32, #tpu.memory_space<vmem_shared>>
      %dma_start3A_221 = arith.constant 0 : i32
      %dma_start3A_222 = tpu.memref_slice %arg4[%mul3A_2, %dma_start3A_221] : memref<10000x32xf32, #tpu.memory_space<hbm>> -> memref<625x32xf32, #tpu.memory_space<hbm>>
      tpu.enqueue_dma source(%dma_start3A_222 : memref<625x32xf32, #tpu.memory_space<hbm>>) target(%dma_start3A_220 : memref<625x32xf32, #tpu.memory_space<vmem_shared>>) target_semaphore(%run_scoped3A : memref<!tpu.dma_semaphore, #tpu.memory_space<semaphore_mem>>)
      %dma_wait3A_223 = arith.constant 0 : i32
      %dma_wait3A_224 = tpu.memref_slice %arg9[%mul3A_2, %dma_wait3A_223] : memref<10000x32xf32, #tpu.memory_space<vmem_shared>> -> memref<625x32xf32, #tpu.memory_space<vmem_shared>>
      %dma_wait3A_225 = arith.constant 0 : i32
      %dma_wait3A_226 = tpu.memref_slice %arg4[%mul3A_2, %dma_wait3A_225] : memref<10000x32xf32, #tpu.memory_space<hbm>> -> memref<625x32xf32, #tpu.memory_space<hbm>>
      tpu.wait_dma2 semaphore(%run_scoped3A : memref<!tpu.dma_semaphore, #tpu.memory_space<semaphore_mem>>) src(%dma_wait3A_226 : memref<625x32xf32, #tpu.memory_space<hbm>>) dst(%dma_wait3A_224 : memref<625x32xf32, #tpu.memory_space<vmem_shared>>)
      tpu.yield
    }) : () -> ()
    %add3A_5 = arith.constant 0 : i32
    %add3A_6 = arith.addi %mul3A_4, %add3A_5 : i32
    %dma_start3A = arith.constant 0 : i32
    %dma_start3A_7 = arith.constant 0 : i32
    %dma_start3A_8 = tpu.memref_slice %arg6[%dma_start3A, %dma_start3A_7] : memref<10x1000xi32, #tpu.memory_space<vmem>> -> memref<1x1000xi32, #tpu.memory_space<vmem>>
    %dma_start3A_9 = tpu.memref_squeeze %dma_start3A_8 : memref<1x1000xi32, #tpu.memory_space<vmem>> -> memref<1000xi32, #tpu.memory_space<vmem>>
    %dma_start3A_10 = tpu.memref_slice %arg3[%add3A_6] : memref<320000xi32, #tpu.memory_space<hbm>> -> memref<1000xi32, #tpu.memory_space<hbm>>
    %dma_start3A_11 = arith.constant 0 : i32
    %dma_start3A_12 = tpu.memref_slice %arg6[%dma_start3A, %dma_start3A_11] : memref<10x1000xi32, #tpu.memory_space<vmem>> -> memref<1x1000xi32, #tpu.memory_space<vmem>>
    %dma_start3A_13 = tpu.memref_squeeze %dma_start3A_12 : memref<1x1000xi32, #tpu.memory_space<vmem>> -> memref<1000xi32, #tpu.memory_space<vmem>>
    %dma_start3A_14 = tpu.memref_slice %arg3[%add3A_6] : memref<320000xi32, #tpu.memory_space<hbm>> -> memref<1000xi32, #tpu.memory_space<hbm>>
    tpu.enqueue_dma source(%dma_start3A_14 : memref<1000xi32, #tpu.memory_space<hbm>>) target(%dma_start3A_13 : memref<1000xi32, #tpu.memory_space<vmem>>) target_semaphore(%arg10 : memref<!tpu.dma_semaphore, #tpu.memory_space<semaphore_mem>>)
    %add3A_15 = arith.constant 1000 : i32
    %add3A_16 = arith.addi %mul3A_4, %add3A_15 : i32
    %dma_start3A_17 = arith.constant 1 : i32
    %dma_start3A_18 = arith.constant 0 : i32
    %dma_start3A_19 = tpu.memref_slice %arg6[%dma_start3A_17, %dma_start3A_18] : memref<10x1000xi32, #tpu.memory_space<vmem>> -> memref<1x1000xi32, #tpu.memory_space<vmem>>
    %dma_start3A_20 = tpu.memref_squeeze %dma_start3A_19 : memref<1x1000xi32, #tpu.memory_space<vmem>> -> memref<1000xi32, #tpu.memory_space<vmem>>
    %dma_start3A_21 = tpu.memref_slice %arg3[%add3A_16] : memref<320000xi32, #tpu.memory_space<hbm>> -> memref<1000xi32, #tpu.memory_space<hbm>>
    %dma_start3A_22 = arith.constant 0 : i32
    %dma_start3A_23 = tpu.memref_slice %arg6[%dma_start3A_17, %dma_start3A_22] : memref<10x1000xi32, #tpu.memory_space<vmem>> -> memref<1x1000xi32, #tpu.memory_space<vmem>>
    %dma_start3A_24 = tpu.memref_squeeze %dma_start3A_23 : memref<1x1000xi32, #tpu.memory_space<vmem>> -> memref<1000xi32, #tpu.memory_space<vmem>>
    %dma_start3A_25 = tpu.memref_slice %arg3[%add3A_16] : memref<320000xi32, #tpu.memory_space<hbm>> -> memref<1000xi32, #tpu.memory_space<hbm>>
    tpu.enqueue_dma source(%dma_start3A_25 : memref<1000xi32, #tpu.memory_space<hbm>>) target(%dma_start3A_24 : memref<1000xi32, #tpu.memory_space<vmem>>) target_semaphore(%arg10 : memref<!tpu.dma_semaphore, #tpu.memory_space<semaphore_mem>>)
    %add3A_26 = arith.constant 2000 : i32
    %add3A_27 = arith.addi %mul3A_4, %add3A_26 : i32
    %dma_start3A_28 = arith.constant 2 : i32
    %dma_start3A_29 = arith.constant 0 : i32
    %dma_start3A_30 = tpu.memref_slice %arg6[%dma_start3A_28, %dma_start3A_29] : memref<10x1000xi32, #tpu.memory_space<vmem>> -> memref<1x1000xi32, #tpu.memory_space<vmem>>
    %dma_start3A_31 = tpu.memref_squeeze %dma_start3A_30 : memref<1x1000xi32, #tpu.memory_space<vmem>> -> memref<1000xi32, #tpu.memory_space<vmem>>
    %dma_start3A_32 = tpu.memref_slice %arg3[%add3A_27] : memref<320000xi32, #tpu.memory_space<hbm>> -> memref<1000xi32, #tpu.memory_space<hbm>>
    %dma_start3A_33 = arith.constant 0 : i32
    %dma_start3A_34 = tpu.memref_slice %arg6[%dma_start3A_28, %dma_start3A_33] : memref<10x1000xi32, #tpu.memory_space<vmem>> -> memref<1x1000xi32, #tpu.memory_space<vmem>>
    %dma_start3A_35 = tpu.memref_squeeze %dma_start3A_34 : memref<1x1000xi32, #tpu.memory_space<vmem>> -> memref<1000xi32, #tpu.memory_space<vmem>>
    %dma_start3A_36 = tpu.memref_slice %arg3[%add3A_27] : memref<320000xi32, #tpu.memory_space<hbm>> -> memref<1000xi32, #tpu.memory_space<hbm>>
    tpu.enqueue_dma source(%dma_start3A_36 : memref<1000xi32, #tpu.memory_space<hbm>>) target(%dma_start3A_35 : memref<1000xi32, #tpu.memory_space<vmem>>) target_semaphore(%arg10 : memref<!tpu.dma_semaphore, #tpu.memory_space<semaphore_mem>>)
    %add3A_37 = arith.constant 3000 : i32
    %add3A_38 = arith.addi %mul3A_4, %add3A_37 : i32
    %dma_start3A_39 = arith.constant 3 : i32
    %dma_start3A_40 = arith.constant 0 : i32
    %dma_start3A_41 = tpu.memref_slice %arg6[%dma_start3A_39, %dma_start3A_40] : memref<10x1000xi32, #tpu.memory_space<vmem>> -> memref<1x1000xi32, #tpu.memory_space<vmem>>
    %dma_start3A_42 = tpu.memref_squeeze %dma_start3A_41 : memref<1x1000xi32, #tpu.memory_space<vmem>> -> memref<1000xi32, #tpu.memory_space<vmem>>
    %dma_start3A_43 = tpu.memref_slice %arg3[%add3A_38] : memref<320000xi32, #tpu.memory_space<hbm>> -> memref<1000xi32, #tpu.memory_space<hbm>>
    %dma_start3A_44 = arith.constant 0 : i32
    %dma_start3A_45 = tpu.memref_slice %arg6[%dma_start3A_39, %dma_start3A_44] : memref<10x1000xi32, #tpu.memory_space<vmem>> -> memref<1x1000xi32, #tpu.memory_space<vmem>>
    %dma_start3A_46 = tpu.memref_squeeze %dma_start3A_45 : memref<1x1000xi32, #tpu.memory_space<vmem>> -> memref<1000xi32, #tpu.memory_space<vmem>>
    %dma_start3A_47 = tpu.memref_slice %arg3[%add3A_38] : memref<320000xi32, #tpu.memory_space<hbm>> -> memref<1000xi32, #tpu.memory_space<hbm>>
    tpu.enqueue_dma source(%dma_start3A_47 : memref<1000xi32, #tpu.memory_space<hbm>>) target(%dma_start3A_46 : memref<1000xi32, #tpu.memory_space<vmem>>) target_semaphore(%arg10 : memref<!tpu.dma_semaphore, #tpu.memory_space<semaphore_mem>>)
    %add3A_48 = arith.constant 4000 : i32
    %add3A_49 = arith.addi %mul3A_4, %add3A_48 : i32
    %dma_start3A_50 = arith.constant 4 : i32
    %dma_start3A_51 = arith.constant 0 : i32
    %dma_start3A_52 = tpu.memref_slice %arg6[%dma_start3A_50, %dma_start3A_51] : memref<10x1000xi32, #tpu.memory_space<vmem>> -> memref<1x1000xi32, #tpu.memory_space<vmem>>
    %dma_start3A_53 = tpu.memref_squeeze %dma_start3A_52 : memref<1x1000xi32, #tpu.memory_space<vmem>> -> memref<1000xi32, #tpu.memory_space<vmem>>
    %dma_start3A_54 = tpu.memref_slice %arg3[%add3A_49] : memref<320000xi32, #tpu.memory_space<hbm>> -> memref<1000xi32, #tpu.memory_space<hbm>>
    %dma_start3A_55 = arith.constant 0 : i32
    %dma_start3A_56 = tpu.memref_slice %arg6[%dma_start3A_50, %dma_start3A_55] : memref<10x1000xi32, #tpu.memory_space<vmem>> -> memref<1x1000xi32, #tpu.memory_space<vmem>>
    %dma_start3A_57 = tpu.memref_squeeze %dma_start3A_56 : memref<1x1000xi32, #tpu.memory_space<vmem>> -> memref<1000xi32, #tpu.memory_space<vmem>>
    %dma_start3A_58 = tpu.memref_slice %arg3[%add3A_49] : memref<320000xi32, #tpu.memory_space<hbm>> -> memref<1000xi32, #tpu.memory_space<hbm>>
    tpu.enqueue_dma source(%dma_start3A_58 : memref<1000xi32, #tpu.memory_space<hbm>>) target(%dma_start3A_57 : memref<1000xi32, #tpu.memory_space<vmem>>) target_semaphore(%arg10 : memref<!tpu.dma_semaphore, #tpu.memory_space<semaphore_mem>>)
    %add3A_59 = arith.constant 5000 : i32
    %add3A_60 = arith.addi %mul3A_4, %add3A_59 : i32
    %dma_start3A_61 = arith.constant 5 : i32
    %dma_start3A_62 = arith.constant 0 : i32
    %dma_start3A_63 = tpu.memref_slice %arg6[%dma_start3A_61, %dma_start3A_62] : memref<10x1000xi32, #tpu.memory_space<vmem>> -> memref<1x1000xi32, #tpu.memory_space<vmem>>
    %dma_start3A_64 = tpu.memref_squeeze %dma_start3A_63 : memref<1x1000xi32, #tpu.memory_space<vmem>> -> memref<1000xi32, #tpu.memory_space<vmem>>
    %dma_start3A_65 = tpu.memref_slice %arg3[%add3A_60] : memref<320000xi32, #tpu.memory_space<hbm>> -> memref<1000xi32, #tpu.memory_space<hbm>>
    %dma_start3A_66 = arith.constant 0 : i32
    %dma_start3A_67 = tpu.memref_slice %arg6[%dma_start3A_61, %dma_start3A_66] : memref<10x1000xi32, #tpu.memory_space<vmem>> -> memref<1x1000xi32, #tpu.memory_space<vmem>>
    %dma_start3A_68 = tpu.memref_squeeze %dma_start3A_67 : memref<1x1000xi32, #tpu.memory_space<vmem>> -> memref<1000xi32, #tpu.memory_space<vmem>>
    %dma_start3A_69 = tpu.memref_slice %arg3[%add3A_60] : memref<320000xi32, #tpu.memory_space<hbm>> -> memref<1000xi32, #tpu.memory_space<hbm>>
    tpu.enqueue_dma source(%dma_start3A_69 : memref<1000xi32, #tpu.memory_space<hbm>>) target(%dma_start3A_68 : memref<1000xi32, #tpu.memory_space<vmem>>) target_semaphore(%arg10 : memref<!tpu.dma_semaphore, #tpu.memory_space<semaphore_mem>>)
    %add3A_70 = arith.constant 6000 : i32
    %add3A_71 = arith.addi %mul3A_4, %add3A_70 : i32
    %dma_start3A_72 = arith.constant 6 : i32
    %dma_start3A_73 = arith.constant 0 : i32
    %dma_start3A_74 = tpu.memref_slice %arg6[%dma_start3A_72, %dma_start3A_73] : memref<10x1000xi32, #tpu.memory_space<vmem>> -> memref<1x1000xi32, #tpu.memory_space<vmem>>
    %dma_start3A_75 = tpu.memref_squeeze %dma_start3A_74 : memref<1x1000xi32, #tpu.memory_space<vmem>> -> memref<1000xi32, #tpu.memory_space<vmem>>
    %dma_start3A_76 = tpu.memref_slice %arg3[%add3A_71] : memref<320000xi32, #tpu.memory_space<hbm>> -> memref<1000xi32, #tpu.memory_space<hbm>>
    %dma_start3A_77 = arith.constant 0 : i32
    %dma_start3A_78 = tpu.memref_slice %arg6[%dma_start3A_72, %dma_start3A_77] : memref<10x1000xi32, #tpu.memory_space<vmem>> -> memref<1x1000xi32, #tpu.memory_space<vmem>>
    %dma_start3A_79 = tpu.memref_squeeze %dma_start3A_78 : memref<1x1000xi32, #tpu.memory_space<vmem>> -> memref<1000xi32, #tpu.memory_space<vmem>>
    %dma_start3A_80 = tpu.memref_slice %arg3[%add3A_71] : memref<320000xi32, #tpu.memory_space<hbm>> -> memref<1000xi32, #tpu.memory_space<hbm>>
    tpu.enqueue_dma source(%dma_start3A_80 : memref<1000xi32, #tpu.memory_space<hbm>>) target(%dma_start3A_79 : memref<1000xi32, #tpu.memory_space<vmem>>) target_semaphore(%arg10 : memref<!tpu.dma_semaphore, #tpu.memory_space<semaphore_mem>>)
    %add3A_81 = arith.constant 7000 : i32
    %add3A_82 = arith.addi %mul3A_4, %add3A_81 : i32
    %dma_start3A_83 = arith.constant 7 : i32
    %dma_start3A_84 = arith.constant 0 : i32
    %dma_start3A_85 = tpu.memref_slice %arg6[%dma_start3A_83, %dma_start3A_84] : memref<10x1000xi32, #tpu.memory_space<vmem>> -> memref<1x1000xi32, #tpu.memory_space<vmem>>
    %dma_start3A_86 = tpu.memref_squeeze %dma_start3A_85 : memref<1x1000xi32, #tpu.memory_space<vmem>> -> memref<1000xi32, #tpu.memory_space<vmem>>
    %dma_start3A_87 = tpu.memref_slice %arg3[%add3A_82] : memref<320000xi32, #tpu.memory_space<hbm>> -> memref<1000xi32, #tpu.memory_space<hbm>>
    %dma_start3A_88 = arith.constant 0 : i32
    %dma_start3A_89 = tpu.memref_slice %arg6[%dma_start3A_83, %dma_start3A_88] : memref<10x1000xi32, #tpu.memory_space<vmem>> -> memref<1x1000xi32, #tpu.memory_space<vmem>>
    %dma_start3A_90 = tpu.memref_squeeze %dma_start3A_89 : memref<1x1000xi32, #tpu.memory_space<vmem>> -> memref<1000xi32, #tpu.memory_space<vmem>>
    %dma_start3A_91 = tpu.memref_slice %arg3[%add3A_82] : memref<320000xi32, #tpu.memory_space<hbm>> -> memref<1000xi32, #tpu.memory_space<hbm>>
    tpu.enqueue_dma source(%dma_start3A_91 : memref<1000xi32, #tpu.memory_space<hbm>>) target(%dma_start3A_90 : memref<1000xi32, #tpu.memory_space<vmem>>) target_semaphore(%arg10 : memref<!tpu.dma_semaphore, #tpu.memory_space<semaphore_mem>>)
    %add3A_92 = arith.constant 8000 : i32
    %add3A_93 = arith.addi %mul3A_4, %add3A_92 : i32
    %dma_start3A_94 = arith.constant 8 : i32
    %dma_start3A_95 = arith.constant 0 : i32
    %dma_start3A_96 = tpu.memref_slice %arg6[%dma_start3A_94, %dma_start3A_95] : memref<10x1000xi32, #tpu.memory_space<vmem>> -> memref<1x1000xi32, #tpu.memory_space<vmem>>
    %dma_start3A_97 = tpu.memref_squeeze %dma_start3A_96 : memref<1x1000xi32, #tpu.memory_space<vmem>> -> memref<1000xi32, #tpu.memory_space<vmem>>
    %dma_start3A_98 = tpu.memref_slice %arg3[%add3A_93] : memref<320000xi32, #tpu.memory_space<hbm>> -> memref<1000xi32, #tpu.memory_space<hbm>>
    %dma_start3A_99 = arith.constant 0 : i32
    %dma_start3A_100 = tpu.memref_slice %arg6[%dma_start3A_94, %dma_start3A_99] : memref<10x1000xi32, #tpu.memory_space<vmem>> -> memref<1x1000xi32, #tpu.memory_space<vmem>>
    %dma_start3A_101 = tpu.memref_squeeze %dma_start3A_100 : memref<1x1000xi32, #tpu.memory_space<vmem>> -> memref<1000xi32, #tpu.memory_space<vmem>>
    %dma_start3A_102 = tpu.memref_slice %arg3[%add3A_93] : memref<320000xi32, #tpu.memory_space<hbm>> -> memref<1000xi32, #tpu.memory_space<hbm>>
    tpu.enqueue_dma source(%dma_start3A_102 : memref<1000xi32, #tpu.memory_space<hbm>>) target(%dma_start3A_101 : memref<1000xi32, #tpu.memory_space<vmem>>) target_semaphore(%arg10 : memref<!tpu.dma_semaphore, #tpu.memory_space<semaphore_mem>>)
    %add3A_103 = arith.constant 9000 : i32
    %add3A_104 = arith.addi %mul3A_4, %add3A_103 : i32
    %dma_start3A_105 = arith.constant 9 : i32
    %dma_start3A_106 = arith.constant 0 : i32
    %dma_start3A_107 = tpu.memref_slice %arg6[%dma_start3A_105, %dma_start3A_106] : memref<10x1000xi32, #tpu.memory_space<vmem>> -> memref<1x1000xi32, #tpu.memory_space<vmem>>
    %dma_start3A_108 = tpu.memref_squeeze %dma_start3A_107 : memref<1x1000xi32, #tpu.memory_space<vmem>> -> memref<1000xi32, #tpu.memory_space<vmem>>
    %dma_start3A_109 = tpu.memref_slice %arg3[%add3A_104] : memref<320000xi32, #tpu.memory_space<hbm>> -> memref<1000xi32, #tpu.memory_space<hbm>>
    %dma_start3A_110 = arith.constant 0 : i32
    %dma_start3A_111 = tpu.memref_slice %arg6[%dma_start3A_105, %dma_start3A_110] : memref<10x1000xi32, #tpu.memory_space<vmem>> -> memref<1x1000xi32, #tpu.memory_space<vmem>>
    %dma_start3A_112 = tpu.memref_squeeze %dma_start3A_111 : memref<1x1000xi32, #tpu.memory_space<vmem>> -> memref<1000xi32, #tpu.memory_space<vmem>>
    %dma_start3A_113 = tpu.memref_slice %arg3[%add3A_104] : memref<320000xi32, #tpu.memory_space<hbm>> -> memref<1000xi32, #tpu.memory_space<hbm>>
    tpu.enqueue_dma source(%dma_start3A_113 : memref<1000xi32, #tpu.memory_space<hbm>>) target(%dma_start3A_112 : memref<1000xi32, #tpu.memory_space<vmem>>) target_semaphore(%arg10 : memref<!tpu.dma_semaphore, #tpu.memory_space<semaphore_mem>>)
    %dma_wait3A = arith.constant 0 : i32
    %dma_wait3A_114 = arith.constant 0 : i32
    %dma_wait3A_115 = tpu.memref_slice %arg6[%dma_wait3A, %dma_wait3A_114] : memref<10x1000xi32, #tpu.memory_space<vmem>> -> memref<1x1000xi32, #tpu.memory_space<vmem>>
    %dma_wait3A_116 = tpu.memref_squeeze %dma_wait3A_115 : memref<1x1000xi32, #tpu.memory_space<vmem>> -> memref<1000xi32, #tpu.memory_space<vmem>>
    %dma_wait3A_117 = tpu.memref_slice %arg3[%add3A_6] : memref<320000xi32, #tpu.memory_space<hbm>> -> memref<1000xi32, #tpu.memory_space<hbm>>
    %dma_wait3A_118 = arith.constant 0 : i32
    %dma_wait3A_119 = tpu.memref_slice %arg6[%dma_wait3A, %dma_wait3A_118] : memref<10x1000xi32, #tpu.memory_space<vmem>> -> memref<1x1000xi32, #tpu.memory_space<vmem>>
    %dma_wait3A_120 = tpu.memref_squeeze %dma_wait3A_119 : memref<1x1000xi32, #tpu.memory_space<vmem>> -> memref<1000xi32, #tpu.memory_space<vmem>>
    %dma_wait3A_121 = tpu.memref_slice %arg3[%add3A_6] : memref<320000xi32, #tpu.memory_space<hbm>> -> memref<1000xi32, #tpu.memory_space<hbm>>
    tpu.wait_dma2 semaphore(%arg10 : memref<!tpu.dma_semaphore, #tpu.memory_space<semaphore_mem>>) src(%dma_wait3A_121 : memref<1000xi32, #tpu.memory_space<hbm>>) dst(%dma_wait3A_120 : memref<1000xi32, #tpu.memory_space<vmem>>)
    %dma_wait3A_122 = arith.constant 1 : i32
    %dma_wait3A_123 = arith.constant 0 : i32
    %dma_wait3A_124 = tpu.memref_slice %arg6[%dma_wait3A_122, %dma_wait3A_123] : memref<10x1000xi32, #tpu.memory_space<vmem>> -> memref<1x1000xi32, #tpu.memory_space<vmem>>
    %dma_wait3A_125 = tpu.memref_squeeze %dma_wait3A_124 : memref<1x1000xi32, #tpu.memory_space<vmem>> -> memref<1000xi32, #tpu.memory_space<vmem>>
    %dma_wait3A_126 = tpu.memref_slice %arg3[%add3A_16] : memref<320000xi32, #tpu.memory_space<hbm>> -> memref<1000xi32, #tpu.memory_space<hbm>>
    %dma_wait3A_127 = arith.constant 0 : i32
    %dma_wait3A_128 = tpu.memref_slice %arg6[%dma_wait3A_122, %dma_wait3A_127] : memref<10x1000xi32, #tpu.memory_space<vmem>> -> memref<1x1000xi32, #tpu.memory_space<vmem>>
    %dma_wait3A_129 = tpu.memref_squeeze %dma_wait3A_128 : memref<1x1000xi32, #tpu.memory_space<vmem>> -> memref<1000xi32, #tpu.memory_space<vmem>>
    %dma_wait3A_130 = tpu.memref_slice %arg3[%add3A_16] : memref<320000xi32, #tpu.memory_space<hbm>> -> memref<1000xi32, #tpu.memory_space<hbm>>
    tpu.wait_dma2 semaphore(%arg10 : memref<!tpu.dma_semaphore, #tpu.memory_space<semaphore_mem>>) src(%dma_wait3A_130 : memref<1000xi32, #tpu.memory_space<hbm>>) dst(%dma_wait3A_129 : memref<1000xi32, #tpu.memory_space<vmem>>)
    %dma_wait3A_131 = arith.constant 2 : i32
    %dma_wait3A_132 = arith.constant 0 : i32
    %dma_wait3A_133 = tpu.memref_slice %arg6[%dma_wait3A_131, %dma_wait3A_132] : memref<10x1000xi32, #tpu.memory_space<vmem>> -> memref<1x1000xi32, #tpu.memory_space<vmem>>
    %dma_wait3A_134 = tpu.memref_squeeze %dma_wait3A_133 : memref<1x1000xi32, #tpu.memory_space<vmem>> -> memref<1000xi32, #tpu.memory_space<vmem>>
    %dma_wait3A_135 = tpu.memref_slice %arg3[%add3A_27] : memref<320000xi32, #tpu.memory_space<hbm>> -> memref<1000xi32, #tpu.memory_space<hbm>>
    %dma_wait3A_136 = arith.constant 0 : i32
    %dma_wait3A_137 = tpu.memref_slice %arg6[%dma_wait3A_131, %dma_wait3A_136] : memref<10x1000xi32, #tpu.memory_space<vmem>> -> memref<1x1000xi32, #tpu.memory_space<vmem>>
    %dma_wait3A_138 = tpu.memref_squeeze %dma_wait3A_137 : memref<1x1000xi32, #tpu.memory_space<vmem>> -> memref<1000xi32, #tpu.memory_space<vmem>>
    %dma_wait3A_139 = tpu.memref_slice %arg3[%add3A_27] : memref<320000xi32, #tpu.memory_space<hbm>> -> memref<1000xi32, #tpu.memory_space<hbm>>
    tpu.wait_dma2 semaphore(%arg10 : memref<!tpu.dma_semaphore, #tpu.memory_space<semaphore_mem>>) src(%dma_wait3A_139 : memref<1000xi32, #tpu.memory_space<hbm>>) dst(%dma_wait3A_138 : memref<1000xi32, #tpu.memory_space<vmem>>)
    %dma_wait3A_140 = arith.constant 3 : i32
    %dma_wait3A_141 = arith.constant 0 : i32
    %dma_wait3A_142 = tpu.memref_slice %arg6[%dma_wait3A_140, %dma_wait3A_141] : memref<10x1000xi32, #tpu.memory_space<vmem>> -> memref<1x1000xi32, #tpu.memory_space<vmem>>
    %dma_wait3A_143 = tpu.memref_squeeze %dma_wait3A_142 : memref<1x1000xi32, #tpu.memory_space<vmem>> -> memref<1000xi32, #tpu.memory_space<vmem>>
    %dma_wait3A_144 = tpu.memref_slice %arg3[%add3A_38] : memref<320000xi32, #tpu.memory_space<hbm>> -> memref<1000xi32, #tpu.memory_space<hbm>>
    %dma_wait3A_145 = arith.constant 0 : i32
    %dma_wait3A_146 = tpu.memref_slice %arg6[%dma_wait3A_140, %dma_wait3A_145] : memref<10x1000xi32, #tpu.memory_space<vmem>> -> memref<1x1000xi32, #tpu.memory_space<vmem>>
    %dma_wait3A_147 = tpu.memref_squeeze %dma_wait3A_146 : memref<1x1000xi32, #tpu.memory_space<vmem>> -> memref<1000xi32, #tpu.memory_space<vmem>>
    %dma_wait3A_148 = tpu.memref_slice %arg3[%add3A_38] : memref<320000xi32, #tpu.memory_space<hbm>> -> memref<1000xi32, #tpu.memory_space<hbm>>
    tpu.wait_dma2 semaphore(%arg10 : memref<!tpu.dma_semaphore, #tpu.memory_space<semaphore_mem>>) src(%dma_wait3A_148 : memref<1000xi32, #tpu.memory_space<hbm>>) dst(%dma_wait3A_147 : memref<1000xi32, #tpu.memory_space<vmem>>)
    %dma_wait3A_149 = arith.constant 4 : i32
    %dma_wait3A_150 = arith.constant 0 : i32
    %dma_wait3A_151 = tpu.memref_slice %arg6[%dma_wait3A_149, %dma_wait3A_150] : memref<10x1000xi32, #tpu.memory_space<vmem>> -> memref<1x1000xi32, #tpu.memory_space<vmem>>
    %dma_wait3A_152 = tpu.memref_squeeze %dma_wait3A_151 : memref<1x1000xi32, #tpu.memory_space<vmem>> -> memref<1000xi32, #tpu.memory_space<vmem>>
    %dma_wait3A_153 = tpu.memref_slice %arg3[%add3A_49] : memref<320000xi32, #tpu.memory_space<hbm>> -> memref<1000xi32, #tpu.memory_space<hbm>>
    %dma_wait3A_154 = arith.constant 0 : i32
    %dma_wait3A_155 = tpu.memref_slice %arg6[%dma_wait3A_149, %dma_wait3A_154] : memref<10x1000xi32, #tpu.memory_space<vmem>> -> memref<1x1000xi32, #tpu.memory_space<vmem>>
    %dma_wait3A_156 = tpu.memref_squeeze %dma_wait3A_155 : memref<1x1000xi32, #tpu.memory_space<vmem>> -> memref<1000xi32, #tpu.memory_space<vmem>>
    %dma_wait3A_157 = tpu.memref_slice %arg3[%add3A_49] : memref<320000xi32, #tpu.memory_space<hbm>> -> memref<1000xi32, #tpu.memory_space<hbm>>
    tpu.wait_dma2 semaphore(%arg10 : memref<!tpu.dma_semaphore, #tpu.memory_space<semaphore_mem>>) src(%dma_wait3A_157 : memref<1000xi32, #tpu.memory_space<hbm>>) dst(%dma_wait3A_156 : memref<1000xi32, #tpu.memory_space<vmem>>)
    %dma_wait3A_158 = arith.constant 5 : i32
    %dma_wait3A_159 = arith.constant 0 : i32
    %dma_wait3A_160 = tpu.memref_slice %arg6[%dma_wait3A_158, %dma_wait3A_159] : memref<10x1000xi32, #tpu.memory_space<vmem>> -> memref<1x1000xi32, #tpu.memory_space<vmem>>
    %dma_wait3A_161 = tpu.memref_squeeze %dma_wait3A_160 : memref<1x1000xi32, #tpu.memory_space<vmem>> -> memref<1000xi32, #tpu.memory_space<vmem>>
    %dma_wait3A_162 = tpu.memref_slice %arg3[%add3A_60] : memref<320000xi32, #tpu.memory_space<hbm>> -> memref<1000xi32, #tpu.memory_space<hbm>>
    %dma_wait3A_163 = arith.constant 0 : i32
    %dma_wait3A_164 = tpu.memref_slice %arg6[%dma_wait3A_158, %dma_wait3A_163] : memref<10x1000xi32, #tpu.memory_space<vmem>> -> memref<1x1000xi32, #tpu.memory_space<vmem>>
    %dma_wait3A_165 = tpu.memref_squeeze %dma_wait3A_164 : memref<1x1000xi32, #tpu.memory_space<vmem>> -> memref<1000xi32, #tpu.memory_space<vmem>>
    %dma_wait3A_166 = tpu.memref_slice %arg3[%add3A_60] : memref<320000xi32, #tpu.memory_space<hbm>> -> memref<1000xi32, #tpu.memory_space<hbm>>
    tpu.wait_dma2 semaphore(%arg10 : memref<!tpu.dma_semaphore, #tpu.memory_space<semaphore_mem>>) src(%dma_wait3A_166 : memref<1000xi32, #tpu.memory_space<hbm>>) dst(%dma_wait3A_165 : memref<1000xi32, #tpu.memory_space<vmem>>)
    %dma_wait3A_167 = arith.constant 6 : i32
    %dma_wait3A_168 = arith.constant 0 : i32
    %dma_wait3A_169 = tpu.memref_slice %arg6[%dma_wait3A_167, %dma_wait3A_168] : memref<10x1000xi32, #tpu.memory_space<vmem>> -> memref<1x1000xi32, #tpu.memory_space<vmem>>
    %dma_wait3A_170 = tpu.memref_squeeze %dma_wait3A_169 : memref<1x1000xi32, #tpu.memory_space<vmem>> -> memref<1000xi32, #tpu.memory_space<vmem>>
    %dma_wait3A_171 = tpu.memref_slice %arg3[%add3A_71] : memref<320000xi32, #tpu.memory_space<hbm>> -> memref<1000xi32, #tpu.memory_space<hbm>>
    %dma_wait3A_172 = arith.constant 0 : i32
    %dma_wait3A_173 = tpu.memref_slice %arg6[%dma_wait3A_167, %dma_wait3A_172] : memref<10x1000xi32, #tpu.memory_space<vmem>> -> memref<1x1000xi32, #tpu.memory_space<vmem>>
    %dma_wait3A_174 = tpu.memref_squeeze %dma_wait3A_173 : memref<1x1000xi32, #tpu.memory_space<vmem>> -> memref<1000xi32, #tpu.memory_space<vmem>>
    %dma_wait3A_175 = tpu.memref_slice %arg3[%add3A_71] : memref<320000xi32, #tpu.memory_space<hbm>> -> memref<1000xi32, #tpu.memory_space<hbm>>
    tpu.wait_dma2 semaphore(%arg10 : memref<!tpu.dma_semaphore, #tpu.memory_space<semaphore_mem>>) src(%dma_wait3A_175 : memref<1000xi32, #tpu.memory_space<hbm>>) dst(%dma_wait3A_174 : memref<1000xi32, #tpu.memory_space<vmem>>)
    %dma_wait3A_176 = arith.constant 7 : i32
    %dma_wait3A_177 = arith.constant 0 : i32
    %dma_wait3A_178 = tpu.memref_slice %arg6[%dma_wait3A_176, %dma_wait3A_177] : memref<10x1000xi32, #tpu.memory_space<vmem>> -> memref<1x1000xi32, #tpu.memory_space<vmem>>
    %dma_wait3A_179 = tpu.memref_squeeze %dma_wait3A_178 : memref<1x1000xi32, #tpu.memory_space<vmem>> -> memref<1000xi32, #tpu.memory_space<vmem>>
    %dma_wait3A_180 = tpu.memref_slice %arg3[%add3A_82] : memref<320000xi32, #tpu.memory_space<hbm>> -> memref<1000xi32, #tpu.memory_space<hbm>>
    %dma_wait3A_181 = arith.constant 0 : i32
    %dma_wait3A_182 = tpu.memref_slice %arg6[%dma_wait3A_176, %dma_wait3A_181] : memref<10x1000xi32, #tpu.memory_space<vmem>> -> memref<1x1000xi32, #tpu.memory_space<vmem>>
    %dma_wait3A_183 = tpu.memref_squeeze %dma_wait3A_182 : memref<1x1000xi32, #tpu.memory_space<vmem>> -> memref<1000xi32, #tpu.memory_space<vmem>>
    %dma_wait3A_184 = tpu.memref_slice %arg3[%add3A_82] : memref<320000xi32, #tpu.memory_space<hbm>> -> memref<1000xi32, #tpu.memory_space<hbm>>
    tpu.wait_dma2 semaphore(%arg10 : memref<!tpu.dma_semaphore, #tpu.memory_space<semaphore_mem>>) src(%dma_wait3A_184 : memref<1000xi32, #tpu.memory_space<hbm>>) dst(%dma_wait3A_183 : memref<1000xi32, #tpu.memory_space<vmem>>)
    %dma_wait3A_185 = arith.constant 8 : i32
    %dma_wait3A_186 = arith.constant 0 : i32
    %dma_wait3A_187 = tpu.memref_slice %arg6[%dma_wait3A_185, %dma_wait3A_186] : memref<10x1000xi32, #tpu.memory_space<vmem>> -> memref<1x1000xi32, #tpu.memory_space<vmem>>
    %dma_wait3A_188 = tpu.memref_squeeze %dma_wait3A_187 : memref<1x1000xi32, #tpu.memory_space<vmem>> -> memref<1000xi32, #tpu.memory_space<vmem>>
    %dma_wait3A_189 = tpu.memref_slice %arg3[%add3A_93] : memref<320000xi32, #tpu.memory_space<hbm>> -> memref<1000xi32, #tpu.memory_space<hbm>>
    %dma_wait3A_190 = arith.constant 0 : i32
    %dma_wait3A_191 = tpu.memref_slice %arg6[%dma_wait3A_185, %dma_wait3A_190] : memref<10x1000xi32, #tpu.memory_space<vmem>> -> memref<1x1000xi32, #tpu.memory_space<vmem>>
    %dma_wait3A_192 = tpu.memref_squeeze %dma_wait3A_191 : memref<1x1000xi32, #tpu.memory_space<vmem>> -> memref<1000xi32, #tpu.memory_space<vmem>>
    %dma_wait3A_193 = tpu.memref_slice %arg3[%add3A_93] : memref<320000xi32, #tpu.memory_space<hbm>> -> memref<1000xi32, #tpu.memory_space<hbm>>
    tpu.wait_dma2 semaphore(%arg10 : memref<!tpu.dma_semaphore, #tpu.memory_space<semaphore_mem>>) src(%dma_wait3A_193 : memref<1000xi32, #tpu.memory_space<hbm>>) dst(%dma_wait3A_192 : memref<1000xi32, #tpu.memory_space<vmem>>)
    %dma_wait3A_194 = arith.constant 9 : i32
    %dma_wait3A_195 = arith.constant 0 : i32
    %dma_wait3A_196 = tpu.memref_slice %arg6[%dma_wait3A_194, %dma_wait3A_195] : memref<10x1000xi32, #tpu.memory_space<vmem>> -> memref<1x1000xi32, #tpu.memory_space<vmem>>
    %dma_wait3A_197 = tpu.memref_squeeze %dma_wait3A_196 : memref<1x1000xi32, #tpu.memory_space<vmem>> -> memref<1000xi32, #tpu.memory_space<vmem>>
    %dma_wait3A_198 = tpu.memref_slice %arg3[%add3A_104] : memref<320000xi32, #tpu.memory_space<hbm>> -> memref<1000xi32, #tpu.memory_space<hbm>>
    %dma_wait3A_199 = arith.constant 0 : i32
    %dma_wait3A_200 = tpu.memref_slice %arg6[%dma_wait3A_194, %dma_wait3A_199] : memref<10x1000xi32, #tpu.memory_space<vmem>> -> memref<1x1000xi32, #tpu.memory_space<vmem>>
    %dma_wait3A_201 = tpu.memref_squeeze %dma_wait3A_200 : memref<1x1000xi32, #tpu.memory_space<vmem>> -> memref<1000xi32, #tpu.memory_space<vmem>>
    %dma_wait3A_202 = tpu.memref_slice %arg3[%add3A_104] : memref<320000xi32, #tpu.memory_space<hbm>> -> memref<1000xi32, #tpu.memory_space<hbm>>
    tpu.wait_dma2 semaphore(%arg10 : memref<!tpu.dma_semaphore, #tpu.memory_space<semaphore_mem>>) src(%dma_wait3A_202 : memref<1000xi32, #tpu.memory_space<hbm>>) dst(%dma_wait3A_201 : memref<1000xi32, #tpu.memory_space<vmem>>)
    %barrier3A = arith.constant 0 : index
    tpu.barrier barrier_id(%barrier3A)
    %scan3A = arith.constant 0 : i32
    %scan3A_203 = arith.constant 5 : i32
    %scan3A_204 = arith.addi %scan3A, %scan3A_203 : i32
    %scan3A_205 = arith.constant 1 : i32
    scf.for %scan3A_219 = %scan3A to %scan3A_204 step %scan3A_205  : i32 {
      %mul3A_220 = arith.constant 1 : i32
      %mul3A_221 = arith.muli %scan3A_219, %mul3A_220 : i32
      %add3A_222 = arith.constant 0 : i32
      %add3A_223 = arith.addi %add3A_222, %mul3A_221 : i32
      %mul3A_224 = arith.constant 2 : i32
      %mul3A_225 = arith.muli %mul3A_224, %add3A_223 : i32
      %add3A_226 = arith.constant 0 : i32
      %add3A_227 = arith.addi %mul3A_225, %add3A_226 : i32
      %mul3A_228 = arith.constant 1000 : i32
      %mul3A_229 = arith.muli %add3A_227, %mul3A_228 : i32
      %multiple_of3A = tpu.assume_multiple %mul3A_229, 8 : i32
      %add3A_230 = arith.addi %mul3A_4, %multiple_of3A : i32
      %gt3A = arith.constant 0 : i32
      %gt3A_231 = arith.cmpi sgt, %add3A_223, %gt3A : i32
      %convert_element_type3A = arith.extui %gt3A_231 : i1 to i32
      %cond3A = arith.constant 0 : i32
      %cond3A_232 = arith.cmpi ne, %convert_element_type3A, %cond3A : i32
      scf.if %cond3A_232 {
        %dma_wait3A_274 = arith.constant 0 : i32
        %dma_wait3A_275 = tpu.memref_slice %arg2[%add3A_230, %dma_wait3A_274] : memref<320000x32xf32, #tpu.memory_space<hbm>> -> memref<1000x32xf32, #tpu.memory_space<hbm>>
        %dma_wait3A_276 = arith.constant 0 : i32
        %dma_wait3A_277 = tpu.memref_slice %arg2[%add3A_230, %dma_wait3A_276] : memref<320000x32xf32, #tpu.memory_space<hbm>> -> memref<1000x32xf32, #tpu.memory_space<hbm>>
        tpu.wait_dma2 semaphore(%arg12 : memref<!tpu.dma_semaphore, #tpu.memory_space<semaphore_mem>>) src(%dma_wait3A_277 : memref<1000x32xf32, #tpu.memory_space<hbm>>) dst(%arg7 : memref<1000x32xf32, #tpu.memory_space<vmem>>)
      } else {
      }
      %dma_start3A_233 = arith.constant 0 : i32
      %dma_start3A_234 = tpu.memref_slice %arg2[%add3A_230, %dma_start3A_233] : memref<320000x32xf32, #tpu.memory_space<hbm>> -> memref<1000x32xf32, #tpu.memory_space<hbm>>
      %dma_start3A_235 = arith.constant 0 : i32
      %dma_start3A_236 = tpu.memref_slice %arg2[%add3A_230, %dma_start3A_235] : memref<320000x32xf32, #tpu.memory_space<hbm>> -> memref<1000x32xf32, #tpu.memory_space<hbm>>
      tpu.enqueue_dma source(%dma_start3A_236 : memref<1000x32xf32, #tpu.memory_space<hbm>>) target(%arg7 : memref<1000x32xf32, #tpu.memory_space<vmem>>) target_semaphore(%arg10 : memref<!tpu.dma_semaphore, #tpu.memory_space<semaphore_mem>>)
      %dma_wait3A_237 = arith.constant 0 : i32
      %dma_wait3A_238 = tpu.memref_slice %arg2[%add3A_230, %dma_wait3A_237] : memref<320000x32xf32, #tpu.memory_space<hbm>> -> memref<1000x32xf32, #tpu.memory_space<hbm>>
      %dma_wait3A_239 = arith.constant 0 : i32
      %dma_wait3A_240 = tpu.memref_slice %arg2[%add3A_230, %dma_wait3A_239] : memref<320000x32xf32, #tpu.memory_space<hbm>> -> memref<1000x32xf32, #tpu.memory_space<hbm>>
      tpu.wait_dma2 semaphore(%arg10 : memref<!tpu.dma_semaphore, #tpu.memory_space<semaphore_mem>>) src(%dma_wait3A_240 : memref<1000x32xf32, #tpu.memory_space<hbm>>) dst(%arg7 : memref<1000x32xf32, #tpu.memory_space<vmem>>)
      %dma_start3A_241 = arith.constant 0 : i32
      %dma_start3A_242 = tpu.memref_slice %arg6[%add3A_227, %dma_start3A_241] : memref<10x1000xi32, #tpu.memory_space<vmem>> -> memref<1x1000xi32, #tpu.memory_space<vmem>>
      %dma_start3A_243 = tpu.memref_squeeze %dma_start3A_242 : memref<1x1000xi32, #tpu.memory_space<vmem>> -> memref<1000xi32, #tpu.memory_space<vmem>>
      %dma_start3A_244 = arith.constant 0 : i32
      %dma_start3A_245 = arith.constant 0 : i32
      %dma_start3A_246 = tpu.memref_slice %arg9[%dma_start3A_244, %dma_start3A_245] : memref<10000x32xf32, #tpu.memory_space<vmem_shared>> -> memref<10000x32xf32, #tpu.memory_space<vmem_shared>>
      tpu.enqueue_indirect_dma source(%arg7 : memref<1000x32xf32, #tpu.memory_space<vmem>>) target(%dma_start3A_246 : memref<10000x32xf32, #tpu.memory_space<vmem_shared>>) offsets(%dma_start3A_243 : memref<1000xi32, #tpu.memory_space<vmem>>) semaphore(%arg12 : memref<!tpu.dma_semaphore, #tpu.memory_space<semaphore_mem>>) {add = true}
      %mul3A_247 = arith.constant 2 : i32
      %mul3A_248 = arith.muli %mul3A_247, %add3A_223 : i32
      %add3A_249 = arith.constant 1 : i32
      %add3A_250 = arith.addi %mul3A_248, %add3A_249 : i32
      %mul3A_251 = arith.constant 1000 : i32
      %mul3A_252 = arith.muli %add3A_250, %mul3A_251 : i32
      %multiple_of3A_253 = tpu.assume_multiple %mul3A_252, 8 : i32
      %add3A_254 = arith.addi %mul3A_4, %multiple_of3A_253 : i32
      %gt3A_255 = arith.constant 0 : i32
      %gt3A_256 = arith.cmpi sgt, %add3A_223, %gt3A_255 : i32
      %convert_element_type3A_257 = arith.extui %gt3A_256 : i1 to i32
      %cond3A_258 = arith.constant 0 : i32
      %cond3A_259 = arith.cmpi ne, %convert_element_type3A_257, %cond3A_258 : i32
      scf.if %cond3A_259 {
        %dma_wait3A_274 = arith.constant 0 : i32
        %dma_wait3A_275 = tpu.memref_slice %arg2[%add3A_254, %dma_wait3A_274] : memref<320000x32xf32, #tpu.memory_space<hbm>> -> memref<1000x32xf32, #tpu.memory_space<hbm>>
        %dma_wait3A_276 = arith.constant 0 : i32
        %dma_wait3A_277 = tpu.memref_slice %arg2[%add3A_254, %dma_wait3A_276] : memref<320000x32xf32, #tpu.memory_space<hbm>> -> memref<1000x32xf32, #tpu.memory_space<hbm>>
        tpu.wait_dma2 semaphore(%arg13 : memref<!tpu.dma_semaphore, #tpu.memory_space<semaphore_mem>>) src(%dma_wait3A_277 : memref<1000x32xf32, #tpu.memory_space<hbm>>) dst(%arg8 : memref<1000x32xf32, #tpu.memory_space<vmem>>)
      } else {
      }
      %dma_start3A_260 = arith.constant 0 : i32
      %dma_start3A_261 = tpu.memref_slice %arg2[%add3A_254, %dma_start3A_260] : memref<320000x32xf32, #tpu.memory_space<hbm>> -> memref<1000x32xf32, #tpu.memory_space<hbm>>
      %dma_start3A_262 = arith.constant 0 : i32
      %dma_start3A_263 = tpu.memref_slice %arg2[%add3A_254, %dma_start3A_262] : memref<320000x32xf32, #tpu.memory_space<hbm>> -> memref<1000x32xf32, #tpu.memory_space<hbm>>
      tpu.enqueue_dma source(%dma_start3A_263 : memref<1000x32xf32, #tpu.memory_space<hbm>>) target(%arg8 : memref<1000x32xf32, #tpu.memory_space<vmem>>) target_semaphore(%arg11 : memref<!tpu.dma_semaphore, #tpu.memory_space<semaphore_mem>>)
      %dma_wait3A_264 = arith.constant 0 : i32
      %dma_wait3A_265 = tpu.memref_slice %arg2[%add3A_254, %dma_wait3A_264] : memref<320000x32xf32, #tpu.memory_space<hbm>> -> memref<1000x32xf32, #tpu.memory_space<hbm>>
      %dma_wait3A_266 = arith.constant 0 : i32
      %dma_wait3A_267 = tpu.memref_slice %arg2[%add3A_254, %dma_wait3A_266] : memref<320000x32xf32, #tpu.memory_space<hbm>> -> memref<1000x32xf32, #tpu.memory_space<hbm>>
      tpu.wait_dma2 semaphore(%arg11 : memref<!tpu.dma_semaphore, #tpu.memory_space<semaphore_mem>>) src(%dma_wait3A_267 : memref<1000x32xf32, #tpu.memory_space<hbm>>) dst(%arg8 : memref<1000x32xf32, #tpu.memory_space<vmem>>)
      %dma_start3A_268 = arith.constant 0 : i32
      %dma_start3A_269 = tpu.memref_slice %arg6[%add3A_250, %dma_start3A_268] : memref<10x1000xi32, #tpu.memory_space<vmem>> -> memref<1x1000xi32, #tpu.memory_space<vmem>>
      %dma_start3A_270 = tpu.memref_squeeze %dma_start3A_269 : memref<1x1000xi32, #tpu.memory_space<vmem>> -> memref<1000xi32, #tpu.memory_space<vmem>>
      %dma_start3A_271 = arith.constant 0 : i32
      %dma_start3A_272 = arith.constant 0 : i32
      %dma_start3A_273 = tpu.memref_slice %arg9[%dma_start3A_271, %dma_start3A_272] : memref<10000x32xf32, #tpu.memory_space<vmem_shared>> -> memref<10000x32xf32, #tpu.memory_space<vmem_shared>>
      tpu.enqueue_indirect_dma source(%arg8 : memref<1000x32xf32, #tpu.memory_space<vmem>>) target(%dma_start3A_273 : memref<10000x32xf32, #tpu.memory_space<vmem_shared>>) offsets(%dma_start3A_270 : memref<1000xi32, #tpu.memory_space<vmem>>) semaphore(%arg13 : memref<!tpu.dma_semaphore, #tpu.memory_space<semaphore_mem>>) {add = true}
    }
    %scan3A_206 = arith.constant 5 : i32
    %dma_wait3A_207 = arith.constant 0 : i32
    %dma_wait3A_208 = tpu.memref_slice %arg2[%mul3A_4, %dma_wait3A_207] : memref<320000x32xf32, #tpu.memory_space<hbm>> -> memref<1000x32xf32, #tpu.memory_space<hbm>>
    %dma_wait3A_209 = arith.constant 0 : i32
    %dma_wait3A_210 = tpu.memref_slice %arg2[%mul3A_4, %dma_wait3A_209] : memref<320000x32xf32, #tpu.memory_space<hbm>> -> memref<1000x32xf32, #tpu.memory_space<hbm>>
    tpu.wait_dma2 semaphore(%arg12 : memref<!tpu.dma_semaphore, #tpu.memory_space<semaphore_mem>>) src(%dma_wait3A_210 : memref<1000x32xf32, #tpu.memory_space<hbm>>) dst(%arg7 : memref<1000x32xf32, #tpu.memory_space<vmem>>)
    %dma_wait3A_211 = arith.constant 0 : i32
    %dma_wait3A_212 = tpu.memref_slice %arg2[%mul3A_4, %dma_wait3A_211] : memref<320000x32xf32, #tpu.memory_space<hbm>> -> memref<1000x32xf32, #tpu.memory_space<hbm>>
    %dma_wait3A_213 = arith.constant 0 : i32
    %dma_wait3A_214 = tpu.memref_slice %arg2[%mul3A_4, %dma_wait3A_213] : memref<320000x32xf32, #tpu.memory_space<hbm>> -> memref<1000x32xf32, #tpu.memory_space<hbm>>
    tpu.wait_dma2 semaphore(%arg13 : memref<!tpu.dma_semaphore, #tpu.memory_space<semaphore_mem>>) src(%dma_wait3A_214 : memref<1000x32xf32, #tpu.memory_space<hbm>>) dst(%arg8 : memref<1000x32xf32, #tpu.memory_space<vmem>>)
    %barrier3A_215 = arith.constant 0 : index
    tpu.barrier barrier_id(%barrier3A_215)
    %mul3A_216 = arith.constant 10000 : i32
    %mul3A_217 = arith.muli %arg0, %mul3A_216 : i32
    %add3A_218 = arith.addi %mul3A_217, %mul3A_2 : i32
    "tpu.region"() ({
      %run_scoped3A = tpu.sem_alloc : memref<!tpu.dma_semaphore, #tpu.memory_space<semaphore_mem>>
      %dma_start3A_219 = arith.constant 0 : i32
      %dma_start3A_220 = tpu.memref_slice %arg5[%add3A_218, %dma_start3A_219] : memref<20000x32xf32, #tpu.memory_space<hbm>> -> memref<625x32xf32, #tpu.memory_space<hbm>>
      %dma_start3A_221 = arith.constant 0 : i32
      %dma_start3A_222 = tpu.memref_slice %arg9[%mul3A_2, %dma_start3A_221] : memref<10000x32xf32, #tpu.memory_space<vmem_shared>> -> memref<625x32xf32, #tpu.memory_space<vmem_shared>>
      tpu.enqueue_dma source(%dma_start3A_222 : memref<625x32xf32, #tpu.memory_space<vmem_shared>>) target(%dma_start3A_220 : memref<625x32xf32, #tpu.memory_space<hbm>>) target_semaphore(%run_scoped3A : memref<!tpu.dma_semaphore, #tpu.memory_space<semaphore_mem>>)
      %dma_wait3A_223 = arith.constant 0 : i32
      %dma_wait3A_224 = tpu.memref_slice %arg5[%add3A_218, %dma_wait3A_223] : memref<20000x32xf32, #tpu.memory_space<hbm>> -> memref<625x32xf32, #tpu.memory_space<hbm>>
      %dma_wait3A_225 = arith.constant 0 : i32
      %dma_wait3A_226 = tpu.memref_slice %arg9[%mul3A_2, %dma_wait3A_225] : memref<10000x32xf32, #tpu.memory_space<vmem_shared>> -> memref<625x32xf32, #tpu.memory_space<vmem_shared>>
      tpu.wait_dma2 semaphore(%run_scoped3A : memref<!tpu.dma_semaphore, #tpu.memory_space<semaphore_mem>>) src(%dma_wait3A_226 : memref<625x32xf32, #tpu.memory_space<vmem_shared>>) dst(%dma_wait3A_224 : memref<625x32xf32, #tpu.memory_space<hbm>>)
      tpu.yield
    }) : () -> ()
    return
  }
}

#map = affine_map<(d0, d1) -> (0, 0)>
#map1 = affine_map<(d0, d1) -> (0)>
module attributes {stable_mosaic.version = 14 : i64} {
  func.func @_k(%arg0: i32, %arg1: i32, %arg2: memref<10000x32xf32, #tpu.memory_space<hbm>>, %arg3: memref<10000x32xf32, #tpu.memory_space<hbm>>, %arg4: memref<320000xi32, #tpu.memory_space<hbm>>, %arg5: memref<320000xi32, #tpu.memory_space<hbm>>, %arg6: memref<320000x32xf32, #tpu.memory_space<hbm>>, %arg7: memref<320000x32xf32, #tpu.memory_space<hbm>>, %arg8: memref<10000xi32, #tpu.memory_space<vmem>>, %arg9: memref<10000xi32, #tpu.memory_space<vmem>>, %arg10: memref<400x32xf32, #tpu.memory_space<vmem>>, %arg11: memref<400x32xf32, #tpu.memory_space<vmem>>, %arg12: memref<400x32xf32, #tpu.memory_space<vmem>>, %arg13: memref<400x32xf32, #tpu.memory_space<vmem>>, %arg14: memref<!tpu.dma_semaphore, #tpu.memory_space<semaphore_mem>>, %arg15: memref<!tpu.dma_semaphore, #tpu.memory_space<semaphore_mem>>, %arg16: memref<!tpu.dma_semaphore, #tpu.memory_space<semaphore_mem>>, %arg17: memref<!tpu.dma_semaphore, #tpu.memory_space<semaphore_mem>>, %arg18: memref<!tpu.dma_semaphore, #tpu.memory_space<semaphore_mem>>, %arg19: memref<!tpu.dma_semaphore, #tpu.memory_space<semaphore_mem>>) attributes {dimension_semantics = [#tpu.dimension_semantics<core_parallel>, #tpu.dimension_semantics<subcore_parallel>], iteration_bounds = array<i64: 2, 16>, scalar_prefetch = 0 : i64, scratch_operands = 12 : i64, tpu.core_type = #tpu.core_type<sc_vector_subcore>, window_params = [{transform_indices = #map}, {transform_indices = #map}, {transform_indices = #map1}, {transform_indices = #map1}, {transform_indices = #map}, {transform_indices = #map}]} {
    %mul3A = arith.constant 2 : i32
    %mul3A_0 = arith.muli %arg1, %mul3A : i32
    %add3A = arith.addi %mul3A_0, %arg0 : i32
    %mul3A_1 = arith.constant 10000 : i32
    %mul3A_2 = arith.muli %add3A, %mul3A_1 : i32
    %dma_start3A = tpu.memref_slice %arg4[%mul3A_2] : memref<320000xi32, #tpu.memory_space<hbm>> -> memref<10000xi32, #tpu.memory_space<hbm>>
    %dma_start3A_3 = tpu.memref_slice %arg4[%mul3A_2] : memref<320000xi32, #tpu.memory_space<hbm>> -> memref<10000xi32, #tpu.memory_space<hbm>>
    tpu.enqueue_dma source(%dma_start3A_3 : memref<10000xi32, #tpu.memory_space<hbm>>) target(%arg8 : memref<10000xi32, #tpu.memory_space<vmem>>) target_semaphore(%arg14 : memref<!tpu.dma_semaphore, #tpu.memory_space<semaphore_mem>>)
    %dma_start3A_4 = tpu.memref_slice %arg5[%mul3A_2] : memref<320000xi32, #tpu.memory_space<hbm>> -> memref<10000xi32, #tpu.memory_space<hbm>>
    %dma_start3A_5 = tpu.memref_slice %arg5[%mul3A_2] : memref<320000xi32, #tpu.memory_space<hbm>> -> memref<10000xi32, #tpu.memory_space<hbm>>
    tpu.enqueue_dma source(%dma_start3A_5 : memref<10000xi32, #tpu.memory_space<hbm>>) target(%arg9 : memref<10000xi32, #tpu.memory_space<vmem>>) target_semaphore(%arg15 : memref<!tpu.dma_semaphore, #tpu.memory_space<semaphore_mem>>)
    %dma_wait3A = tpu.memref_slice %arg4[%mul3A_2] : memref<320000xi32, #tpu.memory_space<hbm>> -> memref<10000xi32, #tpu.memory_space<hbm>>
    %dma_wait3A_6 = tpu.memref_slice %arg4[%mul3A_2] : memref<320000xi32, #tpu.memory_space<hbm>> -> memref<10000xi32, #tpu.memory_space<hbm>>
    tpu.wait_dma2 semaphore(%arg14 : memref<!tpu.dma_semaphore, #tpu.memory_space<semaphore_mem>>) src(%dma_wait3A_6 : memref<10000xi32, #tpu.memory_space<hbm>>) dst(%arg8 : memref<10000xi32, #tpu.memory_space<vmem>>)
    %dma_wait3A_7 = tpu.memref_slice %arg5[%mul3A_2] : memref<320000xi32, #tpu.memory_space<hbm>> -> memref<10000xi32, #tpu.memory_space<hbm>>
    %dma_wait3A_8 = tpu.memref_slice %arg5[%mul3A_2] : memref<320000xi32, #tpu.memory_space<hbm>> -> memref<10000xi32, #tpu.memory_space<hbm>>
    tpu.wait_dma2 semaphore(%arg15 : memref<!tpu.dma_semaphore, #tpu.memory_space<semaphore_mem>>) src(%dma_wait3A_8 : memref<10000xi32, #tpu.memory_space<hbm>>) dst(%arg9 : memref<10000xi32, #tpu.memory_space<vmem>>)
    %scan3A = arith.constant 0 : i32
    %scan3A_9 = arith.constant 12 : i32
    %scan3A_10 = arith.addi %scan3A, %scan3A_9 : i32
    %scan3A_11 = arith.constant 1 : i32
    scf.for %scan3A_47 = %scan3A to %scan3A_10 step %scan3A_11  : i32 {
      %mul3A_48 = arith.constant 1 : i32
      %mul3A_49 = arith.muli %scan3A_47, %mul3A_48 : i32
      %add3A_50 = arith.constant 0 : i32
      %add3A_51 = arith.addi %add3A_50, %mul3A_49 : i32
      %mul3A_52 = arith.constant 2 : i32
      %mul3A_53 = arith.muli %mul3A_52, %add3A_51 : i32
      %mul3A_54 = arith.constant 400 : i32
      %mul3A_55 = arith.muli %mul3A_53, %mul3A_54 : i32
      %multiple_of3A_56 = tpu.assume_multiple %mul3A_55, 8 : i32
      %add3A_57 = arith.addi %mul3A_2, %multiple_of3A_56 : i32
      %gt3A = arith.constant 0 : i32
      %gt3A_58 = arith.cmpi sgt, %add3A_51, %gt3A : i32
      %convert_element_type3A = arith.extui %gt3A_58 : i1 to i32
      %cond3A = arith.constant 0 : i32
      %cond3A_59 = arith.cmpi ne, %convert_element_type3A, %cond3A : i32
      scf.if %cond3A_59 {
        %dma_wait3A_121 = arith.constant 0 : i32
        %dma_wait3A_122 = tpu.memref_slice %arg6[%add3A_57, %dma_wait3A_121] : memref<320000x32xf32, #tpu.memory_space<hbm>> -> memref<400x32xf32, #tpu.memory_space<hbm>>
        %dma_wait3A_123 = arith.constant 0 : i32
        %dma_wait3A_124 = tpu.memref_slice %arg6[%add3A_57, %dma_wait3A_123] : memref<320000x32xf32, #tpu.memory_space<hbm>> -> memref<400x32xf32, #tpu.memory_space<hbm>>
        tpu.wait_dma2 semaphore(%arg16 : memref<!tpu.dma_semaphore, #tpu.memory_space<semaphore_mem>>) src(%dma_wait3A_124 : memref<400x32xf32, #tpu.memory_space<hbm>>) dst(%arg10 : memref<400x32xf32, #tpu.memory_space<vmem>>)
        %dma_wait3A_125 = arith.constant 0 : i32
        %dma_wait3A_126 = tpu.memref_slice %arg7[%add3A_57, %dma_wait3A_125] : memref<320000x32xf32, #tpu.memory_space<hbm>> -> memref<400x32xf32, #tpu.memory_space<hbm>>
        %dma_wait3A_127 = arith.constant 0 : i32
        %dma_wait3A_128 = tpu.memref_slice %arg7[%add3A_57, %dma_wait3A_127] : memref<320000x32xf32, #tpu.memory_space<hbm>> -> memref<400x32xf32, #tpu.memory_space<hbm>>
        tpu.wait_dma2 semaphore(%arg17 : memref<!tpu.dma_semaphore, #tpu.memory_space<semaphore_mem>>) src(%dma_wait3A_128 : memref<400x32xf32, #tpu.memory_space<hbm>>) dst(%arg11 : memref<400x32xf32, #tpu.memory_space<vmem>>)
      } else {
      }
      %dma_start3A_60 = tpu.memref_slice %arg8[%multiple_of3A_56] : memref<10000xi32, #tpu.memory_space<vmem>> -> memref<400xi32, #tpu.memory_space<vmem>>
      %dma_start3A_61 = arith.constant 0 : i32
      %dma_start3A_62 = arith.constant 0 : i32
      %dma_start3A_63 = tpu.memref_slice %arg2[%dma_start3A_61, %dma_start3A_62] : memref<10000x32xf32, #tpu.memory_space<hbm>> -> memref<10000x32xf32, #tpu.memory_space<hbm>>
      tpu.enqueue_indirect_dma source(%dma_start3A_63 : memref<10000x32xf32, #tpu.memory_space<hbm>>) target(%arg10 : memref<400x32xf32, #tpu.memory_space<vmem>>) offsets(%dma_start3A_60 : memref<400xi32, #tpu.memory_space<vmem>>) semaphore(%arg14 : memref<!tpu.dma_semaphore, #tpu.memory_space<semaphore_mem>>)
      %dma_start3A_64 = tpu.memref_slice %arg9[%multiple_of3A_56] : memref<10000xi32, #tpu.memory_space<vmem>> -> memref<400xi32, #tpu.memory_space<vmem>>
      %dma_start3A_65 = arith.constant 0 : i32
      %dma_start3A_66 = arith.constant 0 : i32
      %dma_start3A_67 = tpu.memref_slice %arg3[%dma_start3A_65, %dma_start3A_66] : memref<10000x32xf32, #tpu.memory_space<hbm>> -> memref<10000x32xf32, #tpu.memory_space<hbm>>
      tpu.enqueue_indirect_dma source(%dma_start3A_67 : memref<10000x32xf32, #tpu.memory_space<hbm>>) target(%arg11 : memref<400x32xf32, #tpu.memory_space<vmem>>) offsets(%dma_start3A_64 : memref<400xi32, #tpu.memory_space<vmem>>) semaphore(%arg14 : memref<!tpu.dma_semaphore, #tpu.memory_space<semaphore_mem>>)
      %dma_wait3A_68 = tpu.memref_slice %arg8[%multiple_of3A_56] : memref<10000xi32, #tpu.memory_space<vmem>> -> memref<400xi32, #tpu.memory_space<vmem>>
      %dma_wait3A_69 = arith.constant 0 : i32
      %dma_wait3A_70 = arith.constant 0 : i32
      %dma_wait3A_71 = tpu.memref_slice %arg2[%dma_wait3A_69, %dma_wait3A_70] : memref<10000x32xf32, #tpu.memory_space<hbm>> -> memref<10000x32xf32, #tpu.memory_space<hbm>>
      tpu.wait_indirect_dma semaphore(%arg14 : memref<!tpu.dma_semaphore, #tpu.memory_space<semaphore_mem>>) src(%dma_wait3A_71 : memref<10000x32xf32, #tpu.memory_space<hbm>>) dst(%arg10 : memref<400x32xf32, #tpu.memory_space<vmem>>)
      %dma_wait3A_72 = tpu.memref_slice %arg9[%multiple_of3A_56] : memref<10000xi32, #tpu.memory_space<vmem>> -> memref<400xi32, #tpu.memory_space<vmem>>
      %dma_wait3A_73 = arith.constant 0 : i32
      %dma_wait3A_74 = arith.constant 0 : i32
      %dma_wait3A_75 = tpu.memref_slice %arg3[%dma_wait3A_73, %dma_wait3A_74] : memref<10000x32xf32, #tpu.memory_space<hbm>> -> memref<10000x32xf32, #tpu.memory_space<hbm>>
      tpu.wait_indirect_dma semaphore(%arg14 : memref<!tpu.dma_semaphore, #tpu.memory_space<semaphore_mem>>) src(%dma_wait3A_75 : memref<10000x32xf32, #tpu.memory_space<hbm>>) dst(%arg11 : memref<400x32xf32, #tpu.memory_space<vmem>>)
      %dma_start3A_76 = arith.constant 0 : i32
      %dma_start3A_77 = tpu.memref_slice %arg6[%add3A_57, %dma_start3A_76] : memref<320000x32xf32, #tpu.memory_space<hbm>> -> memref<400x32xf32, #tpu.memory_space<hbm>>
      %dma_start3A_78 = arith.constant 0 : i32
      %dma_start3A_79 = tpu.memref_slice %arg6[%add3A_57, %dma_start3A_78] : memref<320000x32xf32, #tpu.memory_space<hbm>> -> memref<400x32xf32, #tpu.memory_space<hbm>>
      tpu.enqueue_dma source(%arg10 : memref<400x32xf32, #tpu.memory_space<vmem>>) target(%dma_start3A_79 : memref<400x32xf32, #tpu.memory_space<hbm>>) target_semaphore(%arg16 : memref<!tpu.dma_semaphore, #tpu.memory_space<semaphore_mem>>)
      %dma_start3A_80 = arith.constant 0 : i32
      %dma_start3A_81 = tpu.memref_slice %arg7[%add3A_57, %dma_start3A_80] : memref<320000x32xf32, #tpu.memory_space<hbm>> -> memref<400x32xf32, #tpu.memory_space<hbm>>
      %dma_start3A_82 = arith.constant 0 : i32
      %dma_start3A_83 = tpu.memref_slice %arg7[%add3A_57, %dma_start3A_82] : memref<320000x32xf32, #tpu.memory_space<hbm>> -> memref<400x32xf32, #tpu.memory_space<hbm>>
      tpu.enqueue_dma source(%arg11 : memref<400x32xf32, #tpu.memory_space<vmem>>) target(%dma_start3A_83 : memref<400x32xf32, #tpu.memory_space<hbm>>) target_semaphore(%arg17 : memref<!tpu.dma_semaphore, #tpu.memory_space<semaphore_mem>>)
      %mul3A_84 = arith.constant 2 : i32
      %mul3A_85 = arith.muli %mul3A_84, %add3A_51 : i32
      %add3A_86 = arith.constant 1 : i32
      %add3A_87 = arith.addi %mul3A_85, %add3A_86 : i32
      %mul3A_88 = arith.constant 400 : i32
      %mul3A_89 = arith.muli %add3A_87, %mul3A_88 : i32
      %multiple_of3A_90 = tpu.assume_multiple %mul3A_89, 8 : i32
      %add3A_91 = arith.addi %mul3A_2, %multiple_of3A_90 : i32
      %gt3A_92 = arith.constant 0 : i32
      %gt3A_93 = arith.cmpi sgt, %add3A_51, %gt3A_92 : i32
      %convert_element_type3A_94 = arith.extui %gt3A_93 : i1 to i32
      %cond3A_95 = arith.constant 0 : i32
      %cond3A_96 = arith.cmpi ne, %convert_element_type3A_94, %cond3A_95 : i32
      scf.if %cond3A_96 {
        %dma_wait3A_121 = arith.constant 0 : i32
        %dma_wait3A_122 = tpu.memref_slice %arg6[%add3A_91, %dma_wait3A_121] : memref<320000x32xf32, #tpu.memory_space<hbm>> -> memref<400x32xf32, #tpu.memory_space<hbm>>
        %dma_wait3A_123 = arith.constant 0 : i32
        %dma_wait3A_124 = tpu.memref_slice %arg6[%add3A_91, %dma_wait3A_123] : memref<320000x32xf32, #tpu.memory_space<hbm>> -> memref<400x32xf32, #tpu.memory_space<hbm>>
        tpu.wait_dma2 semaphore(%arg18 : memref<!tpu.dma_semaphore, #tpu.memory_space<semaphore_mem>>) src(%dma_wait3A_124 : memref<400x32xf32, #tpu.memory_space<hbm>>) dst(%arg12 : memref<400x32xf32, #tpu.memory_space<vmem>>)
        %dma_wait3A_125 = arith.constant 0 : i32
        %dma_wait3A_126 = tpu.memref_slice %arg7[%add3A_91, %dma_wait3A_125] : memref<320000x32xf32, #tpu.memory_space<hbm>> -> memref<400x32xf32, #tpu.memory_space<hbm>>
        %dma_wait3A_127 = arith.constant 0 : i32
        %dma_wait3A_128 = tpu.memref_slice %arg7[%add3A_91, %dma_wait3A_127] : memref<320000x32xf32, #tpu.memory_space<hbm>> -> memref<400x32xf32, #tpu.memory_space<hbm>>
        tpu.wait_dma2 semaphore(%arg19 : memref<!tpu.dma_semaphore, #tpu.memory_space<semaphore_mem>>) src(%dma_wait3A_128 : memref<400x32xf32, #tpu.memory_space<hbm>>) dst(%arg13 : memref<400x32xf32, #tpu.memory_space<vmem>>)
      } else {
      }
      %dma_start3A_97 = tpu.memref_slice %arg8[%multiple_of3A_90] : memref<10000xi32, #tpu.memory_space<vmem>> -> memref<400xi32, #tpu.memory_space<vmem>>
      %dma_start3A_98 = arith.constant 0 : i32
      %dma_start3A_99 = arith.constant 0 : i32
      %dma_start3A_100 = tpu.memref_slice %arg2[%dma_start3A_98, %dma_start3A_99] : memref<10000x32xf32, #tpu.memory_space<hbm>> -> memref<10000x32xf32, #tpu.memory_space<hbm>>
      tpu.enqueue_indirect_dma source(%dma_start3A_100 : memref<10000x32xf32, #tpu.memory_space<hbm>>) target(%arg12 : memref<400x32xf32, #tpu.memory_space<vmem>>) offsets(%dma_start3A_97 : memref<400xi32, #tpu.memory_space<vmem>>) semaphore(%arg15 : memref<!tpu.dma_semaphore, #tpu.memory_space<semaphore_mem>>)
      %dma_start3A_101 = tpu.memref_slice %arg9[%multiple_of3A_90] : memref<10000xi32, #tpu.memory_space<vmem>> -> memref<400xi32, #tpu.memory_space<vmem>>
      %dma_start3A_102 = arith.constant 0 : i32
      %dma_start3A_103 = arith.constant 0 : i32
      %dma_start3A_104 = tpu.memref_slice %arg3[%dma_start3A_102, %dma_start3A_103] : memref<10000x32xf32, #tpu.memory_space<hbm>> -> memref<10000x32xf32, #tpu.memory_space<hbm>>
      tpu.enqueue_indirect_dma source(%dma_start3A_104 : memref<10000x32xf32, #tpu.memory_space<hbm>>) target(%arg13 : memref<400x32xf32, #tpu.memory_space<vmem>>) offsets(%dma_start3A_101 : memref<400xi32, #tpu.memory_space<vmem>>) semaphore(%arg15 : memref<!tpu.dma_semaphore, #tpu.memory_space<semaphore_mem>>)
      %dma_wait3A_105 = tpu.memref_slice %arg8[%multiple_of3A_90] : memref<10000xi32, #tpu.memory_space<vmem>> -> memref<400xi32, #tpu.memory_space<vmem>>
      %dma_wait3A_106 = arith.constant 0 : i32
      %dma_wait3A_107 = arith.constant 0 : i32
      %dma_wait3A_108 = tpu.memref_slice %arg2[%dma_wait3A_106, %dma_wait3A_107] : memref<10000x32xf32, #tpu.memory_space<hbm>> -> memref<10000x32xf32, #tpu.memory_space<hbm>>
      tpu.wait_indirect_dma semaphore(%arg15 : memref<!tpu.dma_semaphore, #tpu.memory_space<semaphore_mem>>) src(%dma_wait3A_108 : memref<10000x32xf32, #tpu.memory_space<hbm>>) dst(%arg12 : memref<400x32xf32, #tpu.memory_space<vmem>>)
      %dma_wait3A_109 = tpu.memref_slice %arg9[%multiple_of3A_90] : memref<10000xi32, #tpu.memory_space<vmem>> -> memref<400xi32, #tpu.memory_space<vmem>>
      %dma_wait3A_110 = arith.constant 0 : i32
      %dma_wait3A_111 = arith.constant 0 : i32
      %dma_wait3A_112 = tpu.memref_slice %arg3[%dma_wait3A_110, %dma_wait3A_111] : memref<10000x32xf32, #tpu.memory_space<hbm>> -> memref<10000x32xf32, #tpu.memory_space<hbm>>
      tpu.wait_indirect_dma semaphore(%arg15 : memref<!tpu.dma_semaphore, #tpu.memory_space<semaphore_mem>>) src(%dma_wait3A_112 : memref<10000x32xf32, #tpu.memory_space<hbm>>) dst(%arg13 : memref<400x32xf32, #tpu.memory_space<vmem>>)
      %dma_start3A_113 = arith.constant 0 : i32
      %dma_start3A_114 = tpu.memref_slice %arg6[%add3A_91, %dma_start3A_113] : memref<320000x32xf32, #tpu.memory_space<hbm>> -> memref<400x32xf32, #tpu.memory_space<hbm>>
      %dma_start3A_115 = arith.constant 0 : i32
      %dma_start3A_116 = tpu.memref_slice %arg6[%add3A_91, %dma_start3A_115] : memref<320000x32xf32, #tpu.memory_space<hbm>> -> memref<400x32xf32, #tpu.memory_space<hbm>>
      tpu.enqueue_dma source(%arg12 : memref<400x32xf32, #tpu.memory_space<vmem>>) target(%dma_start3A_116 : memref<400x32xf32, #tpu.memory_space<hbm>>) target_semaphore(%arg18 : memref<!tpu.dma_semaphore, #tpu.memory_space<semaphore_mem>>)
      %dma_start3A_117 = arith.constant 0 : i32
      %dma_start3A_118 = tpu.memref_slice %arg7[%add3A_91, %dma_start3A_117] : memref<320000x32xf32, #tpu.memory_space<hbm>> -> memref<400x32xf32, #tpu.memory_space<hbm>>
      %dma_start3A_119 = arith.constant 0 : i32
      %dma_start3A_120 = tpu.memref_slice %arg7[%add3A_91, %dma_start3A_119] : memref<320000x32xf32, #tpu.memory_space<hbm>> -> memref<400x32xf32, #tpu.memory_space<hbm>>
      tpu.enqueue_dma source(%arg13 : memref<400x32xf32, #tpu.memory_space<vmem>>) target(%dma_start3A_120 : memref<400x32xf32, #tpu.memory_space<hbm>>) target_semaphore(%arg19 : memref<!tpu.dma_semaphore, #tpu.memory_space<semaphore_mem>>)
    }
    %scan3A_12 = arith.constant 12 : i32
    %dma_wait3A_13 = arith.constant 0 : i32
    %dma_wait3A_14 = tpu.memref_slice %arg6[%mul3A_2, %dma_wait3A_13] : memref<320000x32xf32, #tpu.memory_space<hbm>> -> memref<400x32xf32, #tpu.memory_space<hbm>>
    %dma_wait3A_15 = arith.constant 0 : i32
    %dma_wait3A_16 = tpu.memref_slice %arg6[%mul3A_2, %dma_wait3A_15] : memref<320000x32xf32, #tpu.memory_space<hbm>> -> memref<400x32xf32, #tpu.memory_space<hbm>>
    tpu.wait_dma2 semaphore(%arg16 : memref<!tpu.dma_semaphore, #tpu.memory_space<semaphore_mem>>) src(%dma_wait3A_16 : memref<400x32xf32, #tpu.memory_space<hbm>>) dst(%arg10 : memref<400x32xf32, #tpu.memory_space<vmem>>)
    %dma_wait3A_17 = arith.constant 0 : i32
    %dma_wait3A_18 = tpu.memref_slice %arg7[%mul3A_2, %dma_wait3A_17] : memref<320000x32xf32, #tpu.memory_space<hbm>> -> memref<400x32xf32, #tpu.memory_space<hbm>>
    %dma_wait3A_19 = arith.constant 0 : i32
    %dma_wait3A_20 = tpu.memref_slice %arg7[%mul3A_2, %dma_wait3A_19] : memref<320000x32xf32, #tpu.memory_space<hbm>> -> memref<400x32xf32, #tpu.memory_space<hbm>>
    tpu.wait_dma2 semaphore(%arg17 : memref<!tpu.dma_semaphore, #tpu.memory_space<semaphore_mem>>) src(%dma_wait3A_20 : memref<400x32xf32, #tpu.memory_space<hbm>>) dst(%arg11 : memref<400x32xf32, #tpu.memory_space<vmem>>)
    %multiple_of3A = arith.constant 9600 : i32
    %multiple_of3A_21 = tpu.assume_multiple %multiple_of3A, 8 : i32
    %add3A_22 = arith.addi %mul3A_2, %multiple_of3A_21 : i32
    %dma_start3A_23 = tpu.memref_slice %arg8[%multiple_of3A_21] : memref<10000xi32, #tpu.memory_space<vmem>> -> memref<400xi32, #tpu.memory_space<vmem>>
    %dma_start3A_24 = arith.constant 0 : i32
    %dma_start3A_25 = arith.constant 0 : i32
    %dma_start3A_26 = tpu.memref_slice %arg2[%dma_start3A_24, %dma_start3A_25] : memref<10000x32xf32, #tpu.memory_space<hbm>> -> memref<10000x32xf32, #tpu.memory_space<hbm>>
    tpu.enqueue_indirect_dma source(%dma_start3A_26 : memref<10000x32xf32, #tpu.memory_space<hbm>>) target(%arg10 : memref<400x32xf32, #tpu.memory_space<vmem>>) offsets(%dma_start3A_23 : memref<400xi32, #tpu.memory_space<vmem>>) semaphore(%arg14 : memref<!tpu.dma_semaphore, #tpu.memory_space<semaphore_mem>>)
    %dma_start3A_27 = tpu.memref_slice %arg9[%multiple_of3A_21] : memref<10000xi32, #tpu.memory_space<vmem>> -> memref<400xi32, #tpu.memory_space<vmem>>
    %dma_start3A_28 = arith.constant 0 : i32
    %dma_start3A_29 = arith.constant 0 : i32
    %dma_start3A_30 = tpu.memref_slice %arg3[%dma_start3A_28, %dma_start3A_29] : memref<10000x32xf32, #tpu.memory_space<hbm>> -> memref<10000x32xf32, #tpu.memory_space<hbm>>
    tpu.enqueue_indirect_dma source(%dma_start3A_30 : memref<10000x32xf32, #tpu.memory_space<hbm>>) target(%arg11 : memref<400x32xf32, #tpu.memory_space<vmem>>) offsets(%dma_start3A_27 : memref<400xi32, #tpu.memory_space<vmem>>) semaphore(%arg14 : memref<!tpu.dma_semaphore, #tpu.memory_space<semaphore_mem>>)
    %dma_wait3A_31 = tpu.memref_slice %arg8[%multiple_of3A_21] : memref<10000xi32, #tpu.memory_space<vmem>> -> memref<400xi32, #tpu.memory_space<vmem>>
    %dma_wait3A_32 = arith.constant 0 : i32
    %dma_wait3A_33 = arith.constant 0 : i32
    %dma_wait3A_34 = tpu.memref_slice %arg2[%dma_wait3A_32, %dma_wait3A_33] : memref<10000x32xf32, #tpu.memory_space<hbm>> -> memref<10000x32xf32, #tpu.memory_space<hbm>>
    tpu.wait_indirect_dma semaphore(%arg14 : memref<!tpu.dma_semaphore, #tpu.memory_space<semaphore_mem>>) src(%dma_wait3A_34 : memref<10000x32xf32, #tpu.memory_space<hbm>>) dst(%arg10 : memref<400x32xf32, #tpu.memory_space<vmem>>)
    %dma_wait3A_35 = tpu.memref_slice %arg9[%multiple_of3A_21] : memref<10000xi32, #tpu.memory_space<vmem>> -> memref<400xi32, #tpu.memory_space<vmem>>
    %dma_wait3A_36 = arith.constant 0 : i32
    %dma_wait3A_37 = arith.constant 0 : i32
    %dma_wait3A_38 = tpu.memref_slice %arg3[%dma_wait3A_36, %dma_wait3A_37] : memref<10000x32xf32, #tpu.memory_space<hbm>> -> memref<10000x32xf32, #tpu.memory_space<hbm>>
    tpu.wait_indirect_dma semaphore(%arg14 : memref<!tpu.dma_semaphore, #tpu.memory_space<semaphore_mem>>) src(%dma_wait3A_38 : memref<10000x32xf32, #tpu.memory_space<hbm>>) dst(%arg11 : memref<400x32xf32, #tpu.memory_space<vmem>>)
    "tpu.region"() ({
      %run_scoped3A = tpu.sem_alloc : memref<!tpu.dma_semaphore, #tpu.memory_space<semaphore_mem>>
      %dma_start3A_47 = arith.constant 0 : i32
      %dma_start3A_48 = tpu.memref_slice %arg6[%add3A_22, %dma_start3A_47] : memref<320000x32xf32, #tpu.memory_space<hbm>> -> memref<400x32xf32, #tpu.memory_space<hbm>>
      %dma_start3A_49 = arith.constant 0 : i32
      %dma_start3A_50 = tpu.memref_slice %arg6[%add3A_22, %dma_start3A_49] : memref<320000x32xf32, #tpu.memory_space<hbm>> -> memref<400x32xf32, #tpu.memory_space<hbm>>
      tpu.enqueue_dma source(%arg10 : memref<400x32xf32, #tpu.memory_space<vmem>>) target(%dma_start3A_50 : memref<400x32xf32, #tpu.memory_space<hbm>>) target_semaphore(%run_scoped3A : memref<!tpu.dma_semaphore, #tpu.memory_space<semaphore_mem>>)
      %dma_wait3A_51 = arith.constant 0 : i32
      %dma_wait3A_52 = tpu.memref_slice %arg6[%add3A_22, %dma_wait3A_51] : memref<320000x32xf32, #tpu.memory_space<hbm>> -> memref<400x32xf32, #tpu.memory_space<hbm>>
      %dma_wait3A_53 = arith.constant 0 : i32
      %dma_wait3A_54 = tpu.memref_slice %arg6[%add3A_22, %dma_wait3A_53] : memref<320000x32xf32, #tpu.memory_space<hbm>> -> memref<400x32xf32, #tpu.memory_space<hbm>>
      tpu.wait_dma2 semaphore(%run_scoped3A : memref<!tpu.dma_semaphore, #tpu.memory_space<semaphore_mem>>) src(%arg10 : memref<400x32xf32, #tpu.memory_space<vmem>>) dst(%dma_wait3A_54 : memref<400x32xf32, #tpu.memory_space<hbm>>)
      tpu.yield
    }) : () -> ()
    "tpu.region"() ({
      %run_scoped3A = tpu.sem_alloc : memref<!tpu.dma_semaphore, #tpu.memory_space<semaphore_mem>>
      %dma_start3A_47 = arith.constant 0 : i32
      %dma_start3A_48 = tpu.memref_slice %arg7[%add3A_22, %dma_start3A_47] : memref<320000x32xf32, #tpu.memory_space<hbm>> -> memref<400x32xf32, #tpu.memory_space<hbm>>
      %dma_start3A_49 = arith.constant 0 : i32
      %dma_start3A_50 = tpu.memref_slice %arg7[%add3A_22, %dma_start3A_49] : memref<320000x32xf32, #tpu.memory_space<hbm>> -> memref<400x32xf32, #tpu.memory_space<hbm>>
      tpu.enqueue_dma source(%arg11 : memref<400x32xf32, #tpu.memory_space<vmem>>) target(%dma_start3A_50 : memref<400x32xf32, #tpu.memory_space<hbm>>) target_semaphore(%run_scoped3A : memref<!tpu.dma_semaphore, #tpu.memory_space<semaphore_mem>>)
      %dma_wait3A_51 = arith.constant 0 : i32
      %dma_wait3A_52 = tpu.memref_slice %arg7[%add3A_22, %dma_wait3A_51] : memref<320000x32xf32, #tpu.memory_space<hbm>> -> memref<400x32xf32, #tpu.memory_space<hbm>>
      %dma_wait3A_53 = arith.constant 0 : i32
      %dma_wait3A_54 = tpu.memref_slice %arg7[%add3A_22, %dma_wait3A_53] : memref<320000x32xf32, #tpu.memory_space<hbm>> -> memref<400x32xf32, #tpu.memory_space<hbm>>
      tpu.wait_dma2 semaphore(%run_scoped3A : memref<!tpu.dma_semaphore, #tpu.memory_space<semaphore_mem>>) src(%arg11 : memref<400x32xf32, #tpu.memory_space<vmem>>) dst(%dma_wait3A_54 : memref<400x32xf32, #tpu.memory_space<hbm>>)
      tpu.yield
    }) : () -> ()
    %dma_wait3A_39 = arith.constant 0 : i32
    %dma_wait3A_40 = tpu.memref_slice %arg6[%mul3A_2, %dma_wait3A_39] : memref<320000x32xf32, #tpu.memory_space<hbm>> -> memref<400x32xf32, #tpu.memory_space<hbm>>
    %dma_wait3A_41 = arith.constant 0 : i32
    %dma_wait3A_42 = tpu.memref_slice %arg6[%mul3A_2, %dma_wait3A_41] : memref<320000x32xf32, #tpu.memory_space<hbm>> -> memref<400x32xf32, #tpu.memory_space<hbm>>
    tpu.wait_dma2 semaphore(%arg18 : memref<!tpu.dma_semaphore, #tpu.memory_space<semaphore_mem>>) src(%dma_wait3A_42 : memref<400x32xf32, #tpu.memory_space<hbm>>) dst(%arg12 : memref<400x32xf32, #tpu.memory_space<vmem>>)
    %dma_wait3A_43 = arith.constant 0 : i32
    %dma_wait3A_44 = tpu.memref_slice %arg7[%mul3A_2, %dma_wait3A_43] : memref<320000x32xf32, #tpu.memory_space<hbm>> -> memref<400x32xf32, #tpu.memory_space<hbm>>
    %dma_wait3A_45 = arith.constant 0 : i32
    %dma_wait3A_46 = tpu.memref_slice %arg7[%mul3A_2, %dma_wait3A_45] : memref<320000x32xf32, #tpu.memory_space<hbm>> -> memref<400x32xf32, #tpu.memory_space<hbm>>
    tpu.wait_dma2 semaphore(%arg19 : memref<!tpu.dma_semaphore, #tpu.memory_space<semaphore_mem>>) src(%dma_wait3A_46 : memref<400x32xf32, #tpu.memory_space<hbm>>) dst(%arg13 : memref<400x32xf32, #tpu.memory_space<vmem>>)
    return
  }
}

#map = affine_map<(d0, d1) -> (0, 0)>
#map1 = affine_map<(d0, d1) -> (0)>
module attributes {stable_mosaic.version = 14 : i64} {
  func.func @_k(%arg0: i32, %arg1: i32, %arg2: memref<320000x32xf32, #tpu.memory_space<hbm>>, %arg3: memref<320000xi32, #tpu.memory_space<hbm>>, %arg4: memref<10000x32xf32, #tpu.memory_space<hbm>>, %arg5: memref<20000x32xf32, #tpu.memory_space<hbm>>, %arg6: memref<10x1000xi32, #tpu.memory_space<vmem>>, %arg7: memref<1000x32xf32, #tpu.memory_space<vmem>>, %arg8: memref<1000x32xf32, #tpu.memory_space<vmem>>, %arg9: memref<10000x32xf32, #tpu.memory_space<vmem_shared>>, %arg10: memref<!tpu.dma_semaphore, #tpu.memory_space<semaphore_mem>>, %arg11: memref<!tpu.dma_semaphore, #tpu.memory_space<semaphore_mem>>, %arg12: memref<!tpu.dma_semaphore, #tpu.memory_space<semaphore_mem>>, %arg13: memref<!tpu.dma_semaphore, #tpu.memory_space<semaphore_mem>>) attributes {dimension_semantics = [#tpu.dimension_semantics<core_parallel>, #tpu.dimension_semantics<subcore_parallel>], iteration_bounds = array<i64: 2, 16>, scalar_prefetch = 0 : i64, scratch_operands = 8 : i64, tpu.core_type = #tpu.core_type<sc_vector_subcore>, window_params = [{transform_indices = #map}, {transform_indices = #map1}, {transform_indices = #map}, {transform_indices = #map}]} {
    %mul3A = arith.constant 2 : i32
    %mul3A_0 = arith.muli %arg1, %mul3A : i32
    %add3A = arith.addi %mul3A_0, %arg0 : i32
    %mul3A_1 = arith.constant 625 : i32
    %mul3A_2 = arith.muli %arg1, %mul3A_1 : i32
    %mul3A_3 = arith.constant 10000 : i32
    %mul3A_4 = arith.muli %add3A, %mul3A_3 : i32
    "tpu.region"() ({
      %run_scoped3A = tpu.sem_alloc : memref<!tpu.dma_semaphore, #tpu.memory_space<semaphore_mem>>
      %dma_start3A_219 = arith.constant 0 : i32
      %dma_start3A_220 = tpu.memref_slice %arg9[%mul3A_2, %dma_start3A_219] : memref<10000x32xf32, #tpu.memory_space<vmem_shared>> -> memref<625x32xf32, #tpu.memory_space<vmem_shared>>
      %dma_start3A_221 = arith.constant 0 : i32
      %dma_start3A_222 = tpu.memref_slice %arg4[%mul3A_2, %dma_start3A_221] : memref<10000x32xf32, #tpu.memory_space<hbm>> -> memref<625x32xf32, #tpu.memory_space<hbm>>
      tpu.enqueue_dma source(%dma_start3A_222 : memref<625x32xf32, #tpu.memory_space<hbm>>) target(%dma_start3A_220 : memref<625x32xf32, #tpu.memory_space<vmem_shared>>) target_semaphore(%run_scoped3A : memref<!tpu.dma_semaphore, #tpu.memory_space<semaphore_mem>>)
      %dma_wait3A_223 = arith.constant 0 : i32
      %dma_wait3A_224 = tpu.memref_slice %arg9[%mul3A_2, %dma_wait3A_223] : memref<10000x32xf32, #tpu.memory_space<vmem_shared>> -> memref<625x32xf32, #tpu.memory_space<vmem_shared>>
      %dma_wait3A_225 = arith.constant 0 : i32
      %dma_wait3A_226 = tpu.memref_slice %arg4[%mul3A_2, %dma_wait3A_225] : memref<10000x32xf32, #tpu.memory_space<hbm>> -> memref<625x32xf32, #tpu.memory_space<hbm>>
      tpu.wait_dma2 semaphore(%run_scoped3A : memref<!tpu.dma_semaphore, #tpu.memory_space<semaphore_mem>>) src(%dma_wait3A_226 : memref<625x32xf32, #tpu.memory_space<hbm>>) dst(%dma_wait3A_224 : memref<625x32xf32, #tpu.memory_space<vmem_shared>>)
      tpu.yield
    }) : () -> ()
    %add3A_5 = arith.constant 0 : i32
    %add3A_6 = arith.addi %mul3A_4, %add3A_5 : i32
    %dma_start3A = arith.constant 0 : i32
    %dma_start3A_7 = arith.constant 0 : i32
    %dma_start3A_8 = tpu.memref_slice %arg6[%dma_start3A, %dma_start3A_7] : memref<10x1000xi32, #tpu.memory_space<vmem>> -> memref<1x1000xi32, #tpu.memory_space<vmem>>
    %dma_start3A_9 = tpu.memref_squeeze %dma_start3A_8 : memref<1x1000xi32, #tpu.memory_space<vmem>> -> memref<1000xi32, #tpu.memory_space<vmem>>
    %dma_start3A_10 = tpu.memref_slice %arg3[%add3A_6] : memref<320000xi32, #tpu.memory_space<hbm>> -> memref<1000xi32, #tpu.memory_space<hbm>>
    %dma_start3A_11 = arith.constant 0 : i32
    %dma_start3A_12 = tpu.memref_slice %arg6[%dma_start3A, %dma_start3A_11] : memref<10x1000xi32, #tpu.memory_space<vmem>> -> memref<1x1000xi32, #tpu.memory_space<vmem>>
    %dma_start3A_13 = tpu.memref_squeeze %dma_start3A_12 : memref<1x1000xi32, #tpu.memory_space<vmem>> -> memref<1000xi32, #tpu.memory_space<vmem>>
    %dma_start3A_14 = tpu.memref_slice %arg3[%add3A_6] : memref<320000xi32, #tpu.memory_space<hbm>> -> memref<1000xi32, #tpu.memory_space<hbm>>
    tpu.enqueue_dma source(%dma_start3A_14 : memref<1000xi32, #tpu.memory_space<hbm>>) target(%dma_start3A_13 : memref<1000xi32, #tpu.memory_space<vmem>>) target_semaphore(%arg10 : memref<!tpu.dma_semaphore, #tpu.memory_space<semaphore_mem>>)
    %add3A_15 = arith.constant 1000 : i32
    %add3A_16 = arith.addi %mul3A_4, %add3A_15 : i32
    %dma_start3A_17 = arith.constant 1 : i32
    %dma_start3A_18 = arith.constant 0 : i32
    %dma_start3A_19 = tpu.memref_slice %arg6[%dma_start3A_17, %dma_start3A_18] : memref<10x1000xi32, #tpu.memory_space<vmem>> -> memref<1x1000xi32, #tpu.memory_space<vmem>>
    %dma_start3A_20 = tpu.memref_squeeze %dma_start3A_19 : memref<1x1000xi32, #tpu.memory_space<vmem>> -> memref<1000xi32, #tpu.memory_space<vmem>>
    %dma_start3A_21 = tpu.memref_slice %arg3[%add3A_16] : memref<320000xi32, #tpu.memory_space<hbm>> -> memref<1000xi32, #tpu.memory_space<hbm>>
    %dma_start3A_22 = arith.constant 0 : i32
    %dma_start3A_23 = tpu.memref_slice %arg6[%dma_start3A_17, %dma_start3A_22] : memref<10x1000xi32, #tpu.memory_space<vmem>> -> memref<1x1000xi32, #tpu.memory_space<vmem>>
    %dma_start3A_24 = tpu.memref_squeeze %dma_start3A_23 : memref<1x1000xi32, #tpu.memory_space<vmem>> -> memref<1000xi32, #tpu.memory_space<vmem>>
    %dma_start3A_25 = tpu.memref_slice %arg3[%add3A_16] : memref<320000xi32, #tpu.memory_space<hbm>> -> memref<1000xi32, #tpu.memory_space<hbm>>
    tpu.enqueue_dma source(%dma_start3A_25 : memref<1000xi32, #tpu.memory_space<hbm>>) target(%dma_start3A_24 : memref<1000xi32, #tpu.memory_space<vmem>>) target_semaphore(%arg10 : memref<!tpu.dma_semaphore, #tpu.memory_space<semaphore_mem>>)
    %add3A_26 = arith.constant 2000 : i32
    %add3A_27 = arith.addi %mul3A_4, %add3A_26 : i32
    %dma_start3A_28 = arith.constant 2 : i32
    %dma_start3A_29 = arith.constant 0 : i32
    %dma_start3A_30 = tpu.memref_slice %arg6[%dma_start3A_28, %dma_start3A_29] : memref<10x1000xi32, #tpu.memory_space<vmem>> -> memref<1x1000xi32, #tpu.memory_space<vmem>>
    %dma_start3A_31 = tpu.memref_squeeze %dma_start3A_30 : memref<1x1000xi32, #tpu.memory_space<vmem>> -> memref<1000xi32, #tpu.memory_space<vmem>>
    %dma_start3A_32 = tpu.memref_slice %arg3[%add3A_27] : memref<320000xi32, #tpu.memory_space<hbm>> -> memref<1000xi32, #tpu.memory_space<hbm>>
    %dma_start3A_33 = arith.constant 0 : i32
    %dma_start3A_34 = tpu.memref_slice %arg6[%dma_start3A_28, %dma_start3A_33] : memref<10x1000xi32, #tpu.memory_space<vmem>> -> memref<1x1000xi32, #tpu.memory_space<vmem>>
    %dma_start3A_35 = tpu.memref_squeeze %dma_start3A_34 : memref<1x1000xi32, #tpu.memory_space<vmem>> -> memref<1000xi32, #tpu.memory_space<vmem>>
    %dma_start3A_36 = tpu.memref_slice %arg3[%add3A_27] : memref<320000xi32, #tpu.memory_space<hbm>> -> memref<1000xi32, #tpu.memory_space<hbm>>
    tpu.enqueue_dma source(%dma_start3A_36 : memref<1000xi32, #tpu.memory_space<hbm>>) target(%dma_start3A_35 : memref<1000xi32, #tpu.memory_space<vmem>>) target_semaphore(%arg10 : memref<!tpu.dma_semaphore, #tpu.memory_space<semaphore_mem>>)
    %add3A_37 = arith.constant 3000 : i32
    %add3A_38 = arith.addi %mul3A_4, %add3A_37 : i32
    %dma_start3A_39 = arith.constant 3 : i32
    %dma_start3A_40 = arith.constant 0 : i32
    %dma_start3A_41 = tpu.memref_slice %arg6[%dma_start3A_39, %dma_start3A_40] : memref<10x1000xi32, #tpu.memory_space<vmem>> -> memref<1x1000xi32, #tpu.memory_space<vmem>>
    %dma_start3A_42 = tpu.memref_squeeze %dma_start3A_41 : memref<1x1000xi32, #tpu.memory_space<vmem>> -> memref<1000xi32, #tpu.memory_space<vmem>>
    %dma_start3A_43 = tpu.memref_slice %arg3[%add3A_38] : memref<320000xi32, #tpu.memory_space<hbm>> -> memref<1000xi32, #tpu.memory_space<hbm>>
    %dma_start3A_44 = arith.constant 0 : i32
    %dma_start3A_45 = tpu.memref_slice %arg6[%dma_start3A_39, %dma_start3A_44] : memref<10x1000xi32, #tpu.memory_space<vmem>> -> memref<1x1000xi32, #tpu.memory_space<vmem>>
    %dma_start3A_46 = tpu.memref_squeeze %dma_start3A_45 : memref<1x1000xi32, #tpu.memory_space<vmem>> -> memref<1000xi32, #tpu.memory_space<vmem>>
    %dma_start3A_47 = tpu.memref_slice %arg3[%add3A_38] : memref<320000xi32, #tpu.memory_space<hbm>> -> memref<1000xi32, #tpu.memory_space<hbm>>
    tpu.enqueue_dma source(%dma_start3A_47 : memref<1000xi32, #tpu.memory_space<hbm>>) target(%dma_start3A_46 : memref<1000xi32, #tpu.memory_space<vmem>>) target_semaphore(%arg10 : memref<!tpu.dma_semaphore, #tpu.memory_space<semaphore_mem>>)
    %add3A_48 = arith.constant 4000 : i32
    %add3A_49 = arith.addi %mul3A_4, %add3A_48 : i32
    %dma_start3A_50 = arith.constant 4 : i32
    %dma_start3A_51 = arith.constant 0 : i32
    %dma_start3A_52 = tpu.memref_slice %arg6[%dma_start3A_50, %dma_start3A_51] : memref<10x1000xi32, #tpu.memory_space<vmem>> -> memref<1x1000xi32, #tpu.memory_space<vmem>>
    %dma_start3A_53 = tpu.memref_squeeze %dma_start3A_52 : memref<1x1000xi32, #tpu.memory_space<vmem>> -> memref<1000xi32, #tpu.memory_space<vmem>>
    %dma_start3A_54 = tpu.memref_slice %arg3[%add3A_49] : memref<320000xi32, #tpu.memory_space<hbm>> -> memref<1000xi32, #tpu.memory_space<hbm>>
    %dma_start3A_55 = arith.constant 0 : i32
    %dma_start3A_56 = tpu.memref_slice %arg6[%dma_start3A_50, %dma_start3A_55] : memref<10x1000xi32, #tpu.memory_space<vmem>> -> memref<1x1000xi32, #tpu.memory_space<vmem>>
    %dma_start3A_57 = tpu.memref_squeeze %dma_start3A_56 : memref<1x1000xi32, #tpu.memory_space<vmem>> -> memref<1000xi32, #tpu.memory_space<vmem>>
    %dma_start3A_58 = tpu.memref_slice %arg3[%add3A_49] : memref<320000xi32, #tpu.memory_space<hbm>> -> memref<1000xi32, #tpu.memory_space<hbm>>
    tpu.enqueue_dma source(%dma_start3A_58 : memref<1000xi32, #tpu.memory_space<hbm>>) target(%dma_start3A_57 : memref<1000xi32, #tpu.memory_space<vmem>>) target_semaphore(%arg10 : memref<!tpu.dma_semaphore, #tpu.memory_space<semaphore_mem>>)
    %add3A_59 = arith.constant 5000 : i32
    %add3A_60 = arith.addi %mul3A_4, %add3A_59 : i32
    %dma_start3A_61 = arith.constant 5 : i32
    %dma_start3A_62 = arith.constant 0 : i32
    %dma_start3A_63 = tpu.memref_slice %arg6[%dma_start3A_61, %dma_start3A_62] : memref<10x1000xi32, #tpu.memory_space<vmem>> -> memref<1x1000xi32, #tpu.memory_space<vmem>>
    %dma_start3A_64 = tpu.memref_squeeze %dma_start3A_63 : memref<1x1000xi32, #tpu.memory_space<vmem>> -> memref<1000xi32, #tpu.memory_space<vmem>>
    %dma_start3A_65 = tpu.memref_slice %arg3[%add3A_60] : memref<320000xi32, #tpu.memory_space<hbm>> -> memref<1000xi32, #tpu.memory_space<hbm>>
    %dma_start3A_66 = arith.constant 0 : i32
    %dma_start3A_67 = tpu.memref_slice %arg6[%dma_start3A_61, %dma_start3A_66] : memref<10x1000xi32, #tpu.memory_space<vmem>> -> memref<1x1000xi32, #tpu.memory_space<vmem>>
    %dma_start3A_68 = tpu.memref_squeeze %dma_start3A_67 : memref<1x1000xi32, #tpu.memory_space<vmem>> -> memref<1000xi32, #tpu.memory_space<vmem>>
    %dma_start3A_69 = tpu.memref_slice %arg3[%add3A_60] : memref<320000xi32, #tpu.memory_space<hbm>> -> memref<1000xi32, #tpu.memory_space<hbm>>
    tpu.enqueue_dma source(%dma_start3A_69 : memref<1000xi32, #tpu.memory_space<hbm>>) target(%dma_start3A_68 : memref<1000xi32, #tpu.memory_space<vmem>>) target_semaphore(%arg10 : memref<!tpu.dma_semaphore, #tpu.memory_space<semaphore_mem>>)
    %add3A_70 = arith.constant 6000 : i32
    %add3A_71 = arith.addi %mul3A_4, %add3A_70 : i32
    %dma_start3A_72 = arith.constant 6 : i32
    %dma_start3A_73 = arith.constant 0 : i32
    %dma_start3A_74 = tpu.memref_slice %arg6[%dma_start3A_72, %dma_start3A_73] : memref<10x1000xi32, #tpu.memory_space<vmem>> -> memref<1x1000xi32, #tpu.memory_space<vmem>>
    %dma_start3A_75 = tpu.memref_squeeze %dma_start3A_74 : memref<1x1000xi32, #tpu.memory_space<vmem>> -> memref<1000xi32, #tpu.memory_space<vmem>>
    %dma_start3A_76 = tpu.memref_slice %arg3[%add3A_71] : memref<320000xi32, #tpu.memory_space<hbm>> -> memref<1000xi32, #tpu.memory_space<hbm>>
    %dma_start3A_77 = arith.constant 0 : i32
    %dma_start3A_78 = tpu.memref_slice %arg6[%dma_start3A_72, %dma_start3A_77] : memref<10x1000xi32, #tpu.memory_space<vmem>> -> memref<1x1000xi32, #tpu.memory_space<vmem>>
    %dma_start3A_79 = tpu.memref_squeeze %dma_start3A_78 : memref<1x1000xi32, #tpu.memory_space<vmem>> -> memref<1000xi32, #tpu.memory_space<vmem>>
    %dma_start3A_80 = tpu.memref_slice %arg3[%add3A_71] : memref<320000xi32, #tpu.memory_space<hbm>> -> memref<1000xi32, #tpu.memory_space<hbm>>
    tpu.enqueue_dma source(%dma_start3A_80 : memref<1000xi32, #tpu.memory_space<hbm>>) target(%dma_start3A_79 : memref<1000xi32, #tpu.memory_space<vmem>>) target_semaphore(%arg10 : memref<!tpu.dma_semaphore, #tpu.memory_space<semaphore_mem>>)
    %add3A_81 = arith.constant 7000 : i32
    %add3A_82 = arith.addi %mul3A_4, %add3A_81 : i32
    %dma_start3A_83 = arith.constant 7 : i32
    %dma_start3A_84 = arith.constant 0 : i32
    %dma_start3A_85 = tpu.memref_slice %arg6[%dma_start3A_83, %dma_start3A_84] : memref<10x1000xi32, #tpu.memory_space<vmem>> -> memref<1x1000xi32, #tpu.memory_space<vmem>>
    %dma_start3A_86 = tpu.memref_squeeze %dma_start3A_85 : memref<1x1000xi32, #tpu.memory_space<vmem>> -> memref<1000xi32, #tpu.memory_space<vmem>>
    %dma_start3A_87 = tpu.memref_slice %arg3[%add3A_82] : memref<320000xi32, #tpu.memory_space<hbm>> -> memref<1000xi32, #tpu.memory_space<hbm>>
    %dma_start3A_88 = arith.constant 0 : i32
    %dma_start3A_89 = tpu.memref_slice %arg6[%dma_start3A_83, %dma_start3A_88] : memref<10x1000xi32, #tpu.memory_space<vmem>> -> memref<1x1000xi32, #tpu.memory_space<vmem>>
    %dma_start3A_90 = tpu.memref_squeeze %dma_start3A_89 : memref<1x1000xi32, #tpu.memory_space<vmem>> -> memref<1000xi32, #tpu.memory_space<vmem>>
    %dma_start3A_91 = tpu.memref_slice %arg3[%add3A_82] : memref<320000xi32, #tpu.memory_space<hbm>> -> memref<1000xi32, #tpu.memory_space<hbm>>
    tpu.enqueue_dma source(%dma_start3A_91 : memref<1000xi32, #tpu.memory_space<hbm>>) target(%dma_start3A_90 : memref<1000xi32, #tpu.memory_space<vmem>>) target_semaphore(%arg10 : memref<!tpu.dma_semaphore, #tpu.memory_space<semaphore_mem>>)
    %add3A_92 = arith.constant 8000 : i32
    %add3A_93 = arith.addi %mul3A_4, %add3A_92 : i32
    %dma_start3A_94 = arith.constant 8 : i32
    %dma_start3A_95 = arith.constant 0 : i32
    %dma_start3A_96 = tpu.memref_slice %arg6[%dma_start3A_94, %dma_start3A_95] : memref<10x1000xi32, #tpu.memory_space<vmem>> -> memref<1x1000xi32, #tpu.memory_space<vmem>>
    %dma_start3A_97 = tpu.memref_squeeze %dma_start3A_96 : memref<1x1000xi32, #tpu.memory_space<vmem>> -> memref<1000xi32, #tpu.memory_space<vmem>>
    %dma_start3A_98 = tpu.memref_slice %arg3[%add3A_93] : memref<320000xi32, #tpu.memory_space<hbm>> -> memref<1000xi32, #tpu.memory_space<hbm>>
    %dma_start3A_99 = arith.constant 0 : i32
    %dma_start3A_100 = tpu.memref_slice %arg6[%dma_start3A_94, %dma_start3A_99] : memref<10x1000xi32, #tpu.memory_space<vmem>> -> memref<1x1000xi32, #tpu.memory_space<vmem>>
    %dma_start3A_101 = tpu.memref_squeeze %dma_start3A_100 : memref<1x1000xi32, #tpu.memory_space<vmem>> -> memref<1000xi32, #tpu.memory_space<vmem>>
    %dma_start3A_102 = tpu.memref_slice %arg3[%add3A_93] : memref<320000xi32, #tpu.memory_space<hbm>> -> memref<1000xi32, #tpu.memory_space<hbm>>
    tpu.enqueue_dma source(%dma_start3A_102 : memref<1000xi32, #tpu.memory_space<hbm>>) target(%dma_start3A_101 : memref<1000xi32, #tpu.memory_space<vmem>>) target_semaphore(%arg10 : memref<!tpu.dma_semaphore, #tpu.memory_space<semaphore_mem>>)
    %add3A_103 = arith.constant 9000 : i32
    %add3A_104 = arith.addi %mul3A_4, %add3A_103 : i32
    %dma_start3A_105 = arith.constant 9 : i32
    %dma_start3A_106 = arith.constant 0 : i32
    %dma_start3A_107 = tpu.memref_slice %arg6[%dma_start3A_105, %dma_start3A_106] : memref<10x1000xi32, #tpu.memory_space<vmem>> -> memref<1x1000xi32, #tpu.memory_space<vmem>>
    %dma_start3A_108 = tpu.memref_squeeze %dma_start3A_107 : memref<1x1000xi32, #tpu.memory_space<vmem>> -> memref<1000xi32, #tpu.memory_space<vmem>>
    %dma_start3A_109 = tpu.memref_slice %arg3[%add3A_104] : memref<320000xi32, #tpu.memory_space<hbm>> -> memref<1000xi32, #tpu.memory_space<hbm>>
    %dma_start3A_110 = arith.constant 0 : i32
    %dma_start3A_111 = tpu.memref_slice %arg6[%dma_start3A_105, %dma_start3A_110] : memref<10x1000xi32, #tpu.memory_space<vmem>> -> memref<1x1000xi32, #tpu.memory_space<vmem>>
    %dma_start3A_112 = tpu.memref_squeeze %dma_start3A_111 : memref<1x1000xi32, #tpu.memory_space<vmem>> -> memref<1000xi32, #tpu.memory_space<vmem>>
    %dma_start3A_113 = tpu.memref_slice %arg3[%add3A_104] : memref<320000xi32, #tpu.memory_space<hbm>> -> memref<1000xi32, #tpu.memory_space<hbm>>
    tpu.enqueue_dma source(%dma_start3A_113 : memref<1000xi32, #tpu.memory_space<hbm>>) target(%dma_start3A_112 : memref<1000xi32, #tpu.memory_space<vmem>>) target_semaphore(%arg10 : memref<!tpu.dma_semaphore, #tpu.memory_space<semaphore_mem>>)
    %dma_wait3A = arith.constant 0 : i32
    %dma_wait3A_114 = arith.constant 0 : i32
    %dma_wait3A_115 = tpu.memref_slice %arg6[%dma_wait3A, %dma_wait3A_114] : memref<10x1000xi32, #tpu.memory_space<vmem>> -> memref<1x1000xi32, #tpu.memory_space<vmem>>
    %dma_wait3A_116 = tpu.memref_squeeze %dma_wait3A_115 : memref<1x1000xi32, #tpu.memory_space<vmem>> -> memref<1000xi32, #tpu.memory_space<vmem>>
    %dma_wait3A_117 = tpu.memref_slice %arg3[%add3A_6] : memref<320000xi32, #tpu.memory_space<hbm>> -> memref<1000xi32, #tpu.memory_space<hbm>>
    %dma_wait3A_118 = arith.constant 0 : i32
    %dma_wait3A_119 = tpu.memref_slice %arg6[%dma_wait3A, %dma_wait3A_118] : memref<10x1000xi32, #tpu.memory_space<vmem>> -> memref<1x1000xi32, #tpu.memory_space<vmem>>
    %dma_wait3A_120 = tpu.memref_squeeze %dma_wait3A_119 : memref<1x1000xi32, #tpu.memory_space<vmem>> -> memref<1000xi32, #tpu.memory_space<vmem>>
    %dma_wait3A_121 = tpu.memref_slice %arg3[%add3A_6] : memref<320000xi32, #tpu.memory_space<hbm>> -> memref<1000xi32, #tpu.memory_space<hbm>>
    tpu.wait_dma2 semaphore(%arg10 : memref<!tpu.dma_semaphore, #tpu.memory_space<semaphore_mem>>) src(%dma_wait3A_121 : memref<1000xi32, #tpu.memory_space<hbm>>) dst(%dma_wait3A_120 : memref<1000xi32, #tpu.memory_space<vmem>>)
    %dma_wait3A_122 = arith.constant 1 : i32
    %dma_wait3A_123 = arith.constant 0 : i32
    %dma_wait3A_124 = tpu.memref_slice %arg6[%dma_wait3A_122, %dma_wait3A_123] : memref<10x1000xi32, #tpu.memory_space<vmem>> -> memref<1x1000xi32, #tpu.memory_space<vmem>>
    %dma_wait3A_125 = tpu.memref_squeeze %dma_wait3A_124 : memref<1x1000xi32, #tpu.memory_space<vmem>> -> memref<1000xi32, #tpu.memory_space<vmem>>
    %dma_wait3A_126 = tpu.memref_slice %arg3[%add3A_16] : memref<320000xi32, #tpu.memory_space<hbm>> -> memref<1000xi32, #tpu.memory_space<hbm>>
    %dma_wait3A_127 = arith.constant 0 : i32
    %dma_wait3A_128 = tpu.memref_slice %arg6[%dma_wait3A_122, %dma_wait3A_127] : memref<10x1000xi32, #tpu.memory_space<vmem>> -> memref<1x1000xi32, #tpu.memory_space<vmem>>
    %dma_wait3A_129 = tpu.memref_squeeze %dma_wait3A_128 : memref<1x1000xi32, #tpu.memory_space<vmem>> -> memref<1000xi32, #tpu.memory_space<vmem>>
    %dma_wait3A_130 = tpu.memref_slice %arg3[%add3A_16] : memref<320000xi32, #tpu.memory_space<hbm>> -> memref<1000xi32, #tpu.memory_space<hbm>>
    tpu.wait_dma2 semaphore(%arg10 : memref<!tpu.dma_semaphore, #tpu.memory_space<semaphore_mem>>) src(%dma_wait3A_130 : memref<1000xi32, #tpu.memory_space<hbm>>) dst(%dma_wait3A_129 : memref<1000xi32, #tpu.memory_space<vmem>>)
    %dma_wait3A_131 = arith.constant 2 : i32
    %dma_wait3A_132 = arith.constant 0 : i32
    %dma_wait3A_133 = tpu.memref_slice %arg6[%dma_wait3A_131, %dma_wait3A_132] : memref<10x1000xi32, #tpu.memory_space<vmem>> -> memref<1x1000xi32, #tpu.memory_space<vmem>>
    %dma_wait3A_134 = tpu.memref_squeeze %dma_wait3A_133 : memref<1x1000xi32, #tpu.memory_space<vmem>> -> memref<1000xi32, #tpu.memory_space<vmem>>
    %dma_wait3A_135 = tpu.memref_slice %arg3[%add3A_27] : memref<320000xi32, #tpu.memory_space<hbm>> -> memref<1000xi32, #tpu.memory_space<hbm>>
    %dma_wait3A_136 = arith.constant 0 : i32
    %dma_wait3A_137 = tpu.memref_slice %arg6[%dma_wait3A_131, %dma_wait3A_136] : memref<10x1000xi32, #tpu.memory_space<vmem>> -> memref<1x1000xi32, #tpu.memory_space<vmem>>
    %dma_wait3A_138 = tpu.memref_squeeze %dma_wait3A_137 : memref<1x1000xi32, #tpu.memory_space<vmem>> -> memref<1000xi32, #tpu.memory_space<vmem>>
    %dma_wait3A_139 = tpu.memref_slice %arg3[%add3A_27] : memref<320000xi32, #tpu.memory_space<hbm>> -> memref<1000xi32, #tpu.memory_space<hbm>>
    tpu.wait_dma2 semaphore(%arg10 : memref<!tpu.dma_semaphore, #tpu.memory_space<semaphore_mem>>) src(%dma_wait3A_139 : memref<1000xi32, #tpu.memory_space<hbm>>) dst(%dma_wait3A_138 : memref<1000xi32, #tpu.memory_space<vmem>>)
    %dma_wait3A_140 = arith.constant 3 : i32
    %dma_wait3A_141 = arith.constant 0 : i32
    %dma_wait3A_142 = tpu.memref_slice %arg6[%dma_wait3A_140, %dma_wait3A_141] : memref<10x1000xi32, #tpu.memory_space<vmem>> -> memref<1x1000xi32, #tpu.memory_space<vmem>>
    %dma_wait3A_143 = tpu.memref_squeeze %dma_wait3A_142 : memref<1x1000xi32, #tpu.memory_space<vmem>> -> memref<1000xi32, #tpu.memory_space<vmem>>
    %dma_wait3A_144 = tpu.memref_slice %arg3[%add3A_38] : memref<320000xi32, #tpu.memory_space<hbm>> -> memref<1000xi32, #tpu.memory_space<hbm>>
    %dma_wait3A_145 = arith.constant 0 : i32
    %dma_wait3A_146 = tpu.memref_slice %arg6[%dma_wait3A_140, %dma_wait3A_145] : memref<10x1000xi32, #tpu.memory_space<vmem>> -> memref<1x1000xi32, #tpu.memory_space<vmem>>
    %dma_wait3A_147 = tpu.memref_squeeze %dma_wait3A_146 : memref<1x1000xi32, #tpu.memory_space<vmem>> -> memref<1000xi32, #tpu.memory_space<vmem>>
    %dma_wait3A_148 = tpu.memref_slice %arg3[%add3A_38] : memref<320000xi32, #tpu.memory_space<hbm>> -> memref<1000xi32, #tpu.memory_space<hbm>>
    tpu.wait_dma2 semaphore(%arg10 : memref<!tpu.dma_semaphore, #tpu.memory_space<semaphore_mem>>) src(%dma_wait3A_148 : memref<1000xi32, #tpu.memory_space<hbm>>) dst(%dma_wait3A_147 : memref<1000xi32, #tpu.memory_space<vmem>>)
    %dma_wait3A_149 = arith.constant 4 : i32
    %dma_wait3A_150 = arith.constant 0 : i32
    %dma_wait3A_151 = tpu.memref_slice %arg6[%dma_wait3A_149, %dma_wait3A_150] : memref<10x1000xi32, #tpu.memory_space<vmem>> -> memref<1x1000xi32, #tpu.memory_space<vmem>>
    %dma_wait3A_152 = tpu.memref_squeeze %dma_wait3A_151 : memref<1x1000xi32, #tpu.memory_space<vmem>> -> memref<1000xi32, #tpu.memory_space<vmem>>
    %dma_wait3A_153 = tpu.memref_slice %arg3[%add3A_49] : memref<320000xi32, #tpu.memory_space<hbm>> -> memref<1000xi32, #tpu.memory_space<hbm>>
    %dma_wait3A_154 = arith.constant 0 : i32
    %dma_wait3A_155 = tpu.memref_slice %arg6[%dma_wait3A_149, %dma_wait3A_154] : memref<10x1000xi32, #tpu.memory_space<vmem>> -> memref<1x1000xi32, #tpu.memory_space<vmem>>
    %dma_wait3A_156 = tpu.memref_squeeze %dma_wait3A_155 : memref<1x1000xi32, #tpu.memory_space<vmem>> -> memref<1000xi32, #tpu.memory_space<vmem>>
    %dma_wait3A_157 = tpu.memref_slice %arg3[%add3A_49] : memref<320000xi32, #tpu.memory_space<hbm>> -> memref<1000xi32, #tpu.memory_space<hbm>>
    tpu.wait_dma2 semaphore(%arg10 : memref<!tpu.dma_semaphore, #tpu.memory_space<semaphore_mem>>) src(%dma_wait3A_157 : memref<1000xi32, #tpu.memory_space<hbm>>) dst(%dma_wait3A_156 : memref<1000xi32, #tpu.memory_space<vmem>>)
    %dma_wait3A_158 = arith.constant 5 : i32
    %dma_wait3A_159 = arith.constant 0 : i32
    %dma_wait3A_160 = tpu.memref_slice %arg6[%dma_wait3A_158, %dma_wait3A_159] : memref<10x1000xi32, #tpu.memory_space<vmem>> -> memref<1x1000xi32, #tpu.memory_space<vmem>>
    %dma_wait3A_161 = tpu.memref_squeeze %dma_wait3A_160 : memref<1x1000xi32, #tpu.memory_space<vmem>> -> memref<1000xi32, #tpu.memory_space<vmem>>
    %dma_wait3A_162 = tpu.memref_slice %arg3[%add3A_60] : memref<320000xi32, #tpu.memory_space<hbm>> -> memref<1000xi32, #tpu.memory_space<hbm>>
    %dma_wait3A_163 = arith.constant 0 : i32
    %dma_wait3A_164 = tpu.memref_slice %arg6[%dma_wait3A_158, %dma_wait3A_163] : memref<10x1000xi32, #tpu.memory_space<vmem>> -> memref<1x1000xi32, #tpu.memory_space<vmem>>
    %dma_wait3A_165 = tpu.memref_squeeze %dma_wait3A_164 : memref<1x1000xi32, #tpu.memory_space<vmem>> -> memref<1000xi32, #tpu.memory_space<vmem>>
    %dma_wait3A_166 = tpu.memref_slice %arg3[%add3A_60] : memref<320000xi32, #tpu.memory_space<hbm>> -> memref<1000xi32, #tpu.memory_space<hbm>>
    tpu.wait_dma2 semaphore(%arg10 : memref<!tpu.dma_semaphore, #tpu.memory_space<semaphore_mem>>) src(%dma_wait3A_166 : memref<1000xi32, #tpu.memory_space<hbm>>) dst(%dma_wait3A_165 : memref<1000xi32, #tpu.memory_space<vmem>>)
    %dma_wait3A_167 = arith.constant 6 : i32
    %dma_wait3A_168 = arith.constant 0 : i32
    %dma_wait3A_169 = tpu.memref_slice %arg6[%dma_wait3A_167, %dma_wait3A_168] : memref<10x1000xi32, #tpu.memory_space<vmem>> -> memref<1x1000xi32, #tpu.memory_space<vmem>>
    %dma_wait3A_170 = tpu.memref_squeeze %dma_wait3A_169 : memref<1x1000xi32, #tpu.memory_space<vmem>> -> memref<1000xi32, #tpu.memory_space<vmem>>
    %dma_wait3A_171 = tpu.memref_slice %arg3[%add3A_71] : memref<320000xi32, #tpu.memory_space<hbm>> -> memref<1000xi32, #tpu.memory_space<hbm>>
    %dma_wait3A_172 = arith.constant 0 : i32
    %dma_wait3A_173 = tpu.memref_slice %arg6[%dma_wait3A_167, %dma_wait3A_172] : memref<10x1000xi32, #tpu.memory_space<vmem>> -> memref<1x1000xi32, #tpu.memory_space<vmem>>
    %dma_wait3A_174 = tpu.memref_squeeze %dma_wait3A_173 : memref<1x1000xi32, #tpu.memory_space<vmem>> -> memref<1000xi32, #tpu.memory_space<vmem>>
    %dma_wait3A_175 = tpu.memref_slice %arg3[%add3A_71] : memref<320000xi32, #tpu.memory_space<hbm>> -> memref<1000xi32, #tpu.memory_space<hbm>>
    tpu.wait_dma2 semaphore(%arg10 : memref<!tpu.dma_semaphore, #tpu.memory_space<semaphore_mem>>) src(%dma_wait3A_175 : memref<1000xi32, #tpu.memory_space<hbm>>) dst(%dma_wait3A_174 : memref<1000xi32, #tpu.memory_space<vmem>>)
    %dma_wait3A_176 = arith.constant 7 : i32
    %dma_wait3A_177 = arith.constant 0 : i32
    %dma_wait3A_178 = tpu.memref_slice %arg6[%dma_wait3A_176, %dma_wait3A_177] : memref<10x1000xi32, #tpu.memory_space<vmem>> -> memref<1x1000xi32, #tpu.memory_space<vmem>>
    %dma_wait3A_179 = tpu.memref_squeeze %dma_wait3A_178 : memref<1x1000xi32, #tpu.memory_space<vmem>> -> memref<1000xi32, #tpu.memory_space<vmem>>
    %dma_wait3A_180 = tpu.memref_slice %arg3[%add3A_82] : memref<320000xi32, #tpu.memory_space<hbm>> -> memref<1000xi32, #tpu.memory_space<hbm>>
    %dma_wait3A_181 = arith.constant 0 : i32
    %dma_wait3A_182 = tpu.memref_slice %arg6[%dma_wait3A_176, %dma_wait3A_181] : memref<10x1000xi32, #tpu.memory_space<vmem>> -> memref<1x1000xi32, #tpu.memory_space<vmem>>
    %dma_wait3A_183 = tpu.memref_squeeze %dma_wait3A_182 : memref<1x1000xi32, #tpu.memory_space<vmem>> -> memref<1000xi32, #tpu.memory_space<vmem>>
    %dma_wait3A_184 = tpu.memref_slice %arg3[%add3A_82] : memref<320000xi32, #tpu.memory_space<hbm>> -> memref<1000xi32, #tpu.memory_space<hbm>>
    tpu.wait_dma2 semaphore(%arg10 : memref<!tpu.dma_semaphore, #tpu.memory_space<semaphore_mem>>) src(%dma_wait3A_184 : memref<1000xi32, #tpu.memory_space<hbm>>) dst(%dma_wait3A_183 : memref<1000xi32, #tpu.memory_space<vmem>>)
    %dma_wait3A_185 = arith.constant 8 : i32
    %dma_wait3A_186 = arith.constant 0 : i32
    %dma_wait3A_187 = tpu.memref_slice %arg6[%dma_wait3A_185, %dma_wait3A_186] : memref<10x1000xi32, #tpu.memory_space<vmem>> -> memref<1x1000xi32, #tpu.memory_space<vmem>>
    %dma_wait3A_188 = tpu.memref_squeeze %dma_wait3A_187 : memref<1x1000xi32, #tpu.memory_space<vmem>> -> memref<1000xi32, #tpu.memory_space<vmem>>
    %dma_wait3A_189 = tpu.memref_slice %arg3[%add3A_93] : memref<320000xi32, #tpu.memory_space<hbm>> -> memref<1000xi32, #tpu.memory_space<hbm>>
    %dma_wait3A_190 = arith.constant 0 : i32
    %dma_wait3A_191 = tpu.memref_slice %arg6[%dma_wait3A_185, %dma_wait3A_190] : memref<10x1000xi32, #tpu.memory_space<vmem>> -> memref<1x1000xi32, #tpu.memory_space<vmem>>
    %dma_wait3A_192 = tpu.memref_squeeze %dma_wait3A_191 : memref<1x1000xi32, #tpu.memory_space<vmem>> -> memref<1000xi32, #tpu.memory_space<vmem>>
    %dma_wait3A_193 = tpu.memref_slice %arg3[%add3A_93] : memref<320000xi32, #tpu.memory_space<hbm>> -> memref<1000xi32, #tpu.memory_space<hbm>>
    tpu.wait_dma2 semaphore(%arg10 : memref<!tpu.dma_semaphore, #tpu.memory_space<semaphore_mem>>) src(%dma_wait3A_193 : memref<1000xi32, #tpu.memory_space<hbm>>) dst(%dma_wait3A_192 : memref<1000xi32, #tpu.memory_space<vmem>>)
    %dma_wait3A_194 = arith.constant 9 : i32
    %dma_wait3A_195 = arith.constant 0 : i32
    %dma_wait3A_196 = tpu.memref_slice %arg6[%dma_wait3A_194, %dma_wait3A_195] : memref<10x1000xi32, #tpu.memory_space<vmem>> -> memref<1x1000xi32, #tpu.memory_space<vmem>>
    %dma_wait3A_197 = tpu.memref_squeeze %dma_wait3A_196 : memref<1x1000xi32, #tpu.memory_space<vmem>> -> memref<1000xi32, #tpu.memory_space<vmem>>
    %dma_wait3A_198 = tpu.memref_slice %arg3[%add3A_104] : memref<320000xi32, #tpu.memory_space<hbm>> -> memref<1000xi32, #tpu.memory_space<hbm>>
    %dma_wait3A_199 = arith.constant 0 : i32
    %dma_wait3A_200 = tpu.memref_slice %arg6[%dma_wait3A_194, %dma_wait3A_199] : memref<10x1000xi32, #tpu.memory_space<vmem>> -> memref<1x1000xi32, #tpu.memory_space<vmem>>
    %dma_wait3A_201 = tpu.memref_squeeze %dma_wait3A_200 : memref<1x1000xi32, #tpu.memory_space<vmem>> -> memref<1000xi32, #tpu.memory_space<vmem>>
    %dma_wait3A_202 = tpu.memref_slice %arg3[%add3A_104] : memref<320000xi32, #tpu.memory_space<hbm>> -> memref<1000xi32, #tpu.memory_space<hbm>>
    tpu.wait_dma2 semaphore(%arg10 : memref<!tpu.dma_semaphore, #tpu.memory_space<semaphore_mem>>) src(%dma_wait3A_202 : memref<1000xi32, #tpu.memory_space<hbm>>) dst(%dma_wait3A_201 : memref<1000xi32, #tpu.memory_space<vmem>>)
    %barrier3A = arith.constant 0 : index
    tpu.barrier barrier_id(%barrier3A)
    %scan3A = arith.constant 0 : i32
    %scan3A_203 = arith.constant 5 : i32
    %scan3A_204 = arith.addi %scan3A, %scan3A_203 : i32
    %scan3A_205 = arith.constant 1 : i32
    scf.for %scan3A_219 = %scan3A to %scan3A_204 step %scan3A_205  : i32 {
      %mul3A_220 = arith.constant 1 : i32
      %mul3A_221 = arith.muli %scan3A_219, %mul3A_220 : i32
      %add3A_222 = arith.constant 0 : i32
      %add3A_223 = arith.addi %add3A_222, %mul3A_221 : i32
      %mul3A_224 = arith.constant 2 : i32
      %mul3A_225 = arith.muli %mul3A_224, %add3A_223 : i32
      %add3A_226 = arith.constant 0 : i32
      %add3A_227 = arith.addi %mul3A_225, %add3A_226 : i32
      %mul3A_228 = arith.constant 1000 : i32
      %mul3A_229 = arith.muli %add3A_227, %mul3A_228 : i32
      %multiple_of3A = tpu.assume_multiple %mul3A_229, 8 : i32
      %add3A_230 = arith.addi %mul3A_4, %multiple_of3A : i32
      %gt3A = arith.constant 0 : i32
      %gt3A_231 = arith.cmpi sgt, %add3A_223, %gt3A : i32
      %convert_element_type3A = arith.extui %gt3A_231 : i1 to i32
      %cond3A = arith.constant 0 : i32
      %cond3A_232 = arith.cmpi ne, %convert_element_type3A, %cond3A : i32
      scf.if %cond3A_232 {
        %dma_wait3A_274 = arith.constant 0 : i32
        %dma_wait3A_275 = tpu.memref_slice %arg2[%add3A_230, %dma_wait3A_274] : memref<320000x32xf32, #tpu.memory_space<hbm>> -> memref<1000x32xf32, #tpu.memory_space<hbm>>
        %dma_wait3A_276 = arith.constant 0 : i32
        %dma_wait3A_277 = tpu.memref_slice %arg2[%add3A_230, %dma_wait3A_276] : memref<320000x32xf32, #tpu.memory_space<hbm>> -> memref<1000x32xf32, #tpu.memory_space<hbm>>
        tpu.wait_dma2 semaphore(%arg12 : memref<!tpu.dma_semaphore, #tpu.memory_space<semaphore_mem>>) src(%dma_wait3A_277 : memref<1000x32xf32, #tpu.memory_space<hbm>>) dst(%arg7 : memref<1000x32xf32, #tpu.memory_space<vmem>>)
      } else {
      }
      %dma_start3A_233 = arith.constant 0 : i32
      %dma_start3A_234 = tpu.memref_slice %arg2[%add3A_230, %dma_start3A_233] : memref<320000x32xf32, #tpu.memory_space<hbm>> -> memref<1000x32xf32, #tpu.memory_space<hbm>>
      %dma_start3A_235 = arith.constant 0 : i32
      %dma_start3A_236 = tpu.memref_slice %arg2[%add3A_230, %dma_start3A_235] : memref<320000x32xf32, #tpu.memory_space<hbm>> -> memref<1000x32xf32, #tpu.memory_space<hbm>>
      tpu.enqueue_dma source(%dma_start3A_236 : memref<1000x32xf32, #tpu.memory_space<hbm>>) target(%arg7 : memref<1000x32xf32, #tpu.memory_space<vmem>>) target_semaphore(%arg10 : memref<!tpu.dma_semaphore, #tpu.memory_space<semaphore_mem>>)
      %dma_wait3A_237 = arith.constant 0 : i32
      %dma_wait3A_238 = tpu.memref_slice %arg2[%add3A_230, %dma_wait3A_237] : memref<320000x32xf32, #tpu.memory_space<hbm>> -> memref<1000x32xf32, #tpu.memory_space<hbm>>
      %dma_wait3A_239 = arith.constant 0 : i32
      %dma_wait3A_240 = tpu.memref_slice %arg2[%add3A_230, %dma_wait3A_239] : memref<320000x32xf32, #tpu.memory_space<hbm>> -> memref<1000x32xf32, #tpu.memory_space<hbm>>
      tpu.wait_dma2 semaphore(%arg10 : memref<!tpu.dma_semaphore, #tpu.memory_space<semaphore_mem>>) src(%dma_wait3A_240 : memref<1000x32xf32, #tpu.memory_space<hbm>>) dst(%arg7 : memref<1000x32xf32, #tpu.memory_space<vmem>>)
      %dma_start3A_241 = arith.constant 0 : i32
      %dma_start3A_242 = tpu.memref_slice %arg6[%add3A_227, %dma_start3A_241] : memref<10x1000xi32, #tpu.memory_space<vmem>> -> memref<1x1000xi32, #tpu.memory_space<vmem>>
      %dma_start3A_243 = tpu.memref_squeeze %dma_start3A_242 : memref<1x1000xi32, #tpu.memory_space<vmem>> -> memref<1000xi32, #tpu.memory_space<vmem>>
      %dma_start3A_244 = arith.constant 0 : i32
      %dma_start3A_245 = arith.constant 0 : i32
      %dma_start3A_246 = tpu.memref_slice %arg9[%dma_start3A_244, %dma_start3A_245] : memref<10000x32xf32, #tpu.memory_space<vmem_shared>> -> memref<10000x32xf32, #tpu.memory_space<vmem_shared>>
      tpu.enqueue_indirect_dma source(%arg7 : memref<1000x32xf32, #tpu.memory_space<vmem>>) target(%dma_start3A_246 : memref<10000x32xf32, #tpu.memory_space<vmem_shared>>) offsets(%dma_start3A_243 : memref<1000xi32, #tpu.memory_space<vmem>>) semaphore(%arg12 : memref<!tpu.dma_semaphore, #tpu.memory_space<semaphore_mem>>) {add = true}
      %mul3A_247 = arith.constant 2 : i32
      %mul3A_248 = arith.muli %mul3A_247, %add3A_223 : i32
      %add3A_249 = arith.constant 1 : i32
      %add3A_250 = arith.addi %mul3A_248, %add3A_249 : i32
      %mul3A_251 = arith.constant 1000 : i32
      %mul3A_252 = arith.muli %add3A_250, %mul3A_251 : i32
      %multiple_of3A_253 = tpu.assume_multiple %mul3A_252, 8 : i32
      %add3A_254 = arith.addi %mul3A_4, %multiple_of3A_253 : i32
      %gt3A_255 = arith.constant 0 : i32
      %gt3A_256 = arith.cmpi sgt, %add3A_223, %gt3A_255 : i32
      %convert_element_type3A_257 = arith.extui %gt3A_256 : i1 to i32
      %cond3A_258 = arith.constant 0 : i32
      %cond3A_259 = arith.cmpi ne, %convert_element_type3A_257, %cond3A_258 : i32
      scf.if %cond3A_259 {
        %dma_wait3A_274 = arith.constant 0 : i32
        %dma_wait3A_275 = tpu.memref_slice %arg2[%add3A_254, %dma_wait3A_274] : memref<320000x32xf32, #tpu.memory_space<hbm>> -> memref<1000x32xf32, #tpu.memory_space<hbm>>
        %dma_wait3A_276 = arith.constant 0 : i32
        %dma_wait3A_277 = tpu.memref_slice %arg2[%add3A_254, %dma_wait3A_276] : memref<320000x32xf32, #tpu.memory_space<hbm>> -> memref<1000x32xf32, #tpu.memory_space<hbm>>
        tpu.wait_dma2 semaphore(%arg13 : memref<!tpu.dma_semaphore, #tpu.memory_space<semaphore_mem>>) src(%dma_wait3A_277 : memref<1000x32xf32, #tpu.memory_space<hbm>>) dst(%arg8 : memref<1000x32xf32, #tpu.memory_space<vmem>>)
      } else {
      }
      %dma_start3A_260 = arith.constant 0 : i32
      %dma_start3A_261 = tpu.memref_slice %arg2[%add3A_254, %dma_start3A_260] : memref<320000x32xf32, #tpu.memory_space<hbm>> -> memref<1000x32xf32, #tpu.memory_space<hbm>>
      %dma_start3A_262 = arith.constant 0 : i32
      %dma_start3A_263 = tpu.memref_slice %arg2[%add3A_254, %dma_start3A_262] : memref<320000x32xf32, #tpu.memory_space<hbm>> -> memref<1000x32xf32, #tpu.memory_space<hbm>>
      tpu.enqueue_dma source(%dma_start3A_263 : memref<1000x32xf32, #tpu.memory_space<hbm>>) target(%arg8 : memref<1000x32xf32, #tpu.memory_space<vmem>>) target_semaphore(%arg11 : memref<!tpu.dma_semaphore, #tpu.memory_space<semaphore_mem>>)
      %dma_wait3A_264 = arith.constant 0 : i32
      %dma_wait3A_265 = tpu.memref_slice %arg2[%add3A_254, %dma_wait3A_264] : memref<320000x32xf32, #tpu.memory_space<hbm>> -> memref<1000x32xf32, #tpu.memory_space<hbm>>
      %dma_wait3A_266 = arith.constant 0 : i32
      %dma_wait3A_267 = tpu.memref_slice %arg2[%add3A_254, %dma_wait3A_266] : memref<320000x32xf32, #tpu.memory_space<hbm>> -> memref<1000x32xf32, #tpu.memory_space<hbm>>
      tpu.wait_dma2 semaphore(%arg11 : memref<!tpu.dma_semaphore, #tpu.memory_space<semaphore_mem>>) src(%dma_wait3A_267 : memref<1000x32xf32, #tpu.memory_space<hbm>>) dst(%arg8 : memref<1000x32xf32, #tpu.memory_space<vmem>>)
      %dma_start3A_268 = arith.constant 0 : i32
      %dma_start3A_269 = tpu.memref_slice %arg6[%add3A_250, %dma_start3A_268] : memref<10x1000xi32, #tpu.memory_space<vmem>> -> memref<1x1000xi32, #tpu.memory_space<vmem>>
      %dma_start3A_270 = tpu.memref_squeeze %dma_start3A_269 : memref<1x1000xi32, #tpu.memory_space<vmem>> -> memref<1000xi32, #tpu.memory_space<vmem>>
      %dma_start3A_271 = arith.constant 0 : i32
      %dma_start3A_272 = arith.constant 0 : i32
      %dma_start3A_273 = tpu.memref_slice %arg9[%dma_start3A_271, %dma_start3A_272] : memref<10000x32xf32, #tpu.memory_space<vmem_shared>> -> memref<10000x32xf32, #tpu.memory_space<vmem_shared>>
      tpu.enqueue_indirect_dma source(%arg8 : memref<1000x32xf32, #tpu.memory_space<vmem>>) target(%dma_start3A_273 : memref<10000x32xf32, #tpu.memory_space<vmem_shared>>) offsets(%dma_start3A_270 : memref<1000xi32, #tpu.memory_space<vmem>>) semaphore(%arg13 : memref<!tpu.dma_semaphore, #tpu.memory_space<semaphore_mem>>) {add = true}
    }
    %scan3A_206 = arith.constant 5 : i32
    %dma_wait3A_207 = arith.constant 0 : i32
    %dma_wait3A_208 = tpu.memref_slice %arg2[%mul3A_4, %dma_wait3A_207] : memref<320000x32xf32, #tpu.memory_space<hbm>> -> memref<1000x32xf32, #tpu.memory_space<hbm>>
    %dma_wait3A_209 = arith.constant 0 : i32
    %dma_wait3A_210 = tpu.memref_slice %arg2[%mul3A_4, %dma_wait3A_209] : memref<320000x32xf32, #tpu.memory_space<hbm>> -> memref<1000x32xf32, #tpu.memory_space<hbm>>
    tpu.wait_dma2 semaphore(%arg12 : memref<!tpu.dma_semaphore, #tpu.memory_space<semaphore_mem>>) src(%dma_wait3A_210 : memref<1000x32xf32, #tpu.memory_space<hbm>>) dst(%arg7 : memref<1000x32xf32, #tpu.memory_space<vmem>>)
    %dma_wait3A_211 = arith.constant 0 : i32
    %dma_wait3A_212 = tpu.memref_slice %arg2[%mul3A_4, %dma_wait3A_211] : memref<320000x32xf32, #tpu.memory_space<hbm>> -> memref<1000x32xf32, #tpu.memory_space<hbm>>
    %dma_wait3A_213 = arith.constant 0 : i32
    %dma_wait3A_214 = tpu.memref_slice %arg2[%mul3A_4, %dma_wait3A_213] : memref<320000x32xf32, #tpu.memory_space<hbm>> -> memref<1000x32xf32, #tpu.memory_space<hbm>>
    tpu.wait_dma2 semaphore(%arg13 : memref<!tpu.dma_semaphore, #tpu.memory_space<semaphore_mem>>) src(%dma_wait3A_214 : memref<1000x32xf32, #tpu.memory_space<hbm>>) dst(%arg8 : memref<1000x32xf32, #tpu.memory_space<vmem>>)
    %barrier3A_215 = arith.constant 0 : index
    tpu.barrier barrier_id(%barrier3A_215)
    %mul3A_216 = arith.constant 10000 : i32
    %mul3A_217 = arith.muli %arg0, %mul3A_216 : i32
    %add3A_218 = arith.addi %mul3A_217, %mul3A_2 : i32
    "tpu.region"() ({
      %run_scoped3A = tpu.sem_alloc : memref<!tpu.dma_semaphore, #tpu.memory_space<semaphore_mem>>
      %dma_start3A_219 = arith.constant 0 : i32
      %dma_start3A_220 = tpu.memref_slice %arg5[%add3A_218, %dma_start3A_219] : memref<20000x32xf32, #tpu.memory_space<hbm>> -> memref<625x32xf32, #tpu.memory_space<hbm>>
      %dma_start3A_221 = arith.constant 0 : i32
      %dma_start3A_222 = tpu.memref_slice %arg9[%mul3A_2, %dma_start3A_221] : memref<10000x32xf32, #tpu.memory_space<vmem_shared>> -> memref<625x32xf32, #tpu.memory_space<vmem_shared>>
      tpu.enqueue_dma source(%dma_start3A_222 : memref<625x32xf32, #tpu.memory_space<vmem_shared>>) target(%dma_start3A_220 : memref<625x32xf32, #tpu.memory_space<hbm>>) target_semaphore(%run_scoped3A : memref<!tpu.dma_semaphore, #tpu.memory_space<semaphore_mem>>)
      %dma_wait3A_223 = arith.constant 0 : i32
      %dma_wait3A_224 = tpu.memref_slice %arg5[%add3A_218, %dma_wait3A_223] : memref<20000x32xf32, #tpu.memory_space<hbm>> -> memref<625x32xf32, #tpu.memory_space<hbm>>
      %dma_wait3A_225 = arith.constant 0 : i32
      %dma_wait3A_226 = tpu.memref_slice %arg9[%mul3A_2, %dma_wait3A_225] : memref<10000x32xf32, #tpu.memory_space<vmem_shared>> -> memref<625x32xf32, #tpu.memory_space<vmem_shared>>
      tpu.wait_dma2 semaphore(%run_scoped3A : memref<!tpu.dma_semaphore, #tpu.memory_space<semaphore_mem>>) src(%dma_wait3A_226 : memref<625x32xf32, #tpu.memory_space<vmem_shared>>) dst(%dma_wait3A_224 : memref<625x32xf32, #tpu.memory_space<hbm>>)
      tpu.yield
    }) : () -> ()
    return
  }
}

module attributes {stable_mosaic.version = 14 : i64} {
  func.func @_node_encode_kernel(%arg0: i32, %arg1: memref<2000x128xf32, #tpu.memory_space<vmem>>, %arg2: memref<128x32xf32, #tpu.memory_space<vmem>>, %arg3: memref<1x32xf32, #tpu.memory_space<vmem>>, %arg4: memref<32x32xf32, #tpu.memory_space<vmem>>, %arg5: memref<1x32xf32, #tpu.memory_space<vmem>>, %arg6: memref<32x32xf32, #tpu.memory_space<vmem>>, %arg7: memref<1x32xf32, #tpu.memory_space<vmem>>, %arg8: memref<32x32xf32, #tpu.memory_space<vmem>>, %arg9: memref<32x32xf32, #tpu.memory_space<vmem>>, %arg10: memref<2000x32xf32, #tpu.memory_space<vmem>>, %arg11: memref<2000x32xf32, #tpu.memory_space<vmem>>, %arg12: memref<2000x32xf32, #tpu.memory_space<vmem>>) attributes {dimension_semantics = [#tpu.dimension_semantics<arbitrary>], iteration_bounds = array<i64: 5>, scalar_prefetch = 0 : i64, scratch_operands = 0 : i64, tpu.core_type = #tpu.core_type<tc>, window_params = [{transform_indices = @transform_0, window_bounds = array<i64: 2000, 128>}, {pipeline_mode = #tpu.pipeline_mode<synchronous>, transform_indices = @transform_1, window_bounds = array<i64: 128, 32>}, {pipeline_mode = #tpu.pipeline_mode<synchronous>, transform_indices = @transform_2, window_bounds = array<i64: 1, 32>}, {pipeline_mode = #tpu.pipeline_mode<synchronous>, transform_indices = @transform_3, window_bounds = array<i64: 32, 32>}, {pipeline_mode = #tpu.pipeline_mode<synchronous>, transform_indices = @transform_4, window_bounds = array<i64: 1, 32>}, {pipeline_mode = #tpu.pipeline_mode<synchronous>, transform_indices = @transform_5, window_bounds = array<i64: 32, 32>}, {pipeline_mode = #tpu.pipeline_mode<synchronous>, transform_indices = @transform_6, window_bounds = array<i64: 1, 32>}, {pipeline_mode = #tpu.pipeline_mode<synchronous>, transform_indices = @transform_7, window_bounds = array<i64: 32, 32>}, {pipeline_mode = #tpu.pipeline_mode<synchronous>, transform_indices = @transform_8, window_bounds = array<i64: 32, 32>}, {transform_indices = @transform_9, window_bounds = array<i64: 2000, 32>}, {transform_indices = @transform_10, window_bounds = array<i64: 2000, 32>}, {transform_indices = @transform_11, window_bounds = array<i64: 2000, 32>}]} {
    %get3A = arith.constant 0 : index
    %get3A_0 = arith.constant 0 : index
    %get3A_1 = vector.load %arg1[%get3A, %get3A_0] : memref<2000x128xf32, #tpu.memory_space<vmem>>, vector<2000x128xf32>
    %get3A_2 = arith.constant 0 : index
    %get3A_3 = arith.constant 0 : index
    %get3A_4 = vector.load %arg2[%get3A_2, %get3A_3] : memref<128x32xf32, #tpu.memory_space<vmem>>, vector<128x32xf32>
    %get3A_5 = arith.constant 0 : index
    %get3A_6 = arith.constant 0 : index
    %get3A_7 = vector.load %arg3[%get3A_5, %get3A_6] : memref<1x32xf32, #tpu.memory_space<vmem>>, vector<1x32xf32>
    %get3A_8 = arith.constant 0 : index
    %get3A_9 = arith.constant 0 : index
    %get3A_10 = vector.load %arg4[%get3A_8, %get3A_9] : memref<32x32xf32, #tpu.memory_space<vmem>>, vector<32x32xf32>
    %get3A_11 = arith.constant 0 : index
    %get3A_12 = arith.constant 0 : index
    %get3A_13 = vector.load %arg5[%get3A_11, %get3A_12] : memref<1x32xf32, #tpu.memory_space<vmem>>, vector<1x32xf32>
    %get3A_14 = arith.constant 0 : index
    %get3A_15 = arith.constant 0 : index
    %get3A_16 = vector.load %arg6[%get3A_14, %get3A_15] : memref<32x32xf32, #tpu.memory_space<vmem>>, vector<32x32xf32>
    %get3A_17 = arith.constant 0 : index
    %get3A_18 = arith.constant 0 : index
    %get3A_19 = vector.load %arg7[%get3A_17, %get3A_18] : memref<1x32xf32, #tpu.memory_space<vmem>>, vector<1x32xf32>
    %dot_general3A = arith.constant dense<0.000000e+00> : vector<2000x32xf32>
    %dot_general3A_20 = tpu.matmul %get3A_1, %get3A_4, %dot_general3A {dimension_numbers = #tpu.dot_dimension_numbers<[1], [0], [0], [1], [0, 0, 1, 1], [], []>, transpose_lhs_hint = false} : vector<2000x128xf32>, vector<128x32xf32>, vector<2000x32xf32> -> vector<2000x32xf32>
    %add3A = vector.broadcast %get3A_7 : vector<1x32xf32> to vector<2000x32xf32>
    %add3A_21 = arith.addf %dot_general3A_20, %add3A : vector<2000x32xf32>
    %max3A = arith.constant 0.000000e+00 : f32
    %max3A_22 = vector.broadcast %max3A : f32 to vector<2000x32xf32>
    %max3A_23 = arith.maximumf %add3A_21, %max3A_22 : vector<2000x32xf32>
    %dot_general3A_24 = arith.constant dense<0.000000e+00> : vector<2000x32xf32>
    %dot_general3A_25 = tpu.matmul %max3A_23, %get3A_10, %dot_general3A_24 {dimension_numbers = #tpu.dot_dimension_numbers<[1], [0], [0], [1], [0, 0, 1, 1], [], []>, transpose_lhs_hint = false} : vector<2000x32xf32>, vector<32x32xf32>, vector<2000x32xf32> -> vector<2000x32xf32>
    %add3A_26 = vector.broadcast %get3A_13 : vector<1x32xf32> to vector<2000x32xf32>
    %add3A_27 = arith.addf %dot_general3A_25, %add3A_26 : vector<2000x32xf32>
    %max3A_28 = arith.constant 0.000000e+00 : f32
    %max3A_29 = vector.broadcast %max3A_28 : f32 to vector<2000x32xf32>
    %max3A_30 = arith.maximumf %add3A_27, %max3A_29 : vector<2000x32xf32>
    %dot_general3A_31 = arith.constant dense<0.000000e+00> : vector<2000x32xf32>
    %dot_general3A_32 = tpu.matmul %max3A_30, %get3A_16, %dot_general3A_31 {dimension_numbers = #tpu.dot_dimension_numbers<[1], [0], [0], [1], [0, 0, 1, 1], [], []>, transpose_lhs_hint = false} : vector<2000x32xf32>, vector<32x32xf32>, vector<2000x32xf32> -> vector<2000x32xf32>
    %add3A_33 = vector.broadcast %get3A_19 : vector<1x32xf32> to vector<2000x32xf32>
    %add3A_34 = arith.addf %dot_general3A_32, %add3A_33 : vector<2000x32xf32>
    %swap3A = arith.constant 0 : index
    %swap3A_35 = arith.constant 0 : index
    %swap3A_36 = vector.load %arg10[%swap3A, %swap3A_35] : memref<2000x32xf32, #tpu.memory_space<vmem>>, vector<2000x32xf32>
    tpu.vector_store %arg10[%swap3A, %swap3A_35], %add3A_34 {strides = array<i32>} : memref<2000x32xf32, #tpu.memory_space<vmem>>, vector<2000x32xf32>,
    %get3A_37 = arith.constant 0 : index
    %get3A_38 = arith.constant 0 : index
    %get3A_39 = vector.load %arg8[%get3A_37, %get3A_38] : memref<32x32xf32, #tpu.memory_space<vmem>>, vector<32x32xf32>
    %dot_general3A_40 = arith.constant dense<0.000000e+00> : vector<2000x32xf32>
    %dot_general3A_41 = tpu.matmul %add3A_34, %get3A_39, %dot_general3A_40 {dimension_numbers = #tpu.dot_dimension_numbers<[1], [0], [0], [1], [0, 0, 1, 1], [], []>, transpose_lhs_hint = false} : vector<2000x32xf32>, vector<32x32xf32>, vector<2000x32xf32> -> vector<2000x32xf32>
    %swap3A_42 = arith.constant 0 : index
    %swap3A_43 = arith.constant 0 : index
    %swap3A_44 = vector.load %arg11[%swap3A_42, %swap3A_43] : memref<2000x32xf32, #tpu.memory_space<vmem>>, vector<2000x32xf32>
    tpu.vector_store %arg11[%swap3A_42, %swap3A_43], %dot_general3A_41 {strides = array<i32>} : memref<2000x32xf32, #tpu.memory_space<vmem>>, vector<2000x32xf32>,
    %get3A_45 = arith.constant 0 : index
    %get3A_46 = arith.constant 0 : index
    %get3A_47 = vector.load %arg9[%get3A_45, %get3A_46] : memref<32x32xf32, #tpu.memory_space<vmem>>, vector<32x32xf32>
    %dot_general3A_48 = arith.constant dense<0.000000e+00> : vector<2000x32xf32>
    %dot_general3A_49 = tpu.matmul %add3A_34, %get3A_47, %dot_general3A_48 {dimension_numbers = #tpu.dot_dimension_numbers<[1], [0], [0], [1], [0, 0, 1, 1], [], []>, transpose_lhs_hint = false} : vector<2000x32xf32>, vector<32x32xf32>, vector<2000x32xf32> -> vector<2000x32xf32>
    %swap3A_50 = arith.constant 0 : index
    %swap3A_51 = arith.constant 0 : index
    %swap3A_52 = vector.load %arg12[%swap3A_50, %swap3A_51] : memref<2000x32xf32, #tpu.memory_space<vmem>>, vector<2000x32xf32>
    tpu.vector_store %arg12[%swap3A_50, %swap3A_51], %dot_general3A_49 {strides = array<i32>} : memref<2000x32xf32, #tpu.memory_space<vmem>>, vector<2000x32xf32>,
    return
  }
  func.func @transform_0(%arg0: i32) -> (i32, i32) {
    %c0_i32 = arith.constant 0 : i32
    %c0_i32_0 = arith.constant 0 : i32
    return %arg0, %c0_i32 : i32, i32
  }
  func.func @transform_1(%arg0: i32) -> (i32, i32) {
    %c0_i32 = arith.constant 0 : i32
    %c0_i32_0 = arith.constant 0 : i32
    %c0_i32_1 = arith.constant 0 : i32
    return %c0_i32, %c0_i32_0 : i32, i32
  }
  func.func @transform_2(%arg0: i32) -> (i32, i32) {
    %c0_i32 = arith.constant 0 : i32
    %c0_i32_0 = arith.constant 0 : i32
    %c0_i32_1 = arith.constant 0 : i32
    return %c0_i32, %c0_i32_0 : i32, i32
  }
  func.func @transform_3(%arg0: i32) -> (i32, i32) {
    %c0_i32 = arith.constant 0 : i32
    %c0_i32_0 = arith.constant 0 : i32
    %c0_i32_1 = arith.constant 0 : i32
    return %c0_i32, %c0_i32_0 : i32, i32
  }
  func.func @transform_4(%arg0: i32) -> (i32, i32) {
    %c0_i32 = arith.constant 0 : i32
    %c0_i32_0 = arith.constant 0 : i32
    %c0_i32_1 = arith.constant 0 : i32
    return %c0_i32, %c0_i32_0 : i32, i32
  }
  func.func @transform_5(%arg0: i32) -> (i32, i32) {
    %c0_i32 = arith.constant 0 : i32
    %c0_i32_0 = arith.constant 0 : i32
    %c0_i32_1 = arith.constant 0 : i32
    return %c0_i32, %c0_i32_0 : i32, i32
  }
  func.func @transform_6(%arg0: i32) -> (i32, i32) {
    %c0_i32 = arith.constant 0 : i32
    %c0_i32_0 = arith.constant 0 : i32
    %c0_i32_1 = arith.constant 0 : i32
    return %c0_i32, %c0_i32_0 : i32, i32
  }
  func.func @transform_7(%arg0: i32) -> (i32, i32) {
    %c0_i32 = arith.constant 0 : i32
    %c0_i32_0 = arith.constant 0 : i32
    %c0_i32_1 = arith.constant 0 : i32
    return %c0_i32, %c0_i32_0 : i32, i32
  }
  func.func @transform_8(%arg0: i32) -> (i32, i32) {
    %c0_i32 = arith.constant 0 : i32
    %c0_i32_0 = arith.constant 0 : i32
    %c0_i32_1 = arith.constant 0 : i32
    return %c0_i32, %c0_i32_0 : i32, i32
  }
  func.func @transform_9(%arg0: i32) -> (i32, i32) {
    %c0_i32 = arith.constant 0 : i32
    %c0_i32_0 = arith.constant 0 : i32
    return %arg0, %c0_i32 : i32, i32
  }
  func.func @transform_10(%arg0: i32) -> (i32, i32) {
    %c0_i32 = arith.constant 0 : i32
    %c0_i32_0 = arith.constant 0 : i32
    return %arg0, %c0_i32 : i32, i32
  }
  func.func @transform_11(%arg0: i32) -> (i32, i32) {
    %c0_i32 = arith.constant 0 : i32
    %c0_i32_0 = arith.constant 0 : i32
    return %arg0, %c0_i32 : i32, i32
  }
}

module attributes {stable_mosaic.version = 14 : i64} {
  func.func @_edge_encode_kernel(%arg0: i32, %arg1: memref<2000x64xf32, #tpu.memory_space<vmem>>, %arg2: memref<64x128xf32, #tpu.memory_space<vmem>>, %arg3: memref<1x128xf32, #tpu.memory_space<vmem>>, %arg4: memref<128x128xf32, #tpu.memory_space<vmem>>, %arg5: memref<1x128xf32, #tpu.memory_space<vmem>>, %arg6: memref<128x128xf32, #tpu.memory_space<vmem>>, %arg7: memref<1x128xf32, #tpu.memory_space<vmem>>, %arg8: memref<2000x128xf32, #tpu.memory_space<vmem>>) attributes {dimension_semantics = [#tpu.dimension_semantics<arbitrary>], iteration_bounds = array<i64: 40>, scalar_prefetch = 0 : i64, scratch_operands = 0 : i64, tpu.core_type = #tpu.core_type<tc>, window_params = [{transform_indices = @transform_0, window_bounds = array<i64: 2000, 64>}, {pipeline_mode = #tpu.pipeline_mode<synchronous>, transform_indices = @transform_1, window_bounds = array<i64: 64, 128>}, {pipeline_mode = #tpu.pipeline_mode<synchronous>, transform_indices = @transform_2, window_bounds = array<i64: 1, 128>}, {pipeline_mode = #tpu.pipeline_mode<synchronous>, transform_indices = @transform_3, window_bounds = array<i64: 128, 128>}, {pipeline_mode = #tpu.pipeline_mode<synchronous>, transform_indices = @transform_4, window_bounds = array<i64: 1, 128>}, {pipeline_mode = #tpu.pipeline_mode<synchronous>, transform_indices = @transform_5, window_bounds = array<i64: 128, 128>}, {pipeline_mode = #tpu.pipeline_mode<synchronous>, transform_indices = @transform_6, window_bounds = array<i64: 1, 128>}, {transform_indices = @transform_7, window_bounds = array<i64: 2000, 128>}]} {
    %get3A = arith.constant 0 : index
    %get3A_0 = arith.constant 0 : index
    %get3A_1 = vector.load %arg1[%get3A, %get3A_0] : memref<2000x64xf32, #tpu.memory_space<vmem>>, vector<2000x64xf32>
    %get3A_2 = arith.constant 0 : index
    %get3A_3 = arith.constant 0 : index
    %get3A_4 = vector.load %arg2[%get3A_2, %get3A_3] : memref<64x128xf32, #tpu.memory_space<vmem>>, vector<64x128xf32>
    %get3A_5 = arith.constant 0 : index
    %get3A_6 = arith.constant 0 : index
    %get3A_7 = vector.load %arg3[%get3A_5, %get3A_6] : memref<1x128xf32, #tpu.memory_space<vmem>>, vector<1x128xf32>
    %get3A_8 = arith.constant 0 : index
    %get3A_9 = arith.constant 0 : index
    %get3A_10 = vector.load %arg4[%get3A_8, %get3A_9] : memref<128x128xf32, #tpu.memory_space<vmem>>, vector<128x128xf32>
    %get3A_11 = arith.constant 0 : index
    %get3A_12 = arith.constant 0 : index
    %get3A_13 = vector.load %arg5[%get3A_11, %get3A_12] : memref<1x128xf32, #tpu.memory_space<vmem>>, vector<1x128xf32>
    %get3A_14 = arith.constant 0 : index
    %get3A_15 = arith.constant 0 : index
    %get3A_16 = vector.load %arg6[%get3A_14, %get3A_15] : memref<128x128xf32, #tpu.memory_space<vmem>>, vector<128x128xf32>
    %get3A_17 = arith.constant 0 : index
    %get3A_18 = arith.constant 0 : index
    %get3A_19 = vector.load %arg7[%get3A_17, %get3A_18] : memref<1x128xf32, #tpu.memory_space<vmem>>, vector<1x128xf32>
    %dot_general3A = arith.constant dense<0.000000e+00> : vector<2000x128xf32>
    %dot_general3A_20 = tpu.matmul %get3A_1, %get3A_4, %dot_general3A {dimension_numbers = #tpu.dot_dimension_numbers<[1], [0], [0], [1], [0, 0, 1, 1], [], []>, transpose_lhs_hint = false} : vector<2000x64xf32>, vector<64x128xf32>, vector<2000x128xf32> -> vector<2000x128xf32>
    %add3A = vector.broadcast %get3A_7 : vector<1x128xf32> to vector<2000x128xf32>
    %add3A_21 = arith.addf %dot_general3A_20, %add3A : vector<2000x128xf32>
    %max3A = arith.constant 0.000000e+00 : f32
    %max3A_22 = vector.broadcast %max3A : f32 to vector<2000x128xf32>
    %max3A_23 = arith.maximumf %add3A_21, %max3A_22 : vector<2000x128xf32>
    %dot_general3A_24 = arith.constant dense<0.000000e+00> : vector<2000x128xf32>
    %dot_general3A_25 = tpu.matmul %max3A_23, %get3A_10, %dot_general3A_24 {dimension_numbers = #tpu.dot_dimension_numbers<[1], [0], [0], [1], [0, 0, 1, 1], [], []>, transpose_lhs_hint = false} : vector<2000x128xf32>, vector<128x128xf32>, vector<2000x128xf32> -> vector<2000x128xf32>
    %add3A_26 = vector.broadcast %get3A_13 : vector<1x128xf32> to vector<2000x128xf32>
    %add3A_27 = arith.addf %dot_general3A_25, %add3A_26 : vector<2000x128xf32>
    %max3A_28 = arith.constant 0.000000e+00 : f32
    %max3A_29 = vector.broadcast %max3A_28 : f32 to vector<2000x128xf32>
    %max3A_30 = arith.maximumf %add3A_27, %max3A_29 : vector<2000x128xf32>
    %dot_general3A_31 = arith.constant dense<0.000000e+00> : vector<2000x128xf32>
    %dot_general3A_32 = tpu.matmul %max3A_30, %get3A_16, %dot_general3A_31 {dimension_numbers = #tpu.dot_dimension_numbers<[1], [0], [0], [1], [0, 0, 1, 1], [], []>, transpose_lhs_hint = false} : vector<2000x128xf32>, vector<128x128xf32>, vector<2000x128xf32> -> vector<2000x128xf32>
    %add3A_33 = vector.broadcast %get3A_19 : vector<1x128xf32> to vector<2000x128xf32>
    %add3A_34 = arith.addf %dot_general3A_32, %add3A_33 : vector<2000x128xf32>
    %swap3A = arith.constant 0 : index
    %swap3A_35 = arith.constant 0 : index
    %swap3A_36 = vector.load %arg8[%swap3A, %swap3A_35] : memref<2000x128xf32, #tpu.memory_space<vmem>>, vector<2000x128xf32>
    tpu.vector_store %arg8[%swap3A, %swap3A_35], %add3A_34 {strides = array<i32>} : memref<2000x128xf32, #tpu.memory_space<vmem>>, vector<2000x128xf32>,
    return
  }
  func.func @transform_0(%arg0: i32) -> (i32, i32) {
    %c0_i32 = arith.constant 0 : i32
    %c0_i32_0 = arith.constant 0 : i32
    return %arg0, %c0_i32 : i32, i32
  }
  func.func @transform_1(%arg0: i32) -> (i32, i32) {
    %c0_i32 = arith.constant 0 : i32
    %c0_i32_0 = arith.constant 0 : i32
    %c0_i32_1 = arith.constant 0 : i32
    return %c0_i32, %c0_i32_0 : i32, i32
  }
  func.func @transform_2(%arg0: i32) -> (i32, i32) {
    %c0_i32 = arith.constant 0 : i32
    %c0_i32_0 = arith.constant 0 : i32
    %c0_i32_1 = arith.constant 0 : i32
    return %c0_i32, %c0_i32_0 : i32, i32
  }
  func.func @transform_3(%arg0: i32) -> (i32, i32) {
    %c0_i32 = arith.constant 0 : i32
    %c0_i32_0 = arith.constant 0 : i32
    %c0_i32_1 = arith.constant 0 : i32
    return %c0_i32, %c0_i32_0 : i32, i32
  }
  func.func @transform_4(%arg0: i32) -> (i32, i32) {
    %c0_i32 = arith.constant 0 : i32
    %c0_i32_0 = arith.constant 0 : i32
    %c0_i32_1 = arith.constant 0 : i32
    return %c0_i32, %c0_i32_0 : i32, i32
  }
  func.func @transform_5(%arg0: i32) -> (i32, i32) {
    %c0_i32 = arith.constant 0 : i32
    %c0_i32_0 = arith.constant 0 : i32
    %c0_i32_1 = arith.constant 0 : i32
    return %c0_i32, %c0_i32_0 : i32, i32
  }
  func.func @transform_6(%arg0: i32) -> (i32, i32) {
    %c0_i32 = arith.constant 0 : i32
    %c0_i32_0 = arith.constant 0 : i32
    %c0_i32_1 = arith.constant 0 : i32
    return %c0_i32, %c0_i32_0 : i32, i32
  }
  func.func @transform_7(%arg0: i32) -> (i32, i32) {
    %c0_i32 = arith.constant 0 : i32
    %c0_i32_0 = arith.constant 0 : i32
    return %arg0, %c0_i32 : i32, i32
  }
}

module attributes {stable_mosaic.version = 14 : i64} {
  func.func @_edge_update_kernel(%arg0: i32, %arg1: memref<2000x128xf32, #tpu.memory_space<vmem>>, %arg2: memref<2000x128xf32, #tpu.memory_space<vmem>>, %arg3: memref<2000x128xf32, #tpu.memory_space<vmem>>, %arg4: memref<128x128xf32, #tpu.memory_space<vmem>>, %arg5: memref<1x128xf32, #tpu.memory_space<vmem>>, %arg6: memref<128x128xf32, #tpu.memory_space<vmem>>, %arg7: memref<1x128xf32, #tpu.memory_space<vmem>>, %arg8: memref<128x128xf32, #tpu.memory_space<vmem>>, %arg9: memref<1x128xf32, #tpu.memory_space<vmem>>, %arg10: memref<2000x128xf32, #tpu.memory_space<vmem>>) attributes {dimension_semantics = [#tpu.dimension_semantics<arbitrary>], iteration_bounds = array<i64: 40>, scalar_prefetch = 0 : i64, scratch_operands = 0 : i64, tpu.core_type = #tpu.core_type<tc>, window_params = [{transform_indices = @transform_0, window_bounds = array<i64: 2000, 128>}, {transform_indices = @transform_1, window_bounds = array<i64: 2000, 128>}, {transform_indices = @transform_2, window_bounds = array<i64: 2000, 128>}, {pipeline_mode = #tpu.pipeline_mode<synchronous>, transform_indices = @transform_3, window_bounds = array<i64: 128, 128>}, {pipeline_mode = #tpu.pipeline_mode<synchronous>, transform_indices = @transform_4, window_bounds = array<i64: 1, 128>}, {pipeline_mode = #tpu.pipeline_mode<synchronous>, transform_indices = @transform_5, window_bounds = array<i64: 128, 128>}, {pipeline_mode = #tpu.pipeline_mode<synchronous>, transform_indices = @transform_6, window_bounds = array<i64: 1, 128>}, {pipeline_mode = #tpu.pipeline_mode<synchronous>, transform_indices = @transform_7, window_bounds = array<i64: 128, 128>}, {pipeline_mode = #tpu.pipeline_mode<synchronous>, transform_indices = @transform_8, window_bounds = array<i64: 1, 128>}, {transform_indices = @transform_9, window_bounds = array<i64: 2000, 128>}]} {
    %get3A = arith.constant 0 : index
    %get3A_0 = arith.constant 0 : index
    %get3A_1 = vector.load %arg1[%get3A, %get3A_0] : memref<2000x128xf32, #tpu.memory_space<vmem>>, vector<2000x128xf32>
    %get3A_2 = arith.constant 0 : index
    %get3A_3 = arith.constant 0 : index
    %get3A_4 = vector.load %arg4[%get3A_2, %get3A_3] : memref<128x128xf32, #tpu.memory_space<vmem>>, vector<128x128xf32>
    %get3A_5 = arith.constant 0 : index
    %get3A_6 = arith.constant 0 : index
    %get3A_7 = vector.load %arg5[%get3A_5, %get3A_6] : memref<1x128xf32, #tpu.memory_space<vmem>>, vector<1x128xf32>
    %get3A_8 = arith.constant 0 : index
    %get3A_9 = arith.constant 0 : index
    %get3A_10 = vector.load %arg6[%get3A_8, %get3A_9] : memref<128x128xf32, #tpu.memory_space<vmem>>, vector<128x128xf32>
    %get3A_11 = arith.constant 0 : index
    %get3A_12 = arith.constant 0 : index
    %get3A_13 = vector.load %arg7[%get3A_11, %get3A_12] : memref<1x128xf32, #tpu.memory_space<vmem>>, vector<1x128xf32>
    %get3A_14 = arith.constant 0 : index
    %get3A_15 = arith.constant 0 : index
    %get3A_16 = vector.load %arg8[%get3A_14, %get3A_15] : memref<128x128xf32, #tpu.memory_space<vmem>>, vector<128x128xf32>
    %get3A_17 = arith.constant 0 : index
    %get3A_18 = arith.constant 0 : index
    %get3A_19 = vector.load %arg9[%get3A_17, %get3A_18] : memref<1x128xf32, #tpu.memory_space<vmem>>, vector<1x128xf32>
    %get3A_20 = arith.constant 0 : index
    %get3A_21 = arith.constant 0 : index
    %get3A_22 = vector.load %arg2[%get3A_20, %get3A_21] : memref<2000x128xf32, #tpu.memory_space<vmem>>, vector<2000x128xf32>
    %get3A_23 = arith.constant 0 : index
    %get3A_24 = arith.constant 0 : index
    %get3A_25 = vector.load %arg3[%get3A_23, %get3A_24] : memref<2000x128xf32, #tpu.memory_space<vmem>>, vector<2000x128xf32>
    %add3A = arith.addf %get3A_22, %get3A_25 : vector<2000x128xf32>
    %dot_general3A = arith.constant dense<0.000000e+00> : vector<2000x128xf32>
    %dot_general3A_26 = tpu.matmul %get3A_1, %get3A_4, %dot_general3A {dimension_numbers = #tpu.dot_dimension_numbers<[1], [0], [0], [1], [0, 0, 1, 1], [], []>, transpose_lhs_hint = false} : vector<2000x128xf32>, vector<128x128xf32>, vector<2000x128xf32> -> vector<2000x128xf32>
    %add3A_27 = vector.broadcast %get3A_7 : vector<1x128xf32> to vector<2000x128xf32>
    %add3A_28 = arith.addf %dot_general3A_26, %add3A_27 : vector<2000x128xf32>
    %add3A_29 = arith.addf %add3A_28, %add3A : vector<2000x128xf32>
    %max3A = arith.constant 0.000000e+00 : f32
    %max3A_30 = vector.broadcast %max3A : f32 to vector<2000x128xf32>
    %max3A_31 = arith.maximumf %add3A_29, %max3A_30 : vector<2000x128xf32>
    %dot_general3A_32 = arith.constant dense<0.000000e+00> : vector<2000x128xf32>
    %dot_general3A_33 = tpu.matmul %max3A_31, %get3A_10, %dot_general3A_32 {dimension_numbers = #tpu.dot_dimension_numbers<[1], [0], [0], [1], [0, 0, 1, 1], [], []>, transpose_lhs_hint = false} : vector<2000x128xf32>, vector<128x128xf32>, vector<2000x128xf32> -> vector<2000x128xf32>
    %add3A_34 = vector.broadcast %get3A_13 : vector<1x128xf32> to vector<2000x128xf32>
    %add3A_35 = arith.addf %dot_general3A_33, %add3A_34 : vector<2000x128xf32>
    %max3A_36 = arith.constant 0.000000e+00 : f32
    %max3A_37 = vector.broadcast %max3A_36 : f32 to vector<2000x128xf32>
    %max3A_38 = arith.maximumf %add3A_35, %max3A_37 : vector<2000x128xf32>
    %dot_general3A_39 = arith.constant dense<0.000000e+00> : vector<2000x128xf32>
    %dot_general3A_40 = tpu.matmul %max3A_38, %get3A_16, %dot_general3A_39 {dimension_numbers = #tpu.dot_dimension_numbers<[1], [0], [0], [1], [0, 0, 1, 1], [], []>, transpose_lhs_hint = false} : vector<2000x128xf32>, vector<128x128xf32>, vector<2000x128xf32> -> vector<2000x128xf32>
    %add3A_41 = vector.broadcast %get3A_19 : vector<1x128xf32> to vector<2000x128xf32>
    %add3A_42 = arith.addf %dot_general3A_40, %add3A_41 : vector<2000x128xf32>
    %add3A_43 = arith.addf %add3A_42, %get3A_1 : vector<2000x128xf32>
    %mul3A = arith.constant 5.000000e-01 : f32
    %mul3A_44 = vector.broadcast %mul3A : f32 to vector<2000x128xf32>
    %mul3A_45 = arith.mulf %add3A_43, %mul3A_44 : vector<2000x128xf32>
    %swap3A = arith.constant 0 : index
    %swap3A_46 = arith.constant 0 : index
    %swap3A_47 = vector.load %arg10[%swap3A, %swap3A_46] : memref<2000x128xf32, #tpu.memory_space<vmem>>, vector<2000x128xf32>
    tpu.vector_store %arg10[%swap3A, %swap3A_46], %mul3A_45 {strides = array<i32>} : memref<2000x128xf32, #tpu.memory_space<vmem>>, vector<2000x128xf32>,
    return
  }
  func.func @transform_0(%arg0: i32) -> (i32, i32) {
    %c0_i32 = arith.constant 0 : i32
    %c0_i32_0 = arith.constant 0 : i32
    return %arg0, %c0_i32 : i32, i32
  }
  func.func @transform_1(%arg0: i32) -> (i32, i32) {
    %c0_i32 = arith.constant 0 : i32
    %c0_i32_0 = arith.constant 0 : i32
    return %arg0, %c0_i32 : i32, i32
  }
  func.func @transform_2(%arg0: i32) -> (i32, i32) {
    %c0_i32 = arith.constant 0 : i32
    %c0_i32_0 = arith.constant 0 : i32
    return %arg0, %c0_i32 : i32, i32
  }
  func.func @transform_3(%arg0: i32) -> (i32, i32) {
    %c0_i32 = arith.constant 0 : i32
    %c0_i32_0 = arith.constant 0 : i32
    %c0_i32_1 = arith.constant 0 : i32
    return %c0_i32, %c0_i32_0 : i32, i32
  }
  func.func @transform_4(%arg0: i32) -> (i32, i32) {
    %c0_i32 = arith.constant 0 : i32
    %c0_i32_0 = arith.constant 0 : i32
    %c0_i32_1 = arith.constant 0 : i32
    return %c0_i32, %c0_i32_0 : i32, i32
  }
  func.func @transform_5(%arg0: i32) -> (i32, i32) {
    %c0_i32 = arith.constant 0 : i32
    %c0_i32_0 = arith.constant 0 : i32
    %c0_i32_1 = arith.constant 0 : i32
    return %c0_i32, %c0_i32_0 : i32, i32
  }
  func.func @transform_6(%arg0: i32) -> (i32, i32) {
    %c0_i32 = arith.constant 0 : i32
    %c0_i32_0 = arith.constant 0 : i32
    %c0_i32_1 = arith.constant 0 : i32
    return %c0_i32, %c0_i32_0 : i32, i32
  }
  func.func @transform_7(%arg0: i32) -> (i32, i32) {
    %c0_i32 = arith.constant 0 : i32
    %c0_i32_0 = arith.constant 0 : i32
    %c0_i32_1 = arith.constant 0 : i32
    return %c0_i32, %c0_i32_0 : i32, i32
  }
  func.func @transform_8(%arg0: i32) -> (i32, i32) {
    %c0_i32 = arith.constant 0 : i32
    %c0_i32_0 = arith.constant 0 : i32
    %c0_i32_1 = arith.constant 0 : i32
    return %c0_i32, %c0_i32_0 : i32, i32
  }
  func.func @transform_9(%arg0: i32) -> (i32, i32) {
    %c0_i32 = arith.constant 0 : i32
    %c0_i32_0 = arith.constant 0 : i32
    return %arg0, %c0_i32 : i32, i32
  }
}

module attributes {stable_mosaic.version = 14 : i64} {
  func.func @_node_update_kernel(%arg0: i32, %arg1: memref<2000x32xf32, #tpu.memory_space<vmem>>, %arg2: memref<2000x32xf32, #tpu.memory_space<vmem>>, %arg3: memref<2000x32xf32, #tpu.memory_space<vmem>>, %arg4: memref<32x32xf32, #tpu.memory_space<vmem>>, %arg5: memref<32x32xf32, #tpu.memory_space<vmem>>, %arg6: memref<1x32xf32, #tpu.memory_space<vmem>>, %arg7: memref<32x32xf32, #tpu.memory_space<vmem>>, %arg8: memref<1x32xf32, #tpu.memory_space<vmem>>, %arg9: memref<32x32xf32, #tpu.memory_space<vmem>>, %arg10: memref<1x32xf32, #tpu.memory_space<vmem>>, %arg11: memref<32x32xf32, #tpu.memory_space<vmem>>, %arg12: memref<32x32xf32, #tpu.memory_space<vmem>>, %arg13: memref<2000x32xf32, #tpu.memory_space<vmem>>, %arg14: memref<2000x32xf32, #tpu.memory_space<vmem>>, %arg15: memref<2000x32xf32, #tpu.memory_space<vmem>>) attributes {dimension_semantics = [#tpu.dimension_semantics<arbitrary>], iteration_bounds = array<i64: 5>, scalar_prefetch = 0 : i64, scratch_operands = 0 : i64, tpu.core_type = #tpu.core_type<tc>, window_params = [{transform_indices = @transform_0, window_bounds = array<i64: 2000, 32>}, {transform_indices = @transform_1, window_bounds = array<i64: 2000, 32>}, {transform_indices = @transform_2, window_bounds = array<i64: 2000, 32>}, {pipeline_mode = #tpu.pipeline_mode<synchronous>, transform_indices = @transform_3, window_bounds = array<i64: 32, 32>}, {pipeline_mode = #tpu.pipeline_mode<synchronous>, transform_indices = @transform_4, window_bounds = array<i64: 32, 32>}, {pipeline_mode = #tpu.pipeline_mode<synchronous>, transform_indices = @transform_5, window_bounds = array<i64: 1, 32>}, {pipeline_mode = #tpu.pipeline_mode<synchronous>, transform_indices = @transform_6, window_bounds = array<i64: 32, 32>}, {pipeline_mode = #tpu.pipeline_mode<synchronous>, transform_indices = @transform_7, window_bounds = array<i64: 1, 32>}, {pipeline_mode = #tpu.pipeline_mode<synchronous>, transform_indices = @transform_8, window_bounds = array<i64: 32, 32>}, {pipeline_mode = #tpu.pipeline_mode<synchronous>, transform_indices = @transform_9, window_bounds = array<i64: 1, 32>}, {pipeline_mode = #tpu.pipeline_mode<synchronous>, transform_indices = @transform_10, window_bounds = array<i64: 32, 32>}, {pipeline_mode = #tpu.pipeline_mode<synchronous>, transform_indices = @transform_11, window_bounds = array<i64: 32, 32>}, {transform_indices = @transform_12, window_bounds = array<i64: 2000, 32>}, {transform_indices = @transform_13, window_bounds = array<i64: 2000, 32>}, {transform_indices = @transform_14, window_bounds = array<i64: 2000, 32>}]} {
    %get3A = arith.constant 0 : index
    %get3A_0 = arith.constant 0 : index
    %get3A_1 = vector.load %arg1[%get3A, %get3A_0] : memref<2000x32xf32, #tpu.memory_space<vmem>>, vector<2000x32xf32>
    %get3A_2 = arith.constant 0 : index
    %get3A_3 = arith.constant 0 : index
    %get3A_4 = vector.load %arg2[%get3A_2, %get3A_3] : memref<2000x32xf32, #tpu.memory_space<vmem>>, vector<2000x32xf32>
    %get3A_5 = arith.constant 0 : index
    %get3A_6 = arith.constant 0 : index
    %get3A_7 = vector.load %arg3[%get3A_5, %get3A_6] : memref<2000x32xf32, #tpu.memory_space<vmem>>, vector<2000x32xf32>
    %add3A = arith.addf %get3A_4, %get3A_7 : vector<2000x32xf32>
    %get3A_8 = arith.constant 0 : index
    %get3A_9 = arith.constant 0 : index
    %get3A_10 = vector.load %arg4[%get3A_8, %get3A_9] : memref<32x32xf32, #tpu.memory_space<vmem>>, vector<32x32xf32>
    %dot_general3A = arith.constant dense<0.000000e+00> : vector<2000x32xf32>
    %dot_general3A_11 = tpu.matmul %get3A_1, %get3A_10, %dot_general3A {dimension_numbers = #tpu.dot_dimension_numbers<[1], [0], [0], [1], [0, 0, 1, 1], [], []>, transpose_lhs_hint = false} : vector<2000x32xf32>, vector<32x32xf32>, vector<2000x32xf32> -> vector<2000x32xf32>
    %get3A_12 = arith.constant 0 : index
    %get3A_13 = arith.constant 0 : index
    %get3A_14 = vector.load %arg5[%get3A_12, %get3A_13] : memref<32x32xf32, #tpu.memory_space<vmem>>, vector<32x32xf32>
    %dot_general3A_15 = arith.constant dense<0.000000e+00> : vector<2000x32xf32>
    %dot_general3A_16 = tpu.matmul %add3A, %get3A_14, %dot_general3A_15 {dimension_numbers = #tpu.dot_dimension_numbers<[1], [0], [0], [1], [0, 0, 1, 1], [], []>, transpose_lhs_hint = false} : vector<2000x32xf32>, vector<32x32xf32>, vector<2000x32xf32> -> vector<2000x32xf32>
    %add3A_17 = arith.addf %dot_general3A_11, %dot_general3A_16 : vector<2000x32xf32>
    %get3A_18 = arith.constant 0 : index
    %get3A_19 = arith.constant 0 : index
    %get3A_20 = vector.load %arg6[%get3A_18, %get3A_19] : memref<1x32xf32, #tpu.memory_space<vmem>>, vector<1x32xf32>
    %add3A_21 = vector.broadcast %get3A_20 : vector<1x32xf32> to vector<2000x32xf32>
    %add3A_22 = arith.addf %add3A_17, %add3A_21 : vector<2000x32xf32>
    %max3A = arith.constant 0.000000e+00 : f32
    %max3A_23 = vector.broadcast %max3A : f32 to vector<2000x32xf32>
    %max3A_24 = arith.maximumf %add3A_22, %max3A_23 : vector<2000x32xf32>
    %get3A_25 = arith.constant 0 : index
    %get3A_26 = arith.constant 0 : index
    %get3A_27 = vector.load %arg7[%get3A_25, %get3A_26] : memref<32x32xf32, #tpu.memory_space<vmem>>, vector<32x32xf32>
    %dot_general3A_28 = arith.constant dense<0.000000e+00> : vector<2000x32xf32>
    %dot_general3A_29 = tpu.matmul %max3A_24, %get3A_27, %dot_general3A_28 {dimension_numbers = #tpu.dot_dimension_numbers<[1], [0], [0], [1], [0, 0, 1, 1], [], []>, transpose_lhs_hint = false} : vector<2000x32xf32>, vector<32x32xf32>, vector<2000x32xf32> -> vector<2000x32xf32>
    %get3A_30 = arith.constant 0 : index
    %get3A_31 = arith.constant 0 : index
    %get3A_32 = vector.load %arg8[%get3A_30, %get3A_31] : memref<1x32xf32, #tpu.memory_space<vmem>>, vector<1x32xf32>
    %add3A_33 = vector.broadcast %get3A_32 : vector<1x32xf32> to vector<2000x32xf32>
    %add3A_34 = arith.addf %dot_general3A_29, %add3A_33 : vector<2000x32xf32>
    %max3A_35 = arith.constant 0.000000e+00 : f32
    %max3A_36 = vector.broadcast %max3A_35 : f32 to vector<2000x32xf32>
    %max3A_37 = arith.maximumf %add3A_34, %max3A_36 : vector<2000x32xf32>
    %get3A_38 = arith.constant 0 : index
    %get3A_39 = arith.constant 0 : index
    %get3A_40 = vector.load %arg9[%get3A_38, %get3A_39] : memref<32x32xf32, #tpu.memory_space<vmem>>, vector<32x32xf32>
    %dot_general3A_41 = arith.constant dense<0.000000e+00> : vector<2000x32xf32>
    %dot_general3A_42 = tpu.matmul %max3A_37, %get3A_40, %dot_general3A_41 {dimension_numbers = #tpu.dot_dimension_numbers<[1], [0], [0], [1], [0, 0, 1, 1], [], []>, transpose_lhs_hint = false} : vector<2000x32xf32>, vector<32x32xf32>, vector<2000x32xf32> -> vector<2000x32xf32>
    %get3A_43 = arith.constant 0 : index
    %get3A_44 = arith.constant 0 : index
    %get3A_45 = vector.load %arg10[%get3A_43, %get3A_44] : memref<1x32xf32, #tpu.memory_space<vmem>>, vector<1x32xf32>
    %add3A_46 = vector.broadcast %get3A_45 : vector<1x32xf32> to vector<2000x32xf32>
    %add3A_47 = arith.addf %dot_general3A_42, %add3A_46 : vector<2000x32xf32>
    %add3A_48 = arith.addf %add3A_47, %get3A_1 : vector<2000x32xf32>
    %mul3A = arith.constant 5.000000e-01 : f32
    %mul3A_49 = vector.broadcast %mul3A : f32 to vector<2000x32xf32>
    %mul3A_50 = arith.mulf %add3A_48, %mul3A_49 : vector<2000x32xf32>
    %swap3A = arith.constant 0 : index
    %swap3A_51 = arith.constant 0 : index
    %swap3A_52 = vector.load %arg13[%swap3A, %swap3A_51] : memref<2000x32xf32, #tpu.memory_space<vmem>>, vector<2000x32xf32>
    tpu.vector_store %arg13[%swap3A, %swap3A_51], %mul3A_50 {strides = array<i32>} : memref<2000x32xf32, #tpu.memory_space<vmem>>, vector<2000x32xf32>,
    %get3A_53 = arith.constant 0 : index
    %get3A_54 = arith.constant 0 : index
    %get3A_55 = vector.load %arg11[%get3A_53, %get3A_54] : memref<32x32xf32, #tpu.memory_space<vmem>>, vector<32x32xf32>
    %dot_general3A_56 = arith.constant dense<0.000000e+00> : vector<2000x32xf32>
    %dot_general3A_57 = tpu.matmul %mul3A_50, %get3A_55, %dot_general3A_56 {dimension_numbers = #tpu.dot_dimension_numbers<[1], [0], [0], [1], [0, 0, 1, 1], [], []>, transpose_lhs_hint = false} : vector<2000x32xf32>, vector<32x32xf32>, vector<2000x32xf32> -> vector<2000x32xf32>
    %swap3A_58 = arith.constant 0 : index
    %swap3A_59 = arith.constant 0 : index
    %swap3A_60 = vector.load %arg14[%swap3A_58, %swap3A_59] : memref<2000x32xf32, #tpu.memory_space<vmem>>, vector<2000x32xf32>
    tpu.vector_store %arg14[%swap3A_58, %swap3A_59], %dot_general3A_57 {strides = array<i32>} : memref<2000x32xf32, #tpu.memory_space<vmem>>, vector<2000x32xf32>,
    %get3A_61 = arith.constant 0 : index
    %get3A_62 = arith.constant 0 : index
    %get3A_63 = vector.load %arg12[%get3A_61, %get3A_62] : memref<32x32xf32, #tpu.memory_space<vmem>>, vector<32x32xf32>
    %dot_general3A_64 = arith.constant dense<0.000000e+00> : vector<2000x32xf32>
    %dot_general3A_65 = tpu.matmul %mul3A_50, %get3A_63, %dot_general3A_64 {dimension_numbers = #tpu.dot_dimension_numbers<[1], [0], [0], [1], [0, 0, 1, 1], [], []>, transpose_lhs_hint = false} : vector<2000x32xf32>, vector<32x32xf32>, vector<2000x32xf32> -> vector<2000x32xf32>
    %swap3A_66 = arith.constant 0 : index
    %swap3A_67 = arith.constant 0 : index
    %swap3A_68 = vector.load %arg15[%swap3A_66, %swap3A_67] : memref<2000x32xf32, #tpu.memory_space<vmem>>, vector<2000x32xf32>
    tpu.vector_store %arg15[%swap3A_66, %swap3A_67], %dot_general3A_65 {strides = array<i32>} : memref<2000x32xf32, #tpu.memory_space<vmem>>, vector<2000x32xf32>,
    return
  }
  func.func @transform_0(%arg0: i32) -> (i32, i32) {
    %c0_i32 = arith.constant 0 : i32
    %c0_i32_0 = arith.constant 0 : i32
    return %arg0, %c0_i32 : i32, i32
  }
  func.func @transform_1(%arg0: i32) -> (i32, i32) {
    %c0_i32 = arith.constant 0 : i32
    %c0_i32_0 = arith.constant 0 : i32
    return %arg0, %c0_i32 : i32, i32
  }
  func.func @transform_2(%arg0: i32) -> (i32, i32) {
    %add3A = arith.constant 5 : i32
    %add3A_0 = arith.addi %arg0, %add3A : i32
    %c0_i32 = arith.constant 0 : i32
    %c0_i32_1 = arith.constant 0 : i32
    return %add3A_0, %c0_i32 : i32, i32
  }
  func.func @transform_3(%arg0: i32) -> (i32, i32) {
    %c0_i32 = arith.constant 0 : i32
    %c0_i32_0 = arith.constant 0 : i32
    %c0_i32_1 = arith.constant 0 : i32
    return %c0_i32, %c0_i32_0 : i32, i32
  }
  func.func @transform_4(%arg0: i32) -> (i32, i32) {
    %c0_i32 = arith.constant 0 : i32
    %c0_i32_0 = arith.constant 0 : i32
    %c0_i32_1 = arith.constant 0 : i32
    return %c0_i32, %c0_i32_0 : i32, i32
  }
  func.func @transform_5(%arg0: i32) -> (i32, i32) {
    %c0_i32 = arith.constant 0 : i32
    %c0_i32_0 = arith.constant 0 : i32
    %c0_i32_1 = arith.constant 0 : i32
    return %c0_i32, %c0_i32_0 : i32, i32
  }
  func.func @transform_6(%arg0: i32) -> (i32, i32) {
    %c0_i32 = arith.constant 0 : i32
    %c0_i32_0 = arith.constant 0 : i32
    %c0_i32_1 = arith.constant 0 : i32
    return %c0_i32, %c0_i32_0 : i32, i32
  }
  func.func @transform_7(%arg0: i32) -> (i32, i32) {
    %c0_i32 = arith.constant 0 : i32
    %c0_i32_0 = arith.constant 0 : i32
    %c0_i32_1 = arith.constant 0 : i32
    return %c0_i32, %c0_i32_0 : i32, i32
  }
  func.func @transform_8(%arg0: i32) -> (i32, i32) {
    %c0_i32 = arith.constant 0 : i32
    %c0_i32_0 = arith.constant 0 : i32
    %c0_i32_1 = arith.constant 0 : i32
    return %c0_i32, %c0_i32_0 : i32, i32
  }
  func.func @transform_9(%arg0: i32) -> (i32, i32) {
    %c0_i32 = arith.constant 0 : i32
    %c0_i32_0 = arith.constant 0 : i32
    %c0_i32_1 = arith.constant 0 : i32
    return %c0_i32, %c0_i32_0 : i32, i32
  }
  func.func @transform_10(%arg0: i32) -> (i32, i32) {
    %c0_i32 = arith.constant 0 : i32
    %c0_i32_0 = arith.constant 0 : i32
    %c0_i32_1 = arith.constant 0 : i32
    return %c0_i32, %c0_i32_0 : i32, i32
  }
  func.func @transform_11(%arg0: i32) -> (i32, i32) {
    %c0_i32 = arith.constant 0 : i32
    %c0_i32_0 = arith.constant 0 : i32
    %c0_i32_1 = arith.constant 0 : i32
    return %c0_i32, %c0_i32_0 : i32, i32
  }
  func.func @transform_12(%arg0: i32) -> (i32, i32) {
    %c0_i32 = arith.constant 0 : i32
    %c0_i32_0 = arith.constant 0 : i32
    return %arg0, %c0_i32 : i32, i32
  }
  func.func @transform_13(%arg0: i32) -> (i32, i32) {
    %c0_i32 = arith.constant 0 : i32
    %c0_i32_0 = arith.constant 0 : i32
    return %arg0, %c0_i32 : i32, i32
  }
  func.func @transform_14(%arg0: i32) -> (i32, i32) {
    %c0_i32 = arith.constant 0 : i32
    %c0_i32_0 = arith.constant 0 : i32
    return %arg0, %c0_i32 : i32, i32
  }
}

module attributes {stable_mosaic.version = 14 : i64} {
  func.func @_node_update_kernel(%arg0: i32, %arg1: memref<2000x32xf32, #tpu.memory_space<vmem>>, %arg2: memref<2000x32xf32, #tpu.memory_space<vmem>>, %arg3: memref<2000x32xf32, #tpu.memory_space<vmem>>, %arg4: memref<32x32xf32, #tpu.memory_space<vmem>>, %arg5: memref<32x32xf32, #tpu.memory_space<vmem>>, %arg6: memref<1x32xf32, #tpu.memory_space<vmem>>, %arg7: memref<32x32xf32, #tpu.memory_space<vmem>>, %arg8: memref<1x32xf32, #tpu.memory_space<vmem>>, %arg9: memref<32x32xf32, #tpu.memory_space<vmem>>, %arg10: memref<1x32xf32, #tpu.memory_space<vmem>>, %arg11: memref<32x32xf32, #tpu.memory_space<vmem>>, %arg12: memref<32x32xf32, #tpu.memory_space<vmem>>, %arg13: memref<2000x32xf32, #tpu.memory_space<vmem>>, %arg14: memref<2000x32xf32, #tpu.memory_space<vmem>>, %arg15: memref<2000x32xf32, #tpu.memory_space<vmem>>) attributes {dimension_semantics = [#tpu.dimension_semantics<arbitrary>], iteration_bounds = array<i64: 5>, scalar_prefetch = 0 : i64, scratch_operands = 0 : i64, tpu.core_type = #tpu.core_type<tc>, window_params = [{transform_indices = @transform_0, window_bounds = array<i64: 2000, 32>}, {transform_indices = @transform_1, window_bounds = array<i64: 2000, 32>}, {transform_indices = @transform_2, window_bounds = array<i64: 2000, 32>}, {pipeline_mode = #tpu.pipeline_mode<synchronous>, transform_indices = @transform_3, window_bounds = array<i64: 32, 32>}, {pipeline_mode = #tpu.pipeline_mode<synchronous>, transform_indices = @transform_4, window_bounds = array<i64: 32, 32>}, {pipeline_mode = #tpu.pipeline_mode<synchronous>, transform_indices = @transform_5, window_bounds = array<i64: 1, 32>}, {pipeline_mode = #tpu.pipeline_mode<synchronous>, transform_indices = @transform_6, window_bounds = array<i64: 32, 32>}, {pipeline_mode = #tpu.pipeline_mode<synchronous>, transform_indices = @transform_7, window_bounds = array<i64: 1, 32>}, {pipeline_mode = #tpu.pipeline_mode<synchronous>, transform_indices = @transform_8, window_bounds = array<i64: 32, 32>}, {pipeline_mode = #tpu.pipeline_mode<synchronous>, transform_indices = @transform_9, window_bounds = array<i64: 1, 32>}, {pipeline_mode = #tpu.pipeline_mode<synchronous>, transform_indices = @transform_10, window_bounds = array<i64: 32, 32>}, {pipeline_mode = #tpu.pipeline_mode<synchronous>, transform_indices = @transform_11, window_bounds = array<i64: 32, 32>}, {transform_indices = @transform_12, window_bounds = array<i64: 2000, 32>}, {transform_indices = @transform_13, window_bounds = array<i64: 2000, 32>}, {transform_indices = @transform_14, window_bounds = array<i64: 2000, 32>}]} {
    %get3A = arith.constant 0 : index
    %get3A_0 = arith.constant 0 : index
    %get3A_1 = vector.load %arg1[%get3A, %get3A_0] : memref<2000x32xf32, #tpu.memory_space<vmem>>, vector<2000x32xf32>
    %get3A_2 = arith.constant 0 : index
    %get3A_3 = arith.constant 0 : index
    %get3A_4 = vector.load %arg2[%get3A_2, %get3A_3] : memref<2000x32xf32, #tpu.memory_space<vmem>>, vector<2000x32xf32>
    %get3A_5 = arith.constant 0 : index
    %get3A_6 = arith.constant 0 : index
    %get3A_7 = vector.load %arg3[%get3A_5, %get3A_6] : memref<2000x32xf32, #tpu.memory_space<vmem>>, vector<2000x32xf32>
    %add3A = arith.addf %get3A_4, %get3A_7 : vector<2000x32xf32>
    %get3A_8 = arith.constant 0 : index
    %get3A_9 = arith.constant 0 : index
    %get3A_10 = vector.load %arg4[%get3A_8, %get3A_9] : memref<32x32xf32, #tpu.memory_space<vmem>>, vector<32x32xf32>
    %dot_general3A = arith.constant dense<0.000000e+00> : vector<2000x32xf32>
    %dot_general3A_11 = tpu.matmul %get3A_1, %get3A_10, %dot_general3A {dimension_numbers = #tpu.dot_dimension_numbers<[1], [0], [0], [1], [0, 0, 1, 1], [], []>, transpose_lhs_hint = false} : vector<2000x32xf32>, vector<32x32xf32>, vector<2000x32xf32> -> vector<2000x32xf32>
    %get3A_12 = arith.constant 0 : index
    %get3A_13 = arith.constant 0 : index
    %get3A_14 = vector.load %arg5[%get3A_12, %get3A_13] : memref<32x32xf32, #tpu.memory_space<vmem>>, vector<32x32xf32>
    %dot_general3A_15 = arith.constant dense<0.000000e+00> : vector<2000x32xf32>
    %dot_general3A_16 = tpu.matmul %add3A, %get3A_14, %dot_general3A_15 {dimension_numbers = #tpu.dot_dimension_numbers<[1], [0], [0], [1], [0, 0, 1, 1], [], []>, transpose_lhs_hint = false} : vector<2000x32xf32>, vector<32x32xf32>, vector<2000x32xf32> -> vector<2000x32xf32>
    %add3A_17 = arith.addf %dot_general3A_11, %dot_general3A_16 : vector<2000x32xf32>
    %get3A_18 = arith.constant 0 : index
    %get3A_19 = arith.constant 0 : index
    %get3A_20 = vector.load %arg6[%get3A_18, %get3A_19] : memref<1x32xf32, #tpu.memory_space<vmem>>, vector<1x32xf32>
    %add3A_21 = vector.broadcast %get3A_20 : vector<1x32xf32> to vector<2000x32xf32>
    %add3A_22 = arith.addf %add3A_17, %add3A_21 : vector<2000x32xf32>
    %max3A = arith.constant 0.000000e+00 : f32
    %max3A_23 = vector.broadcast %max3A : f32 to vector<2000x32xf32>
    %max3A_24 = arith.maximumf %add3A_22, %max3A_23 : vector<2000x32xf32>
    %get3A_25 = arith.constant 0 : index
    %get3A_26 = arith.constant 0 : index
    %get3A_27 = vector.load %arg7[%get3A_25, %get3A_26] : memref<32x32xf32, #tpu.memory_space<vmem>>, vector<32x32xf32>
    %dot_general3A_28 = arith.constant dense<0.000000e+00> : vector<2000x32xf32>
    %dot_general3A_29 = tpu.matmul %max3A_24, %get3A_27, %dot_general3A_28 {dimension_numbers = #tpu.dot_dimension_numbers<[1], [0], [0], [1], [0, 0, 1, 1], [], []>, transpose_lhs_hint = false} : vector<2000x32xf32>, vector<32x32xf32>, vector<2000x32xf32> -> vector<2000x32xf32>
    %get3A_30 = arith.constant 0 : index
    %get3A_31 = arith.constant 0 : index
    %get3A_32 = vector.load %arg8[%get3A_30, %get3A_31] : memref<1x32xf32, #tpu.memory_space<vmem>>, vector<1x32xf32>
    %add3A_33 = vector.broadcast %get3A_32 : vector<1x32xf32> to vector<2000x32xf32>
    %add3A_34 = arith.addf %dot_general3A_29, %add3A_33 : vector<2000x32xf32>
    %max3A_35 = arith.constant 0.000000e+00 : f32
    %max3A_36 = vector.broadcast %max3A_35 : f32 to vector<2000x32xf32>
    %max3A_37 = arith.maximumf %add3A_34, %max3A_36 : vector<2000x32xf32>
    %get3A_38 = arith.constant 0 : index
    %get3A_39 = arith.constant 0 : index
    %get3A_40 = vector.load %arg9[%get3A_38, %get3A_39] : memref<32x32xf32, #tpu.memory_space<vmem>>, vector<32x32xf32>
    %dot_general3A_41 = arith.constant dense<0.000000e+00> : vector<2000x32xf32>
    %dot_general3A_42 = tpu.matmul %max3A_37, %get3A_40, %dot_general3A_41 {dimension_numbers = #tpu.dot_dimension_numbers<[1], [0], [0], [1], [0, 0, 1, 1], [], []>, transpose_lhs_hint = false} : vector<2000x32xf32>, vector<32x32xf32>, vector<2000x32xf32> -> vector<2000x32xf32>
    %get3A_43 = arith.constant 0 : index
    %get3A_44 = arith.constant 0 : index
    %get3A_45 = vector.load %arg10[%get3A_43, %get3A_44] : memref<1x32xf32, #tpu.memory_space<vmem>>, vector<1x32xf32>
    %add3A_46 = vector.broadcast %get3A_45 : vector<1x32xf32> to vector<2000x32xf32>
    %add3A_47 = arith.addf %dot_general3A_42, %add3A_46 : vector<2000x32xf32>
    %add3A_48 = arith.addf %add3A_47, %get3A_1 : vector<2000x32xf32>
    %mul3A = arith.constant 5.000000e-01 : f32
    %mul3A_49 = vector.broadcast %mul3A : f32 to vector<2000x32xf32>
    %mul3A_50 = arith.mulf %add3A_48, %mul3A_49 : vector<2000x32xf32>
    %swap3A = arith.constant 0 : index
    %swap3A_51 = arith.constant 0 : index
    %swap3A_52 = vector.load %arg13[%swap3A, %swap3A_51] : memref<2000x32xf32, #tpu.memory_space<vmem>>, vector<2000x32xf32>
    tpu.vector_store %arg13[%swap3A, %swap3A_51], %mul3A_50 {strides = array<i32>} : memref<2000x32xf32, #tpu.memory_space<vmem>>, vector<2000x32xf32>,
    %get3A_53 = arith.constant 0 : index
    %get3A_54 = arith.constant 0 : index
    %get3A_55 = vector.load %arg11[%get3A_53, %get3A_54] : memref<32x32xf32, #tpu.memory_space<vmem>>, vector<32x32xf32>
    %dot_general3A_56 = arith.constant dense<0.000000e+00> : vector<2000x32xf32>
    %dot_general3A_57 = tpu.matmul %mul3A_50, %get3A_55, %dot_general3A_56 {dimension_numbers = #tpu.dot_dimension_numbers<[1], [0], [0], [1], [0, 0, 1, 1], [], []>, transpose_lhs_hint = false} : vector<2000x32xf32>, vector<32x32xf32>, vector<2000x32xf32> -> vector<2000x32xf32>
    %swap3A_58 = arith.constant 0 : index
    %swap3A_59 = arith.constant 0 : index
    %swap3A_60 = vector.load %arg14[%swap3A_58, %swap3A_59] : memref<2000x32xf32, #tpu.memory_space<vmem>>, vector<2000x32xf32>
    tpu.vector_store %arg14[%swap3A_58, %swap3A_59], %dot_general3A_57 {strides = array<i32>} : memref<2000x32xf32, #tpu.memory_space<vmem>>, vector<2000x32xf32>,
    %get3A_61 = arith.constant 0 : index
    %get3A_62 = arith.constant 0 : index
    %get3A_63 = vector.load %arg12[%get3A_61, %get3A_62] : memref<32x32xf32, #tpu.memory_space<vmem>>, vector<32x32xf32>
    %dot_general3A_64 = arith.constant dense<0.000000e+00> : vector<2000x32xf32>
    %dot_general3A_65 = tpu.matmul %mul3A_50, %get3A_63, %dot_general3A_64 {dimension_numbers = #tpu.dot_dimension_numbers<[1], [0], [0], [1], [0, 0, 1, 1], [], []>, transpose_lhs_hint = false} : vector<2000x32xf32>, vector<32x32xf32>, vector<2000x32xf32> -> vector<2000x32xf32>
    %swap3A_66 = arith.constant 0 : index
    %swap3A_67 = arith.constant 0 : index
    %swap3A_68 = vector.load %arg15[%swap3A_66, %swap3A_67] : memref<2000x32xf32, #tpu.memory_space<vmem>>, vector<2000x32xf32>
    tpu.vector_store %arg15[%swap3A_66, %swap3A_67], %dot_general3A_65 {strides = array<i32>} : memref<2000x32xf32, #tpu.memory_space<vmem>>, vector<2000x32xf32>,
    return
  }
  func.func @transform_0(%arg0: i32) -> (i32, i32) {
    %c0_i32 = arith.constant 0 : i32
    %c0_i32_0 = arith.constant 0 : i32
    return %arg0, %c0_i32 : i32, i32
  }
  func.func @transform_1(%arg0: i32) -> (i32, i32) {
    %c0_i32 = arith.constant 0 : i32
    %c0_i32_0 = arith.constant 0 : i32
    return %arg0, %c0_i32 : i32, i32
  }
  func.func @transform_2(%arg0: i32) -> (i32, i32) {
    %add3A = arith.constant 5 : i32
    %add3A_0 = arith.addi %arg0, %add3A : i32
    %c0_i32 = arith.constant 0 : i32
    %c0_i32_1 = arith.constant 0 : i32
    return %add3A_0, %c0_i32 : i32, i32
  }
  func.func @transform_3(%arg0: i32) -> (i32, i32) {
    %c0_i32 = arith.constant 0 : i32
    %c0_i32_0 = arith.constant 0 : i32
    %c0_i32_1 = arith.constant 0 : i32
    return %c0_i32, %c0_i32_0 : i32, i32
  }
  func.func @transform_4(%arg0: i32) -> (i32, i32) {
    %c0_i32 = arith.constant 0 : i32
    %c0_i32_0 = arith.constant 0 : i32
    %c0_i32_1 = arith.constant 0 : i32
    return %c0_i32, %c0_i32_0 : i32, i32
  }
  func.func @transform_5(%arg0: i32) -> (i32, i32) {
    %c0_i32 = arith.constant 0 : i32
    %c0_i32_0 = arith.constant 0 : i32
    %c0_i32_1 = arith.constant 0 : i32
    return %c0_i32, %c0_i32_0 : i32, i32
  }
  func.func @transform_6(%arg0: i32) -> (i32, i32) {
    %c0_i32 = arith.constant 0 : i32
    %c0_i32_0 = arith.constant 0 : i32
    %c0_i32_1 = arith.constant 0 : i32
    return %c0_i32, %c0_i32_0 : i32, i32
  }
  func.func @transform_7(%arg0: i32) -> (i32, i32) {
    %c0_i32 = arith.constant 0 : i32
    %c0_i32_0 = arith.constant 0 : i32
    %c0_i32_1 = arith.constant 0 : i32
    return %c0_i32, %c0_i32_0 : i32, i32
  }
  func.func @transform_8(%arg0: i32) -> (i32, i32) {
    %c0_i32 = arith.constant 0 : i32
    %c0_i32_0 = arith.constant 0 : i32
    %c0_i32_1 = arith.constant 0 : i32
    return %c0_i32, %c0_i32_0 : i32, i32
  }
  func.func @transform_9(%arg0: i32) -> (i32, i32) {
    %c0_i32 = arith.constant 0 : i32
    %c0_i32_0 = arith.constant 0 : i32
    %c0_i32_1 = arith.constant 0 : i32
    return %c0_i32, %c0_i32_0 : i32, i32
  }
  func.func @transform_10(%arg0: i32) -> (i32, i32) {
    %c0_i32 = arith.constant 0 : i32
    %c0_i32_0 = arith.constant 0 : i32
    %c0_i32_1 = arith.constant 0 : i32
    return %c0_i32, %c0_i32_0 : i32, i32
  }
  func.func @transform_11(%arg0: i32) -> (i32, i32) {
    %c0_i32 = arith.constant 0 : i32
    %c0_i32_0 = arith.constant 0 : i32
    %c0_i32_1 = arith.constant 0 : i32
    return %c0_i32, %c0_i32_0 : i32, i32
  }
  func.func @transform_12(%arg0: i32) -> (i32, i32) {
    %c0_i32 = arith.constant 0 : i32
    %c0_i32_0 = arith.constant 0 : i32
    return %arg0, %c0_i32 : i32, i32
  }
  func.func @transform_13(%arg0: i32) -> (i32, i32) {
    %c0_i32 = arith.constant 0 : i32
    %c0_i32_0 = arith.constant 0 : i32
    return %arg0, %c0_i32 : i32, i32
  }
  func.func @transform_14(%arg0: i32) -> (i32, i32) {
    %c0_i32 = arith.constant 0 : i32
    %c0_i32_0 = arith.constant 0 : i32
    return %arg0, %c0_i32 : i32, i32
  }
}

module attributes {stable_mosaic.version = 14 : i64} {
  func.func @_decode_kernel(%arg0: i32, %arg1: memref<2000x32xf32, #tpu.memory_space<vmem>>, %arg2: memref<2000x128xf32, #tpu.memory_space<vmem>>, %arg3: memref<32x32xf32, #tpu.memory_space<vmem>>, %arg4: memref<1x32xf32, #tpu.memory_space<vmem>>, %arg5: memref<32x32xf32, #tpu.memory_space<vmem>>, %arg6: memref<1x32xf32, #tpu.memory_space<vmem>>, %arg7: memref<32x128xf32, #tpu.memory_space<vmem>>, %arg8: memref<1x128xf32, #tpu.memory_space<vmem>>, %arg9: memref<2000x128xf32, #tpu.memory_space<vmem>>) attributes {dimension_semantics = [#tpu.dimension_semantics<arbitrary>], iteration_bounds = array<i64: 5>, scalar_prefetch = 0 : i64, scratch_operands = 0 : i64, tpu.core_type = #tpu.core_type<tc>, window_params = [{transform_indices = @transform_0, window_bounds = array<i64: 2000, 32>}, {transform_indices = @transform_1, window_bounds = array<i64: 2000, 128>}, {pipeline_mode = #tpu.pipeline_mode<synchronous>, transform_indices = @transform_2, window_bounds = array<i64: 32, 32>}, {pipeline_mode = #tpu.pipeline_mode<synchronous>, transform_indices = @transform_3, window_bounds = array<i64: 1, 32>}, {pipeline_mode = #tpu.pipeline_mode<synchronous>, transform_indices = @transform_4, window_bounds = array<i64: 32, 32>}, {pipeline_mode = #tpu.pipeline_mode<synchronous>, transform_indices = @transform_5, window_bounds = array<i64: 1, 32>}, {pipeline_mode = #tpu.pipeline_mode<synchronous>, transform_indices = @transform_6, window_bounds = array<i64: 32, 128>}, {pipeline_mode = #tpu.pipeline_mode<synchronous>, transform_indices = @transform_7, window_bounds = array<i64: 1, 128>}, {transform_indices = @transform_8, window_bounds = array<i64: 2000, 128>}]} {
    %get3A = arith.constant 0 : index
    %get3A_0 = arith.constant 0 : index
    %get3A_1 = vector.load %arg2[%get3A, %get3A_0] : memref<2000x128xf32, #tpu.memory_space<vmem>>, vector<2000x128xf32>
    %get3A_2 = arith.constant 0 : index
    %get3A_3 = arith.constant 0 : index
    %get3A_4 = vector.load %arg1[%get3A_2, %get3A_3] : memref<2000x32xf32, #tpu.memory_space<vmem>>, vector<2000x32xf32>
    %get3A_5 = arith.constant 0 : index
    %get3A_6 = arith.constant 0 : index
    %get3A_7 = vector.load %arg3[%get3A_5, %get3A_6] : memref<32x32xf32, #tpu.memory_space<vmem>>, vector<32x32xf32>
    %get3A_8 = arith.constant 0 : index
    %get3A_9 = arith.constant 0 : index
    %get3A_10 = vector.load %arg4[%get3A_8, %get3A_9] : memref<1x32xf32, #tpu.memory_space<vmem>>, vector<1x32xf32>
    %get3A_11 = arith.constant 0 : index
    %get3A_12 = arith.constant 0 : index
    %get3A_13 = vector.load %arg5[%get3A_11, %get3A_12] : memref<32x32xf32, #tpu.memory_space<vmem>>, vector<32x32xf32>
    %get3A_14 = arith.constant 0 : index
    %get3A_15 = arith.constant 0 : index
    %get3A_16 = vector.load %arg6[%get3A_14, %get3A_15] : memref<1x32xf32, #tpu.memory_space<vmem>>, vector<1x32xf32>
    %get3A_17 = arith.constant 0 : index
    %get3A_18 = arith.constant 0 : index
    %get3A_19 = vector.load %arg7[%get3A_17, %get3A_18] : memref<32x128xf32, #tpu.memory_space<vmem>>, vector<32x128xf32>
    %get3A_20 = arith.constant 0 : index
    %get3A_21 = arith.constant 0 : index
    %get3A_22 = vector.load %arg8[%get3A_20, %get3A_21] : memref<1x128xf32, #tpu.memory_space<vmem>>, vector<1x128xf32>
    %dot_general3A = arith.constant dense<0.000000e+00> : vector<2000x32xf32>
    %dot_general3A_23 = tpu.matmul %get3A_4, %get3A_7, %dot_general3A {dimension_numbers = #tpu.dot_dimension_numbers<[1], [0], [0], [1], [0, 0, 1, 1], [], []>, transpose_lhs_hint = false} : vector<2000x32xf32>, vector<32x32xf32>, vector<2000x32xf32> -> vector<2000x32xf32>
    %add3A = vector.broadcast %get3A_10 : vector<1x32xf32> to vector<2000x32xf32>
    %add3A_24 = arith.addf %dot_general3A_23, %add3A : vector<2000x32xf32>
    %max3A = arith.constant 0.000000e+00 : f32
    %max3A_25 = vector.broadcast %max3A : f32 to vector<2000x32xf32>
    %max3A_26 = arith.maximumf %add3A_24, %max3A_25 : vector<2000x32xf32>
    %dot_general3A_27 = arith.constant dense<0.000000e+00> : vector<2000x32xf32>
    %dot_general3A_28 = tpu.matmul %max3A_26, %get3A_13, %dot_general3A_27 {dimension_numbers = #tpu.dot_dimension_numbers<[1], [0], [0], [1], [0, 0, 1, 1], [], []>, transpose_lhs_hint = false} : vector<2000x32xf32>, vector<32x32xf32>, vector<2000x32xf32> -> vector<2000x32xf32>
    %add3A_29 = vector.broadcast %get3A_16 : vector<1x32xf32> to vector<2000x32xf32>
    %add3A_30 = arith.addf %dot_general3A_28, %add3A_29 : vector<2000x32xf32>
    %max3A_31 = arith.constant 0.000000e+00 : f32
    %max3A_32 = vector.broadcast %max3A_31 : f32 to vector<2000x32xf32>
    %max3A_33 = arith.maximumf %add3A_30, %max3A_32 : vector<2000x32xf32>
    %dot_general3A_34 = arith.constant dense<0.000000e+00> : vector<2000x128xf32>
    %dot_general3A_35 = tpu.matmul %max3A_33, %get3A_19, %dot_general3A_34 {dimension_numbers = #tpu.dot_dimension_numbers<[1], [0], [0], [1], [0, 0, 1, 1], [], []>, transpose_lhs_hint = false} : vector<2000x32xf32>, vector<32x128xf32>, vector<2000x128xf32> -> vector<2000x128xf32>
    %add3A_36 = vector.broadcast %get3A_22 : vector<1x128xf32> to vector<2000x128xf32>
    %add3A_37 = arith.addf %dot_general3A_35, %add3A_36 : vector<2000x128xf32>
    %add3A_38 = arith.addf %get3A_1, %add3A_37 : vector<2000x128xf32>
    %swap3A = arith.constant 0 : index
    %swap3A_39 = arith.constant 0 : index
    %swap3A_40 = vector.load %arg9[%swap3A, %swap3A_39] : memref<2000x128xf32, #tpu.memory_space<vmem>>, vector<2000x128xf32>
    tpu.vector_store %arg9[%swap3A, %swap3A_39], %add3A_38 {strides = array<i32>} : memref<2000x128xf32, #tpu.memory_space<vmem>>, vector<2000x128xf32>,
    return
  }
  func.func @transform_0(%arg0: i32) -> (i32, i32) {
    %c0_i32 = arith.constant 0 : i32
    %c0_i32_0 = arith.constant 0 : i32
    return %arg0, %c0_i32 : i32, i32
  }
  func.func @transform_1(%arg0: i32) -> (i32, i32) {
    %c0_i32 = arith.constant 0 : i32
    %c0_i32_0 = arith.constant 0 : i32
    return %arg0, %c0_i32 : i32, i32
  }
  func.func @transform_2(%arg0: i32) -> (i32, i32) {
    %c0_i32 = arith.constant 0 : i32
    %c0_i32_0 = arith.constant 0 : i32
    %c0_i32_1 = arith.constant 0 : i32
    return %c0_i32, %c0_i32_0 : i32, i32
  }
  func.func @transform_3(%arg0: i32) -> (i32, i32) {
    %c0_i32 = arith.constant 0 : i32
    %c0_i32_0 = arith.constant 0 : i32
    %c0_i32_1 = arith.constant 0 : i32
    return %c0_i32, %c0_i32_0 : i32, i32
  }
  func.func @transform_4(%arg0: i32) -> (i32, i32) {
    %c0_i32 = arith.constant 0 : i32
    %c0_i32_0 = arith.constant 0 : i32
    %c0_i32_1 = arith.constant 0 : i32
    return %c0_i32, %c0_i32_0 : i32, i32
  }
  func.func @transform_5(%arg0: i32) -> (i32, i32) {
    %c0_i32 = arith.constant 0 : i32
    %c0_i32_0 = arith.constant 0 : i32
    %c0_i32_1 = arith.constant 0 : i32
    return %c0_i32, %c0_i32_0 : i32, i32
  }
  func.func @transform_6(%arg0: i32) -> (i32, i32) {
    %c0_i32 = arith.constant 0 : i32
    %c0_i32_0 = arith.constant 0 : i32
    %c0_i32_1 = arith.constant 0 : i32
    return %c0_i32, %c0_i32_0 : i32, i32
  }
  func.func @transform_7(%arg0: i32) -> (i32, i32) {
    %c0_i32 = arith.constant 0 : i32
    %c0_i32_0 = arith.constant 0 : i32
    %c0_i32_1 = arith.constant 0 : i32
    return %c0_i32, %c0_i32_0 : i32, i32
  }
  func.func @transform_8(%arg0: i32) -> (i32, i32) {
    %c0_i32 = arith.constant 0 : i32
    %c0_i32_0 = arith.constant 0 : i32
    return %arg0, %c0_i32 : i32, i32
  }
}

</mosaic_0001>

<sc_bundles>
// kernel: _run.17.cloned.1.call-start
scs
__scs_entry_jumppad:
0x0: {  	(pc) =	sbr.rel $0x88, $3  }
0x1: {  	(tag) =	ssettag $0x0;
	lr =	simm.s32 $0x1  }
0x2: {  	[smem:$0x3F68] =	sst lr;
	_ =	strace $0xD0000000  }
0x3: {  	_ = 	snop  }
0x4: {  	_ = 	snop  }
0x5: {  	_ = 	snop  }
0x6: {  	_ = 	snop  }
0x7: {  	_ = 	snop  }
__scs_overlays_trampoline_lowered:
0x8: {  	[smem:$0x3F77] =	sst s0  }
0x9: {  	[smem:$0x3F78] =	sst s1  }
0xa: {  	[smem:$0x3F79] =	sst s2  }
0xb: {  	[smem:$0x3F7A] =	sst s3  }
0xc: {  	[smem:$0x3F7B] =	sst s4  }
0xd: {  	[smem:$0x3F7C] =	sst s5  }
0xe: {  	[smem:$0x3F7D] =	sst s6  }
0xf: {  	[smem:$0x3F7E] =	sst s7  }
0x10: {  	[smem:$0x3F7F] =	sst s8  }
0x11: {  	[smem:$0x3F80] =	sst s9;
	s0 =	simm.s32 @!p0 $0x0  }
0x12: {  	s1 =	sld [smem:$0x3F66];
	s0 =	simm.s32 @p0 $0x1  }
0x13: {  	[smem:$0x3F81] =	sst s0;
	s0 =	simm.s32 @!p1 $0x0  }
0x14: {  	s2 =	sld [smem:$0x3F65];
	s0 =	simm.s32 @p1 $0x1  }
0x15: {  	[smem:$0x3F82] =	sst s0;
	s0 =	simm.s32 @!p2 $0x0  }
0x16: {  	s3 =	sld [smem:$0x3FDB];
	s0 =	simm.s32 @p2 $0x1  }
0x17: {  	s4 =	simm.s32 $0x1BF5;
	[smem:$0x3F84] =	sst s0  }
0x18: {  	s0 =	sld [smem:$0x3F67];
	_ =	swait.ge [sflag:s4], $0x0  }
0x19: {  	s7 =	sld [smem:$0x3F68]  }
0x1a: {  	s8 =	sadd.s32 $0xFFFFE003, lr  }
0x1b: {  	s9 =	sadd.s32 $0xFFFFFEF7, lr;
	s5 =	simm.s32 $0xFFFFFFFF;
	p2 =	slt.u32 s8, $0xFFFFF086  }
0x1c: {  	p1 =	slt.u32 s9, $0xF7A;
	s5 =	simm.s32 @!p2 $0x0  }
0x1d: {  	s5 =	simm.s32 @p1 $0x1;
	p0 =	seq.s32 s7, s2  }
0x1e: {  	s7 =	smul.u32 @!p0 $0xF7A, s2;
	p2 =	seq.s32 @!p0 s5, $0x0  }
0x1f: {  	s9 =	smul.u32 $0xF7A, s1;
	s8 =	simm.s32 @!p0 $0x1BF5;
	p2 =	por !p2, p0  }
0x20: {  	[sflag:s8] =	ssyncset.s32 @!p0 $0xFFFFF086;
	s6 =	sadd.s32 @!p0 s3, s7;
	s7 =	simm.s32 @!p0 $0x108  }
0x21: {  	s3 =	sadd.s32 s3, s9;
	s6 =	sadd.s32 @!p0 $0x88, s6;
	s7 =	simm.s32 @p2 $0x1082  }
0x22: {  	[simem:s7], [sflag:s8] =	dma.local @!p0 [hbm:s6], $0xF7A  }
0x23: {  	s9 =	sor.u32 $0xD0000000, s2;
	s6 =	simm.s32 $0x108;
	_ =	swait.ge @!p0 [sflag:s8], $0x0  }
0x24: {  	s3 =	sadd.s32 $0x88, s3;
	s6 =	simm.s32 @!p1 $0x1082;
	[sflag:s4] =	ssyncset.s32 $0xFFFFF086  }
0x25: {  	[simem:s6], [sflag:s4] =	dma.local [hbm:s3], $0xF7A  }
0x26: {  	[smem:$0x3F68] =	sst s1;
	(tag) =	ssettag s2;
	_ =	strace s9  }
0x27: {  	s1 =	sld [smem:$0x3F78]  }
0x28: {  	s2 =	sld [smem:$0x3F79]  }
0x29: {  	s4 =	sld [smem:$0x3F7B]  }
0x2a: {  	p0 =	seq.s32 s5, $0x0;
	s5 =	sld [smem:$0x3F7C]  }
0x2b: {  	s6 =	sld [smem:$0x3F7D]  }
0x2c: {  	s7 =	sld [smem:$0x3F7E]  }
0x2d: {  	s3 =	simm.s32 $0x108;
	s8 =	sld [smem:$0x3F7F]  }
0x2e: {  	s3 =	simm.s32 @!p0 $0x1082;
	s9 =	sld [smem:$0x3F80]  }
0x2f: {  	lr =	sadd.s32 s0, s3;
	s0 =	sld [smem:$0x3F77]  }
0x30: {  	s3 =	sld [smem:$0x3F7A]  }
0x31: {  	[smem:$0x3F83] =	sst s10  }
0x32: {  	s10 =	sld [smem:$0x3F81];
	_ =	sdelay $0x3  }
0x33: {  	p0 =	seq.s32 s10, $0x1;
	s10 =	sld [smem:$0x3F83];
	_ =	sdelay $0x3  }
0x34: {  	[smem:$0x3F83] =	sst s10  }
0x35: {  	s10 =	sld [smem:$0x3F82];
	_ =	sdelay $0x3  }
0x36: {  	p1 =	seq.s32 s10, $0x1;
	s10 =	sld [smem:$0x3F83];
	_ =	sdelay $0x3  }
0x37: {  	[smem:$0x3F83] =	sst s10  }
0x38: {  	s10 =	sld [smem:$0x3F84]  }
0x39: {  	_ = 	snop;
	(pc) =	sbr.ind lr, $3  }
0x3a: {  	_ = 	snop  }
0x3b: {  	_ = 	snop  }
0x3c: {  	p2 =	seq.s32 s10, $0x1;
	s10 =	sld [smem:$0x3F83]  }
0x3d: {  	_ =	shalt  }
0x3e: {  	_ =	shalt  }
0x3f: {  	_ =	shalt  }
0x40: {  	_ =	shalt  }
0x41: {  	_ =	shalt  }
0x42: {  	_ =	shalt  }
0x43: {  	_ =	shalt  }
0x44: {  	_ =	shalt  }
0x45: {  	_ =	shalt  }
0x46: {  	_ =	shalt  }
0x47: {  	_ =	shalt  }
0x48: {  	_ =	shalt  }
0x49: {  	_ =	shalt  }
0x4a: {  	_ =	shalt  }
0x4b: {  	_ =	shalt  }
0x4c: {  	_ =	shalt  }
0x4d: {  	_ =	shalt  }
0x4e: {  	_ =	shalt  }
0x4f: {  	_ =	shalt  }
0x50: {  	_ =	shalt  }
0x51: {  	_ =	shalt  }
0x52: {  	_ =	shalt  }
0x53: {  	_ =	shalt  }
0x54: {  	_ =	shalt  }
0x55: {  	_ =	shalt  }
0x56: {  	_ =	shalt  }
0x57: {  	_ =	shalt  }
0x58: {  	_ =	shalt  }
0x59: {  	_ =	shalt  }
0x5a: {  	_ =	shalt  }
0x5b: {  	_ =	shalt  }
0x5c: {  	_ =	shalt  }
0x5d: {  	_ =	shalt  }
0x5e: {  	_ =	shalt  }
0x5f: {  	_ =	shalt  }
0x60: {  	_ =	shalt  }
0x61: {  	_ =	shalt  }
0x62: {  	_ =	shalt  }
0x63: {  	_ =	shalt  }
0x64: {  	_ =	shalt  }
0x65: {  	_ =	shalt  }
0x66: {  	_ =	shalt  }
0x67: {  	_ =	shalt  }
0x68: {  	_ =	shalt  }
0x69: {  	_ =	shalt  }
0x6a: {  	_ =	shalt  }
0x6b: {  	_ =	shalt  }
0x6c: {  	_ =	shalt  }
0x6d: {  	_ =	shalt  }
0x6e: {  	_ =	shalt  }
0x6f: {  	_ =	shalt  }
0x70: {  	_ =	shalt  }
0x71: {  	_ =	shalt  }
0x72: {  	_ =	shalt  }
0x73: {  	_ =	shalt  }
0x74: {  	_ =	shalt  }
0x75: {  	_ =	shalt  }
0x76: {  	_ =	shalt  }
0x77: {  	_ =	shalt  }
0x78: {  	_ =	shalt  }
0x79: {  	_ =	shalt  }
0x7a: {  	_ =	shalt  }
0x7b: {  	_ =	shalt  }
0x7c: {  	_ =	shalt  }
0x7d: {  	_ =	shalt  }
0x7e: {  	_ =	shalt  }
0x7f: {  	_ =	shalt  }
0x80: {  	_ =	shalt  }
0x81: {  	_ =	shalt  }
0x82: {  	_ =	shalt  }
0x83: {  	_ =	shalt  }
0x84: {  	_ =	shalt  }
0x85: {  	_ =	shalt  }
0x86: {  	_ =	shalt  }
0x87: {  	_ =	shalt  }
.Lfunc_end0:
.L_simem_size_0:
called_computation_lowered:
.L_overlay_start_0:
0x88: {  	s2 =	sld [smem:$0x3FD9]  }
0x89: {  	s3 =	sld [smem:$0x3FFE];
	_ =	sdelay $0x1  }
0x8a: {  	s1 =	srdreg.scid  }
0x8b: {  	s0 =	sand.u32 $0x1, s1  }
0x8c: {  	s16 =	sshll.u32 s0, $0xA;
	s2 =	sadd.s32 s3, s2  }
0x8d: {  	s2 =	sadd.s32 s2, s16  }
0x8e: {  	[smem:$0x3F8F] =	sst s2  }
0x8f: {  	_ = 	snop  }
0x90: {  	(tm) =	ssettm $0x1  }
0x91: {  	s17 =	sld [smem:$0x3FFB];
	_ =	sdelay $0x3  }
0x92: {  	_ =	strace s17  }
0x93: {  	s2 =	sld [smem:$0x3FFC];
	_ =	sdelay $0x3  }
0x94: {  	_ =	strace s2  }
0x95: {  	s2 =	sld [smem:$0x3FFD];
	_ =	sdelay $0x3  }
0x96: {  	_ =	strace s2  }
0x97: {  	_ =	strace $0x8FFFFFFF  }
0x98: {  	s18 =	sld [smem:$0x3FDB];
	_ =	sdelay $0x1  }
0x99: {  	s19 =	simm.s32 $_scs_section_size  }
0x9a: {  	s4 =	simm.s32 $_size__tile_overlayer_lowered;
	s5 =	simm.s32 $_tile_overlayer_lowered  }
0x9b: {  	s22 =	simm.s32 $0x1BFF;
	s21 =	sshll.u32 s5, $0x1;
	s2 =	sadd.s32 s19, s18  }
0x9c: {  	s6 =	simm.s32 $0x0;
	s20 =	sshll.u32 s4, $0x1;
	s4 =	sadd.s32 s21, s2  }
0x9d: {  	[timem:s6], [sflag:s22] =	dma.local [hbm:s4], s20  }
0x9e: {  	_ =	swait.ge [sflag:s22], s20  }
0x9f: {  	s3 =	ssub.s32 $0x0, s20;
	[sflag:s22] =	ssyncset.done $0x0  }
0xa0: {  	[sflag:s22] =	ssyncadd.s32 s3;
	_ =	sdelay $0x1  }
0xa1: {  	s23 =	simm.s32 $0x1B8B  }
0xa2: {  	_ =	swait.ge [sflag:s23], $0x1  }
0xa3: {  	[sflag:s23] =	ssyncset.done $0x0  }
0xa4: {  	s25 =	simm.s32 $0x1B8E;
	s24 =	sld [smem:$0x3FFE];
	[sflag:s23] =	ssyncadd.s32 $0xFFFFFFFF  }
0xa5: {  	s26 =	simm.s32 $execute0_lowered;
	[smem:$0x3FD2] =	sst s25  }
0xa6: {  	s4 =	sshll.u32 s26, $0x1;
	_ =	strace $0x80000046;
	[dreg:$0x1] =	wrdreg $0xFFFFFFFF  }
0xa7: {  	s28 =	simm.s32 $_size_execute0_lowered;
	s2 =	sadd.s32 s2, s4;
	[dreg:$0x0] =	wrdreg $0x0  }
0xa8: {  	s4 =	sshll.u32 s28, $0x1;
	[dreg:$0x2] =	wrdreg s2  }
0xa9: {  	[dreg:$0x3] =	wrdreg s4  }
0xaa: {  	[dreg:$0x4] =	wrdreg $0xC0  }
0xab: {  	_ =	task [dreg:s6], $0x5FFFF  }
0xac: {  	[dreg:$0x1] =	wrdreg $0xFFFFFFFF  }
0xad: {  	[dreg:$0x0] =	wrdreg $0x60  }
0xae: {  	[dreg:$0x2] =	wrdreg s24  }
0xaf: {  	[dreg:$0x3] =	wrdreg $0x9  }
0xb0: {  	_ =	task.clear_ibuf [dreg:s6], $0x4FFFF;
	_ =	strace $0x90000046  }
0xb1: {  	s29 =	simm.s32 $0x9;
	_ =	strace $0x80000048  }
0xb2: {  	_ =	swait.ge [sflag:s29], $0x1  }
0xb3: {  	[sflag:s29] =	ssyncadd.s32 $0xFFFFFFFF  }
0xb4: {  	_ =	strace $0x90000048  }
0xb5: {  	_ =	sfence  }
0xb6: {  	s30 =	sld [smem:$0x0];
	_ =	sdelay $0x2  }
0xb7: {  	s31 =	sshll.u32 s1, $0xD;
	s1 =	sshrl.u32 s1, $0x2  }
0xb8: {  	s3 =	sand.u32 $0x4000, s31;
	s1 =	sadd.s32 s1, s30  }
0xb9: {  	s0 =	sor.u32 s3, s0;
	s1 =	sshll.u32 s1, $0x11  }
0xba: {  	s0 =	sor.u32 s1, s0  }
0xbb: {  	s0 =	sadd.s32 $0x8F2B, s0  }
0xbc: {  	[sflag:s0] =	ssyncadd.remote.s32 $0x1  }
0xbd: {  	_ =	sfence.sel $0xFFFF  }
0xbe: {  	[dreg:$0x0] =	wrdreg $0xFFFFFFFF;
	(pc) =	sbr.abs _section_cstart, $3  }
0xbf: {  	[dreg:$0x1] =	wrdreg $0xFFFFFFFF  }
0xc0: {  	_ =	task.clear_ibuf [dreg:s6], $0x2FFFF;
	_ =	strace $0x9FFFFFFF  }
0xc1: {  	(tm) =	ssettm $0x7FFFFFFF  }
tec
execute0_lowered:
.L_overlay_start_1:
0x0: {  	(tag) =	ssettag $0x1  }
0x1: {  	s0 =	srdreg.scid;
	s14 =	stileid.u32  }
0x2: {  	s1 =	rddreg [dreg:$0x0];
	s2 =	simm.s32 $0x0;
	s19 =	simm.s32 $0x1  }
0x3: {  	s20 =	simm.s32 $0x2;
	s28 =	simm.s32 $0x3;
	s29 =	simm.s32 $0x4  }
0x4: {  	s30 =	simm.s32 $0x5;
	s31 =	simm.s32 $0x6;
	s12 =	smul.u32 $0x4E20, s14  }
0x5: {  	s0 =	sand.u32 $0x1, s0;
	s3 =	sshll.u32 s14, $0x1;
	s16 =	smul.u32 $0x13880, s14  }
0x6: {  	[smem:$0x7FF] =	sst s2;
	s4 =	sadd.s32 $0x16C00, s1;
	s13 =	smul.u32 $0x2710, s0  }
0x7: {  	s5 =	sor.u32 s0, s3;
	s7 =	ssub.s32 $0x2, s0;
	s0 =	smul.u32 $0x9C40, s0  }
0x8: {  	s15 =	sadd.s32 $0x34600, s1;
	_ =	strace $0x80000047;
	s6 =	smul.u32 $0x2710, s5  }
0x9: {  	s3 =	sadd.s32 $0xCE00, s1;
	s8 =	sshrl.u32 s7, $0x1;
	s9 =	smul.u32 $0x4E200, s5  }
0xa: {  	s5 =	smul.u32 $0x9C40, s5;
	s18 =	sadd.s32 s16, s15;
	s10 =	ssub.s32 s7, s8  }
0xb: {  	s13 =	sadd.s32 s13, s12;
	s6 =	sshrl.u32 s6, $0x3;
	s22 =	sshrl.u32 s9, $0x3  }
0xc: {  	s9 =	smax.u32 s10, $0x1;
	s10 =	sadd.s32 s15, s5;
	s25 =	sshll.u32 s13, $0x2  }
0xd: {  	s6 =	sadd.s32 s6, s1;
	s1 =	sadd.s32 $0x16CE00, s1;
	s23 =	sadd.s32 $0x9600, s22  }
0xe: {  	s26 =	sadd.s32 $0x12C0, s25;
	s22 =	simm.s32 $0x4E20;
	s25 =	simm.s32 $0x7  }
0xf: {  	s21 =	sadd.s32 $0x2A800, s6;
	s6 =	sadd.s32 $0x20A00, s6;
	s24 =	sadd.s32 s15, s23  }
0x10: {  	s8 =	sadd.s32 s1, s23;
	s11 =	sadd.s32 s1, s5;
	[dreg:$0x2] =	wrdreg s21  }
0x11: {  	s5 =	sadd.s32 $0x640, s5;
	s17 =	sadd.s32 s16, s1;
	[dreg:$0x3] =	wrdreg s6  }
0x12: {  	s14 =	sadd.s32 s26, s15;
	s23 =	simm.s32 $0x8020;
	[dreg:$0x4] =	wrdreg s24  }
0x13: {  	s12 =	sadd.s32 s15, s5;
	s13 =	sadd.s32 s1, s5;
	s17 =	sadd.s32 s0, s17  }
0x14: {  	s15 =	sadd.s32 s26, s1;
	s0 =	sadd.s32 s0, s18;
	s18 =	simm.s32 $0x2710  }
0x15: {  	s21 =	simm.s32 $0x190;
	s24 =	simm.s32 $0xB220;
	s26 =	simm.s32 $0xE420  }
0x16: {  	s1 =	simm.s32 $0x0;
	s16 =	sadd.s32 $0xC80, s17;
	s17 =	sadd.s32 $0xC80, s0  }
.LBB2_1:
0x17: {  	s0 =	rddreg [dreg:$0x2]  }
0x18: {  	[tilespmem:s2], [sflag:$0x1] =	stream.linear.gather [hbm4b:s0+s2], $0x2710, $0x38;
	[tilespmem:$0x11620] =	vst v63  }
0x19: {  	s5 =	rddreg [dreg:$0x3]  }
0x1a: {  	[tilespmem:s18], [sflag:$0x2] =	stream.linear.gather [hbm4b:s5+s2], $0x2710, $0x38;
	[tilespmem:$0x11620] =	vst v63  }
0x1b: {  	_ =	swait.ge [sflag:s19], $0x2710  }
0x1c: {  	[sflag:s19] =	ssyncset.done $0x0  }
0x1d: {  	[sflag:s19] =	ssyncadd.s32 $0xFFFFD8F0  }
0x1e: {  	_ =	swait.ge [sflag:s20], $0x2710  }
0x1f: {  	[sflag:s20] =	ssyncset.done $0x0  }
0x20: {  	[sflag:s20] =	ssyncadd.s32 $0xFFFFD8F0  }
0x21: {  	[tilespmem:s22], [sflag:$0x1] =	stream.indirect.gather [hbm4b:s3+s21], $0x20, s2, s21, $0xb8;
	[tilespmem:$0x11620] =	vst v63  }
0x22: {  	_ = 	snop  }
0x23: {  	[tilespmem:s23], [sflag:$0x1] =	stream.indirect.gather [hbm4b:s4+s21], $0x20, s18, s21, $0xb8;
	[tilespmem:$0x11620] =	vst v63  }
0x24: {  	_ =	swait.ge [sflag:s19], $0x3200  }
0x25: {  	[sflag:s19] =	ssyncset.done $0x0  }
0x26: {  	[sflag:s19] =	ssyncadd.s32 $0xFFFFCE00  }
0x27: {  	_ =	swait.ge [sflag:s19], $0x3200  }
0x28: {  	[sflag:s19] =	ssyncset.done $0x0  }
0x29: {  	[sflag:s19] =	ssyncadd.s32 $0xFFFFCE00  }
0x2a: {  	[hbm4b:s10+s2] =	stream.linear.scatter [tilespmem:s22], [sflag:$0x3], $0x3200, $0x38;
	[tilespmem:$0x11620] =	vst v63  }
0x2b: {  	_ = 	snop  }
0x2c: {  	[hbm4b:s11+s2] =	stream.linear.scatter [tilespmem:s23], [sflag:$0x4], $0x3200, $0x38;
	[tilespmem:$0x11620] =	vst v63  }
0x2d: {  	_ = 	snop  }
0x2e: {  	[tilespmem:s24], [sflag:$0x2] =	stream.indirect.gather [hbm4b:s3+s21], $0x20, s21, s21, $0xb8;
	[tilespmem:$0x11620] =	vst v63  }
0x2f: {  	s6 =	simm.s32 $0x28A0  }
0x30: {  	[tilespmem:s26], [sflag:$0x2] =	stream.indirect.gather [hbm4b:s4+s21], $0x20, s6, s21, $0xb8;
	[tilespmem:$0x11620] =	vst v63  }
0x31: {  	_ =	swait.ge [sflag:s20], $0x3200  }
0x32: {  	[sflag:s20] =	ssyncset.done $0x0  }
0x33: {  	[sflag:s20] =	ssyncadd.s32 $0xFFFFCE00  }
0x34: {  	_ =	swait.ge [sflag:s20], $0x3200  }
0x35: {  	[sflag:s20] =	ssyncset.done $0x0  }
0x36: {  	[sflag:s20] =	ssyncadd.s32 $0xFFFFCE00  }
0x37: {  	[hbm4b:s12+s2] =	stream.linear.scatter [tilespmem:s24], [sflag:$0x5], $0x3200, $0x38;
	[tilespmem:$0x11620] =	vst v63  }
0x38: {  	_ = 	snop  }
0x39: {  	[hbm4b:s13+s2] =	stream.linear.scatter [tilespmem:s26], [sflag:$0x6], $0x3200, $0x38;
	[tilespmem:$0x11620] =	vst v63  }
0x3a: {  	_ =	swait.ge [sflag:s28], $0x3200  }
0x3b: {  	[sflag:s28] =	ssyncset.done $0x0  }
0x3c: {  	[sflag:s28] =	ssyncadd.s32 $0xFFFFCE00  }
0x3d: {  	_ =	swait.ge [sflag:s29], $0x3200  }
0x3e: {  	[sflag:s29] =	ssyncset.done $0x0  }
0x3f: {  	s7 =	simm.s32 $0x320;
	[sflag:s29] =	ssyncadd.s32 $0xFFFFCE00  }
0x40: {  	[tilespmem:s22], [sflag:$0x1] =	stream.indirect.gather [hbm4b:s3+s21], $0x20, s7, s21, $0xb8;
	[tilespmem:$0x11620] =	vst v63  }
0x41: {  	s5 =	simm.s32 $0x2A30  }
0x42: {  	[tilespmem:s23], [sflag:$0x1] =	stream.indirect.gather [hbm4b:s4+s21], $0x20, s5, s21, $0xb8;
	[tilespmem:$0x11620] =	vst v63  }
0x43: {  	_ =	swait.ge [sflag:s19], $0x3200  }
0x44: {  	[sflag:s19] =	ssyncset.done $0x0  }
0x45: {  	[sflag:s19] =	ssyncadd.s32 $0xFFFFCE00  }
0x46: {  	_ =	swait.ge [sflag:s19], $0x3200  }
0x47: {  	[sflag:s19] =	ssyncset.done $0x0  }
0x48: {  	s6 =	sadd.s32 $0x0, s17;
	[sflag:s19] =	ssyncadd.s32 $0xFFFFCE00  }
0x49: {  	[hbm4b:s6+s2] =	stream.linear.scatter [tilespmem:s22], [sflag:$0x3], $0x3200, $0x38;
	[tilespmem:$0x11620] =	vst v63  }
0x4a: {  	s7 =	sadd.s32 $0x0, s16  }
0x4b: {  	[hbm4b:s7+s2] =	stream.linear.scatter [tilespmem:s23], [sflag:$0x4], $0x3200, $0x38;
	[tilespmem:$0x11620] =	vst v63  }
0x4c: {  	_ =	swait.ge [sflag:s30], $0x3200  }
0x4d: {  	[sflag:s30] =	ssyncset.done $0x0  }
0x4e: {  	[sflag:s30] =	ssyncadd.s32 $0xFFFFCE00  }
0x4f: {  	_ =	swait.ge [sflag:s31], $0x3200  }
0x50: {  	[sflag:s31] =	ssyncset.done $0x0  }
0x51: {  	s5 =	simm.s32 $0x4B0;
	[sflag:s31] =	ssyncadd.s32 $0xFFFFCE00  }
0x52: {  	[tilespmem:s24], [sflag:$0x2] =	stream.indirect.gather [hbm4b:s3+s21], $0x20, s5, s21, $0xb8;
	[tilespmem:$0x11620] =	vst v63  }
0x53: {  	s6 =	simm.s32 $0x2BC0  }
0x54: {  	[tilespmem:s26], [sflag:$0x2] =	stream.indirect.gather [hbm4b:s4+s21], $0x20, s6, s21, $0xb8;
	[tilespmem:$0x11620] =	vst v63  }
0x55: {  	_ =	swait.ge [sflag:s20], $0x3200  }
0x56: {  	[sflag:s20] =	ssyncset.done $0x0  }
0x57: {  	[sflag:s20] =	ssyncadd.s32 $0xFFFFCE00  }
0x58: {  	_ =	swait.ge [sflag:s20], $0x3200  }
0x59: {  	s0 =	simm.s32 $0xC80;
	[sflag:s20] =	ssyncset.done $0x0  }
0x5a: {  	s7 =	sadd.s32 $0x0, s14;
	s5 =	sadd.s32 $0x0, s15;
	[sflag:s20] =	ssyncadd.s32 $0xFFFFCE00  }
0x5b: {  	[hbm4b:s7+s2] =	stream.linear.scatter [tilespmem:s24], [sflag:$0x5], $0x3200, $0x38;
	[tilespmem:$0x11620] =	vst v63  }
.LBB2_2:
0x5c: {  	[hbm4b:s5+s2] =	stream.linear.scatter [tilespmem:s26], [sflag:$0x6], $0x3200, $0x38;
	[tilespmem:$0x11620] =	vst v63  }
0x5d: {  	s5 =	smov.u32 s0  }
0x5e: {  	p0 =	sne.s32 s0, $0x7D00;
	s0 =	sadd.s32 $0xC80, s0;
	_ =	swait.ge [sflag:s28], $0x3200  }
0x5f: {  	[sflag:s28] =	ssyncset.done $0x0  }
0x60: {  	[sflag:s28] =	ssyncadd.s32 $0xFFFFCE00  }
0x61: {  	_ =	swait.ge [sflag:s29], $0x3200  }
0x62: {  	s6 =	sshra.s32 s5, $0x2;
	[sflag:s29] =	ssyncset.done $0x0  }
0x63: {  	s7 =	sadd.s32 $0x320, s6;
	[sflag:s29] =	ssyncadd.s32 $0xFFFFCE00  }
0x64: {  	[tilespmem:s22], [sflag:$0x1] =	stream.indirect.gather [hbm4b:s3+s21], $0x20, s7, s21, $0xb8;
	[tilespmem:$0x11620] =	vst v63  }
0x65: {  	s7 =	sadd.s32 $0x2A30, s6  }
0x66: {  	[tilespmem:s23], [sflag:$0x1] =	stream.indirect.gather [hbm4b:s4+s21], $0x20, s7, s21, $0xb8;
	[tilespmem:$0x11620] =	vst v63  }
0x67: {  	_ =	swait.ge [sflag:s19], $0x3200  }
0x68: {  	[sflag:s19] =	ssyncset.done $0x0  }
0x69: {  	[sflag:s19] =	ssyncadd.s32 $0xFFFFCE00  }
0x6a: {  	_ =	swait.ge [sflag:s19], $0x3200  }
0x6b: {  	[sflag:s19] =	ssyncset.done $0x0  }
0x6c: {  	s7 =	sadd.s32 s5, s17;
	[sflag:s19] =	ssyncadd.s32 $0xFFFFCE00  }
0x6d: {  	[hbm4b:s7+s2] =	stream.linear.scatter [tilespmem:s22], [sflag:$0x3], $0x3200, $0x38;
	[tilespmem:$0x11620] =	vst v63  }
0x6e: {  	s7 =	sadd.s32 s5, s16  }
0x6f: {  	[hbm4b:s7+s2] =	stream.linear.scatter [tilespmem:s23], [sflag:$0x4], $0x3200, $0x38;
	[tilespmem:$0x11620] =	vst v63  }
0x70: {  	_ =	swait.ge [sflag:s30], $0x3200  }
0x71: {  	[sflag:s30] =	ssyncset.done $0x0  }
0x72: {  	[sflag:s30] =	ssyncadd.s32 $0xFFFFCE00  }
0x73: {  	_ =	swait.ge [sflag:s31], $0x3200  }
0x74: {  	[sflag:s31] =	ssyncset.done $0x0  }
0x75: {  	s7 =	sadd.s32 $0x4B0, s6;
	[sflag:s31] =	ssyncadd.s32 $0xFFFFCE00  }
0x76: {  	[tilespmem:s24], [sflag:$0x2] =	stream.indirect.gather [hbm4b:s3+s21], $0x20, s7, s21, $0xb8;
	[tilespmem:$0x11620] =	vst v63  }
0x77: {  	s6 =	sadd.s32 $0x2BC0, s6  }
0x78: {  	[tilespmem:s26], [sflag:$0x2] =	stream.indirect.gather [hbm4b:s4+s21], $0x20, s6, s21, $0xb8;
	[tilespmem:$0x11620] =	vst v63  }
0x79: {  	_ =	swait.ge [sflag:s20], $0x3200  }
0x7a: {  	[sflag:s20] =	ssyncset.done $0x0  }
0x7b: {  	[sflag:s20] =	ssyncadd.s32 $0xFFFFCE00  }
.Ltmp0:
0x7c: {  	_ =	swait.ge [sflag:s20], $0x3200;
	(pc) =	sbr.rel @p0 .LBB2_2-.Ltmp0, $4  }
0x7d: {  	[sflag:s20] =	ssyncset.done $0x0  }
0x7e: {  	s6 =	sadd.s32 s5, s14;
	[sflag:s20] =	ssyncadd.s32 $0xFFFFCE00  }
0x7f: {  	[hbm4b:s6+s2] =	stream.linear.scatter [tilespmem:s24], [sflag:$0x5], $0x3200, $0x38;
	[tilespmem:$0x11620] =	vst v63  }
0x80: {  	s5 =	sadd.s32 s5, s15  }
0x81: {  	[hbm4b:s5+s2] =	stream.linear.scatter [tilespmem:s26], [sflag:$0x6], $0x3200, $0x38;
	[tilespmem:$0x11620] =	vst v63  }
0x82: {  	_ =	swait.ge [sflag:s28], $0x3200  }
0x83: {  	[sflag:s28] =	ssyncset.done $0x0  }
0x84: {  	[sflag:s28] =	ssyncadd.s32 $0xFFFFCE00  }
0x85: {  	_ =	swait.ge [sflag:s29], $0x3200  }
0x86: {  	[sflag:s29] =	ssyncset.done $0x0  }
0x87: {  	s0 =	simm.s32 $0x2580;
	[sflag:s29] =	ssyncadd.s32 $0xFFFFCE00  }
0x88: {  	[tilespmem:s22], [sflag:$0x1] =	stream.indirect.gather [hbm4b:s3+s21], $0x20, s0, s21, $0xb8;
	[tilespmem:$0x11620] =	vst v63  }
0x89: {  	s6 =	simm.s32 $0x4C90  }
0x8a: {  	[tilespmem:s23], [sflag:$0x1] =	stream.indirect.gather [hbm4b:s4+s21], $0x20, s6, s21, $0xb8;
	[tilespmem:$0x11620] =	vst v63  }
0x8b: {  	_ =	swait.ge [sflag:s19], $0x3200  }
0x8c: {  	[sflag:s19] =	ssyncset.done $0x0  }
0x8d: {  	[sflag:s19] =	ssyncadd.s32 $0xFFFFCE00  }
0x8e: {  	_ =	swait.ge [sflag:s19], $0x3200  }
0x8f: {  	[sflag:s19] =	ssyncset.done $0x0  }
0x90: {  	s7 =	rddreg [dreg:$0x4];
	[sflag:s19] =	ssyncadd.s32 $0xFFFFCE00  }
0x91: {  	[hbm4b:s7+s2] =	stream.linear.scatter [tilespmem:s22], [sflag:$0x7], $0x3200, $0x38;
	[tilespmem:$0x11620] =	vst v63  }
0x92: {  	_ =	swait.ge [sflag:s25], $0x3200  }
0x93: {  	[sflag:s25] =	ssyncset.done $0x0  }
0x94: {  	[sflag:s25] =	ssyncadd.s32 $0xFFFFCE00  }
0x95: {  	[hbm4b:s8+s2] =	stream.linear.scatter [tilespmem:s23], [sflag:$0x7], $0x3200, $0x38;
	[tilespmem:$0x11620] =	vst v63  }
0x96: {  	_ =	swait.ge [sflag:s25], $0x3200  }
0x97: {  	[sflag:s25] =	ssyncset.done $0x0  }
0x98: {  	s1 =	sadd.s32 $0x1, s1;
	[sflag:s25] =	ssyncadd.s32 $0xFFFFCE00  }
0x99: {  	p0 =	sne.s32 s1, s9;
	_ =	swait.ge [sflag:s30], $0x3200  }
.Ltmp1:
0x9a: {  	[sflag:s30] =	ssyncset.done $0x0;
	(pc) =	sbr.rel @p0 .LBB2_1-.Ltmp1, $4  }
0x9b: {  	[sflag:s30] =	ssyncadd.s32 $0xFFFFCE00  }
0x9c: {  	_ =	swait.ge [sflag:s31], $0x3200  }
0x9d: {  	[sflag:s31] =	ssyncset.done $0x0  }
0x9e: {  	[sflag:s31] =	ssyncadd.s32 $0xFFFFCE00  }
0x9f: {  	_ =	sfence.sel $0x180000  }
0xa0: {  	[bflag:$0x0] =	sbarrier.arrive $0xFFFF  }
0xa1: {  	_ =	strace $0x90000047  }
0xa2: {  	s0 =	stileid.u32;
	[bflag:$0x2] =	sbarrier.arrive $0xFFFF  }
0xa3: {  	p0 =	sne.s32 s0, $0x0;
	s0 =	rddreg [dreg:$0x1]  }
0xa4: {  	s0 =	sadd.s32 @!p0 $0x100000, s0  }
0xa5: {  	[sflag:s0] =	ssyncadd.tile.s32 @!p0 $0x1;
	_ =	shalt  }
.Lfunc_end2:
_tile_overlayer_lowered:
.L_overlay_start_2:
0xa6: {  	(tag) =	ssettag $0x2  }
0xa7: {  	s0 =	rddreg [dreg:$0x0];
	s2 =	stileid.u32  }
0xa8: {  	s1 =	rddreg [dreg:$0x1];
	p0 =	sne.s32 s2, $0x0  }
0xa9: {  	s3 =	rddreg [dreg:$0x2];
	[bflag:$0x3] =	sbarrier.arrive $0xFFFF;
	s2 =	simm.s32 @!p0 $0x1C07  }
0xaa: {  	[timem:s3], [sflag:s2] =	dma.local @!p0 [hbm:s0], s1  }
0xab: {  	s0 =	simm.s32 @!p0 $0x7  }
0xac: {  	_ =	swait.ge @!p0 [sflag:s0], s1  }
0xad: {  	s1 =	ssub.s32 @!p0 $0x0, s1;
	[sflag:s0] =	ssyncset.done @!p0 $0x0  }
0xae: {  	[sflag:s0] =	ssyncadd.s32 @!p0 s1  }
0xaf: {  	[bflag:$0x3] =	sbarrier.arrive $0xFFFF  }
0xb0: {  	_ =	shalt  }

// kernel: _run.20.cloned.1.call-start
scs
__scs_entry_jumppad:
0x0: {  	(pc) =	sbr.rel $0x88, $3  }
0x1: {  	(tag) =	ssettag $0x0;
	lr =	simm.s32 $0x1  }
0x2: {  	[smem:$0x3F68] =	sst lr;
	_ =	strace $0xD0000000  }
0x3: {  	_ = 	snop  }
0x4: {  	_ = 	snop  }
0x5: {  	_ = 	snop  }
0x6: {  	_ = 	snop  }
0x7: {  	_ = 	snop  }
__scs_overlays_trampoline_lowered:
0x8: {  	[smem:$0x3F77] =	sst s0  }
0x9: {  	[smem:$0x3F78] =	sst s1  }
0xa: {  	[smem:$0x3F79] =	sst s2  }
0xb: {  	[smem:$0x3F7A] =	sst s3  }
0xc: {  	[smem:$0x3F7B] =	sst s4  }
0xd: {  	[smem:$0x3F7C] =	sst s5  }
0xe: {  	[smem:$0x3F7D] =	sst s6  }
0xf: {  	[smem:$0x3F7E] =	sst s7  }
0x10: {  	[smem:$0x3F7F] =	sst s8  }
0x11: {  	[smem:$0x3F80] =	sst s9;
	s0 =	simm.s32 @!p0 $0x0  }
0x12: {  	s1 =	sld [smem:$0x3F66];
	s0 =	simm.s32 @p0 $0x1  }
0x13: {  	[smem:$0x3F81] =	sst s0;
	s0 =	simm.s32 @!p1 $0x0  }
0x14: {  	s2 =	sld [smem:$0x3F65];
	s0 =	simm.s32 @p1 $0x1  }
0x15: {  	[smem:$0x3F82] =	sst s0;
	s0 =	simm.s32 @!p2 $0x0  }
0x16: {  	s3 =	sld [smem:$0x3FDB];
	s0 =	simm.s32 @p2 $0x1  }
0x17: {  	s4 =	simm.s32 $0x1BF5;
	[smem:$0x3F84] =	sst s0  }
0x18: {  	s0 =	sld [smem:$0x3F67];
	_ =	swait.ge [sflag:s4], $0x0  }
0x19: {  	s7 =	sld [smem:$0x3F68]  }
0x1a: {  	s8 =	sadd.s32 $0xFFFFE003, lr  }
0x1b: {  	s9 =	sadd.s32 $0xFFFFFEF7, lr;
	s5 =	simm.s32 $0xFFFFFFFF;
	p2 =	slt.u32 s8, $0xFFFFF086  }
0x1c: {  	p1 =	slt.u32 s9, $0xF7A;
	s5 =	simm.s32 @!p2 $0x0  }
0x1d: {  	s5 =	simm.s32 @p1 $0x1;
	p0 =	seq.s32 s7, s2  }
0x1e: {  	s7 =	smul.u32 @!p0 $0xF7A, s2;
	p2 =	seq.s32 @!p0 s5, $0x0  }
0x1f: {  	s9 =	smul.u32 $0xF7A, s1;
	s8 =	simm.s32 @!p0 $0x1BF5;
	p2 =	por !p2, p0  }
0x20: {  	[sflag:s8] =	ssyncset.s32 @!p0 $0xFFFFF086;
	s6 =	sadd.s32 @!p0 s3, s7;
	s7 =	simm.s32 @!p0 $0x108  }
0x21: {  	s3 =	sadd.s32 s3, s9;
	s6 =	sadd.s32 @!p0 $0x88, s6;
	s7 =	simm.s32 @p2 $0x1082  }
0x22: {  	[simem:s7], [sflag:s8] =	dma.local @!p0 [hbm:s6], $0xF7A  }
0x23: {  	s9 =	sor.u32 $0xD0000000, s2;
	s6 =	simm.s32 $0x108;
	_ =	swait.ge @!p0 [sflag:s8], $0x0  }
0x24: {  	s3 =	sadd.s32 $0x88, s3;
	s6 =	simm.s32 @!p1 $0x1082;
	[sflag:s4] =	ssyncset.s32 $0xFFFFF086  }
0x25: {  	[simem:s6], [sflag:s4] =	dma.local [hbm:s3], $0xF7A  }
0x26: {  	[smem:$0x3F68] =	sst s1;
	(tag) =	ssettag s2;
	_ =	strace s9  }
0x27: {  	s1 =	sld [smem:$0x3F78]  }
0x28: {  	s2 =	sld [smem:$0x3F79]  }
0x29: {  	s4 =	sld [smem:$0x3F7B]  }
0x2a: {  	p0 =	seq.s32 s5, $0x0;
	s5 =	sld [smem:$0x3F7C]  }
0x2b: {  	s6 =	sld [smem:$0x3F7D]  }
0x2c: {  	s7 =	sld [smem:$0x3F7E]  }
0x2d: {  	s3 =	simm.s32 $0x108;
	s8 =	sld [smem:$0x3F7F]  }
0x2e: {  	s3 =	simm.s32 @!p0 $0x1082;
	s9 =	sld [smem:$0x3F80]  }
0x2f: {  	lr =	sadd.s32 s0, s3;
	s0 =	sld [smem:$0x3F77]  }
0x30: {  	s3 =	sld [smem:$0x3F7A]  }
0x31: {  	[smem:$0x3F83] =	sst s10  }
0x32: {  	s10 =	sld [smem:$0x3F81];
	_ =	sdelay $0x3  }
0x33: {  	p0 =	seq.s32 s10, $0x1;
	s10 =	sld [smem:$0x3F83];
	_ =	sdelay $0x3  }
0x34: {  	[smem:$0x3F83] =	sst s10  }
0x35: {  	s10 =	sld [smem:$0x3F82];
	_ =	sdelay $0x3  }
0x36: {  	p1 =	seq.s32 s10, $0x1;
	s10 =	sld [smem:$0x3F83];
	_ =	sdelay $0x3  }
0x37: {  	[smem:$0x3F83] =	sst s10  }
0x38: {  	s10 =	sld [smem:$0x3F84]  }
0x39: {  	_ = 	snop;
	(pc) =	sbr.ind lr, $3  }
0x3a: {  	_ = 	snop  }
0x3b: {  	_ = 	snop  }
0x3c: {  	p2 =	seq.s32 s10, $0x1;
	s10 =	sld [smem:$0x3F83]  }
0x3d: {  	_ =	shalt  }
0x3e: {  	_ =	shalt  }
0x3f: {  	_ =	shalt  }
0x40: {  	_ =	shalt  }
0x41: {  	_ =	shalt  }
0x42: {  	_ =	shalt  }
0x43: {  	_ =	shalt  }
0x44: {  	_ =	shalt  }
0x45: {  	_ =	shalt  }
0x46: {  	_ =	shalt  }
0x47: {  	_ =	shalt  }
0x48: {  	_ =	shalt  }
0x49: {  	_ =	shalt  }
0x4a: {  	_ =	shalt  }
0x4b: {  	_ =	shalt  }
0x4c: {  	_ =	shalt  }
0x4d: {  	_ =	shalt  }
0x4e: {  	_ =	shalt  }
0x4f: {  	_ =	shalt  }
0x50: {  	_ =	shalt  }
0x51: {  	_ =	shalt  }
0x52: {  	_ =	shalt  }
0x53: {  	_ =	shalt  }
0x54: {  	_ =	shalt  }
0x55: {  	_ =	shalt  }
0x56: {  	_ =	shalt  }
0x57: {  	_ =	shalt  }
0x58: {  	_ =	shalt  }
0x59: {  	_ =	shalt  }
0x5a: {  	_ =	shalt  }
0x5b: {  	_ =	shalt  }
0x5c: {  	_ =	shalt  }
0x5d: {  	_ =	shalt  }
0x5e: {  	_ =	shalt  }
0x5f: {  	_ =	shalt  }
0x60: {  	_ =	shalt  }
0x61: {  	_ =	shalt  }
0x62: {  	_ =	shalt  }
0x63: {  	_ =	shalt  }
0x64: {  	_ =	shalt  }
0x65: {  	_ =	shalt  }
0x66: {  	_ =	shalt  }
0x67: {  	_ =	shalt  }
0x68: {  	_ =	shalt  }
0x69: {  	_ =	shalt  }
0x6a: {  	_ =	shalt  }
0x6b: {  	_ =	shalt  }
0x6c: {  	_ =	shalt  }
0x6d: {  	_ =	shalt  }
0x6e: {  	_ =	shalt  }
0x6f: {  	_ =	shalt  }
0x70: {  	_ =	shalt  }
0x71: {  	_ =	shalt  }
0x72: {  	_ =	shalt  }
0x73: {  	_ =	shalt  }
0x74: {  	_ =	shalt  }
0x75: {  	_ =	shalt  }
0x76: {  	_ =	shalt  }
0x77: {  	_ =	shalt  }
0x78: {  	_ =	shalt  }
0x79: {  	_ =	shalt  }
0x7a: {  	_ =	shalt  }
0x7b: {  	_ =	shalt  }
0x7c: {  	_ =	shalt  }
0x7d: {  	_ =	shalt  }
0x7e: {  	_ =	shalt  }
0x7f: {  	_ =	shalt  }
0x80: {  	_ =	shalt  }
0x81: {  	_ =	shalt  }
0x82: {  	_ =	shalt  }
0x83: {  	_ =	shalt  }
0x84: {  	_ =	shalt  }
0x85: {  	_ =	shalt  }
0x86: {  	_ =	shalt  }
0x87: {  	_ =	shalt  }
.Lfunc_end0:
.L_simem_size_0:
called_computation.1_lowered:
.L_overlay_start_0:
0x88: {  	s2 =	sld [smem:$0x3FD9]  }
0x89: {  	s3 =	sld [smem:$0x3FFE];
	_ =	sdelay $0x1  }
0x8a: {  	s1 =	srdreg.scid  }
0x8b: {  	s0 =	sand.u32 $0x1, s1  }
0x8c: {  	s16 =	sshll.u32 s0, $0xA;
	s2 =	sadd.s32 s3, s2  }
0x8d: {  	s2 =	sadd.s32 s2, s16  }
0x8e: {  	[smem:$0x3F8F] =	sst s2  }
0x8f: {  	_ = 	snop  }
0x90: {  	(tm) =	ssettm $0x1  }
0x91: {  	s17 =	sld [smem:$0x3FFB];
	_ =	sdelay $0x3  }
0x92: {  	_ =	strace s17  }
0x93: {  	s2 =	sld [smem:$0x3FFC];
	_ =	sdelay $0x3  }
0x94: {  	_ =	strace s2  }
0x95: {  	s2 =	sld [smem:$0x3FFD];
	_ =	sdelay $0x3  }
0x96: {  	_ =	strace s2  }
0x97: {  	_ =	strace $0x8FFFFFFF  }
0x98: {  	s18 =	sld [smem:$0x3FDB];
	_ =	sdelay $0x1  }
0x99: {  	s19 =	simm.s32 $_scs_section_size  }
0x9a: {  	s4 =	simm.s32 $_size__tile_overlayer_lowered;
	s5 =	simm.s32 $_tile_overlayer_lowered  }
0x9b: {  	s22 =	simm.s32 $0x1BFF;
	s21 =	sshll.u32 s5, $0x1;
	s2 =	sadd.s32 s19, s18  }
0x9c: {  	s6 =	simm.s32 $0x0;
	s20 =	sshll.u32 s4, $0x1;
	s4 =	sadd.s32 s21, s2  }
0x9d: {  	[timem:s6], [sflag:s22] =	dma.local [hbm:s4], s20  }
0x9e: {  	_ =	swait.ge [sflag:s22], s20  }
0x9f: {  	s3 =	ssub.s32 $0x0, s20;
	[sflag:s22] =	ssyncset.done $0x0  }
0xa0: {  	[sflag:s22] =	ssyncadd.s32 s3;
	_ =	sdelay $0x1  }
0xa1: {  	s23 =	simm.s32 $0x1B8B  }
0xa2: {  	_ =	swait.ge [sflag:s23], $0x1  }
0xa3: {  	[sflag:s23] =	ssyncset.done $0x0  }
0xa4: {  	s25 =	simm.s32 $0x1B8E;
	s24 =	sld [smem:$0x3FFE];
	[sflag:s23] =	ssyncadd.s32 $0xFFFFFFFF  }
0xa5: {  	s26 =	simm.s32 $execute0_lowered;
	[smem:$0x3FD2] =	sst s25  }
0xa6: {  	s4 =	sshll.u32 s26, $0x1;
	_ =	strace $0x80000049;
	[dreg:$0x1] =	wrdreg $0xFFFFFFFF  }
0xa7: {  	s28 =	simm.s32 $_size_execute0_lowered;
	s2 =	sadd.s32 s2, s4;
	[dreg:$0x0] =	wrdreg $0x0  }
0xa8: {  	s4 =	sshll.u32 s28, $0x1;
	[dreg:$0x2] =	wrdreg s2  }
0xa9: {  	[dreg:$0x3] =	wrdreg s4  }
0xaa: {  	[dreg:$0x4] =	wrdreg $0xC0  }
0xab: {  	_ =	task [dreg:s6], $0x5FFFF  }
0xac: {  	[dreg:$0x1] =	wrdreg $0xFFFFFFFF  }
0xad: {  	[dreg:$0x0] =	wrdreg $0x60  }
0xae: {  	[dreg:$0x2] =	wrdreg s24  }
0xaf: {  	[dreg:$0x3] =	wrdreg $0x121100  }
0xb0: {  	[dreg:$0x4] =	wrdreg $0x9  }
0xb1: {  	_ =	task.clear_ibuf [dreg:s6], $0x5FFFF;
	_ =	strace $0x90000049  }
0xb2: {  	s29 =	simm.s32 $0x9;
	_ =	strace $0x8000004B  }
0xb3: {  	_ =	swait.ge [sflag:s29], $0x1  }
0xb4: {  	[sflag:s29] =	ssyncadd.s32 $0xFFFFFFFF  }
0xb5: {  	_ =	strace $0x9000004B  }
0xb6: {  	_ =	sfence  }
0xb7: {  	s30 =	sld [smem:$0x0];
	_ =	sdelay $0x2  }
0xb8: {  	s31 =	sshll.u32 s1, $0xD;
	s1 =	sshrl.u32 s1, $0x2  }
0xb9: {  	s3 =	sand.u32 $0x4000, s31;
	s1 =	sadd.s32 s1, s30  }
0xba: {  	s0 =	sor.u32 s3, s0;
	s1 =	sshll.u32 s1, $0x11  }
0xbb: {  	s0 =	sor.u32 s1, s0  }
0xbc: {  	s0 =	sadd.s32 $0x8F2B, s0  }
0xbd: {  	[sflag:s0] =	ssyncadd.remote.s32 $0x1  }
0xbe: {  	_ =	sfence.sel $0xFFFF  }
0xbf: {  	[dreg:$0x0] =	wrdreg $0xFFFFFFFF;
	(pc) =	sbr.abs _section_cstart, $3  }
0xc0: {  	[dreg:$0x1] =	wrdreg $0xFFFFFFFF  }
0xc1: {  	_ =	task.clear_ibuf [dreg:s6], $0x2FFFF;
	_ =	strace $0x9FFFFFFF  }
0xc2: {  	(tm) =	ssettm $0x7FFFFFFF  }
0xc3: {  	_ =	shalt  }
tec
execute0_lowered:
.L_overlay_start_1:
0x0: {  	(tag) =	ssettag $0x1  }
0x1: {  	s1 =	rddreg [dreg:$0x0]  }
0x2: {  	s2 =	rddreg [dreg:$0x1]  }
0x3: {  	s3 =	simm.s32 $0x0;
	s19 =	stileid.u32;
	s0 =	srdreg.scid  }
0x4: {  	s31 =	simm.s32 $0x7D0;
	s29 =	simm.s32 $0xBB8;
	p0 =	por $0x0, $0x0  }
0x5: {  	[smem:$0x7FF] =	sst s3;
	s4 =	smul.u32 $0x4E20, s19;
	s5 =	sand.u32 $0x1, s0  }
0x6: {  	s6 =	smul.u32 $0x9C4, s19;
	s0 =	sadd.s32 $0x3DDE00, s1;
	s8 =	sshll.u32 s19, $0x1  }
0x7: {  	s9 =	sadd.s32 $0x2A800, s1;
	s7 =	smul.u32 $0x9C40, s5;
	s8 =	sor.u32 s5, s8  }
0x8: {  	_ =	strace $0x8000004A;
	s5 =	ssub.s32 $0x2, s5;
	s25 =	smul.u32 $0x2710, s8  }
0x9: {  	s10 =	sshrl.u32 s4, $0x3;
	s26 =	sshrl.u32 s5, $0x1;
	s8 =	smul.u32 $0x9C40, s8  }
0xa: {  	s6 =	sadd.s32 s6, s7;
	s10 =	sadd.s32 s10, s1;
	s5 =	ssub.s32 s5, s26  }
0xb: {  	s1 =	sadd.s32 s6, s1;
	s10 =	sadd.s32 $0xCE00, s10;
	s11 =	sshrl.u32 s25, $0x3  }
0xc: {  	s22 =	sadd.s32 $0x1B58, s25;
	s7 =	sadd.s32 $0x2328, s25;
	s8 =	sadd.s32 s0, s8  }
0xd: {  	[dreg:$0x3] =	wrdreg s10;
	s12 =	sadd.s32 s9, s11;
	s10 =	sadd.s32 $0x3E8, s25  }
0xe: {  	s11 =	sadd.s32 $0x7D0, s25;
	s23 =	sshrl.u32 s22, $0x3;
	[dreg:$0xf] =	wrdreg s8  }
0xf: {  	s1 =	sadd.s32 $0x34600, s1;
	s22 =	sshll.u32 s22, $0x2;
	[dreg:$0x4] =	wrdreg s12  }
0x10: {  	s13 =	sshrl.u32 s10, $0x3;
	s12 =	sshrl.u32 s11, $0x3;
	[dreg:$0xe] =	wrdreg s1  }
0x11: {  	s1 =	rddreg [dreg:$0x3];
	s6 =	sadd.s32 s9, s13;
	s13 =	sadd.s32 $0xBB8, s25  }
0x12: {  	s14 =	sadd.s32 s9, s12;
	s12 =	sadd.s32 $0xFA0, s25;
	[dreg:$0x5] =	wrdreg s6  }
0x13: {  	s15 =	sshrl.u32 s13, $0x3;
	[dreg:$0x6] =	wrdreg s14;
	s17 =	sshrl.u32 s12, $0x3  }
0x14: {  	s14 =	sadd.s32 $0x1388, s25;
	s16 =	sadd.s32 s9, s15;
	s6 =	sadd.s32 s9, s17  }
0x15: {  	s15 =	sshrl.u32 s14, $0x3;
	s14 =	sshll.u32 s14, $0x2;
	[dreg:$0x7] =	wrdreg s16  }
0x16: {  	s16 =	sadd.s32 $0x1770, s25;
	[dreg:$0x8] =	wrdreg s6;
	s18 =	sadd.s32 s9, s15  }
0x17: {  	s6 =	sadd.s32 s9, s23;
	s15 =	simm.s32 $0x1F40;
	[dreg:$0x9] =	wrdreg s18  }
0x18: {  	s20 =	sshrl.u32 s16, $0x3;
	s18 =	sadd.s32 $0x1F40, s25;
	[dreg:$0xb] =	wrdreg s6  }
0x19: {  	s25 =	sshrl.u32 s7, $0x3;
	s6 =	sshll.u32 s19, $0x6;
	s19 =	smax.u32 s5, $0x1  }
0x1a: {  	s5 =	simm.s32 $0x5;
	s21 =	sadd.s32 s9, s20;
	s17 =	sshrl.u32 s18, $0x3  }
0x1b: {  	s26 =	sadd.s32 s9, s25;
	s20 =	sadd.s32 s4, s2;
	s4 =	sor.u32 $0x1C05, s6  }
0x1c: {  	p1 =	sne.s32 s19, $0x1;
	[dreg:$0xa] =	wrdreg s21;
	s24 =	sadd.s32 s9, s17  }
0x1d: {  	[dreg:$0xd] =	wrdreg s26;
	s9 =	sshll.u32 s10, $0x2;
	s10 =	sshll.u32 s11, $0x2  }
0x1e: {  	s11 =	sshll.u32 s13, $0x2;
	s13 =	sshll.u32 s12, $0x2;
	s17 =	sshll.u32 s16, $0x2  }
0x1f: {  	s21 =	sadd.s32 s0, s14;
	s26 =	sshll.u32 s7, $0x2;
	s14 =	sadd.s32 s0, s22  }
0x20: {  	s6 =	sshrl.u32 s20, $0x3;
	s7 =	simm.s32 $0x3E8;
	s22 =	simm.s32 $0x1770  }
0x21: {  	s20 =	simm.s32 $0x1B58;
	s16 =	simm.s32 $0x2;
	s12 =	simm.s32 $0x3  }
0x22: {  	[dreg:$0xc] =	wrdreg s24;
	s30 =	sadd.s32 s0, s9;
	s28 =	sadd.s32 s0, s10  }
.Ltmp0:
0x23: {  	s25 =	sadd.s32 s0, s11;
	s23 =	sadd.s32 s0, s13;
	(pc) =	sbr.rel @!p1 .LBB2_3-.Ltmp0, $4  }
0x24: {  	s17 =	sadd.s32 s0, s17;
	s24 =	sshll.u32 s18, $0x2;
	s8 =	sadd.s32 s0, s26  }
0x25: {  	s26 =	simm.s32 $0xFA0;
	s10 =	simm.s32 $0x2328;
	s18 =	simm.s32 $0x1  }
0x26: {  	s13 =	simm.s32 $0xA410;
	s11 =	simm.s32 $0x4;
	s9 =	sadd.s32 s0, s24  }
0x27: {  	s24 =	simm.s32 $0x1388;
	s0 =	sadd.s32 $0xFFFFFFFF, s19;
	s19 =	simm.s32 $0x2710  }
0x28: {  	[spmem:s6], [sflag:s4] =	dma.local [hbm:s1], $0x9C4  }
0x29: {  	_ =	swait.ge [sflag:s5], $0x9C4  }
0x2a: {  	[dreg:$0x10] =	wrdreg s0;
	[sflag:s5] =	ssyncset.done $0x0  }
0x2b: {  	s1 =	rddreg [dreg:$0x4];
	[sflag:s5] =	ssyncadd.s32 $0xFFFFF63C  }
0x2c: {  	[tilespmem:s3], [sflag:$0x1] =	stream.linear.gather [hbm4b:s1+s3], $0x3E8, $0x38;
	[tilespmem:$0x16F30] =	vst v63  }
0x2d: {  	s0 =	rddreg [dreg:$0x5]  }
0x2e: {  	[tilespmem:s7], [sflag:$0x1] =	stream.linear.gather [hbm4b:s0+s3], $0x3E8, $0x38;
	[tilespmem:$0x16F30] =	vst v63  }
0x2f: {  	s1 =	rddreg [dreg:$0x6]  }
0x30: {  	[tilespmem:s31], [sflag:$0x1] =	stream.linear.gather [hbm4b:s1+s3], $0x3E8, $0x38;
	[tilespmem:$0x16F30] =	vst v63  }
0x31: {  	s0 =	rddreg [dreg:$0x7]  }
0x32: {  	[tilespmem:s29], [sflag:$0x1] =	stream.linear.gather [hbm4b:s0+s3], $0x3E8, $0x38;
	[tilespmem:$0x16F30] =	vst v63  }
0x33: {  	s1 =	rddreg [dreg:$0x8]  }
0x34: {  	[tilespmem:s26], [sflag:$0x1] =	stream.linear.gather [hbm4b:s1+s3], $0x3E8, $0x38;
	[tilespmem:$0x16F30] =	vst v63  }
0x35: {  	s0 =	rddreg [dreg:$0x9]  }
0x36: {  	[tilespmem:s24], [sflag:$0x1] =	stream.linear.gather [hbm4b:s0+s3], $0x3E8, $0x38;
	[tilespmem:$0x16F30] =	vst v63  }
0x37: {  	s1 =	rddreg [dreg:$0xa]  }
0x38: {  	[tilespmem:s22], [sflag:$0x1] =	stream.linear.gather [hbm4b:s1+s3], $0x3E8, $0x38;
	[tilespmem:$0x16F30] =	vst v63  }
0x39: {  	s0 =	rddreg [dreg:$0xb]  }
0x3a: {  	[tilespmem:s20], [sflag:$0x1] =	stream.linear.gather [hbm4b:s0+s3], $0x3E8, $0x38;
	[tilespmem:$0x16F30] =	vst v63  }
0x3b: {  	s1 =	rddreg [dreg:$0xc]  }
0x3c: {  	[tilespmem:s15], [sflag:$0x1] =	stream.linear.gather [hbm4b:s1+s3], $0x3E8, $0x38;
	[tilespmem:$0x16F30] =	vst v63  }
0x3d: {  	s0 =	rddreg [dreg:$0xd]  }
0x3e: {  	[tilespmem:s10], [sflag:$0x1] =	stream.linear.gather [hbm4b:s0+s3], $0x3E8, $0x38;
	[tilespmem:$0x16F30] =	vst v63  }
0x3f: {  	_ =	swait.ge [sflag:s18], $0x3E8  }
0x40: {  	[sflag:s18] =	ssyncset.done $0x0  }
0x41: {  	[sflag:s18] =	ssyncadd.s32 $0xFFFFFC18  }
0x42: {  	_ =	swait.ge [sflag:s18], $0x3E8  }
0x43: {  	[sflag:s18] =	ssyncset.done $0x0  }
0x44: {  	[sflag:s18] =	ssyncadd.s32 $0xFFFFFC18  }
0x45: {  	_ =	swait.ge [sflag:s18], $0x3E8  }
0x46: {  	[sflag:s18] =	ssyncset.done $0x0  }
0x47: {  	[sflag:s18] =	ssyncadd.s32 $0xFFFFFC18  }
0x48: {  	_ =	swait.ge [sflag:s18], $0x3E8  }
0x49: {  	[sflag:s18] =	ssyncset.done $0x0  }
0x4a: {  	[sflag:s18] =	ssyncadd.s32 $0xFFFFFC18  }
0x4b: {  	_ =	swait.ge [sflag:s18], $0x3E8  }
0x4c: {  	[sflag:s18] =	ssyncset.done $0x0  }
0x4d: {  	[sflag:s18] =	ssyncadd.s32 $0xFFFFFC18  }
0x4e: {  	_ =	swait.ge [sflag:s18], $0x3E8  }
0x4f: {  	[sflag:s18] =	ssyncset.done $0x0  }
0x50: {  	[sflag:s18] =	ssyncadd.s32 $0xFFFFFC18  }
0x51: {  	_ =	swait.ge [sflag:s18], $0x3E8  }
0x52: {  	[sflag:s18] =	ssyncset.done $0x0  }
0x53: {  	[sflag:s18] =	ssyncadd.s32 $0xFFFFFC18  }
0x54: {  	_ =	swait.ge [sflag:s18], $0x3E8  }
0x55: {  	[sflag:s18] =	ssyncset.done $0x0  }
0x56: {  	[sflag:s18] =	ssyncadd.s32 $0xFFFFFC18  }
0x57: {  	_ =	swait.ge [sflag:s18], $0x3E8  }
0x58: {  	[sflag:s18] =	ssyncset.done $0x0  }
0x59: {  	[sflag:s18] =	ssyncadd.s32 $0xFFFFFC18  }
0x5a: {  	_ =	swait.ge [sflag:s18], $0x3E8  }
0x5b: {  	[sflag:s18] =	ssyncset.done $0x0  }
0x5c: {  	[sflag:s18] =	ssyncadd.s32 $0xFFFFFC18  }
0x5d: {  	[bflag:$0x0] =	sbarrier.arrive $0xFFFF  }
0x5e: {  	s1 =	rddreg [dreg:$0xf]  }
0x5f: {  	[tilespmem:s19], [sflag:$0x1] =	stream.linear.gather [hbm4b:s1+s3], $0x7D00, $0x38;
	[tilespmem:$0x16F30] =	vst v63  }
0x60: {  	_ =	swait.ge [sflag:s18], $0x7D00  }
0x61: {  	[sflag:s18] =	ssyncset.done $0x0  }
0x62: {  	[sflag:s18] =	ssyncadd.s32 $0xFFFF8300  }
0x63: {  	[spmem:s2] =	stream.indirect.scatter.add.f32 [tilespmem:s19], [sflag:$0x3], $0x20, s3, s7, $0xb8;
	[tilespmem:$0x16F30] =	vst v63  }
0x64: {  	_ = 	snop  }
0x65: {  	[tilespmem:s13], [sflag:$0x2] =	stream.linear.gather [hbm4b:s30+s3], $0x7D00, $0x38;
	[tilespmem:$0x16F30] =	vst v63  }
0x66: {  	_ =	swait.ge [sflag:s16], $0x7D00  }
0x67: {  	[sflag:s16] =	ssyncset.done $0x0  }
0x68: {  	[sflag:s16] =	ssyncadd.s32 $0xFFFF8300  }
0x69: {  	[spmem:s2] =	stream.indirect.scatter.add.f32 [tilespmem:s13], [sflag:$0x4], $0x20, s7, s7, $0xb8;
	[tilespmem:$0x16F30] =	vst v63  }
0x6a: {  	_ =	swait.ge [sflag:s12], $0x7D00  }
0x6b: {  	[sflag:s12] =	ssyncset.done $0x0  }
0x6c: {  	[sflag:s12] =	ssyncadd.s32 $0xFFFF8300  }
0x6d: {  	[tilespmem:s19], [sflag:$0x1] =	stream.linear.gather [hbm4b:s28+s3], $0x7D00, $0x38;
	[tilespmem:$0x16F30] =	vst v63  }
0x6e: {  	_ =	swait.ge [sflag:s18], $0x7D00  }
0x6f: {  	[sflag:s18] =	ssyncset.done $0x0  }
0x70: {  	[sflag:s18] =	ssyncadd.s32 $0xFFFF8300  }
0x71: {  	[spmem:s2] =	stream.indirect.scatter.add.f32 [tilespmem:s19], [sflag:$0x3], $0x20, s31, s7, $0xb8;
	[tilespmem:$0x16F30] =	vst v63  }
0x72: {  	_ =	swait.ge [sflag:s11], $0x7D00  }
0x73: {  	[sflag:s11] =	ssyncset.done $0x0  }
0x74: {  	[sflag:s11] =	ssyncadd.s32 $0xFFFF8300  }
0x75: {  	[tilespmem:s13], [sflag:$0x2] =	stream.linear.gather [hbm4b:s25+s3], $0x7D00, $0x38;
	[tilespmem:$0x16F30] =	vst v63  }
0x76: {  	_ =	swait.ge [sflag:s16], $0x7D00  }
0x77: {  	[sflag:s16] =	ssyncset.done $0x0  }
0x78: {  	[sflag:s16] =	ssyncadd.s32 $0xFFFF8300  }
0x79: {  	[spmem:s2] =	stream.indirect.scatter.add.f32 [tilespmem:s13], [sflag:$0x4], $0x20, s29, s7, $0xb8;
	[tilespmem:$0x16F30] =	vst v63  }
0x7a: {  	_ =	swait.ge [sflag:s12], $0x7D00  }
0x7b: {  	[sflag:s12] =	ssyncset.done $0x0  }
0x7c: {  	[sflag:s12] =	ssyncadd.s32 $0xFFFF8300  }
0x7d: {  	[tilespmem:s19], [sflag:$0x1] =	stream.linear.gather [hbm4b:s23+s3], $0x7D00, $0x38;
	[tilespmem:$0x16F30] =	vst v63  }
0x7e: {  	_ =	swait.ge [sflag:s18], $0x7D00  }
0x7f: {  	[sflag:s18] =	ssyncset.done $0x0  }
0x80: {  	[sflag:s18] =	ssyncadd.s32 $0xFFFF8300  }
0x81: {  	[spmem:s2] =	stream.indirect.scatter.add.f32 [tilespmem:s19], [sflag:$0x3], $0x20, s26, s7, $0xb8;
	[tilespmem:$0x16F30] =	vst v63  }
0x82: {  	_ =	swait.ge [sflag:s11], $0x7D00  }
0x83: {  	[sflag:s11] =	ssyncset.done $0x0  }
0x84: {  	[sflag:s11] =	ssyncadd.s32 $0xFFFF8300  }
0x85: {  	[tilespmem:s13], [sflag:$0x2] =	stream.linear.gather [hbm4b:s21+s3], $0x7D00, $0x38;
	[tilespmem:$0x16F30] =	vst v63  }
0x86: {  	_ =	swait.ge [sflag:s16], $0x7D00  }
0x87: {  	[sflag:s16] =	ssyncset.done $0x0  }
0x88: {  	[sflag:s16] =	ssyncadd.s32 $0xFFFF8300  }
0x89: {  	[spmem:s2] =	stream.indirect.scatter.add.f32 [tilespmem:s13], [sflag:$0x4], $0x20, s24, s7, $0xb8;
	[tilespmem:$0x16F30] =	vst v63  }
0x8a: {  	_ =	swait.ge [sflag:s12], $0x7D00  }
0x8b: {  	[sflag:s12] =	ssyncset.done $0x0  }
0x8c: {  	[sflag:s12] =	ssyncadd.s32 $0xFFFF8300  }
0x8d: {  	[tilespmem:s19], [sflag:$0x1] =	stream.linear.gather [hbm4b:s17+s3], $0x7D00, $0x38;
	[tilespmem:$0x16F30] =	vst v63  }
0x8e: {  	_ =	swait.ge [sflag:s18], $0x7D00  }
0x8f: {  	[sflag:s18] =	ssyncset.done $0x0  }
0x90: {  	[sflag:s18] =	ssyncadd.s32 $0xFFFF8300  }
0x91: {  	[spmem:s2] =	stream.indirect.scatter.add.f32 [tilespmem:s19], [sflag:$0x3], $0x20, s22, s7, $0xb8;
	[tilespmem:$0x16F30] =	vst v63  }
0x92: {  	_ =	swait.ge [sflag:s11], $0x7D00  }
0x93: {  	[sflag:s11] =	ssyncset.done $0x0  }
0x94: {  	[sflag:s11] =	ssyncadd.s32 $0xFFFF8300  }
0x95: {  	[tilespmem:s13], [sflag:$0x2] =	stream.linear.gather [hbm4b:s14+s3], $0x7D00, $0x38;
	[tilespmem:$0x16F30] =	vst v63  }
0x96: {  	_ =	swait.ge [sflag:s16], $0x7D00  }
0x97: {  	[sflag:s16] =	ssyncset.done $0x0  }
0x98: {  	[sflag:s16] =	ssyncadd.s32 $0xFFFF8300  }
0x99: {  	[spmem:s2] =	stream.indirect.scatter.add.f32 [tilespmem:s13], [sflag:$0x4], $0x20, s20, s7, $0xb8;
	[tilespmem:$0x16F30] =	vst v63  }
0x9a: {  	_ =	swait.ge [sflag:s12], $0x7D00  }
0x9b: {  	[sflag:s12] =	ssyncset.done $0x0  }
0x9c: {  	[sflag:s12] =	ssyncadd.s32 $0xFFFF8300  }
0x9d: {  	[tilespmem:s19], [sflag:$0x1] =	stream.linear.gather [hbm4b:s9+s3], $0x7D00, $0x38;
	[tilespmem:$0x16F30] =	vst v63  }
0x9e: {  	_ =	swait.ge [sflag:s18], $0x7D00  }
0x9f: {  	[sflag:s18] =	ssyncset.done $0x0  }
0xa0: {  	[sflag:s18] =	ssyncadd.s32 $0xFFFF8300  }
0xa1: {  	[spmem:s2] =	stream.indirect.scatter.add.f32 [tilespmem:s19], [sflag:$0x3], $0x20, s15, s7, $0xb8;
	[tilespmem:$0x16F30] =	vst v63  }
0xa2: {  	_ =	swait.ge [sflag:s11], $0x7D00  }
0xa3: {  	[sflag:s11] =	ssyncset.done $0x0  }
0xa4: {  	[sflag:s11] =	ssyncadd.s32 $0xFFFF8300  }
0xa5: {  	[tilespmem:s13], [sflag:$0x2] =	stream.linear.gather [hbm4b:s8+s3], $0x7D00, $0x38;
	[tilespmem:$0x16F30] =	vst v63  }
0xa6: {  	_ =	swait.ge [sflag:s16], $0x7D00  }
0xa7: {  	[sflag:s16] =	ssyncset.done $0x0  }
0xa8: {  	[sflag:s16] =	ssyncadd.s32 $0xFFFF8300  }
0xa9: {  	[spmem:s2] =	stream.indirect.scatter.add.f32 [tilespmem:s13], [sflag:$0x4], $0x20, s10, s7, $0xb8;
	[tilespmem:$0x16F30] =	vst v63  }
0xaa: {  	_ =	swait.ge [sflag:s12], $0x7D00  }
0xab: {  	[sflag:s12] =	ssyncset.done $0x0  }
0xac: {  	[sflag:s12] =	ssyncadd.s32 $0xFFFF8300  }
0xad: {  	_ =	swait.ge [sflag:s11], $0x7D00  }
0xae: {  	[sflag:s11] =	ssyncset.done $0x0  }
0xaf: {  	[sflag:s11] =	ssyncadd.s32 $0xFFFF8300  }
0xb0: {  	[bflag:$0x0] =	sbarrier.arrive $0xFFFF  }
0xb1: {  	s1 =	rddreg [dreg:$0xe]  }
0xb2: {  	[hbm:s1], [sflag:s4] =	dma.local [spmem:s6], $0x9C4  }
0xb3: {  	s0 =	rddreg [dreg:$0x10]  }
0xb4: {  	p1 =	sne.s32 s0, $0x1  }
.Ltmp1:
0xb5: {  	_ = 	snop;
	(pc) =	sbr.rel @!p1 .LBB2_3-.Ltmp1, $3  }
0xb6: {  	_ =	sdelay $0x1  }
0xb7: {  	p0 =	por $0x1, $0x1;
	_ =	swait.ge [sflag:s5], $0x9C4  }
0xb8: {  	s0 =	sadd.s32 $0xFFFFFFFF, s0;
	s1 =	rddreg [dreg:$0x3];
	[sflag:s5] =	ssyncset.done $0x0  }
.LBB2_2:
0xb9: {  	[sflag:s5] =	ssyncadd.s32 $0xFFFFF63C  }
0xba: {  	[spmem:s6], [sflag:s4] =	dma.local [hbm:s1], $0x9C4  }
0xbb: {  	_ =	swait.ge [sflag:s5], $0x9C4  }
0xbc: {  	[sflag:s5] =	ssyncset.done $0x0  }
0xbd: {  	s1 =	rddreg [dreg:$0x4];
	[sflag:s5] =	ssyncadd.s32 $0xFFFFF63C  }
0xbe: {  	[tilespmem:s3], [sflag:$0x1] =	stream.linear.gather [hbm4b:s1+s3], $0x3E8, $0x38;
	[tilespmem:$0x16F30] =	vst v63  }
0xbf: {  	s10 =	smov.u32 s8;
	s8 =	rddreg [dreg:$0x5]  }
0xc0: {  	[tilespmem:s7], [sflag:$0x1] =	stream.linear.gather [hbm4b:s8+s3], $0x3E8, $0x38;
	[tilespmem:$0x16F30] =	vst v63  }
0xc1: {  	s5 =	simm.s32 $0x7D0;
	s1 =	rddreg [dreg:$0x6]  }
0xc2: {  	[tilespmem:s5], [sflag:$0x1] =	stream.linear.gather [hbm4b:s1+s3], $0x3E8, $0x38;
	[tilespmem:$0x16F30] =	vst v63  }
0xc3: {  	s31 =	simm.s32 $0xBB8;
	s8 =	rddreg [dreg:$0x7]  }
0xc4: {  	[tilespmem:s31], [sflag:$0x1] =	stream.linear.gather [hbm4b:s8+s3], $0x3E8, $0x38;
	[tilespmem:$0x16F30] =	vst v63  }
0xc5: {  	s29 =	simm.s32 $0xFA0;
	s1 =	rddreg [dreg:$0x8]  }
0xc6: {  	[tilespmem:s29], [sflag:$0x1] =	stream.linear.gather [hbm4b:s1+s3], $0x3E8, $0x38;
	[tilespmem:$0x16F30] =	vst v63  }
0xc7: {  	s26 =	simm.s32 $0x1388;
	s8 =	rddreg [dreg:$0x9]  }
0xc8: {  	[tilespmem:s26], [sflag:$0x1] =	stream.linear.gather [hbm4b:s8+s3], $0x3E8, $0x38;
	[tilespmem:$0x16F30] =	vst v63  }
0xc9: {  	s24 =	simm.s32 $0x1770;
	s1 =	rddreg [dreg:$0xa]  }
0xca: {  	[tilespmem:s24], [sflag:$0x1] =	stream.linear.gather [hbm4b:s1+s3], $0x3E8, $0x38;
	[tilespmem:$0x16F30] =	vst v63  }
0xcb: {  	s22 =	simm.s32 $0x1B58;
	s8 =	rddreg [dreg:$0xb]  }
0xcc: {  	[tilespmem:s22], [sflag:$0x1] =	stream.linear.gather [hbm4b:s8+s3], $0x3E8, $0x38;
	[tilespmem:$0x16F30] =	vst v63  }
0xcd: {  	s20 =	simm.s32 $0x1F40;
	s1 =	rddreg [dreg:$0xc]  }
0xce: {  	[tilespmem:s20], [sflag:$0x1] =	stream.linear.gather [hbm4b:s1+s3], $0x3E8, $0x38;
	[tilespmem:$0x16F30] =	vst v63  }
0xcf: {  	s15 =	simm.s32 $0x2328;
	s8 =	rddreg [dreg:$0xd]  }
0xd0: {  	[tilespmem:s15], [sflag:$0x1] =	stream.linear.gather [hbm4b:s8+s3], $0x3E8, $0x38;
	[tilespmem:$0x16F30] =	vst v63  }
0xd1: {  	_ =	swait.ge [sflag:s18], $0x3E8  }
0xd2: {  	[sflag:s18] =	ssyncset.done $0x0  }
0xd3: {  	[sflag:s18] =	ssyncadd.s32 $0xFFFFFC18  }
0xd4: {  	_ =	swait.ge [sflag:s18], $0x3E8  }
0xd5: {  	[sflag:s18] =	ssyncset.done $0x0  }
0xd6: {  	[sflag:s18] =	ssyncadd.s32 $0xFFFFFC18  }
0xd7: {  	_ =	swait.ge [sflag:s18], $0x3E8  }
0xd8: {  	[sflag:s18] =	ssyncset.done $0x0  }
0xd9: {  	[sflag:s18] =	ssyncadd.s32 $0xFFFFFC18  }
0xda: {  	_ =	swait.ge [sflag:s18], $0x3E8  }
0xdb: {  	[sflag:s18] =	ssyncset.done $0x0  }
0xdc: {  	[sflag:s18] =	ssyncadd.s32 $0xFFFFFC18  }
0xdd: {  	_ =	swait.ge [sflag:s18], $0x3E8  }
0xde: {  	[sflag:s18] =	ssyncset.done $0x0  }
0xdf: {  	[sflag:s18] =	ssyncadd.s32 $0xFFFFFC18  }
0xe0: {  	_ =	swait.ge [sflag:s18], $0x3E8  }
0xe1: {  	[sflag:s18] =	ssyncset.done $0x0  }
0xe2: {  	[sflag:s18] =	ssyncadd.s32 $0xFFFFFC18  }
0xe3: {  	_ =	swait.ge [sflag:s18], $0x3E8  }
0xe4: {  	[sflag:s18] =	ssyncset.done $0x0  }
0xe5: {  	[sflag:s18] =	ssyncadd.s32 $0xFFFFFC18  }
0xe6: {  	_ =	swait.ge [sflag:s18], $0x3E8  }
0xe7: {  	[sflag:s18] =	ssyncset.done $0x0  }
0xe8: {  	[sflag:s18] =	ssyncadd.s32 $0xFFFFFC18  }
0xe9: {  	_ =	swait.ge [sflag:s18], $0x3E8  }
0xea: {  	[sflag:s18] =	ssyncset.done $0x0  }
0xeb: {  	[sflag:s18] =	ssyncadd.s32 $0xFFFFFC18  }
0xec: {  	_ =	swait.ge [sflag:s18], $0x3E8  }
0xed: {  	[sflag:s18] =	ssyncset.done $0x0  }
0xee: {  	[sflag:s18] =	ssyncadd.s32 $0xFFFFFC18  }
0xef: {  	[bflag:$0x0] =	sbarrier.arrive $0xFFFF  }
0xf0: {  	s1 =	rddreg [dreg:$0xf]  }
0xf1: {  	[tilespmem:s19], [sflag:$0x1] =	stream.linear.gather [hbm4b:s1+s3], $0x7D00, $0x38;
	[tilespmem:$0x16F30] =	vst v63  }
0xf2: {  	_ =	swait.ge [sflag:s18], $0x7D00  }
0xf3: {  	[sflag:s18] =	ssyncset.done $0x0  }
0xf4: {  	[sflag:s18] =	ssyncadd.s32 $0xFFFF8300  }
0xf5: {  	[spmem:s2] =	stream.indirect.scatter.add.f32 [tilespmem:s19], [sflag:$0x3], $0x20, s3, s7, $0xb8;
	[tilespmem:$0x16F30] =	vst v63  }
0xf6: {  	_ = 	snop  }
0xf7: {  	[tilespmem:s13], [sflag:$0x2] =	stream.linear.gather [hbm4b:s30+s3], $0x7D00, $0x38;
	[tilespmem:$0x16F30] =	vst v63  }
0xf8: {  	_ =	swait.ge [sflag:s16], $0x7D00  }
0xf9: {  	[sflag:s16] =	ssyncset.done $0x0  }
0xfa: {  	[sflag:s16] =	ssyncadd.s32 $0xFFFF8300  }
0xfb: {  	[spmem:s2] =	stream.indirect.scatter.add.f32 [tilespmem:s13], [sflag:$0x4], $0x20, s7, s7, $0xb8;
	[tilespmem:$0x16F30] =	vst v63  }
0xfc: {  	_ =	swait.ge [sflag:s12], $0x7D00  }
0xfd: {  	[sflag:s12] =	ssyncset.done $0x0  }
0xfe: {  	[sflag:s12] =	ssyncadd.s32 $0xFFFF8300  }
0xff: {  	[tilespmem:s19], [sflag:$0x1] =	stream.linear.gather [hbm4b:s28+s3], $0x7D00, $0x38;
	[tilespmem:$0x16F30] =	vst v63  }
0x100: {  	_ =	swait.ge [sflag:s18], $0x7D00  }
0x101: {  	[sflag:s18] =	ssyncset.done $0x0  }
0x102: {  	s31 =	simm.s32 $0x7D0;
	[sflag:s18] =	ssyncadd.s32 $0xFFFF8300  }
0x103: {  	[spmem:s2] =	stream.indirect.scatter.add.f32 [tilespmem:s19], [sflag:$0x3], $0x20, s31, s7, $0xb8;
	[tilespmem:$0x16F30] =	vst v63  }
0x104: {  	_ =	swait.ge [sflag:s11], $0x7D00  }
0x105: {  	[sflag:s11] =	ssyncset.done $0x0  }
0x106: {  	[sflag:s11] =	ssyncadd.s32 $0xFFFF8300  }
0x107: {  	[tilespmem:s13], [sflag:$0x2] =	stream.linear.gather [hbm4b:s25+s3], $0x7D00, $0x38;
	[tilespmem:$0x16F30] =	vst v63  }
0x108: {  	_ =	swait.ge [sflag:s16], $0x7D00  }
0x109: {  	[sflag:s16] =	ssyncset.done $0x0  }
0x10a: {  	s29 =	simm.s32 $0xBB8;
	[sflag:s16] =	ssyncadd.s32 $0xFFFF8300  }
0x10b: {  	[spmem:s2] =	stream.indirect.scatter.add.f32 [tilespmem:s13], [sflag:$0x4], $0x20, s29, s7, $0xb8;
	[tilespmem:$0x16F30] =	vst v63  }
0x10c: {  	_ =	swait.ge [sflag:s12], $0x7D00  }
0x10d: {  	[sflag:s12] =	ssyncset.done $0x0  }
0x10e: {  	[sflag:s12] =	ssyncadd.s32 $0xFFFF8300  }
0x10f: {  	[tilespmem:s19], [sflag:$0x1] =	stream.linear.gather [hbm4b:s23+s3], $0x7D00, $0x38;
	[tilespmem:$0x16F30] =	vst v63  }
0x110: {  	_ =	swait.ge [sflag:s18], $0x7D00  }
0x111: {  	[sflag:s18] =	ssyncset.done $0x0  }
0x112: {  	s26 =	simm.s32 $0xFA0;
	[sflag:s18] =	ssyncadd.s32 $0xFFFF8300  }
0x113: {  	[spmem:s2] =	stream.indirect.scatter.add.f32 [tilespmem:s19], [sflag:$0x3], $0x20, s26, s7, $0xb8;
	[tilespmem:$0x16F30] =	vst v63  }
0x114: {  	_ =	swait.ge [sflag:s11], $0x7D00  }
0x115: {  	[sflag:s11] =	ssyncset.done $0x0  }
0x116: {  	[sflag:s11] =	ssyncadd.s32 $0xFFFF8300  }
0x117: {  	[tilespmem:s13], [sflag:$0x2] =	stream.linear.gather [hbm4b:s21+s3], $0x7D00, $0x38;
	[tilespmem:$0x16F30] =	vst v63  }
0x118: {  	_ =	swait.ge [sflag:s16], $0x7D00  }
0x119: {  	[sflag:s16] =	ssyncset.done $0x0  }
0x11a: {  	s24 =	simm.s32 $0x1388;
	[sflag:s16] =	ssyncadd.s32 $0xFFFF8300  }
0x11b: {  	[spmem:s2] =	stream.indirect.scatter.add.f32 [tilespmem:s13], [sflag:$0x4], $0x20, s24, s7, $0xb8;
	[tilespmem:$0x16F30] =	vst v63  }
0x11c: {  	_ =	swait.ge [sflag:s12], $0x7D00  }
0x11d: {  	[sflag:s12] =	ssyncset.done $0x0  }
0x11e: {  	[sflag:s12] =	ssyncadd.s32 $0xFFFF8300  }
0x11f: {  	[tilespmem:s19], [sflag:$0x1] =	stream.linear.gather [hbm4b:s17+s3], $0x7D00, $0x38;
	[tilespmem:$0x16F30] =	vst v63  }
0x120: {  	_ =	swait.ge [sflag:s18], $0x7D00  }
0x121: {  	[sflag:s18] =	ssyncset.done $0x0  }
0x122: {  	s22 =	simm.s32 $0x1770;
	[sflag:s18] =	ssyncadd.s32 $0xFFFF8300  }
0x123: {  	[spmem:s2] =	stream.indirect.scatter.add.f32 [tilespmem:s19], [sflag:$0x3], $0x20, s22, s7, $0xb8;
	[tilespmem:$0x16F30] =	vst v63  }
0x124: {  	_ =	swait.ge [sflag:s11], $0x7D00  }
0x125: {  	[sflag:s11] =	ssyncset.done $0x0  }
0x126: {  	[sflag:s11] =	ssyncadd.s32 $0xFFFF8300  }
0x127: {  	[tilespmem:s13], [sflag:$0x2] =	stream.linear.gather [hbm4b:s14+s3], $0x7D00, $0x38;
	[tilespmem:$0x16F30] =	vst v63  }
0x128: {  	_ =	swait.ge [sflag:s16], $0x7D00  }
0x129: {  	[sflag:s16] =	ssyncset.done $0x0  }
0x12a: {  	s20 =	simm.s32 $0x1B58;
	[sflag:s16] =	ssyncadd.s32 $0xFFFF8300  }
0x12b: {  	[spmem:s2] =	stream.indirect.scatter.add.f32 [tilespmem:s13], [sflag:$0x4], $0x20, s20, s7, $0xb8;
	[tilespmem:$0x16F30] =	vst v63  }
0x12c: {  	_ =	swait.ge [sflag:s12], $0x7D00  }
0x12d: {  	[sflag:s12] =	ssyncset.done $0x0  }
0x12e: {  	[sflag:s12] =	ssyncadd.s32 $0xFFFF8300  }
0x12f: {  	[tilespmem:s19], [sflag:$0x1] =	stream.linear.gather [hbm4b:s9+s3], $0x7D00, $0x38;
	[tilespmem:$0x16F30] =	vst v63  }
0x130: {  	_ =	swait.ge [sflag:s18], $0x7D00  }
0x131: {  	[sflag:s18] =	ssyncset.done $0x0  }
0x132: {  	s15 =	simm.s32 $0x1F40;
	[sflag:s18] =	ssyncadd.s32 $0xFFFF8300  }
0x133: {  	[spmem:s2] =	stream.indirect.scatter.add.f32 [tilespmem:s19], [sflag:$0x3], $0x20, s15, s7, $0xb8;
	[tilespmem:$0x16F30] =	vst v63  }
0x134: {  	_ =	swait.ge [sflag:s11], $0x7D00  }
0x135: {  	[sflag:s11] =	ssyncset.done $0x0  }
0x136: {  	s8 =	smov.u32 s10;
	[sflag:s11] =	ssyncadd.s32 $0xFFFF8300  }
0x137: {  	[tilespmem:s13], [sflag:$0x2] =	stream.linear.gather [hbm4b:s8+s3], $0x7D00, $0x38;
	[tilespmem:$0x16F30] =	vst v63  }
0x138: {  	_ =	swait.ge [sflag:s16], $0x7D00  }
0x139: {  	[sflag:s16] =	ssyncset.done $0x0  }
0x13a: {  	s10 =	simm.s32 $0x2328;
	[sflag:s16] =	ssyncadd.s32 $0xFFFF8300  }
0x13b: {  	[spmem:s2] =	stream.indirect.scatter.add.f32 [tilespmem:s13], [sflag:$0x4], $0x20, s10, s7, $0xb8;
	[tilespmem:$0x16F30] =	vst v63  }
0x13c: {  	_ =	swait.ge [sflag:s12], $0x7D00  }
0x13d: {  	[sflag:s12] =	ssyncset.done $0x0  }
0x13e: {  	[sflag:s12] =	ssyncadd.s32 $0xFFFF8300  }
0x13f: {  	_ =	swait.ge [sflag:s11], $0x7D00  }
0x140: {  	[sflag:s11] =	ssyncset.done $0x0  }
0x141: {  	p1 =	sne.s32 s0, $0x1;
	[sflag:s11] =	ssyncadd.s32 $0xFFFF8300  }
.Ltmp2:
0x142: {  	[bflag:$0x0] =	sbarrier.arrive $0xFFFF;
	(pc) =	sbr.rel @p1 .LBB2_2-.Ltmp2, $4  }
0x143: {  	s5 =	simm.s32 $0x5;
	s1 =	rddreg [dreg:$0xe]  }
0x144: {  	[hbm:s1], [sflag:s4] =	dma.local [spmem:s6], $0x9C4  }
0x145: {  	_ =	swait.ge [sflag:s5], $0x9C4  }
0x146: {  	s0 =	sadd.s32 $0xFFFFFFFF, s0;
	s1 =	rddreg [dreg:$0x3];
	[sflag:s5] =	ssyncset.done $0x0  }
.LBB2_3:
0x147: {  	[sflag:s5] =	ssyncadd.s32 @p0 $0xFFFFF63C  }
0x148: {  	[spmem:s6], [sflag:s4] =	dma.local [hbm:s1], $0x9C4  }
0x149: {  	_ =	swait.ge [sflag:s5], $0x9C4  }
0x14a: {  	[sflag:s5] =	ssyncset.done $0x0  }
0x14b: {  	s0 =	rddreg [dreg:$0x4];
	[sflag:s5] =	ssyncadd.s32 $0xFFFFF63C  }
0x14c: {  	[tilespmem:s3], [sflag:$0x1] =	stream.linear.gather [hbm4b:s0+s3], $0x3E8, $0x38;
	[tilespmem:$0x16F30] =	vst v63  }
0x14d: {  	s1 =	rddreg [dreg:$0x5]  }
0x14e: {  	[tilespmem:s7], [sflag:$0x1] =	stream.linear.gather [hbm4b:s1+s3], $0x3E8, $0x38;
	[tilespmem:$0x16F30] =	vst v63  }
0x14f: {  	s0 =	rddreg [dreg:$0x6]  }
0x150: {  	[tilespmem:s31], [sflag:$0x1] =	stream.linear.gather [hbm4b:s0+s3], $0x3E8, $0x38;
	[tilespmem:$0x16F30] =	vst v63  }
0x151: {  	s1 =	rddreg [dreg:$0x7]  }
0x152: {  	[tilespmem:s29], [sflag:$0x1] =	stream.linear.gather [hbm4b:s1+s3], $0x3E8, $0x38;
	[tilespmem:$0x16F30] =	vst v63  }
0x153: {  	s0 =	rddreg [dreg:$0x8]  }
0x154: {  	[tilespmem:s26], [sflag:$0x1] =	stream.linear.gather [hbm4b:s0+s3], $0x3E8, $0x38;
	[tilespmem:$0x16F30] =	vst v63  }
0x155: {  	s1 =	rddreg [dreg:$0x9]  }
0x156: {  	[tilespmem:s24], [sflag:$0x1] =	stream.linear.gather [hbm4b:s1+s3], $0x3E8, $0x38;
	[tilespmem:$0x16F30] =	vst v63  }
0x157: {  	s0 =	rddreg [dreg:$0xa]  }
0x158: {  	[tilespmem:s22], [sflag:$0x1] =	stream.linear.gather [hbm4b:s0+s3], $0x3E8, $0x38;
	[tilespmem:$0x16F30] =	vst v63  }
0x159: {  	s1 =	rddreg [dreg:$0xb]  }
0x15a: {  	[tilespmem:s20], [sflag:$0x1] =	stream.linear.gather [hbm4b:s1+s3], $0x3E8, $0x38;
	[tilespmem:$0x16F30] =	vst v63  }
0x15b: {  	s0 =	rddreg [dreg:$0xc]  }
0x15c: {  	[tilespmem:s15], [sflag:$0x1] =	stream.linear.gather [hbm4b:s0+s3], $0x3E8, $0x38;
	[tilespmem:$0x16F30] =	vst v63  }
0x15d: {  	s1 =	rddreg [dreg:$0xd]  }
0x15e: {  	[tilespmem:s10], [sflag:$0x1] =	stream.linear.gather [hbm4b:s1+s3], $0x3E8, $0x38;
	[tilespmem:$0x16F30] =	vst v63  }
0x15f: {  	_ =	swait.ge [sflag:s18], $0x3E8  }
0x160: {  	[sflag:s18] =	ssyncset.done $0x0  }
0x161: {  	[sflag:s18] =	ssyncadd.s32 $0xFFFFFC18  }
0x162: {  	_ =	swait.ge [sflag:s18], $0x3E8  }
0x163: {  	[sflag:s18] =	ssyncset.done $0x0  }
0x164: {  	[sflag:s18] =	ssyncadd.s32 $0xFFFFFC18  }
0x165: {  	_ =	swait.ge [sflag:s18], $0x3E8  }
0x166: {  	[sflag:s18] =	ssyncset.done $0x0  }
0x167: {  	[sflag:s18] =	ssyncadd.s32 $0xFFFFFC18  }
0x168: {  	_ =	swait.ge [sflag:s18], $0x3E8  }
0x169: {  	[sflag:s18] =	ssyncset.done $0x0  }
0x16a: {  	[sflag:s18] =	ssyncadd.s32 $0xFFFFFC18  }
0x16b: {  	_ =	swait.ge [sflag:s18], $0x3E8  }
0x16c: {  	[sflag:s18] =	ssyncset.done $0x0  }
0x16d: {  	[sflag:s18] =	ssyncadd.s32 $0xFFFFFC18  }
0x16e: {  	_ =	swait.ge [sflag:s18], $0x3E8  }
0x16f: {  	[sflag:s18] =	ssyncset.done $0x0  }
0x170: {  	[sflag:s18] =	ssyncadd.s32 $0xFFFFFC18  }
0x171: {  	_ =	swait.ge [sflag:s18], $0x3E8  }
0x172: {  	[sflag:s18] =	ssyncset.done $0x0  }
0x173: {  	[sflag:s18] =	ssyncadd.s32 $0xFFFFFC18  }
0x174: {  	_ =	swait.ge [sflag:s18], $0x3E8  }
0x175: {  	[sflag:s18] =	ssyncset.done $0x0  }
0x176: {  	[sflag:s18] =	ssyncadd.s32 $0xFFFFFC18  }
0x177: {  	_ =	swait.ge [sflag:s18], $0x3E8  }
0x178: {  	[sflag:s18] =	ssyncset.done $0x0  }
0x179: {  	[sflag:s18] =	ssyncadd.s32 $0xFFFFFC18  }
0x17a: {  	_ =	swait.ge [sflag:s18], $0x3E8  }
0x17b: {  	[sflag:s18] =	ssyncset.done $0x0  }
0x17c: {  	[sflag:s18] =	ssyncadd.s32 $0xFFFFFC18  }
0x17d: {  	[bflag:$0x0] =	sbarrier.arrive $0xFFFF  }
0x17e: {  	s1 =	rddreg [dreg:$0xf]  }
0x17f: {  	[tilespmem:s19], [sflag:$0x1] =	stream.linear.gather [hbm4b:s1+s3], $0x7D00, $0x38;
	[tilespmem:$0x16F30] =	vst v63  }
0x180: {  	_ =	swait.ge [sflag:s18], $0x7D00  }
0x181: {  	[sflag:s18] =	ssyncset.done $0x0  }
0x182: {  	[sflag:s18] =	ssyncadd.s32 $0xFFFF8300  }
0x183: {  	[spmem:s2] =	stream.indirect.scatter.add.f32 [tilespmem:s19], [sflag:$0x3], $0x20, s3, s7, $0xb8;
	[tilespmem:$0x16F30] =	vst v63  }
0x184: {  	_ = 	snop  }
0x185: {  	[tilespmem:s13], [sflag:$0x2] =	stream.linear.gather [hbm4b:s30+s3], $0x7D00, $0x38;
	[tilespmem:$0x16F30] =	vst v63  }
0x186: {  	_ =	swait.ge [sflag:s16], $0x7D00  }
0x187: {  	[sflag:s16] =	ssyncset.done $0x0  }
0x188: {  	[sflag:s16] =	ssyncadd.s32 $0xFFFF8300  }
0x189: {  	[spmem:s2] =	stream.indirect.scatter.add.f32 [tilespmem:s13], [sflag:$0x4], $0x20, s7, s7, $0xb8;
	[tilespmem:$0x16F30] =	vst v63  }
0x18a: {  	_ =	swait.ge [sflag:s12], $0x7D00  }
0x18b: {  	[sflag:s12] =	ssyncset.done $0x0  }
0x18c: {  	[sflag:s12] =	ssyncadd.s32 $0xFFFF8300  }
0x18d: {  	[tilespmem:s19], [sflag:$0x1] =	stream.linear.gather [hbm4b:s28+s3], $0x7D00, $0x38;
	[tilespmem:$0x16F30] =	vst v63  }
0x18e: {  	_ =	swait.ge [sflag:s18], $0x7D00  }
0x18f: {  	[sflag:s18] =	ssyncset.done $0x0  }
0x190: {  	[sflag:s18] =	ssyncadd.s32 $0xFFFF8300  }
0x191: {  	[spmem:s2] =	stream.indirect.scatter.add.f32 [tilespmem:s19], [sflag:$0x3], $0x20, s31, s7, $0xb8;
	[tilespmem:$0x16F30] =	vst v63  }
0x192: {  	_ =	swait.ge [sflag:s11], $0x7D00  }
0x193: {  	[sflag:s11] =	ssyncset.done $0x0  }
0x194: {  	[sflag:s11] =	ssyncadd.s32 $0xFFFF8300  }
0x195: {  	[tilespmem:s13], [sflag:$0x2] =	stream.linear.gather [hbm4b:s25+s3], $0x7D00, $0x38;
	[tilespmem:$0x16F30] =	vst v63  }
0x196: {  	_ =	swait.ge [sflag:s16], $0x7D00  }
0x197: {  	[sflag:s16] =	ssyncset.done $0x0  }
0x198: {  	[sflag:s16] =	ssyncadd.s32 $0xFFFF8300  }
0x199: {  	[spmem:s2] =	stream.indirect.scatter.add.f32 [tilespmem:s13], [sflag:$0x4], $0x20, s29, s7, $0xb8;
	[tilespmem:$0x16F30] =	vst v63  }
0x19a: {  	_ =	swait.ge [sflag:s12], $0x7D00  }
0x19b: {  	[sflag:s12] =	ssyncset.done $0x0  }
0x19c: {  	[sflag:s12] =	ssyncadd.s32 $0xFFFF8300  }
0x19d: {  	[tilespmem:s19], [sflag:$0x1] =	stream.linear.gather [hbm4b:s23+s3], $0x7D00, $0x38;
	[tilespmem:$0x16F30] =	vst v63  }
0x19e: {  	_ =	swait.ge [sflag:s18], $0x7D00  }
0x19f: {  	[sflag:s18] =	ssyncset.done $0x0  }
0x1a0: {  	[sflag:s18] =	ssyncadd.s32 $0xFFFF8300  }
0x1a1: {  	[spmem:s2] =	stream.indirect.scatter.add.f32 [tilespmem:s19], [sflag:$0x3], $0x20, s26, s7, $0xb8;
	[tilespmem:$0x16F30] =	vst v63  }
0x1a2: {  	_ =	swait.ge [sflag:s11], $0x7D00  }
0x1a3: {  	[sflag:s11] =	ssyncset.done $0x0  }
0x1a4: {  	[sflag:s11] =	ssyncadd.s32 $0xFFFF8300  }
0x1a5: {  	[tilespmem:s13], [sflag:$0x2] =	stream.linear.gather [hbm4b:s21+s3], $0x7D00, $0x38;
	[tilespmem:$0x16F30] =	vst v63  }
0x1a6: {  	_ =	swait.ge [sflag:s16], $0x7D00  }
0x1a7: {  	[sflag:s16] =	ssyncset.done $0x0  }
0x1a8: {  	[sflag:s16] =	ssyncadd.s32 $0xFFFF8300  }
0x1a9: {  	[spmem:s2] =	stream.indirect.scatter.add.f32 [tilespmem:s13], [sflag:$0x4], $0x20, s24, s7, $0xb8;
	[tilespmem:$0x16F30] =	vst v63  }
0x1aa: {  	_ =	swait.ge [sflag:s12], $0x7D00  }
0x1ab: {  	[sflag:s12] =	ssyncset.done $0x0  }
0x1ac: {  	[sflag:s12] =	ssyncadd.s32 $0xFFFF8300  }
0x1ad: {  	[tilespmem:s19], [sflag:$0x1] =	stream.linear.gather [hbm4b:s17+s3], $0x7D00, $0x38;
	[tilespmem:$0x16F30] =	vst v63  }
0x1ae: {  	_ =	swait.ge [sflag:s18], $0x7D00  }
0x1af: {  	[sflag:s18] =	ssyncset.done $0x0  }
0x1b0: {  	[sflag:s18] =	ssyncadd.s32 $0xFFFF8300  }
0x1b1: {  	[spmem:s2] =	stream.indirect.scatter.add.f32 [tilespmem:s19], [sflag:$0x3], $0x20, s22, s7, $0xb8;
	[tilespmem:$0x16F30] =	vst v63  }
0x1b2: {  	_ =	swait.ge [sflag:s11], $0x7D00  }
0x1b3: {  	[sflag:s11] =	ssyncset.done $0x0  }
0x1b4: {  	[sflag:s11] =	ssyncadd.s32 $0xFFFF8300  }
0x1b5: {  	[tilespmem:s13], [sflag:$0x2] =	stream.linear.gather [hbm4b:s14+s3], $0x7D00, $0x38;
	[tilespmem:$0x16F30] =	vst v63  }
0x1b6: {  	_ =	swait.ge [sflag:s16], $0x7D00  }
0x1b7: {  	[sflag:s16] =	ssyncset.done $0x0  }
0x1b8: {  	[sflag:s16] =	ssyncadd.s32 $0xFFFF8300  }
0x1b9: {  	[spmem:s2] =	stream.indirect.scatter.add.f32 [tilespmem:s13], [sflag:$0x4], $0x20, s20, s7, $0xb8;
	[tilespmem:$0x16F30] =	vst v63  }
0x1ba: {  	_ =	swait.ge [sflag:s12], $0x7D00  }
0x1bb: {  	[sflag:s12] =	ssyncset.done $0x0  }
0x1bc: {  	[sflag:s12] =	ssyncadd.s32 $0xFFFF8300  }
0x1bd: {  	[tilespmem:s19], [sflag:$0x1] =	stream.linear.gather [hbm4b:s9+s3], $0x7D00, $0x38;
	[tilespmem:$0x16F30] =	vst v63  }
0x1be: {  	_ =	swait.ge [sflag:s18], $0x7D00  }
0x1bf: {  	[sflag:s18] =	ssyncset.done $0x0  }
0x1c0: {  	[sflag:s18] =	ssyncadd.s32 $0xFFFF8300  }
0x1c1: {  	[spmem:s2] =	stream.indirect.scatter.add.f32 [tilespmem:s19], [sflag:$0x3], $0x20, s15, s7, $0xb8;
	[tilespmem:$0x16F30] =	vst v63  }
0x1c2: {  	_ =	swait.ge [sflag:s11], $0x7D00  }
0x1c3: {  	[sflag:s11] =	ssyncset.done $0x0  }
0x1c4: {  	[sflag:s11] =	ssyncadd.s32 $0xFFFF8300  }
0x1c5: {  	[tilespmem:s13], [sflag:$0x2] =	stream.linear.gather [hbm4b:s8+s3], $0x7D00, $0x38;
	[tilespmem:$0x16F30] =	vst v63  }
0x1c6: {  	_ =	swait.ge [sflag:s16], $0x7D00  }
0x1c7: {  	[sflag:s16] =	ssyncset.done $0x0  }
0x1c8: {  	[sflag:s16] =	ssyncadd.s32 $0xFFFF8300  }
0x1c9: {  	[spmem:s2] =	stream.indirect.scatter.add.f32 [tilespmem:s13], [sflag:$0x4], $0x20, s10, s7, $0xb8;
	[tilespmem:$0x16F30] =	vst v63  }
0x1ca: {  	_ =	swait.ge [sflag:s12], $0x7D00  }
0x1cb: {  	[sflag:s12] =	ssyncset.done $0x0  }
0x1cc: {  	[sflag:s12] =	ssyncadd.s32 $0xFFFF8300  }
0x1cd: {  	_ =	swait.ge [sflag:s11], $0x7D00  }
0x1ce: {  	[sflag:s11] =	ssyncset.done $0x0  }
0x1cf: {  	[sflag:s11] =	ssyncadd.s32 $0xFFFF8300  }
0x1d0: {  	[bflag:$0x0] =	sbarrier.arrive $0xFFFF  }
0x1d1: {  	s30 =	rddreg [dreg:$0xe]  }
0x1d2: {  	[hbm:s30], [sflag:s4] =	dma.local [spmem:s6], $0x9C4  }
0x1d3: {  	_ =	swait.ge [sflag:s5], $0x9C4  }
0x1d4: {  	[sflag:s5] =	ssyncset.done $0x0  }
0x1d5: {  	[sflag:s5] =	ssyncadd.s32 $0xFFFFF63C  }
0x1d6: {  	_ =	sfence.sel $0x180000  }
0x1d7: {  	[bflag:$0x0] =	sbarrier.arrive $0xFFFF  }
0x1d8: {  	_ =	strace $0x9000004A  }
0x1d9: {  	s31 =	stileid.u32;
	[bflag:$0x2] =	sbarrier.arrive $0xFFFF  }
0x1da: {  	p0 =	sne.s32 s31, $0x0;
	s0 =	rddreg [dreg:$0x2]  }
0x1db: {  	s0 =	sadd.s32 @!p0 $0x100000, s0  }
0x1dc: {  	[sflag:s0] =	ssyncadd.tile.s32 @!p0 $0x1;
	_ =	shalt  }
.Lfunc_end2:
_tile_overlayer_lowered:
.L_overlay_start_2:
0x1dd: {  	(tag) =	ssettag $0x2  }
0x1de: {  	s0 =	rddreg [dreg:$0x0];
	s2 =	stileid.u32  }
0x1df: {  	s1 =	rddreg [dreg:$0x1];
	p0 =	sne.s32 s2, $0x0  }
0x1e0: {  	s3 =	rddreg [dreg:$0x2];
	[bflag:$0x3] =	sbarrier.arrive $0xFFFF;
	s2 =	simm.s32 @!p0 $0x1C05  }
0x1e1: {  	[timem:s3], [sflag:s2] =	dma.local @!p0 [hbm:s0], s1  }
0x1e2: {  	s0 =	simm.s32 @!p0 $0x5  }
0x1e3: {  	_ =	swait.ge @!p0 [sflag:s0], s1  }
0x1e4: {  	s1 =	ssub.s32 @!p0 $0x0, s1;
	[sflag:s0] =	ssyncset.done @!p0 $0x0  }
0x1e5: {  	[sflag:s0] =	ssyncadd.s32 @!p0 s1  }
0x1e6: {  	[bflag:$0x3] =	sbarrier.arrive $0xFFFF  }
0x1e7: {  	_ =	shalt  }

// kernel: _run.23.cloned.1.call-start
scs
__scs_entry_jumppad:
0x0: {  	(pc) =	sbr.rel $0x88, $3  }
0x1: {  	(tag) =	ssettag $0x0;
	lr =	simm.s32 $0x1  }
0x2: {  	[smem:$0x3F68] =	sst lr;
	_ =	strace $0xD0000000  }
0x3: {  	_ = 	snop  }
0x4: {  	_ = 	snop  }
0x5: {  	_ = 	snop  }
0x6: {  	_ = 	snop  }
0x7: {  	_ = 	snop  }
__scs_overlays_trampoline_lowered:
0x8: {  	[smem:$0x3F77] =	sst s0  }
0x9: {  	[smem:$0x3F78] =	sst s1  }
0xa: {  	[smem:$0x3F79] =	sst s2  }
0xb: {  	[smem:$0x3F7A] =	sst s3  }
0xc: {  	[smem:$0x3F7B] =	sst s4  }
0xd: {  	[smem:$0x3F7C] =	sst s5  }
0xe: {  	[smem:$0x3F7D] =	sst s6  }
0xf: {  	[smem:$0x3F7E] =	sst s7  }
0x10: {  	[smem:$0x3F7F] =	sst s8  }
0x11: {  	[smem:$0x3F80] =	sst s9;
	s0 =	simm.s32 @!p0 $0x0  }
0x12: {  	s1 =	sld [smem:$0x3F66];
	s0 =	simm.s32 @p0 $0x1  }
0x13: {  	[smem:$0x3F81] =	sst s0;
	s0 =	simm.s32 @!p1 $0x0  }
0x14: {  	s2 =	sld [smem:$0x3F65];
	s0 =	simm.s32 @p1 $0x1  }
0x15: {  	[smem:$0x3F82] =	sst s0;
	s0 =	simm.s32 @!p2 $0x0  }
0x16: {  	s3 =	sld [smem:$0x3FDB];
	s0 =	simm.s32 @p2 $0x1  }
0x17: {  	s4 =	simm.s32 $0x1BF5;
	[smem:$0x3F84] =	sst s0  }
0x18: {  	s0 =	sld [smem:$0x3F67];
	_ =	swait.ge [sflag:s4], $0x0  }
0x19: {  	s7 =	sld [smem:$0x3F68]  }
0x1a: {  	s8 =	sadd.s32 $0xFFFFE003, lr  }
0x1b: {  	s9 =	sadd.s32 $0xFFFFFEF7, lr;
	s5 =	simm.s32 $0xFFFFFFFF;
	p2 =	slt.u32 s8, $0xFFFFF086  }
0x1c: {  	p1 =	slt.u32 s9, $0xF7A;
	s5 =	simm.s32 @!p2 $0x0  }
0x1d: {  	s5 =	simm.s32 @p1 $0x1;
	p0 =	seq.s32 s7, s2  }
0x1e: {  	s7 =	smul.u32 @!p0 $0xF7A, s2;
	p2 =	seq.s32 @!p0 s5, $0x0  }
0x1f: {  	s9 =	smul.u32 $0xF7A, s1;
	s8 =	simm.s32 @!p0 $0x1BF5;
	p2 =	por !p2, p0  }
0x20: {  	[sflag:s8] =	ssyncset.s32 @!p0 $0xFFFFF086;
	s6 =	sadd.s32 @!p0 s3, s7;
	s7 =	simm.s32 @!p0 $0x108  }
0x21: {  	s3 =	sadd.s32 s3, s9;
	s6 =	sadd.s32 @!p0 $0x88, s6;
	s7 =	simm.s32 @p2 $0x1082  }
0x22: {  	[simem:s7], [sflag:s8] =	dma.local @!p0 [hbm:s6], $0xF7A  }
0x23: {  	s9 =	sor.u32 $0xD0000000, s2;
	s6 =	simm.s32 $0x108;
	_ =	swait.ge @!p0 [sflag:s8], $0x0  }
0x24: {  	s3 =	sadd.s32 $0x88, s3;
	s6 =	simm.s32 @!p1 $0x1082;
	[sflag:s4] =	ssyncset.s32 $0xFFFFF086  }
0x25: {  	[simem:s6], [sflag:s4] =	dma.local [hbm:s3], $0xF7A  }
0x26: {  	[smem:$0x3F68] =	sst s1;
	(tag) =	ssettag s2;
	_ =	strace s9  }
0x27: {  	s1 =	sld [smem:$0x3F78]  }
0x28: {  	s2 =	sld [smem:$0x3F79]  }
0x29: {  	s4 =	sld [smem:$0x3F7B]  }
0x2a: {  	p0 =	seq.s32 s5, $0x0;
	s5 =	sld [smem:$0x3F7C]  }
0x2b: {  	s6 =	sld [smem:$0x3F7D]  }
0x2c: {  	s7 =	sld [smem:$0x3F7E]  }
0x2d: {  	s3 =	simm.s32 $0x108;
	s8 =	sld [smem:$0x3F7F]  }
0x2e: {  	s3 =	simm.s32 @!p0 $0x1082;
	s9 =	sld [smem:$0x3F80]  }
0x2f: {  	lr =	sadd.s32 s0, s3;
	s0 =	sld [smem:$0x3F77]  }
0x30: {  	s3 =	sld [smem:$0x3F7A]  }
0x31: {  	[smem:$0x3F83] =	sst s10  }
0x32: {  	s10 =	sld [smem:$0x3F81];
	_ =	sdelay $0x3  }
0x33: {  	p0 =	seq.s32 s10, $0x1;
	s10 =	sld [smem:$0x3F83];
	_ =	sdelay $0x3  }
0x34: {  	[smem:$0x3F83] =	sst s10  }
0x35: {  	s10 =	sld [smem:$0x3F82];
	_ =	sdelay $0x3  }
0x36: {  	p1 =	seq.s32 s10, $0x1;
	s10 =	sld [smem:$0x3F83];
	_ =	sdelay $0x3  }
0x37: {  	[smem:$0x3F83] =	sst s10  }
0x38: {  	s10 =	sld [smem:$0x3F84]  }
0x39: {  	_ = 	snop;
	(pc) =	sbr.ind lr, $3  }
0x3a: {  	_ = 	snop  }
0x3b: {  	_ = 	snop  }
0x3c: {  	p2 =	seq.s32 s10, $0x1;
	s10 =	sld [smem:$0x3F83]  }
0x3d: {  	_ =	shalt  }
0x3e: {  	_ =	shalt  }
0x3f: {  	_ =	shalt  }
0x40: {  	_ =	shalt  }
0x41: {  	_ =	shalt  }
0x42: {  	_ =	shalt  }
0x43: {  	_ =	shalt  }
0x44: {  	_ =	shalt  }
0x45: {  	_ =	shalt  }
0x46: {  	_ =	shalt  }
0x47: {  	_ =	shalt  }
0x48: {  	_ =	shalt  }
0x49: {  	_ =	shalt  }
0x4a: {  	_ =	shalt  }
0x4b: {  	_ =	shalt  }
0x4c: {  	_ =	shalt  }
0x4d: {  	_ =	shalt  }
0x4e: {  	_ =	shalt  }
0x4f: {  	_ =	shalt  }
0x50: {  	_ =	shalt  }
0x51: {  	_ =	shalt  }
0x52: {  	_ =	shalt  }
0x53: {  	_ =	shalt  }
0x54: {  	_ =	shalt  }
0x55: {  	_ =	shalt  }
0x56: {  	_ =	shalt  }
0x57: {  	_ =	shalt  }
0x58: {  	_ =	shalt  }
0x59: {  	_ =	shalt  }
0x5a: {  	_ =	shalt  }
0x5b: {  	_ =	shalt  }
0x5c: {  	_ =	shalt  }
0x5d: {  	_ =	shalt  }
0x5e: {  	_ =	shalt  }
0x5f: {  	_ =	shalt  }
0x60: {  	_ =	shalt  }
0x61: {  	_ =	shalt  }
0x62: {  	_ =	shalt  }
0x63: {  	_ =	shalt  }
0x64: {  	_ =	shalt  }
0x65: {  	_ =	shalt  }
0x66: {  	_ =	shalt  }
0x67: {  	_ =	shalt  }
0x68: {  	_ =	shalt  }
0x69: {  	_ =	shalt  }
0x6a: {  	_ =	shalt  }
0x6b: {  	_ =	shalt  }
0x6c: {  	_ =	shalt  }
0x6d: {  	_ =	shalt  }
0x6e: {  	_ =	shalt  }
0x6f: {  	_ =	shalt  }
0x70: {  	_ =	shalt  }
0x71: {  	_ =	shalt  }
0x72: {  	_ =	shalt  }
0x73: {  	_ =	shalt  }
0x74: {  	_ =	shalt  }
0x75: {  	_ =	shalt  }
0x76: {  	_ =	shalt  }
0x77: {  	_ =	shalt  }
0x78: {  	_ =	shalt  }
0x79: {  	_ =	shalt  }
0x7a: {  	_ =	shalt  }
0x7b: {  	_ =	shalt  }
0x7c: {  	_ =	shalt  }
0x7d: {  	_ =	shalt  }
0x7e: {  	_ =	shalt  }
0x7f: {  	_ =	shalt  }
0x80: {  	_ =	shalt  }
0x81: {  	_ =	shalt  }
0x82: {  	_ =	shalt  }
0x83: {  	_ =	shalt  }
0x84: {  	_ =	shalt  }
0x85: {  	_ =	shalt  }
0x86: {  	_ =	shalt  }
0x87: {  	_ =	shalt  }
.Lfunc_end0:
.L_simem_size_0:
called_computation.2_lowered:
.L_overlay_start_0:
0x88: {  	s2 =	sld [smem:$0x3FD9]  }
0x89: {  	s3 =	sld [smem:$0x3FFE];
	_ =	sdelay $0x1  }
0x8a: {  	s1 =	srdreg.scid  }
0x8b: {  	s0 =	sand.u32 $0x1, s1  }
0x8c: {  	s17 =	sshll.u32 s0, $0xA;
	s2 =	sadd.s32 s3, s2  }
0x8d: {  	s2 =	sadd.s32 s2, s17  }
0x8e: {  	[smem:$0x3F8F] =	sst s2  }
0x8f: {  	_ = 	snop  }
0x90: {  	s2 =	sld [smem:$0x3FD0];
	(tm) =	ssettm $0x1  }
0x91: {  	s18 =	sld [smem:$0x3FFB];
	_ =	sdelay $0x3  }
0x92: {  	_ =	strace s18  }
0x93: {  	s3 =	sld [smem:$0x3FFC];
	_ =	sdelay $0x3  }
0x94: {  	_ =	strace s3  }
0x95: {  	s3 =	sld [smem:$0x3FFD];
	_ =	sdelay $0x3  }
0x96: {  	_ =	strace s3  }
0x97: {  	_ =	strace $0x8FFFFFFF  }
0x98: {  	s19 =	sld [smem:$0x3FDB];
	_ =	sdelay $0x1  }
0x99: {  	s4 =	simm.s32 $_scs_section_size  }
0x9a: {  	s5 =	simm.s32 $_size__tile_overlayer_lowered;
	s6 =	simm.s32 $_tile_overlayer_lowered  }
0x9b: {  	s22 =	simm.s32 $0x1BFF;
	s21 =	sshll.u32 s6, $0x1;
	s3 =	sadd.s32 s4, s19  }
0x9c: {  	s7 =	simm.s32 $0x0;
	s20 =	sshll.u32 s5, $0x1;
	s5 =	sadd.s32 s21, s3  }
0x9d: {  	[timem:s7], [sflag:s22] =	dma.local [hbm:s5], s20  }
0x9e: {  	_ =	swait.ge [sflag:s22], s20  }
0x9f: {  	s4 =	ssub.s32 $0x0, s20;
	[sflag:s22] =	ssyncset.done $0x0  }
0xa0: {  	[sflag:s22] =	ssyncadd.s32 s4;
	_ =	sdelay $0x1  }
0xa1: {  	s23 =	simm.s32 $0x1B8B  }
0xa2: {  	_ =	swait.ge [sflag:s23], $0x1  }
0xa3: {  	[sflag:s23] =	ssyncset.done $0x0  }
0xa4: {  	s25 =	simm.s32 $0x1B8E;
	s24 =	sld [smem:$0x3FFE];
	[sflag:s23] =	ssyncadd.s32 $0xFFFFFFFF  }
0xa5: {  	s26 =	simm.s32 $execute0_lowered;
	[smem:$0x3FD2] =	sst s25  }
0xa6: {  	s5 =	sshll.u32 s26, $0x1;
	_ =	strace $0x8000004C;
	[dreg:$0x1] =	wrdreg $0xFFFFFFFF  }
0xa7: {  	s28 =	simm.s32 $_size_execute0_lowered;
	s3 =	sadd.s32 s3, s5;
	[dreg:$0x0] =	wrdreg $0x0  }
0xa8: {  	s5 =	sshll.u32 s28, $0x1;
	[dreg:$0x2] =	wrdreg s3  }
0xa9: {  	[dreg:$0x3] =	wrdreg s5  }
0xaa: {  	[dreg:$0x4] =	wrdreg $0xC0  }
0xab: {  	_ =	task [dreg:s7], $0x5FFFF  }
0xac: {  	[dreg:$0x1] =	wrdreg $0xFFFFFFFF  }
0xad: {  	[dreg:$0x0] =	wrdreg $0x60  }
0xae: {  	[dreg:$0x2] =	wrdreg s2  }
0xaf: {  	[dreg:$0x3] =	wrdreg s24  }
0xb0: {  	[dreg:$0x4] =	wrdreg $0x9  }
0xb1: {  	_ =	task.clear_ibuf [dreg:s7], $0x5FFFF;
	_ =	strace $0x9000004C  }
0xb2: {  	s29 =	simm.s32 $0x9;
	_ =	strace $0x8000004E  }
0xb3: {  	_ =	swait.ge [sflag:s29], $0x1  }
0xb4: {  	[sflag:s29] =	ssyncadd.s32 $0xFFFFFFFF  }
0xb5: {  	_ =	strace $0x9000004E  }
0xb6: {  	_ =	sfence  }
0xb7: {  	s30 =	sld [smem:$0x0];
	_ =	sdelay $0x2  }
0xb8: {  	s31 =	sshll.u32 s1, $0xD;
	s1 =	sshrl.u32 s1, $0x2  }
0xb9: {  	s3 =	sand.u32 $0x4000, s31;
	s1 =	sadd.s32 s1, s30  }
0xba: {  	s0 =	sor.u32 s3, s0;
	s1 =	sshll.u32 s1, $0x11  }
0xbb: {  	s0 =	sor.u32 s1, s0  }
0xbc: {  	s0 =	sadd.s32 $0x8F2B, s0  }
0xbd: {  	[sflag:s0] =	ssyncadd.remote.s32 $0x1  }
0xbe: {  	_ =	sfence.sel $0xFFFF  }
0xbf: {  	[dreg:$0x0] =	wrdreg $0xFFFFFFFF;
	(pc) =	sbr.abs _section_cstart, $3  }
0xc0: {  	[dreg:$0x1] =	wrdreg $0xFFFFFFFF  }
0xc1: {  	_ =	task.clear_ibuf [dreg:s7], $0x2FFFF;
	_ =	strace $0x9FFFFFFF  }
0xc2: {  	(tm) =	ssettm $0x7FFFFFFF  }
0xc3: {  	_ =	shalt  }
tec
execute0_lowered:
.L_overlay_start_1:
0x0: {  	(tag) =	ssettag $0x1  }
0x1: {  	s2 =	rddreg [dreg:$0x0];
	s0 =	srdreg.scid  }
0x2: {  	s14 =	stileid.u32;
	s1 =	rddreg [dreg:$0x1];
	s3 =	simm.s32 $0x0  }
0x3: {  	s19 =	simm.s32 $0x1;
	s20 =	simm.s32 $0x2;
	s28 =	simm.s32 $0x3  }
0x4: {  	s29 =	simm.s32 $0x4;
	s30 =	simm.s32 $0x5;
	s12 =	smul.u32 $0x4E20, s14  }
0x5: {  	s31 =	simm.s32 $0x6;
	s0 =	sand.u32 $0x1, s0;
	s16 =	smul.u32 $0x13880, s14  }
0x6: {  	s4 =	sshll.u32 s14, $0x1;
	[smem:$0x7FF] =	sst s3;
	s13 =	smul.u32 $0x2710, s0  }
0x7: {  	s5 =	sor.u32 s0, s4;
	s7 =	ssub.s32 $0x2, s0;
	s0 =	smul.u32 $0x9C40, s0  }
0x8: {  	s15 =	sadd.s32 $0x34600, s1;
	_ =	strace $0x8000004D;
	s6 =	smul.u32 $0x2710, s5  }
0x9: {  	s4 =	sadd.s32 $0x16C00, s1;
	s8 =	sshrl.u32 s7, $0x1;
	s9 =	smul.u32 $0x4E200, s5  }
0xa: {  	s5 =	smul.u32 $0x9C40, s5;
	s18 =	sadd.s32 s16, s15;
	s10 =	ssub.s32 s7, s8  }
0xb: {  	s13 =	sadd.s32 s13, s12;
	s6 =	sshrl.u32 s6, $0x3;
	s22 =	sshrl.u32 s9, $0x3  }
0xc: {  	s9 =	smax.u32 s10, $0x1;
	s10 =	sadd.s32 s15, s5;
	s25 =	sshll.u32 s13, $0x2  }
0xd: {  	s6 =	sadd.s32 s6, s1;
	s1 =	sadd.s32 $0x16CE00, s1;
	s23 =	sadd.s32 $0x9600, s22  }
0xe: {  	s26 =	sadd.s32 $0x12C0, s25;
	s22 =	simm.s32 $0x4E20;
	s25 =	simm.s32 $0x7  }
0xf: {  	s21 =	sadd.s32 $0x2A800, s6;
	s6 =	sadd.s32 $0x20A00, s6;
	s24 =	sadd.s32 s15, s23  }
0x10: {  	s8 =	sadd.s32 s1, s23;
	s11 =	sadd.s32 s1, s5;
	[dreg:$0x3] =	wrdreg s21  }
0x11: {  	s5 =	sadd.s32 $0x640, s5;
	s17 =	sadd.s32 s16, s1;
	[dreg:$0x4] =	wrdreg s6  }
0x12: {  	s14 =	sadd.s32 s26, s15;
	s23 =	simm.s32 $0x8020;
	[dreg:$0x5] =	wrdreg s24  }
0x13: {  	s12 =	sadd.s32 s15, s5;
	s13 =	sadd.s32 s1, s5;
	s17 =	sadd.s32 s0, s17  }
0x14: {  	s15 =	sadd.s32 s26, s1;
	s0 =	sadd.s32 s0, s18;
	s18 =	simm.s32 $0x2710  }
0x15: {  	s21 =	simm.s32 $0x190;
	s24 =	simm.s32 $0xB220;
	s26 =	simm.s32 $0xE420  }
0x16: {  	s1 =	simm.s32 $0x0;
	s16 =	sadd.s32 $0xC80, s17;
	s17 =	sadd.s32 $0xC80, s0  }
.LBB2_1:
0x17: {  	s0 =	rddreg [dreg:$0x3]  }
0x18: {  	[tilespmem:s3], [sflag:$0x1] =	stream.linear.gather [hbm4b:s0+s3], $0x2710, $0x38;
	[tilespmem:$0x11620] =	vst v63  }
0x19: {  	s5 =	rddreg [dreg:$0x4]  }
0x1a: {  	[tilespmem:s18], [sflag:$0x2] =	stream.linear.gather [hbm4b:s5+s3], $0x2710, $0x38;
	[tilespmem:$0x11620] =	vst v63  }
0x1b: {  	_ =	swait.ge [sflag:s19], $0x2710  }
0x1c: {  	[sflag:s19] =	ssyncset.done $0x0  }
0x1d: {  	[sflag:s19] =	ssyncadd.s32 $0xFFFFD8F0  }
0x1e: {  	_ =	swait.ge [sflag:s20], $0x2710  }
0x1f: {  	[sflag:s20] =	ssyncset.done $0x0  }
0x20: {  	[sflag:s20] =	ssyncadd.s32 $0xFFFFD8F0  }
0x21: {  	[tilespmem:s22], [sflag:$0x1] =	stream.indirect.gather [hbm4b:s2+s21], $0x20, s3, s21, $0xb8;
	[tilespmem:$0x11620] =	vst v63  }
0x22: {  	_ = 	snop  }
0x23: {  	[tilespmem:s23], [sflag:$0x1] =	stream.indirect.gather [hbm4b:s4+s21], $0x20, s18, s21, $0xb8;
	[tilespmem:$0x11620] =	vst v63  }
0x24: {  	_ =	swait.ge [sflag:s19], $0x3200  }
0x25: {  	[sflag:s19] =	ssyncset.done $0x0  }
0x26: {  	[sflag:s19] =	ssyncadd.s32 $0xFFFFCE00  }
0x27: {  	_ =	swait.ge [sflag:s19], $0x3200  }
0x28: {  	[sflag:s19] =	ssyncset.done $0x0  }
0x29: {  	[sflag:s19] =	ssyncadd.s32 $0xFFFFCE00  }
0x2a: {  	[hbm4b:s10+s3] =	stream.linear.scatter [tilespmem:s22], [sflag:$0x3], $0x3200, $0x38;
	[tilespmem:$0x11620] =	vst v63  }
0x2b: {  	_ = 	snop  }
0x2c: {  	[hbm4b:s11+s3] =	stream.linear.scatter [tilespmem:s23], [sflag:$0x4], $0x3200, $0x38;
	[tilespmem:$0x11620] =	vst v63  }
0x2d: {  	_ = 	snop  }
0x2e: {  	[tilespmem:s24], [sflag:$0x2] =	stream.indirect.gather [hbm4b:s2+s21], $0x20, s21, s21, $0xb8;
	[tilespmem:$0x11620] =	vst v63  }
0x2f: {  	s6 =	simm.s32 $0x28A0  }
0x30: {  	[tilespmem:s26], [sflag:$0x2] =	stream.indirect.gather [hbm4b:s4+s21], $0x20, s6, s21, $0xb8;
	[tilespmem:$0x11620] =	vst v63  }
0x31: {  	_ =	swait.ge [sflag:s20], $0x3200  }
0x32: {  	[sflag:s20] =	ssyncset.done $0x0  }
0x33: {  	[sflag:s20] =	ssyncadd.s32 $0xFFFFCE00  }
0x34: {  	_ =	swait.ge [sflag:s20], $0x3200  }
0x35: {  	[sflag:s20] =	ssyncset.done $0x0  }
0x36: {  	[sflag:s20] =	ssyncadd.s32 $0xFFFFCE00  }
0x37: {  	[hbm4b:s12+s3] =	stream.linear.scatter [tilespmem:s24], [sflag:$0x5], $0x3200, $0x38;
	[tilespmem:$0x11620] =	vst v63  }
0x38: {  	_ = 	snop  }
0x39: {  	[hbm4b:s13+s3] =	stream.linear.scatter [tilespmem:s26], [sflag:$0x6], $0x3200, $0x38;
	[tilespmem:$0x11620] =	vst v63  }
0x3a: {  	_ =	swait.ge [sflag:s28], $0x3200  }
0x3b: {  	[sflag:s28] =	ssyncset.done $0x0  }
0x3c: {  	[sflag:s28] =	ssyncadd.s32 $0xFFFFCE00  }
0x3d: {  	_ =	swait.ge [sflag:s29], $0x3200  }
0x3e: {  	[sflag:s29] =	ssyncset.done $0x0  }
0x3f: {  	s7 =	simm.s32 $0x320;
	[sflag:s29] =	ssyncadd.s32 $0xFFFFCE00  }
0x40: {  	[tilespmem:s22], [sflag:$0x1] =	stream.indirect.gather [hbm4b:s2+s21], $0x20, s7, s21, $0xb8;
	[tilespmem:$0x11620] =	vst v63  }
0x41: {  	s5 =	simm.s32 $0x2A30  }
0x42: {  	[tilespmem:s23], [sflag:$0x1] =	stream.indirect.gather [hbm4b:s4+s21], $0x20, s5, s21, $0xb8;
	[tilespmem:$0x11620] =	vst v63  }
0x43: {  	_ =	swait.ge [sflag:s19], $0x3200  }
0x44: {  	[sflag:s19] =	ssyncset.done $0x0  }
0x45: {  	[sflag:s19] =	ssyncadd.s32 $0xFFFFCE00  }
0x46: {  	_ =	swait.ge [sflag:s19], $0x3200  }
0x47: {  	[sflag:s19] =	ssyncset.done $0x0  }
0x48: {  	s6 =	sadd.s32 $0x0, s17;
	[sflag:s19] =	ssyncadd.s32 $0xFFFFCE00  }
0x49: {  	[hbm4b:s6+s3] =	stream.linear.scatter [tilespmem:s22], [sflag:$0x3], $0x3200, $0x38;
	[tilespmem:$0x11620] =	vst v63  }
0x4a: {  	s7 =	sadd.s32 $0x0, s16  }
0x4b: {  	[hbm4b:s7+s3] =	stream.linear.scatter [tilespmem:s23], [sflag:$0x4], $0x3200, $0x38;
	[tilespmem:$0x11620] =	vst v63  }
0x4c: {  	_ =	swait.ge [sflag:s30], $0x3200  }
0x4d: {  	[sflag:s30] =	ssyncset.done $0x0  }
0x4e: {  	[sflag:s30] =	ssyncadd.s32 $0xFFFFCE00  }
0x4f: {  	_ =	swait.ge [sflag:s31], $0x3200  }
0x50: {  	[sflag:s31] =	ssyncset.done $0x0  }
0x51: {  	s5 =	simm.s32 $0x4B0;
	[sflag:s31] =	ssyncadd.s32 $0xFFFFCE00  }
0x52: {  	[tilespmem:s24], [sflag:$0x2] =	stream.indirect.gather [hbm4b:s2+s21], $0x20, s5, s21, $0xb8;
	[tilespmem:$0x11620] =	vst v63  }
0x53: {  	s6 =	simm.s32 $0x2BC0  }
0x54: {  	[tilespmem:s26], [sflag:$0x2] =	stream.indirect.gather [hbm4b:s4+s21], $0x20, s6, s21, $0xb8;
	[tilespmem:$0x11620] =	vst v63  }
0x55: {  	_ =	swait.ge [sflag:s20], $0x3200  }
0x56: {  	[sflag:s20] =	ssyncset.done $0x0  }
0x57: {  	[sflag:s20] =	ssyncadd.s32 $0xFFFFCE00  }
0x58: {  	_ =	swait.ge [sflag:s20], $0x3200  }
0x59: {  	s0 =	simm.s32 $0xC80;
	[sflag:s20] =	ssyncset.done $0x0  }
0x5a: {  	s7 =	sadd.s32 $0x0, s14;
	s5 =	sadd.s32 $0x0, s15;
	[sflag:s20] =	ssyncadd.s32 $0xFFFFCE00  }
0x5b: {  	[hbm4b:s7+s3] =	stream.linear.scatter [tilespmem:s24], [sflag:$0x5], $0x3200, $0x38;
	[tilespmem:$0x11620] =	vst v63  }
.LBB2_2:
0x5c: {  	[hbm4b:s5+s3] =	stream.linear.scatter [tilespmem:s26], [sflag:$0x6], $0x3200, $0x38;
	[tilespmem:$0x11620] =	vst v63  }
0x5d: {  	s5 =	smov.u32 s0  }
0x5e: {  	p0 =	sne.s32 s0, $0x7D00;
	s0 =	sadd.s32 $0xC80, s0;
	_ =	swait.ge [sflag:s28], $0x3200  }
0x5f: {  	[sflag:s28] =	ssyncset.done $0x0  }
0x60: {  	[sflag:s28] =	ssyncadd.s32 $0xFFFFCE00  }
0x61: {  	_ =	swait.ge [sflag:s29], $0x3200  }
0x62: {  	s6 =	sshra.s32 s5, $0x2;
	[sflag:s29] =	ssyncset.done $0x0  }
0x63: {  	s7 =	sadd.s32 $0x320, s6;
	[sflag:s29] =	ssyncadd.s32 $0xFFFFCE00  }
0x64: {  	[tilespmem:s22], [sflag:$0x1] =	stream.indirect.gather [hbm4b:s2+s21], $0x20, s7, s21, $0xb8;
	[tilespmem:$0x11620] =	vst v63  }
0x65: {  	s7 =	sadd.s32 $0x2A30, s6  }
0x66: {  	[tilespmem:s23], [sflag:$0x1] =	stream.indirect.gather [hbm4b:s4+s21], $0x20, s7, s21, $0xb8;
	[tilespmem:$0x11620] =	vst v63  }
0x67: {  	_ =	swait.ge [sflag:s19], $0x3200  }
0x68: {  	[sflag:s19] =	ssyncset.done $0x0  }
0x69: {  	[sflag:s19] =	ssyncadd.s32 $0xFFFFCE00  }
0x6a: {  	_ =	swait.ge [sflag:s19], $0x3200  }
0x6b: {  	[sflag:s19] =	ssyncset.done $0x0  }
0x6c: {  	s7 =	sadd.s32 s5, s17;
	[sflag:s19] =	ssyncadd.s32 $0xFFFFCE00  }
0x6d: {  	[hbm4b:s7+s3] =	stream.linear.scatter [tilespmem:s22], [sflag:$0x3], $0x3200, $0x38;
	[tilespmem:$0x11620] =	vst v63  }
0x6e: {  	s7 =	sadd.s32 s5, s16  }
0x6f: {  	[hbm4b:s7+s3] =	stream.linear.scatter [tilespmem:s23], [sflag:$0x4], $0x3200, $0x38;
	[tilespmem:$0x11620] =	vst v63  }
0x70: {  	_ =	swait.ge [sflag:s30], $0x3200  }
0x71: {  	[sflag:s30] =	ssyncset.done $0x0  }
0x72: {  	[sflag:s30] =	ssyncadd.s32 $0xFFFFCE00  }
0x73: {  	_ =	swait.ge [sflag:s31], $0x3200  }
0x74: {  	[sflag:s31] =	ssyncset.done $0x0  }
0x75: {  	s7 =	sadd.s32 $0x4B0, s6;
	[sflag:s31] =	ssyncadd.s32 $0xFFFFCE00  }
0x76: {  	[tilespmem:s24], [sflag:$0x2] =	stream.indirect.gather [hbm4b:s2+s21], $0x20, s7, s21, $0xb8;
	[tilespmem:$0x11620] =	vst v63  }
0x77: {  	s6 =	sadd.s32 $0x2BC0, s6  }
0x78: {  	[tilespmem:s26], [sflag:$0x2] =	stream.indirect.gather [hbm4b:s4+s21], $0x20, s6, s21, $0xb8;
	[tilespmem:$0x11620] =	vst v63  }
0x79: {  	_ =	swait.ge [sflag:s20], $0x3200  }
0x7a: {  	[sflag:s20] =	ssyncset.done $0x0  }
0x7b: {  	[sflag:s20] =	ssyncadd.s32 $0xFFFFCE00  }
.Ltmp0:
0x7c: {  	_ =	swait.ge [sflag:s20], $0x3200;
	(pc) =	sbr.rel @p0 .LBB2_2-.Ltmp0, $4  }
0x7d: {  	[sflag:s20] =	ssyncset.done $0x0  }
0x7e: {  	s6 =	sadd.s32 s5, s14;
	[sflag:s20] =	ssyncadd.s32 $0xFFFFCE00  }
0x7f: {  	[hbm4b:s6+s3] =	stream.linear.scatter [tilespmem:s24], [sflag:$0x5], $0x3200, $0x38;
	[tilespmem:$0x11620] =	vst v63  }
0x80: {  	s5 =	sadd.s32 s5, s15  }
0x81: {  	[hbm4b:s5+s3] =	stream.linear.scatter [tilespmem:s26], [sflag:$0x6], $0x3200, $0x38;
	[tilespmem:$0x11620] =	vst v63  }
0x82: {  	_ =	swait.ge [sflag:s28], $0x3200  }
0x83: {  	[sflag:s28] =	ssyncset.done $0x0  }
0x84: {  	[sflag:s28] =	ssyncadd.s32 $0xFFFFCE00  }
0x85: {  	_ =	swait.ge [sflag:s29], $0x3200  }
0x86: {  	[sflag:s29] =	ssyncset.done $0x0  }
0x87: {  	s0 =	simm.s32 $0x2580;
	[sflag:s29] =	ssyncadd.s32 $0xFFFFCE00  }
0x88: {  	[tilespmem:s22], [sflag:$0x1] =	stream.indirect.gather [hbm4b:s2+s21], $0x20, s0, s21, $0xb8;
	[tilespmem:$0x11620] =	vst v63  }
0x89: {  	s6 =	simm.s32 $0x4C90  }
0x8a: {  	[tilespmem:s23], [sflag:$0x1] =	stream.indirect.gather [hbm4b:s4+s21], $0x20, s6, s21, $0xb8;
	[tilespmem:$0x11620] =	vst v63  }
0x8b: {  	_ =	swait.ge [sflag:s19], $0x3200  }
0x8c: {  	[sflag:s19] =	ssyncset.done $0x0  }
0x8d: {  	[sflag:s19] =	ssyncadd.s32 $0xFFFFCE00  }
0x8e: {  	_ =	swait.ge [sflag:s19], $0x3200  }
0x8f: {  	[sflag:s19] =	ssyncset.done $0x0  }
0x90: {  	s7 =	rddreg [dreg:$0x5];
	[sflag:s19] =	ssyncadd.s32 $0xFFFFCE00  }
0x91: {  	[hbm4b:s7+s3] =	stream.linear.scatter [tilespmem:s22], [sflag:$0x7], $0x3200, $0x38;
	[tilespmem:$0x11620] =	vst v63  }
0x92: {  	_ =	swait.ge [sflag:s25], $0x3200  }
0x93: {  	[sflag:s25] =	ssyncset.done $0x0  }
0x94: {  	[sflag:s25] =	ssyncadd.s32 $0xFFFFCE00  }
0x95: {  	[hbm4b:s8+s3] =	stream.linear.scatter [tilespmem:s23], [sflag:$0x7], $0x3200, $0x38;
	[tilespmem:$0x11620] =	vst v63  }
0x96: {  	_ =	swait.ge [sflag:s25], $0x3200  }
0x97: {  	[sflag:s25] =	ssyncset.done $0x0  }
0x98: {  	s1 =	sadd.s32 $0x1, s1;
	[sflag:s25] =	ssyncadd.s32 $0xFFFFCE00  }
0x99: {  	p0 =	sne.s32 s1, s9;
	_ =	swait.ge [sflag:s30], $0x3200  }
.Ltmp1:
0x9a: {  	[sflag:s30] =	ssyncset.done $0x0;
	(pc) =	sbr.rel @p0 .LBB2_1-.Ltmp1, $4  }
0x9b: {  	[sflag:s30] =	ssyncadd.s32 $0xFFFFCE00  }
0x9c: {  	_ =	swait.ge [sflag:s31], $0x3200  }
0x9d: {  	[sflag:s31] =	ssyncset.done $0x0  }
0x9e: {  	[sflag:s31] =	ssyncadd.s32 $0xFFFFCE00  }
0x9f: {  	_ =	sfence.sel $0x180000  }
0xa0: {  	[bflag:$0x0] =	sbarrier.arrive $0xFFFF  }
0xa1: {  	_ =	strace $0x9000004D  }
0xa2: {  	s0 =	stileid.u32;
	[bflag:$0x2] =	sbarrier.arrive $0xFFFF  }
0xa3: {  	p0 =	sne.s32 s0, $0x0;
	s0 =	rddreg [dreg:$0x2]  }
0xa4: {  	s0 =	sadd.s32 @!p0 $0x100000, s0  }
0xa5: {  	[sflag:s0] =	ssyncadd.tile.s32 @!p0 $0x1;
	_ =	shalt  }
.Lfunc_end2:
_tile_overlayer_lowered:
.L_overlay_start_2:
0xa6: {  	(tag) =	ssettag $0x2  }
0xa7: {  	s0 =	rddreg [dreg:$0x0];
	s2 =	stileid.u32  }
0xa8: {  	s1 =	rddreg [dreg:$0x1];
	p0 =	sne.s32 s2, $0x0  }
0xa9: {  	s3 =	rddreg [dreg:$0x2];
	[bflag:$0x3] =	sbarrier.arrive $0xFFFF;
	s2 =	simm.s32 @!p0 $0x1C07  }
0xaa: {  	[timem:s3], [sflag:s2] =	dma.local @!p0 [hbm:s0], s1  }
0xab: {  	s0 =	simm.s32 @!p0 $0x7  }
0xac: {  	_ =	swait.ge @!p0 [sflag:s0], s1  }
0xad: {  	s1 =	ssub.s32 @!p0 $0x0, s1;
	[sflag:s0] =	ssyncset.done @!p0 $0x0  }
0xae: {  	[sflag:s0] =	ssyncadd.s32 @!p0 s1  }
0xaf: {  	[bflag:$0x3] =	sbarrier.arrive $0xFFFF  }
0xb0: {  	_ =	shalt  }

// kernel: _run.26.cloned.1.call-start
scs
__scs_entry_jumppad:
0x0: {  	(pc) =	sbr.rel $0x88, $3  }
0x1: {  	(tag) =	ssettag $0x0;
	lr =	simm.s32 $0x1  }
0x2: {  	[smem:$0x3F68] =	sst lr;
	_ =	strace $0xD0000000  }
0x3: {  	_ = 	snop  }
0x4: {  	_ = 	snop  }
0x5: {  	_ = 	snop  }
0x6: {  	_ = 	snop  }
0x7: {  	_ = 	snop  }
__scs_overlays_trampoline_lowered:
0x8: {  	[smem:$0x3F77] =	sst s0  }
0x9: {  	[smem:$0x3F78] =	sst s1  }
0xa: {  	[smem:$0x3F79] =	sst s2  }
0xb: {  	[smem:$0x3F7A] =	sst s3  }
0xc: {  	[smem:$0x3F7B] =	sst s4  }
0xd: {  	[smem:$0x3F7C] =	sst s5  }
0xe: {  	[smem:$0x3F7D] =	sst s6  }
0xf: {  	[smem:$0x3F7E] =	sst s7  }
0x10: {  	[smem:$0x3F7F] =	sst s8  }
0x11: {  	[smem:$0x3F80] =	sst s9;
	s0 =	simm.s32 @!p0 $0x0  }
0x12: {  	s1 =	sld [smem:$0x3F66];
	s0 =	simm.s32 @p0 $0x1  }
0x13: {  	[smem:$0x3F81] =	sst s0;
	s0 =	simm.s32 @!p1 $0x0  }
0x14: {  	s2 =	sld [smem:$0x3F65];
	s0 =	simm.s32 @p1 $0x1  }
0x15: {  	[smem:$0x3F82] =	sst s0;
	s0 =	simm.s32 @!p2 $0x0  }
0x16: {  	s3 =	sld [smem:$0x3FDB];
	s0 =	simm.s32 @p2 $0x1  }
0x17: {  	s4 =	simm.s32 $0x1BF5;
	[smem:$0x3F84] =	sst s0  }
0x18: {  	s0 =	sld [smem:$0x3F67];
	_ =	swait.ge [sflag:s4], $0x0  }
0x19: {  	s7 =	sld [smem:$0x3F68]  }
0x1a: {  	s8 =	sadd.s32 $0xFFFFE003, lr  }
0x1b: {  	s9 =	sadd.s32 $0xFFFFFEF7, lr;
	s5 =	simm.s32 $0xFFFFFFFF;
	p2 =	slt.u32 s8, $0xFFFFF086  }
0x1c: {  	p1 =	slt.u32 s9, $0xF7A;
	s5 =	simm.s32 @!p2 $0x0  }
0x1d: {  	s5 =	simm.s32 @p1 $0x1;
	p0 =	seq.s32 s7, s2  }
0x1e: {  	s7 =	smul.u32 @!p0 $0xF7A, s2;
	p2 =	seq.s32 @!p0 s5, $0x0  }
0x1f: {  	s9 =	smul.u32 $0xF7A, s1;
	s8 =	simm.s32 @!p0 $0x1BF5;
	p2 =	por !p2, p0  }
0x20: {  	[sflag:s8] =	ssyncset.s32 @!p0 $0xFFFFF086;
	s6 =	sadd.s32 @!p0 s3, s7;
	s7 =	simm.s32 @!p0 $0x108  }
0x21: {  	s3 =	sadd.s32 s3, s9;
	s6 =	sadd.s32 @!p0 $0x88, s6;
	s7 =	simm.s32 @p2 $0x1082  }
0x22: {  	[simem:s7], [sflag:s8] =	dma.local @!p0 [hbm:s6], $0xF7A  }
0x23: {  	s9 =	sor.u32 $0xD0000000, s2;
	s6 =	simm.s32 $0x108;
	_ =	swait.ge @!p0 [sflag:s8], $0x0  }
0x24: {  	s3 =	sadd.s32 $0x88, s3;
	s6 =	simm.s32 @!p1 $0x1082;
	[sflag:s4] =	ssyncset.s32 $0xFFFFF086  }
0x25: {  	[simem:s6], [sflag:s4] =	dma.local [hbm:s3], $0xF7A  }
0x26: {  	[smem:$0x3F68] =	sst s1;
	(tag) =	ssettag s2;
	_ =	strace s9  }
0x27: {  	s1 =	sld [smem:$0x3F78]  }
0x28: {  	s2 =	sld [smem:$0x3F79]  }
0x29: {  	s4 =	sld [smem:$0x3F7B]  }
0x2a: {  	p0 =	seq.s32 s5, $0x0;
	s5 =	sld [smem:$0x3F7C]  }
0x2b: {  	s6 =	sld [smem:$0x3F7D]  }
0x2c: {  	s7 =	sld [smem:$0x3F7E]  }
0x2d: {  	s3 =	simm.s32 $0x108;
	s8 =	sld [smem:$0x3F7F]  }
0x2e: {  	s3 =	simm.s32 @!p0 $0x1082;
	s9 =	sld [smem:$0x3F80]  }
0x2f: {  	lr =	sadd.s32 s0, s3;
	s0 =	sld [smem:$0x3F77]  }
0x30: {  	s3 =	sld [smem:$0x3F7A]  }
0x31: {  	[smem:$0x3F83] =	sst s10  }
0x32: {  	s10 =	sld [smem:$0x3F81];
	_ =	sdelay $0x3  }
0x33: {  	p0 =	seq.s32 s10, $0x1;
	s10 =	sld [smem:$0x3F83];
	_ =	sdelay $0x3  }
0x34: {  	[smem:$0x3F83] =	sst s10  }
0x35: {  	s10 =	sld [smem:$0x3F82];
	_ =	sdelay $0x3  }
0x36: {  	p1 =	seq.s32 s10, $0x1;
	s10 =	sld [smem:$0x3F83];
	_ =	sdelay $0x3  }
0x37: {  	[smem:$0x3F83] =	sst s10  }
0x38: {  	s10 =	sld [smem:$0x3F84]  }
0x39: {  	_ = 	snop;
	(pc) =	sbr.ind lr, $3  }
0x3a: {  	_ = 	snop  }
0x3b: {  	_ = 	snop  }
0x3c: {  	p2 =	seq.s32 s10, $0x1;
	s10 =	sld [smem:$0x3F83]  }
0x3d: {  	_ =	shalt  }
0x3e: {  	_ =	shalt  }
0x3f: {  	_ =	shalt  }
0x40: {  	_ =	shalt  }
0x41: {  	_ =	shalt  }
0x42: {  	_ =	shalt  }
0x43: {  	_ =	shalt  }
0x44: {  	_ =	shalt  }
0x45: {  	_ =	shalt  }
0x46: {  	_ =	shalt  }
0x47: {  	_ =	shalt  }
0x48: {  	_ =	shalt  }
0x49: {  	_ =	shalt  }
0x4a: {  	_ =	shalt  }
0x4b: {  	_ =	shalt  }
0x4c: {  	_ =	shalt  }
0x4d: {  	_ =	shalt  }
0x4e: {  	_ =	shalt  }
0x4f: {  	_ =	shalt  }
0x50: {  	_ =	shalt  }
0x51: {  	_ =	shalt  }
0x52: {  	_ =	shalt  }
0x53: {  	_ =	shalt  }
0x54: {  	_ =	shalt  }
0x55: {  	_ =	shalt  }
0x56: {  	_ =	shalt  }
0x57: {  	_ =	shalt  }
0x58: {  	_ =	shalt  }
0x59: {  	_ =	shalt  }
0x5a: {  	_ =	shalt  }
0x5b: {  	_ =	shalt  }
0x5c: {  	_ =	shalt  }
0x5d: {  	_ =	shalt  }
0x5e: {  	_ =	shalt  }
0x5f: {  	_ =	shalt  }
0x60: {  	_ =	shalt  }
0x61: {  	_ =	shalt  }
0x62: {  	_ =	shalt  }
0x63: {  	_ =	shalt  }
0x64: {  	_ =	shalt  }
0x65: {  	_ =	shalt  }
0x66: {  	_ =	shalt  }
0x67: {  	_ =	shalt  }
0x68: {  	_ =	shalt  }
0x69: {  	_ =	shalt  }
0x6a: {  	_ =	shalt  }
0x6b: {  	_ =	shalt  }
0x6c: {  	_ =	shalt  }
0x6d: {  	_ =	shalt  }
0x6e: {  	_ =	shalt  }
0x6f: {  	_ =	shalt  }
0x70: {  	_ =	shalt  }
0x71: {  	_ =	shalt  }
0x72: {  	_ =	shalt  }
0x73: {  	_ =	shalt  }
0x74: {  	_ =	shalt  }
0x75: {  	_ =	shalt  }
0x76: {  	_ =	shalt  }
0x77: {  	_ =	shalt  }
0x78: {  	_ =	shalt  }
0x79: {  	_ =	shalt  }
0x7a: {  	_ =	shalt  }
0x7b: {  	_ =	shalt  }
0x7c: {  	_ =	shalt  }
0x7d: {  	_ =	shalt  }
0x7e: {  	_ =	shalt  }
0x7f: {  	_ =	shalt  }
0x80: {  	_ =	shalt  }
0x81: {  	_ =	shalt  }
0x82: {  	_ =	shalt  }
0x83: {  	_ =	shalt  }
0x84: {  	_ =	shalt  }
0x85: {  	_ =	shalt  }
0x86: {  	_ =	shalt  }
0x87: {  	_ =	shalt  }
.Lfunc_end0:
.L_simem_size_0:
called_computation.3_lowered:
.L_overlay_start_0:
0x88: {  	s2 =	sld [smem:$0x3FD9]  }
0x89: {  	s3 =	sld [smem:$0x3FFE];
	_ =	sdelay $0x1  }
0x8a: {  	s1 =	srdreg.scid  }
0x8b: {  	s0 =	sand.u32 $0x1, s1  }
0x8c: {  	s17 =	sshll.u32 s0, $0xA;
	s2 =	sadd.s32 s3, s2  }
0x8d: {  	s2 =	sadd.s32 s2, s17  }
0x8e: {  	[smem:$0x3F8F] =	sst s2  }
0x8f: {  	_ = 	snop  }
0x90: {  	s2 =	sld [smem:$0x3FD0];
	(tm) =	ssettm $0x1  }
0x91: {  	s18 =	sld [smem:$0x3FFB];
	_ =	sdelay $0x3  }
0x92: {  	_ =	strace s18  }
0x93: {  	s3 =	sld [smem:$0x3FFC];
	_ =	sdelay $0x3  }
0x94: {  	_ =	strace s3  }
0x95: {  	s3 =	sld [smem:$0x3FFD];
	_ =	sdelay $0x3  }
0x96: {  	_ =	strace s3  }
0x97: {  	_ =	strace $0x8FFFFFFF  }
0x98: {  	s19 =	sld [smem:$0x3FDB];
	_ =	sdelay $0x1  }
0x99: {  	s4 =	simm.s32 $_scs_section_size  }
0x9a: {  	s5 =	simm.s32 $_size__tile_overlayer_lowered;
	s6 =	simm.s32 $_tile_overlayer_lowered  }
0x9b: {  	s22 =	simm.s32 $0x1BFF;
	s21 =	sshll.u32 s6, $0x1;
	s3 =	sadd.s32 s4, s19  }
0x9c: {  	s7 =	simm.s32 $0x0;
	s20 =	sshll.u32 s5, $0x1;
	s5 =	sadd.s32 s21, s3  }
0x9d: {  	[timem:s7], [sflag:s22] =	dma.local [hbm:s5], s20  }
0x9e: {  	_ =	swait.ge [sflag:s22], s20  }
0x9f: {  	s4 =	ssub.s32 $0x0, s20;
	[sflag:s22] =	ssyncset.done $0x0  }
0xa0: {  	[sflag:s22] =	ssyncadd.s32 s4;
	_ =	sdelay $0x1  }
0xa1: {  	s23 =	simm.s32 $0x1B8B  }
0xa2: {  	_ =	swait.ge [sflag:s23], $0x1  }
0xa3: {  	[sflag:s23] =	ssyncset.done $0x0  }
0xa4: {  	s25 =	simm.s32 $0x1B8E;
	s24 =	sld [smem:$0x3FFE];
	[sflag:s23] =	ssyncadd.s32 $0xFFFFFFFF  }
0xa5: {  	s26 =	simm.s32 $execute0_lowered;
	[smem:$0x3FD2] =	sst s25  }
0xa6: {  	s5 =	sshll.u32 s26, $0x1;
	_ =	strace $0x8000004F;
	[dreg:$0x1] =	wrdreg $0xFFFFFFFF  }
0xa7: {  	s28 =	simm.s32 $_size_execute0_lowered;
	s3 =	sadd.s32 s3, s5;
	[dreg:$0x0] =	wrdreg $0x0  }
0xa8: {  	s5 =	sshll.u32 s28, $0x1;
	[dreg:$0x2] =	wrdreg s3  }
0xa9: {  	[dreg:$0x3] =	wrdreg s5  }
0xaa: {  	[dreg:$0x4] =	wrdreg $0xC0  }
0xab: {  	_ =	task [dreg:s7], $0x5FFFF  }
0xac: {  	[dreg:$0x1] =	wrdreg $0xFFFFFFFF  }
0xad: {  	[dreg:$0x0] =	wrdreg $0x60  }
0xae: {  	[dreg:$0x2] =	wrdreg s24  }
0xaf: {  	[dreg:$0x3] =	wrdreg s2  }
0xb0: {  	[dreg:$0x4] =	wrdreg $0x121100  }
0xb1: {  	[dreg:$0x5] =	wrdreg $0x9  }
0xb2: {  	_ =	task.clear_ibuf [dreg:s7], $0x6FFFF;
	_ =	strace $0x9000004F  }
0xb3: {  	s29 =	simm.s32 $0x9;
	_ =	strace $0x80000051  }
0xb4: {  	_ =	swait.ge [sflag:s29], $0x1  }
0xb5: {  	[sflag:s29] =	ssyncadd.s32 $0xFFFFFFFF  }
0xb6: {  	_ =	strace $0x90000051  }
0xb7: {  	_ =	sfence  }
0xb8: {  	s30 =	sld [smem:$0x0];
	_ =	sdelay $0x2  }
0xb9: {  	s31 =	sshll.u32 s1, $0xD;
	s1 =	sshrl.u32 s1, $0x2  }
0xba: {  	s3 =	sand.u32 $0x4000, s31;
	s1 =	sadd.s32 s1, s30  }
0xbb: {  	s0 =	sor.u32 s3, s0;
	s1 =	sshll.u32 s1, $0x11  }
0xbc: {  	s0 =	sor.u32 s1, s0  }
0xbd: {  	s0 =	sadd.s32 $0x8F2B, s0  }
0xbe: {  	[sflag:s0] =	ssyncadd.remote.s32 $0x1  }
0xbf: {  	_ =	sfence.sel $0xFFFF  }
0xc0: {  	[dreg:$0x0] =	wrdreg $0xFFFFFFFF;
	(pc) =	sbr.abs _section_cstart, $3  }
0xc1: {  	[dreg:$0x1] =	wrdreg $0xFFFFFFFF  }
0xc2: {  	_ =	task.clear_ibuf [dreg:s7], $0x2FFFF;
	_ =	strace $0x9FFFFFFF  }
0xc3: {  	(tm) =	ssettm $0x7FFFFFFF  }
tec
execute0_lowered:
.L_overlay_start_1:
0x0: {  	(tag) =	ssettag $0x1  }
0x1: {  	s1 =	rddreg [dreg:$0x0]  }
0x2: {  	s4 =	rddreg [dreg:$0x1]  }
0x3: {  	s2 =	rddreg [dreg:$0x2];
	s3 =	simm.s32 $0x0;
	s21 =	stileid.u32  }
0x4: {  	s0 =	srdreg.scid;
	s31 =	simm.s32 $0x7D0;
	s29 =	simm.s32 $0xBB8  }
0x5: {  	p0 =	por $0x0, $0x0;
	[smem:$0x7FF] =	sst s3;
	s5 =	smul.u32 $0x4E20, s21  }
0x6: {  	s6 =	sand.u32 $0x1, s0;
	s7 =	sshll.u32 s21, $0x1;
	s0 =	sadd.s32 $0x2A5600, s1  }
0x7: {  	s7 =	sor.u32 s6, s7;
	s9 =	ssub.s32 $0x2, s6;
	s6 =	smul.u32 $0x9C40, s6  }
0x8: {  	s11 =	sadd.s32 $0x2A800, s1;
	s8 =	sshrl.u32 s5, $0x3;
	s10 =	smul.u32 $0x2710, s7  }
0x9: {  	_ =	strace $0x80000050;
	s7 =	smul.u32 $0x9C40, s7;
	s1 =	sadd.s32 s8, s1  }
0xa: {  	s5 =	sadd.s32 s5, s2;
	s8 =	sshrl.u32 s9, $0x1;
	s1 =	sadd.s32 $0xCE00, s1  }
0xb: {  	s12 =	sshrl.u32 s10, $0x3;
	s13 =	sadd.s32 $0x3E8, s10;
	s14 =	sadd.s32 $0xBB8, s10  }
0xc: {  	s16 =	sadd.s32 $0xFA0, s10;
	s8 =	ssub.s32 s9, s8;
	s7 =	sadd.s32 s0, s7  }
0xd: {  	[dreg:$0x4] =	wrdreg s1;
	s23 =	sadd.s32 s11, s12;
	s24 =	sshrl.u32 s13, $0x3  }
0xe: {  	s12 =	sadd.s32 $0x7D0, s10;
	s15 =	sshrl.u32 s14, $0x3;
	s17 =	sshrl.u32 s16, $0x3  }
0xf: {  	[dreg:$0x10] =	wrdreg s7;
	s9 =	sshll.u32 s13, $0x2;
	s13 =	sshll.u32 s14, $0x2  }
0x10: {  	s14 =	sshll.u32 s16, $0x2;
	s7 =	simm.s32 $0x3E8;
	[dreg:$0x5] =	wrdreg s23  }
0x11: {  	s25 =	sadd.s32 s11, s24;
	s26 =	sshrl.u32 s12, $0x3;
	s15 =	sadd.s32 s11, s15  }
0x12: {  	s18 =	sadd.s32 s11, s17;
	s17 =	sadd.s32 $0x1770, s10;
	s24 =	sadd.s32 $0x1F40, s10  }
0x13: {  	s12 =	sshll.u32 s12, $0x2;
	s30 =	sadd.s32 s0, s9;
	[dreg:$0x6] =	wrdreg s25  }
0x14: {  	s1 =	sadd.s32 s11, s26;
	[dreg:$0x8] =	wrdreg s15;
	s15 =	sadd.s32 $0x1388, s10  }
0x15: {  	[dreg:$0x9] =	wrdreg s18;
	s18 =	sshrl.u32 s17, $0x3;
	s25 =	sshrl.u32 s24, $0x3  }
0x16: {  	s28 =	sadd.s32 s0, s12;
	s24 =	sshll.u32 s24, $0x2;
	s12 =	simm.s32 $0x3  }
0x17: {  	[dreg:$0x7] =	wrdreg s1;
	s19 =	sshrl.u32 s15, $0x3;
	s20 =	sadd.s32 s11, s18  }
0x18: {  	s16 =	sshll.u32 s15, $0x2;
	s9 =	sadd.s32 s0, s24;
	s24 =	simm.s32 $0x1388  }
0x19: {  	s15 =	simm.s32 $0x1F40;
	s18 =	simm.s32 $0x1;
	s1 =	sadd.s32 s11, s19  }
0x1a: {  	s19 =	sadd.s32 $0x1B58, s10;
	[dreg:$0xb] =	wrdreg s20;
	s20 =	smul.u32 $0x9C4, s21  }
0x1b: {  	s10 =	sadd.s32 $0x2328, s10;
	[dreg:$0xa] =	wrdreg s1;
	s22 =	sshrl.u32 s19, $0x3  }
0x1c: {  	s1 =	sadd.s32 s11, s25;
	s26 =	sshrl.u32 s10, $0x3;
	s25 =	sadd.s32 s0, s13  }
0x1d: {  	s13 =	simm.s32 $0xA410;
	s23 =	sadd.s32 s11, s22;
	[dreg:$0xd] =	wrdreg s1  }
0x1e: {  	s1 =	sadd.s32 s11, s26;
	s6 =	sadd.s32 s20, s6;
	s11 =	smax.u32 s8, $0x1  }
0x1f: {  	s20 =	sshll.u32 s17, $0x2;
	s22 =	sshll.u32 s19, $0x2;
	s26 =	sshll.u32 s10, $0x2  }
0x20: {  	s10 =	simm.s32 $0x2328;
	s19 =	simm.s32 $0x2710;
	[dreg:$0xc] =	wrdreg s23  }
0x21: {  	[dreg:$0xe] =	wrdreg s1;
	s4 =	sadd.s32 s4, s6;
	s6 =	sshll.u32 s21, $0x6  }
0x22: {  	s23 =	sadd.s32 s0, s14;
	s21 =	sadd.s32 s0, s16;
	p1 =	sne.s32 s11, $0x1  }
.Ltmp0:
0x23: {  	s17 =	sadd.s32 s0, s20;
	s14 =	sadd.s32 s0, s22;
	(pc) =	sbr.rel @!p1 .LBB2_3-.Ltmp0, $4  }
0x24: {  	s8 =	sadd.s32 s0, s26;
	s26 =	simm.s32 $0xFA0;
	s22 =	simm.s32 $0x1770  }
0x25: {  	s20 =	simm.s32 $0x1B58;
	s0 =	sadd.s32 $0xFFFFFFFF, s11;
	s1 =	rddreg [dreg:$0x4]  }
0x26: {  	s16 =	simm.s32 $0x2;
	s11 =	simm.s32 $0x4;
	[dreg:$0xf] =	wrdreg s4  }
0x27: {  	s4 =	sor.u32 $0x1C05, s6;
	s6 =	sshrl.u32 s5, $0x3;
	s5 =	simm.s32 $0x5  }
0x28: {  	[spmem:s6], [sflag:s4] =	dma.local [hbm:s1], $0x9C4  }
0x29: {  	_ =	swait.ge [sflag:s5], $0x9C4  }
0x2a: {  	[dreg:$0x11] =	wrdreg s0;
	[sflag:s5] =	ssyncset.done $0x0  }
0x2b: {  	s1 =	rddreg [dreg:$0x5];
	[sflag:s5] =	ssyncadd.s32 $0xFFFFF63C  }
0x2c: {  	[tilespmem:s3], [sflag:$0x1] =	stream.linear.gather [hbm4b:s1+s3], $0x3E8, $0x38;
	[tilespmem:$0x16F30] =	vst v63  }
0x2d: {  	s0 =	rddreg [dreg:$0x6]  }
0x2e: {  	[tilespmem:s7], [sflag:$0x1] =	stream.linear.gather [hbm4b:s0+s3], $0x3E8, $0x38;
	[tilespmem:$0x16F30] =	vst v63  }
0x2f: {  	s1 =	rddreg [dreg:$0x7]  }
0x30: {  	[tilespmem:s31], [sflag:$0x1] =	stream.linear.gather [hbm4b:s1+s3], $0x3E8, $0x38;
	[tilespmem:$0x16F30] =	vst v63  }
0x31: {  	s0 =	rddreg [dreg:$0x8]  }
0x32: {  	[tilespmem:s29], [sflag:$0x1] =	stream.linear.gather [hbm4b:s0+s3], $0x3E8, $0x38;
	[tilespmem:$0x16F30] =	vst v63  }
0x33: {  	s1 =	rddreg [dreg:$0x9]  }
0x34: {  	[tilespmem:s26], [sflag:$0x1] =	stream.linear.gather [hbm4b:s1+s3], $0x3E8, $0x38;
	[tilespmem:$0x16F30] =	vst v63  }
0x35: {  	s0 =	rddreg [dreg:$0xa]  }
0x36: {  	[tilespmem:s24], [sflag:$0x1] =	stream.linear.gather [hbm4b:s0+s3], $0x3E8, $0x38;
	[tilespmem:$0x16F30] =	vst v63  }
0x37: {  	s1 =	rddreg [dreg:$0xb]  }
0x38: {  	[tilespmem:s22], [sflag:$0x1] =	stream.linear.gather [hbm4b:s1+s3], $0x3E8, $0x38;
	[tilespmem:$0x16F30] =	vst v63  }
0x39: {  	s0 =	rddreg [dreg:$0xc]  }
0x3a: {  	[tilespmem:s20], [sflag:$0x1] =	stream.linear.gather [hbm4b:s0+s3], $0x3E8, $0x38;
	[tilespmem:$0x16F30] =	vst v63  }
0x3b: {  	s1 =	rddreg [dreg:$0xd]  }
0x3c: {  	[tilespmem:s15], [sflag:$0x1] =	stream.linear.gather [hbm4b:s1+s3], $0x3E8, $0x38;
	[tilespmem:$0x16F30] =	vst v63  }
0x3d: {  	s0 =	rddreg [dreg:$0xe]  }
0x3e: {  	[tilespmem:s10], [sflag:$0x1] =	stream.linear.gather [hbm4b:s0+s3], $0x3E8, $0x38;
	[tilespmem:$0x16F30] =	vst v63  }
0x3f: {  	_ =	swait.ge [sflag:s18], $0x3E8  }
0x40: {  	[sflag:s18] =	ssyncset.done $0x0  }
0x41: {  	[sflag:s18] =	ssyncadd.s32 $0xFFFFFC18  }
0x42: {  	_ =	swait.ge [sflag:s18], $0x3E8  }
0x43: {  	[sflag:s18] =	ssyncset.done $0x0  }
0x44: {  	[sflag:s18] =	ssyncadd.s32 $0xFFFFFC18  }
0x45: {  	_ =	swait.ge [sflag:s18], $0x3E8  }
0x46: {  	[sflag:s18] =	ssyncset.done $0x0  }
0x47: {  	[sflag:s18] =	ssyncadd.s32 $0xFFFFFC18  }
0x48: {  	_ =	swait.ge [sflag:s18], $0x3E8  }
0x49: {  	[sflag:s18] =	ssyncset.done $0x0  }
0x4a: {  	[sflag:s18] =	ssyncadd.s32 $0xFFFFFC18  }
0x4b: {  	_ =	swait.ge [sflag:s18], $0x3E8  }
0x4c: {  	[sflag:s18] =	ssyncset.done $0x0  }
0x4d: {  	[sflag:s18] =	ssyncadd.s32 $0xFFFFFC18  }
0x4e: {  	_ =	swait.ge [sflag:s18], $0x3E8  }
0x4f: {  	[sflag:s18] =	ssyncset.done $0x0  }
0x50: {  	[sflag:s18] =	ssyncadd.s32 $0xFFFFFC18  }
0x51: {  	_ =	swait.ge [sflag:s18], $0x3E8  }
0x52: {  	[sflag:s18] =	ssyncset.done $0x0  }
0x53: {  	[sflag:s18] =	ssyncadd.s32 $0xFFFFFC18  }
0x54: {  	_ =	swait.ge [sflag:s18], $0x3E8  }
0x55: {  	[sflag:s18] =	ssyncset.done $0x0  }
0x56: {  	[sflag:s18] =	ssyncadd.s32 $0xFFFFFC18  }
0x57: {  	_ =	swait.ge [sflag:s18], $0x3E8  }
0x58: {  	[sflag:s18] =	ssyncset.done $0x0  }
0x59: {  	[sflag:s18] =	ssyncadd.s32 $0xFFFFFC18  }
0x5a: {  	_ =	swait.ge [sflag:s18], $0x3E8  }
0x5b: {  	[sflag:s18] =	ssyncset.done $0x0  }
0x5c: {  	[sflag:s18] =	ssyncadd.s32 $0xFFFFFC18  }
0x5d: {  	[bflag:$0x0] =	sbarrier.arrive $0xFFFF  }
0x5e: {  	s1 =	rddreg [dreg:$0x10]  }
0x5f: {  	[tilespmem:s19], [sflag:$0x1] =	stream.linear.gather [hbm4b:s1+s3], $0x7D00, $0x38;
	[tilespmem:$0x16F30] =	vst v63  }
0x60: {  	_ =	swait.ge [sflag:s18], $0x7D00  }
0x61: {  	[sflag:s18] =	ssyncset.done $0x0  }
0x62: {  	[sflag:s18] =	ssyncadd.s32 $0xFFFF8300  }
0x63: {  	[spmem:s2] =	stream.indirect.scatter.add.f32 [tilespmem:s19], [sflag:$0x3], $0x20, s3, s7, $0xb8;
	[tilespmem:$0x16F30] =	vst v63  }
0x64: {  	_ = 	snop  }
0x65: {  	[tilespmem:s13], [sflag:$0x2] =	stream.linear.gather [hbm4b:s30+s3], $0x7D00, $0x38;
	[tilespmem:$0x16F30] =	vst v63  }
0x66: {  	_ =	swait.ge [sflag:s16], $0x7D00  }
0x67: {  	[sflag:s16] =	ssyncset.done $0x0  }
0x68: {  	[sflag:s16] =	ssyncadd.s32 $0xFFFF8300  }
0x69: {  	[spmem:s2] =	stream.indirect.scatter.add.f32 [tilespmem:s13], [sflag:$0x4], $0x20, s7, s7, $0xb8;
	[tilespmem:$0x16F30] =	vst v63  }
0x6a: {  	_ =	swait.ge [sflag:s12], $0x7D00  }
0x6b: {  	[sflag:s12] =	ssyncset.done $0x0  }
0x6c: {  	[sflag:s12] =	ssyncadd.s32 $0xFFFF8300  }
0x6d: {  	[tilespmem:s19], [sflag:$0x1] =	stream.linear.gather [hbm4b:s28+s3], $0x7D00, $0x38;
	[tilespmem:$0x16F30] =	vst v63  }
0x6e: {  	_ =	swait.ge [sflag:s18], $0x7D00  }
0x6f: {  	[sflag:s18] =	ssyncset.done $0x0  }
0x70: {  	[sflag:s18] =	ssyncadd.s32 $0xFFFF8300  }
0x71: {  	[spmem:s2] =	stream.indirect.scatter.add.f32 [tilespmem:s19], [sflag:$0x3], $0x20, s31, s7, $0xb8;
	[tilespmem:$0x16F30] =	vst v63  }
0x72: {  	_ =	swait.ge [sflag:s11], $0x7D00  }
0x73: {  	[sflag:s11] =	ssyncset.done $0x0  }
0x74: {  	[sflag:s11] =	ssyncadd.s32 $0xFFFF8300  }
0x75: {  	[tilespmem:s13], [sflag:$0x2] =	stream.linear.gather [hbm4b:s25+s3], $0x7D00, $0x38;
	[tilespmem:$0x16F30] =	vst v63  }
0x76: {  	_ =	swait.ge [sflag:s16], $0x7D00  }
0x77: {  	[sflag:s16] =	ssyncset.done $0x0  }
0x78: {  	[sflag:s16] =	ssyncadd.s32 $0xFFFF8300  }
0x79: {  	[spmem:s2] =	stream.indirect.scatter.add.f32 [tilespmem:s13], [sflag:$0x4], $0x20, s29, s7, $0xb8;
	[tilespmem:$0x16F30] =	vst v63  }
0x7a: {  	_ =	swait.ge [sflag:s12], $0x7D00  }
0x7b: {  	[sflag:s12] =	ssyncset.done $0x0  }
0x7c: {  	[sflag:s12] =	ssyncadd.s32 $0xFFFF8300  }
0x7d: {  	[tilespmem:s19], [sflag:$0x1] =	stream.linear.gather [hbm4b:s23+s3], $0x7D00, $0x38;
	[tilespmem:$0x16F30] =	vst v63  }
0x7e: {  	_ =	swait.ge [sflag:s18], $0x7D00  }
0x7f: {  	[sflag:s18] =	ssyncset.done $0x0  }
0x80: {  	[sflag:s18] =	ssyncadd.s32 $0xFFFF8300  }
0x81: {  	[spmem:s2] =	stream.indirect.scatter.add.f32 [tilespmem:s19], [sflag:$0x3], $0x20, s26, s7, $0xb8;
	[tilespmem:$0x16F30] =	vst v63  }
0x82: {  	_ =	swait.ge [sflag:s11], $0x7D00  }
0x83: {  	[sflag:s11] =	ssyncset.done $0x0  }
0x84: {  	[sflag:s11] =	ssyncadd.s32 $0xFFFF8300  }
0x85: {  	[tilespmem:s13], [sflag:$0x2] =	stream.linear.gather [hbm4b:s21+s3], $0x7D00, $0x38;
	[tilespmem:$0x16F30] =	vst v63  }
0x86: {  	_ =	swait.ge [sflag:s16], $0x7D00  }
0x87: {  	[sflag:s16] =	ssyncset.done $0x0  }
0x88: {  	[sflag:s16] =	ssyncadd.s32 $0xFFFF8300  }
0x89: {  	[spmem:s2] =	stream.indirect.scatter.add.f32 [tilespmem:s13], [sflag:$0x4], $0x20, s24, s7, $0xb8;
	[tilespmem:$0x16F30] =	vst v63  }
0x8a: {  	_ =	swait.ge [sflag:s12], $0x7D00  }
0x8b: {  	[sflag:s12] =	ssyncset.done $0x0  }
0x8c: {  	[sflag:s12] =	ssyncadd.s32 $0xFFFF8300  }
0x8d: {  	[tilespmem:s19], [sflag:$0x1] =	stream.linear.gather [hbm4b:s17+s3], $0x7D00, $0x38;
	[tilespmem:$0x16F30] =	vst v63  }
0x8e: {  	_ =	swait.ge [sflag:s18], $0x7D00  }
0x8f: {  	[sflag:s18] =	ssyncset.done $0x0  }
0x90: {  	[sflag:s18] =	ssyncadd.s32 $0xFFFF8300  }
0x91: {  	[spmem:s2] =	stream.indirect.scatter.add.f32 [tilespmem:s19], [sflag:$0x3], $0x20, s22, s7, $0xb8;
	[tilespmem:$0x16F30] =	vst v63  }
0x92: {  	_ =	swait.ge [sflag:s11], $0x7D00  }
0x93: {  	[sflag:s11] =	ssyncset.done $0x0  }
0x94: {  	[sflag:s11] =	ssyncadd.s32 $0xFFFF8300  }
0x95: {  	[tilespmem:s13], [sflag:$0x2] =	stream.linear.gather [hbm4b:s14+s3], $0x7D00, $0x38;
	[tilespmem:$0x16F30] =	vst v63  }
0x96: {  	_ =	swait.ge [sflag:s16], $0x7D00  }
0x97: {  	[sflag:s16] =	ssyncset.done $0x0  }
0x98: {  	[sflag:s16] =	ssyncadd.s32 $0xFFFF8300  }
0x99: {  	[spmem:s2] =	stream.indirect.scatter.add.f32 [tilespmem:s13], [sflag:$0x4], $0x20, s20, s7, $0xb8;
	[tilespmem:$0x16F30] =	vst v63  }
0x9a: {  	_ =	swait.ge [sflag:s12], $0x7D00  }
0x9b: {  	[sflag:s12] =	ssyncset.done $0x0  }
0x9c: {  	[sflag:s12] =	ssyncadd.s32 $0xFFFF8300  }
0x9d: {  	[tilespmem:s19], [sflag:$0x1] =	stream.linear.gather [hbm4b:s9+s3], $0x7D00, $0x38;
	[tilespmem:$0x16F30] =	vst v63  }
0x9e: {  	_ =	swait.ge [sflag:s18], $0x7D00  }
0x9f: {  	[sflag:s18] =	ssyncset.done $0x0  }
0xa0: {  	[sflag:s18] =	ssyncadd.s32 $0xFFFF8300  }
0xa1: {  	[spmem:s2] =	stream.indirect.scatter.add.f32 [tilespmem:s19], [sflag:$0x3], $0x20, s15, s7, $0xb8;
	[tilespmem:$0x16F30] =	vst v63  }
0xa2: {  	_ =	swait.ge [sflag:s11], $0x7D00  }
0xa3: {  	[sflag:s11] =	ssyncset.done $0x0  }
0xa4: {  	[sflag:s11] =	ssyncadd.s32 $0xFFFF8300  }
0xa5: {  	[tilespmem:s13], [sflag:$0x2] =	stream.linear.gather [hbm4b:s8+s3], $0x7D00, $0x38;
	[tilespmem:$0x16F30] =	vst v63  }
0xa6: {  	_ =	swait.ge [sflag:s16], $0x7D00  }
0xa7: {  	[sflag:s16] =	ssyncset.done $0x0  }
0xa8: {  	[sflag:s16] =	ssyncadd.s32 $0xFFFF8300  }
0xa9: {  	[spmem:s2] =	stream.indirect.scatter.add.f32 [tilespmem:s13], [sflag:$0x4], $0x20, s10, s7, $0xb8;
	[tilespmem:$0x16F30] =	vst v63  }
0xaa: {  	_ =	swait.ge [sflag:s12], $0x7D00  }
0xab: {  	[sflag:s12] =	ssyncset.done $0x0  }
0xac: {  	[sflag:s12] =	ssyncadd.s32 $0xFFFF8300  }
0xad: {  	_ =	swait.ge [sflag:s11], $0x7D00  }
0xae: {  	[sflag:s11] =	ssyncset.done $0x0  }
0xaf: {  	[sflag:s11] =	ssyncadd.s32 $0xFFFF8300  }
0xb0: {  	[bflag:$0x0] =	sbarrier.arrive $0xFFFF  }
0xb1: {  	s1 =	rddreg [dreg:$0xf]  }
0xb2: {  	[hbm:s1], [sflag:s4] =	dma.local [spmem:s6], $0x9C4  }
0xb3: {  	s0 =	rddreg [dreg:$0x11]  }
0xb4: {  	p1 =	sne.s32 s0, $0x1  }
.Ltmp1:
0xb5: {  	_ = 	snop;
	(pc) =	sbr.rel @!p1 .LBB2_3-.Ltmp1, $3  }
0xb6: {  	_ =	sdelay $0x1  }
0xb7: {  	p0 =	por $0x1, $0x1;
	_ =	swait.ge [sflag:s5], $0x9C4  }
0xb8: {  	s0 =	sadd.s32 $0xFFFFFFFF, s0;
	s1 =	rddreg [dreg:$0x4];
	[sflag:s5] =	ssyncset.done $0x0  }
.LBB2_2:
0xb9: {  	[sflag:s5] =	ssyncadd.s32 $0xFFFFF63C  }
0xba: {  	[spmem:s6], [sflag:s4] =	dma.local [hbm:s1], $0x9C4  }
0xbb: {  	_ =	swait.ge [sflag:s5], $0x9C4  }
0xbc: {  	[sflag:s5] =	ssyncset.done $0x0  }
0xbd: {  	s1 =	rddreg [dreg:$0x5];
	[sflag:s5] =	ssyncadd.s32 $0xFFFFF63C  }
0xbe: {  	[tilespmem:s3], [sflag:$0x1] =	stream.linear.gather [hbm4b:s1+s3], $0x3E8, $0x38;
	[tilespmem:$0x16F30] =	vst v63  }
0xbf: {  	s10 =	smov.u32 s8;
	s8 =	rddreg [dreg:$0x6]  }
0xc0: {  	[tilespmem:s7], [sflag:$0x1] =	stream.linear.gather [hbm4b:s8+s3], $0x3E8, $0x38;
	[tilespmem:$0x16F30] =	vst v63  }
0xc1: {  	s5 =	simm.s32 $0x7D0;
	s1 =	rddreg [dreg:$0x7]  }
0xc2: {  	[tilespmem:s5], [sflag:$0x1] =	stream.linear.gather [hbm4b:s1+s3], $0x3E8, $0x38;
	[tilespmem:$0x16F30] =	vst v63  }
0xc3: {  	s31 =	simm.s32 $0xBB8;
	s8 =	rddreg [dreg:$0x8]  }
0xc4: {  	[tilespmem:s31], [sflag:$0x1] =	stream.linear.gather [hbm4b:s8+s3], $0x3E8, $0x38;
	[tilespmem:$0x16F30] =	vst v63  }
0xc5: {  	s29 =	simm.s32 $0xFA0;
	s1 =	rddreg [dreg:$0x9]  }
0xc6: {  	[tilespmem:s29], [sflag:$0x1] =	stream.linear.gather [hbm4b:s1+s3], $0x3E8, $0x38;
	[tilespmem:$0x16F30] =	vst v63  }
0xc7: {  	s26 =	simm.s32 $0x1388;
	s8 =	rddreg [dreg:$0xa]  }
0xc8: {  	[tilespmem:s26], [sflag:$0x1] =	stream.linear.gather [hbm4b:s8+s3], $0x3E8, $0x38;
	[tilespmem:$0x16F30] =	vst v63  }
0xc9: {  	s24 =	simm.s32 $0x1770;
	s1 =	rddreg [dreg:$0xb]  }
0xca: {  	[tilespmem:s24], [sflag:$0x1] =	stream.linear.gather [hbm4b:s1+s3], $0x3E8, $0x38;
	[tilespmem:$0x16F30] =	vst v63  }
0xcb: {  	s22 =	simm.s32 $0x1B58;
	s8 =	rddreg [dreg:$0xc]  }
0xcc: {  	[tilespmem:s22], [sflag:$0x1] =	stream.linear.gather [hbm4b:s8+s3], $0x3E8, $0x38;
	[tilespmem:$0x16F30] =	vst v63  }
0xcd: {  	s20 =	simm.s32 $0x1F40;
	s1 =	rddreg [dreg:$0xd]  }
0xce: {  	[tilespmem:s20], [sflag:$0x1] =	stream.linear.gather [hbm4b:s1+s3], $0x3E8, $0x38;
	[tilespmem:$0x16F30] =	vst v63  }
0xcf: {  	s15 =	simm.s32 $0x2328;
	s8 =	rddreg [dreg:$0xe]  }
0xd0: {  	[tilespmem:s15], [sflag:$0x1] =	stream.linear.gather [hbm4b:s8+s3], $0x3E8, $0x38;
	[tilespmem:$0x16F30] =	vst v63  }
0xd1: {  	_ =	swait.ge [sflag:s18], $0x3E8  }
0xd2: {  	[sflag:s18] =	ssyncset.done $0x0  }
0xd3: {  	[sflag:s18] =	ssyncadd.s32 $0xFFFFFC18  }
0xd4: {  	_ =	swait.ge [sflag:s18], $0x3E8  }
0xd5: {  	[sflag:s18] =	ssyncset.done $0x0  }
0xd6: {  	[sflag:s18] =	ssyncadd.s32 $0xFFFFFC18  }
0xd7: {  	_ =	swait.ge [sflag:s18], $0x3E8  }
0xd8: {  	[sflag:s18] =	ssyncset.done $0x0  }
0xd9: {  	[sflag:s18] =	ssyncadd.s32 $0xFFFFFC18  }
0xda: {  	_ =	swait.ge [sflag:s18], $0x3E8  }
0xdb: {  	[sflag:s18] =	ssyncset.done $0x0  }
0xdc: {  	[sflag:s18] =	ssyncadd.s32 $0xFFFFFC18  }
0xdd: {  	_ =	swait.ge [sflag:s18], $0x3E8  }
0xde: {  	[sflag:s18] =	ssyncset.done $0x0  }
0xdf: {  	[sflag:s18] =	ssyncadd.s32 $0xFFFFFC18  }
0xe0: {  	_ =	swait.ge [sflag:s18], $0x3E8  }
0xe1: {  	[sflag:s18] =	ssyncset.done $0x0  }
0xe2: {  	[sflag:s18] =	ssyncadd.s32 $0xFFFFFC18  }
0xe3: {  	_ =	swait.ge [sflag:s18], $0x3E8  }
0xe4: {  	[sflag:s18] =	ssyncset.done $0x0  }
0xe5: {  	[sflag:s18] =	ssyncadd.s32 $0xFFFFFC18  }
0xe6: {  	_ =	swait.ge [sflag:s18], $0x3E8  }
0xe7: {  	[sflag:s18] =	ssyncset.done $0x0  }
0xe8: {  	[sflag:s18] =	ssyncadd.s32 $0xFFFFFC18  }
0xe9: {  	_ =	swait.ge [sflag:s18], $0x3E8  }
0xea: {  	[sflag:s18] =	ssyncset.done $0x0  }
0xeb: {  	[sflag:s18] =	ssyncadd.s32 $0xFFFFFC18  }
0xec: {  	_ =	swait.ge [sflag:s18], $0x3E8  }
0xed: {  	[sflag:s18] =	ssyncset.done $0x0  }
0xee: {  	[sflag:s18] =	ssyncadd.s32 $0xFFFFFC18  }
0xef: {  	[bflag:$0x0] =	sbarrier.arrive $0xFFFF  }
0xf0: {  	s1 =	rddreg [dreg:$0x10]  }
0xf1: {  	[tilespmem:s19], [sflag:$0x1] =	stream.linear.gather [hbm4b:s1+s3], $0x7D00, $0x38;
	[tilespmem:$0x16F30] =	vst v63  }
0xf2: {  	_ =	swait.ge [sflag:s18], $0x7D00  }
0xf3: {  	[sflag:s18] =	ssyncset.done $0x0  }
0xf4: {  	[sflag:s18] =	ssyncadd.s32 $0xFFFF8300  }
0xf5: {  	[spmem:s2] =	stream.indirect.scatter.add.f32 [tilespmem:s19], [sflag:$0x3], $0x20, s3, s7, $0xb8;
	[tilespmem:$0x16F30] =	vst v63  }
0xf6: {  	_ = 	snop  }
0xf7: {  	[tilespmem:s13], [sflag:$0x2] =	stream.linear.gather [hbm4b:s30+s3], $0x7D00, $0x38;
	[tilespmem:$0x16F30] =	vst v63  }
0xf8: {  	_ =	swait.ge [sflag:s16], $0x7D00  }
0xf9: {  	[sflag:s16] =	ssyncset.done $0x0  }
0xfa: {  	[sflag:s16] =	ssyncadd.s32 $0xFFFF8300  }
0xfb: {  	[spmem:s2] =	stream.indirect.scatter.add.f32 [tilespmem:s13], [sflag:$0x4], $0x20, s7, s7, $0xb8;
	[tilespmem:$0x16F30] =	vst v63  }
0xfc: {  	_ =	swait.ge [sflag:s12], $0x7D00  }
0xfd: {  	[sflag:s12] =	ssyncset.done $0x0  }
0xfe: {  	[sflag:s12] =	ssyncadd.s32 $0xFFFF8300  }
0xff: {  	[tilespmem:s19], [sflag:$0x1] =	stream.linear.gather [hbm4b:s28+s3], $0x7D00, $0x38;
	[tilespmem:$0x16F30] =	vst v63  }
0x100: {  	_ =	swait.ge [sflag:s18], $0x7D00  }
0x101: {  	[sflag:s18] =	ssyncset.done $0x0  }
0x102: {  	s31 =	simm.s32 $0x7D0;
	[sflag:s18] =	ssyncadd.s32 $0xFFFF8300  }
0x103: {  	[spmem:s2] =	stream.indirect.scatter.add.f32 [tilespmem:s19], [sflag:$0x3], $0x20, s31, s7, $0xb8;
	[tilespmem:$0x16F30] =	vst v63  }
0x104: {  	_ =	swait.ge [sflag:s11], $0x7D00  }
0x105: {  	[sflag:s11] =	ssyncset.done $0x0  }
0x106: {  	[sflag:s11] =	ssyncadd.s32 $0xFFFF8300  }
0x107: {  	[tilespmem:s13], [sflag:$0x2] =	stream.linear.gather [hbm4b:s25+s3], $0x7D00, $0x38;
	[tilespmem:$0x16F30] =	vst v63  }
0x108: {  	_ =	swait.ge [sflag:s16], $0x7D00  }
0x109: {  	[sflag:s16] =	ssyncset.done $0x0  }
0x10a: {  	s29 =	simm.s32 $0xBB8;
	[sflag:s16] =	ssyncadd.s32 $0xFFFF8300  }
0x10b: {  	[spmem:s2] =	stream.indirect.scatter.add.f32 [tilespmem:s13], [sflag:$0x4], $0x20, s29, s7, $0xb8;
	[tilespmem:$0x16F30] =	vst v63  }
0x10c: {  	_ =	swait.ge [sflag:s12], $0x7D00  }
0x10d: {  	[sflag:s12] =	ssyncset.done $0x0  }
0x10e: {  	[sflag:s12] =	ssyncadd.s32 $0xFFFF8300  }
0x10f: {  	[tilespmem:s19], [sflag:$0x1] =	stream.linear.gather [hbm4b:s23+s3], $0x7D00, $0x38;
	[tilespmem:$0x16F30] =	vst v63  }
0x110: {  	_ =	swait.ge [sflag:s18], $0x7D00  }
0x111: {  	[sflag:s18] =	ssyncset.done $0x0  }
0x112: {  	s26 =	simm.s32 $0xFA0;
	[sflag:s18] =	ssyncadd.s32 $0xFFFF8300  }
0x113: {  	[spmem:s2] =	stream.indirect.scatter.add.f32 [tilespmem:s19], [sflag:$0x3], $0x20, s26, s7, $0xb8;
	[tilespmem:$0x16F30] =	vst v63  }
0x114: {  	_ =	swait.ge [sflag:s11], $0x7D00  }
0x115: {  	[sflag:s11] =	ssyncset.done $0x0  }
0x116: {  	[sflag:s11] =	ssyncadd.s32 $0xFFFF8300  }
0x117: {  	[tilespmem:s13], [sflag:$0x2] =	stream.linear.gather [hbm4b:s21+s3], $0x7D00, $0x38;
	[tilespmem:$0x16F30] =	vst v63  }
0x118: {  	_ =	swait.ge [sflag:s16], $0x7D00  }
0x119: {  	[sflag:s16] =	ssyncset.done $0x0  }
0x11a: {  	s24 =	simm.s32 $0x1388;
	[sflag:s16] =	ssyncadd.s32 $0xFFFF8300  }
0x11b: {  	[spmem:s2] =	stream.indirect.scatter.add.f32 [tilespmem:s13], [sflag:$0x4], $0x20, s24, s7, $0xb8;
	[tilespmem:$0x16F30] =	vst v63  }
0x11c: {  	_ =	swait.ge [sflag:s12], $0x7D00  }
0x11d: {  	[sflag:s12] =	ssyncset.done $0x0  }
0x11e: {  	[sflag:s12] =	ssyncadd.s32 $0xFFFF8300  }
0x11f: {  	[tilespmem:s19], [sflag:$0x1] =	stream.linear.gather [hbm4b:s17+s3], $0x7D00, $0x38;
	[tilespmem:$0x16F30] =	vst v63  }
0x120: {  	_ =	swait.ge [sflag:s18], $0x7D00  }
0x121: {  	[sflag:s18] =	ssyncset.done $0x0  }
0x122: {  	s22 =	simm.s32 $0x1770;
	[sflag:s18] =	ssyncadd.s32 $0xFFFF8300  }
0x123: {  	[spmem:s2] =	stream.indirect.scatter.add.f32 [tilespmem:s19], [sflag:$0x3], $0x20, s22, s7, $0xb8;
	[tilespmem:$0x16F30] =	vst v63  }
0x124: {  	_ =	swait.ge [sflag:s11], $0x7D00  }
0x125: {  	[sflag:s11] =	ssyncset.done $0x0  }
0x126: {  	[sflag:s11] =	ssyncadd.s32 $0xFFFF8300  }
0x127: {  	[tilespmem:s13], [sflag:$0x2] =	stream.linear.gather [hbm4b:s14+s3], $0x7D00, $0x38;
	[tilespmem:$0x16F30] =	vst v63  }
0x128: {  	_ =	swait.ge [sflag:s16], $0x7D00  }
0x129: {  	[sflag:s16] =	ssyncset.done $0x0  }
0x12a: {  	s20 =	simm.s32 $0x1B58;
	[sflag:s16] =	ssyncadd.s32 $0xFFFF8300  }
0x12b: {  	[spmem:s2] =	stream.indirect.scatter.add.f32 [tilespmem:s13], [sflag:$0x4], $0x20, s20, s7, $0xb8;
	[tilespmem:$0x16F30] =	vst v63  }
0x12c: {  	_ =	swait.ge [sflag:s12], $0x7D00  }
0x12d: {  	[sflag:s12] =	ssyncset.done $0x0  }
0x12e: {  	[sflag:s12] =	ssyncadd.s32 $0xFFFF8300  }
0x12f: {  	[tilespmem:s19], [sflag:$0x1] =	stream.linear.gather [hbm4b:s9+s3], $0x7D00, $0x38;
	[tilespmem:$0x16F30] =	vst v63  }
0x130: {  	_ =	swait.ge [sflag:s18], $0x7D00  }
0x131: {  	[sflag:s18] =	ssyncset.done $0x0  }
0x132: {  	s15 =	simm.s32 $0x1F40;
	[sflag:s18] =	ssyncadd.s32 $0xFFFF8300  }
0x133: {  	[spmem:s2] =	stream.indirect.scatter.add.f32 [tilespmem:s19], [sflag:$0x3], $0x20, s15, s7, $0xb8;
	[tilespmem:$0x16F30] =	vst v63  }
0x134: {  	_ =	swait.ge [sflag:s11], $0x7D00  }
0x135: {  	[sflag:s11] =	ssyncset.done $0x0  }
0x136: {  	s8 =	smov.u32 s10;
	[sflag:s11] =	ssyncadd.s32 $0xFFFF8300  }
0x137: {  	[tilespmem:s13], [sflag:$0x2] =	stream.linear.gather [hbm4b:s8+s3], $0x7D00, $0x38;
	[tilespmem:$0x16F30] =	vst v63  }
0x138: {  	_ =	swait.ge [sflag:s16], $0x7D00  }
0x139: {  	[sflag:s16] =	ssyncset.done $0x0  }
0x13a: {  	s10 =	simm.s32 $0x2328;
	[sflag:s16] =	ssyncadd.s32 $0xFFFF8300  }
0x13b: {  	[spmem:s2] =	stream.indirect.scatter.add.f32 [tilespmem:s13], [sflag:$0x4], $0x20, s10, s7, $0xb8;
	[tilespmem:$0x16F30] =	vst v63  }
0x13c: {  	_ =	swait.ge [sflag:s12], $0x7D00  }
0x13d: {  	[sflag:s12] =	ssyncset.done $0x0  }
0x13e: {  	[sflag:s12] =	ssyncadd.s32 $0xFFFF8300  }
0x13f: {  	_ =	swait.ge [sflag:s11], $0x7D00  }
0x140: {  	[sflag:s11] =	ssyncset.done $0x0  }
0x141: {  	p1 =	sne.s32 s0, $0x1;
	[sflag:s11] =	ssyncadd.s32 $0xFFFF8300  }
.Ltmp2:
0x142: {  	[bflag:$0x0] =	sbarrier.arrive $0xFFFF;
	(pc) =	sbr.rel @p1 .LBB2_2-.Ltmp2, $4  }
0x143: {  	s5 =	simm.s32 $0x5;
	s1 =	rddreg [dreg:$0xf]  }
0x144: {  	[hbm:s1], [sflag:s4] =	dma.local [spmem:s6], $0x9C4  }
0x145: {  	_ =	swait.ge [sflag:s5], $0x9C4  }
0x146: {  	s0 =	sadd.s32 $0xFFFFFFFF, s0;
	s1 =	rddreg [dreg:$0x4];
	[sflag:s5] =	ssyncset.done $0x0  }
.LBB2_3:
0x147: {  	[sflag:s5] =	ssyncadd.s32 @p0 $0xFFFFF63C  }
0x148: {  	[spmem:s6], [sflag:s4] =	dma.local [hbm:s1], $0x9C4  }
0x149: {  	_ =	swait.ge [sflag:s5], $0x9C4  }
0x14a: {  	[sflag:s5] =	ssyncset.done $0x0  }
0x14b: {  	s0 =	rddreg [dreg:$0x5];
	[sflag:s5] =	ssyncadd.s32 $0xFFFFF63C  }
0x14c: {  	[tilespmem:s3], [sflag:$0x1] =	stream.linear.gather [hbm4b:s0+s3], $0x3E8, $0x38;
	[tilespmem:$0x16F30] =	vst v63  }
0x14d: {  	s1 =	rddreg [dreg:$0x6]  }
0x14e: {  	[tilespmem:s7], [sflag:$0x1] =	stream.linear.gather [hbm4b:s1+s3], $0x3E8, $0x38;
	[tilespmem:$0x16F30] =	vst v63  }
0x14f: {  	s0 =	rddreg [dreg:$0x7]  }
0x150: {  	[tilespmem:s31], [sflag:$0x1] =	stream.linear.gather [hbm4b:s0+s3], $0x3E8, $0x38;
	[tilespmem:$0x16F30] =	vst v63  }
0x151: {  	s1 =	rddreg [dreg:$0x8]  }
0x152: {  	[tilespmem:s29], [sflag:$0x1] =	stream.linear.gather [hbm4b:s1+s3], $0x3E8, $0x38;
	[tilespmem:$0x16F30] =	vst v63  }
0x153: {  	s0 =	rddreg [dreg:$0x9]  }
0x154: {  	[tilespmem:s26], [sflag:$0x1] =	stream.linear.gather [hbm4b:s0+s3], $0x3E8, $0x38;
	[tilespmem:$0x16F30] =	vst v63  }
0x155: {  	s1 =	rddreg [dreg:$0xa]  }
0x156: {  	[tilespmem:s24], [sflag:$0x1] =	stream.linear.gather [hbm4b:s1+s3], $0x3E8, $0x38;
	[tilespmem:$0x16F30] =	vst v63  }
0x157: {  	s0 =	rddreg [dreg:$0xb]  }
0x158: {  	[tilespmem:s22], [sflag:$0x1] =	stream.linear.gather [hbm4b:s0+s3], $0x3E8, $0x38;
	[tilespmem:$0x16F30] =	vst v63  }
0x159: {  	s1 =	rddreg [dreg:$0xc]  }
0x15a: {  	[tilespmem:s20], [sflag:$0x1] =	stream.linear.gather [hbm4b:s1+s3], $0x3E8, $0x38;
	[tilespmem:$0x16F30] =	vst v63  }
0x15b: {  	s0 =	rddreg [dreg:$0xd]  }
0x15c: {  	[tilespmem:s15], [sflag:$0x1] =	stream.linear.gather [hbm4b:s0+s3], $0x3E8, $0x38;
	[tilespmem:$0x16F30] =	vst v63  }
0x15d: {  	s1 =	rddreg [dreg:$0xe]  }
0x15e: {  	[tilespmem:s10], [sflag:$0x1] =	stream.linear.gather [hbm4b:s1+s3], $0x3E8, $0x38;
	[tilespmem:$0x16F30] =	vst v63  }
0x15f: {  	_ =	swait.ge [sflag:s18], $0x3E8  }
0x160: {  	[sflag:s18] =	ssyncset.done $0x0  }
0x161: {  	[sflag:s18] =	ssyncadd.s32 $0xFFFFFC18  }
0x162: {  	_ =	swait.ge [sflag:s18], $0x3E8  }
0x163: {  	[sflag:s18] =	ssyncset.done $0x0  }
0x164: {  	[sflag:s18] =	ssyncadd.s32 $0xFFFFFC18  }
0x165: {  	_ =	swait.ge [sflag:s18], $0x3E8  }
0x166: {  	[sflag:s18] =	ssyncset.done $0x0  }
0x167: {  	[sflag:s18] =	ssyncadd.s32 $0xFFFFFC18  }
0x168: {  	_ =	swait.ge [sflag:s18], $0x3E8  }
0x169: {  	[sflag:s18] =	ssyncset.done $0x0  }
0x16a: {  	[sflag:s18] =	ssyncadd.s32 $0xFFFFFC18  }
0x16b: {  	_ =	swait.ge [sflag:s18], $0x3E8  }
0x16c: {  	[sflag:s18] =	ssyncset.done $0x0  }
0x16d: {  	[sflag:s18] =	ssyncadd.s32 $0xFFFFFC18  }
0x16e: {  	_ =	swait.ge [sflag:s18], $0x3E8  }
0x16f: {  	[sflag:s18] =	ssyncset.done $0x0  }
0x170: {  	[sflag:s18] =	ssyncadd.s32 $0xFFFFFC18  }
0x171: {  	_ =	swait.ge [sflag:s18], $0x3E8  }
0x172: {  	[sflag:s18] =	ssyncset.done $0x0  }
0x173: {  	[sflag:s18] =	ssyncadd.s32 $0xFFFFFC18  }
0x174: {  	_ =	swait.ge [sflag:s18], $0x3E8  }
0x175: {  	[sflag:s18] =	ssyncset.done $0x0  }
0x176: {  	[sflag:s18] =	ssyncadd.s32 $0xFFFFFC18  }
0x177: {  	_ =	swait.ge [sflag:s18], $0x3E8  }
0x178: {  	[sflag:s18] =	ssyncset.done $0x0  }
0x179: {  	[sflag:s18] =	ssyncadd.s32 $0xFFFFFC18  }
0x17a: {  	_ =	swait.ge [sflag:s18], $0x3E8  }
0x17b: {  	[sflag:s18] =	ssyncset.done $0x0  }
0x17c: {  	[sflag:s18] =	ssyncadd.s32 $0xFFFFFC18  }
0x17d: {  	[bflag:$0x0] =	sbarrier.arrive $0xFFFF  }
0x17e: {  	s1 =	rddreg [dreg:$0x10]  }
0x17f: {  	[tilespmem:s19], [sflag:$0x1] =	stream.linear.gather [hbm4b:s1+s3], $0x7D00, $0x38;
	[tilespmem:$0x16F30] =	vst v63  }
0x180: {  	_ =	swait.ge [sflag:s18], $0x7D00  }
0x181: {  	[sflag:s18] =	ssyncset.done $0x0  }
0x182: {  	[sflag:s18] =	ssyncadd.s32 $0xFFFF8300  }
0x183: {  	[spmem:s2] =	stream.indirect.scatter.add.f32 [tilespmem:s19], [sflag:$0x3], $0x20, s3, s7, $0xb8;
	[tilespmem:$0x16F30] =	vst v63  }
0x184: {  	_ = 	snop  }
0x185: {  	[tilespmem:s13], [sflag:$0x2] =	stream.linear.gather [hbm4b:s30+s3], $0x7D00, $0x38;
	[tilespmem:$0x16F30] =	vst v63  }
0x186: {  	_ =	swait.ge [sflag:s16], $0x7D00  }
0x187: {  	[sflag:s16] =	ssyncset.done $0x0  }
0x188: {  	[sflag:s16] =	ssyncadd.s32 $0xFFFF8300  }
0x189: {  	[spmem:s2] =	stream.indirect.scatter.add.f32 [tilespmem:s13], [sflag:$0x4], $0x20, s7, s7, $0xb8;
	[tilespmem:$0x16F30] =	vst v63  }
0x18a: {  	_ =	swait.ge [sflag:s12], $0x7D00  }
0x18b: {  	[sflag:s12] =	ssyncset.done $0x0  }
0x18c: {  	[sflag:s12] =	ssyncadd.s32 $0xFFFF8300  }
0x18d: {  	[tilespmem:s19], [sflag:$0x1] =	stream.linear.gather [hbm4b:s28+s3], $0x7D00, $0x38;
	[tilespmem:$0x16F30] =	vst v63  }
0x18e: {  	_ =	swait.ge [sflag:s18], $0x7D00  }
0x18f: {  	[sflag:s18] =	ssyncset.done $0x0  }
0x190: {  	[sflag:s18] =	ssyncadd.s32 $0xFFFF8300  }
0x191: {  	[spmem:s2] =	stream.indirect.scatter.add.f32 [tilespmem:s19], [sflag:$0x3], $0x20, s31, s7, $0xb8;
	[tilespmem:$0x16F30] =	vst v63  }
0x192: {  	_ =	swait.ge [sflag:s11], $0x7D00  }
0x193: {  	[sflag:s11] =	ssyncset.done $0x0  }
0x194: {  	[sflag:s11] =	ssyncadd.s32 $0xFFFF8300  }
0x195: {  	[tilespmem:s13], [sflag:$0x2] =	stream.linear.gather [hbm4b:s25+s3], $0x7D00, $0x38;
	[tilespmem:$0x16F30] =	vst v63  }
0x196: {  	_ =	swait.ge [sflag:s16], $0x7D00  }
0x197: {  	[sflag:s16] =	ssyncset.done $0x0  }
0x198: {  	[sflag:s16] =	ssyncadd.s32 $0xFFFF8300  }
0x199: {  	[spmem:s2] =	stream.indirect.scatter.add.f32 [tilespmem:s13], [sflag:$0x4], $0x20, s29, s7, $0xb8;
	[tilespmem:$0x16F30] =	vst v63  }
0x19a: {  	_ =	swait.ge [sflag:s12], $0x7D00  }
0x19b: {  	[sflag:s12] =	ssyncset.done $0x0  }
0x19c: {  	[sflag:s12] =	ssyncadd.s32 $0xFFFF8300  }
0x19d: {  	[tilespmem:s19], [sflag:$0x1] =	stream.linear.gather [hbm4b:s23+s3], $0x7D00, $0x38;
	[tilespmem:$0x16F30] =	vst v63  }
0x19e: {  	_ =	swait.ge [sflag:s18], $0x7D00  }
0x19f: {  	[sflag:s18] =	ssyncset.done $0x0  }
0x1a0: {  	[sflag:s18] =	ssyncadd.s32 $0xFFFF8300  }
0x1a1: {  	[spmem:s2] =	stream.indirect.scatter.add.f32 [tilespmem:s19], [sflag:$0x3], $0x20, s26, s7, $0xb8;
	[tilespmem:$0x16F30] =	vst v63  }
0x1a2: {  	_ =	swait.ge [sflag:s11], $0x7D00  }
0x1a3: {  	[sflag:s11] =	ssyncset.done $0x0  }
0x1a4: {  	[sflag:s11] =	ssyncadd.s32 $0xFFFF8300  }
0x1a5: {  	[tilespmem:s13], [sflag:$0x2] =	stream.linear.gather [hbm4b:s21+s3], $0x7D00, $0x38;
	[tilespmem:$0x16F30] =	vst v63  }
0x1a6: {  	_ =	swait.ge [sflag:s16], $0x7D00  }
0x1a7: {  	[sflag:s16] =	ssyncset.done $0x0  }
0x1a8: {  	[sflag:s16] =	ssyncadd.s32 $0xFFFF8300  }
0x1a9: {  	[spmem:s2] =	stream.indirect.scatter.add.f32 [tilespmem:s13], [sflag:$0x4], $0x20, s24, s7, $0xb8;
	[tilespmem:$0x16F30] =	vst v63  }
0x1aa: {  	_ =	swait.ge [sflag:s12], $0x7D00  }
0x1ab: {  	[sflag:s12] =	ssyncset.done $0x0  }
0x1ac: {  	[sflag:s12] =	ssyncadd.s32 $0xFFFF8300  }
0x1ad: {  	[tilespmem:s19], [sflag:$0x1] =	stream.linear.gather [hbm4b:s17+s3], $0x7D00, $0x38;
	[tilespmem:$0x16F30] =	vst v63  }
0x1ae: {  	_ =	swait.ge [sflag:s18], $0x7D00  }
0x1af: {  	[sflag:s18] =	ssyncset.done $0x0  }
0x1b0: {  	[sflag:s18] =	ssyncadd.s32 $0xFFFF8300  }
0x1b1: {  	[spmem:s2] =	stream.indirect.scatter.add.f32 [tilespmem:s19], [sflag:$0x3], $0x20, s22, s7, $0xb8;
	[tilespmem:$0x16F30] =	vst v63  }
0x1b2: {  	_ =	swait.ge [sflag:s11], $0x7D00  }
0x1b3: {  	[sflag:s11] =	ssyncset.done $0x0  }
0x1b4: {  	[sflag:s11] =	ssyncadd.s32 $0xFFFF8300  }
0x1b5: {  	[tilespmem:s13], [sflag:$0x2] =	stream.linear.gather [hbm4b:s14+s3], $0x7D00, $0x38;
	[tilespmem:$0x16F30] =	vst v63  }
0x1b6: {  	_ =	swait.ge [sflag:s16], $0x7D00  }
0x1b7: {  	[sflag:s16] =	ssyncset.done $0x0  }
0x1b8: {  	[sflag:s16] =	ssyncadd.s32 $0xFFFF8300  }
0x1b9: {  	[spmem:s2] =	stream.indirect.scatter.add.f32 [tilespmem:s13], [sflag:$0x4], $0x20, s20, s7, $0xb8;
	[tilespmem:$0x16F30] =	vst v63  }
0x1ba: {  	_ =	swait.ge [sflag:s12], $0x7D00  }
0x1bb: {  	[sflag:s12] =	ssyncset.done $0x0  }
0x1bc: {  	[sflag:s12] =	ssyncadd.s32 $0xFFFF8300  }
0x1bd: {  	[tilespmem:s19], [sflag:$0x1] =	stream.linear.gather [hbm4b:s9+s3], $0x7D00, $0x38;
	[tilespmem:$0x16F30] =	vst v63  }
0x1be: {  	_ =	swait.ge [sflag:s18], $0x7D00  }
0x1bf: {  	[sflag:s18] =	ssyncset.done $0x0  }
0x1c0: {  	[sflag:s18] =	ssyncadd.s32 $0xFFFF8300  }
0x1c1: {  	[spmem:s2] =	stream.indirect.scatter.add.f32 [tilespmem:s19], [sflag:$0x3], $0x20, s15, s7, $0xb8;
	[tilespmem:$0x16F30] =	vst v63  }
0x1c2: {  	_ =	swait.ge [sflag:s11], $0x7D00  }
0x1c3: {  	[sflag:s11] =	ssyncset.done $0x0  }
0x1c4: {  	[sflag:s11] =	ssyncadd.s32 $0xFFFF8300  }
0x1c5: {  	[tilespmem:s13], [sflag:$0x2] =	stream.linear.gather [hbm4b:s8+s3], $0x7D00, $0x38;
	[tilespmem:$0x16F30] =	vst v63  }
0x1c6: {  	_ =	swait.ge [sflag:s16], $0x7D00  }
0x1c7: {  	[sflag:s16] =	ssyncset.done $0x0  }
0x1c8: {  	[sflag:s16] =	ssyncadd.s32 $0xFFFF8300  }
0x1c9: {  	[spmem:s2] =	stream.indirect.scatter.add.f32 [tilespmem:s13], [sflag:$0x4], $0x20, s10, s7, $0xb8;
	[tilespmem:$0x16F30] =	vst v63  }
0x1ca: {  	_ =	swait.ge [sflag:s12], $0x7D00  }
0x1cb: {  	[sflag:s12] =	ssyncset.done $0x0  }
0x1cc: {  	[sflag:s12] =	ssyncadd.s32 $0xFFFF8300  }
0x1cd: {  	_ =	swait.ge [sflag:s11], $0x7D00  }
0x1ce: {  	[sflag:s11] =	ssyncset.done $0x0  }
0x1cf: {  	[sflag:s11] =	ssyncadd.s32 $0xFFFF8300  }
0x1d0: {  	[bflag:$0x0] =	sbarrier.arrive $0xFFFF  }
0x1d1: {  	s30 =	rddreg [dreg:$0xf]  }
0x1d2: {  	[hbm:s30], [sflag:s4] =	dma.local [spmem:s6], $0x9C4  }
0x1d3: {  	_ =	swait.ge [sflag:s5], $0x9C4  }
0x1d4: {  	[sflag:s5] =	ssyncset.done $0x0  }
0x1d5: {  	[sflag:s5] =	ssyncadd.s32 $0xFFFFF63C  }
0x1d6: {  	_ =	sfence.sel $0x180000  }
0x1d7: {  	[bflag:$0x0] =	sbarrier.arrive $0xFFFF  }
0x1d8: {  	_ =	strace $0x90000050  }
0x1d9: {  	s31 =	stileid.u32;
	[bflag:$0x2] =	sbarrier.arrive $0xFFFF  }
0x1da: {  	p0 =	sne.s32 s31, $0x0;
	s0 =	rddreg [dreg:$0x3]  }
0x1db: {  	s0 =	sadd.s32 @!p0 $0x100000, s0  }
0x1dc: {  	[sflag:s0] =	ssyncadd.tile.s32 @!p0 $0x1;
	_ =	shalt  }
.Lfunc_end2:
_tile_overlayer_lowered:
.L_overlay_start_2:
0x1dd: {  	(tag) =	ssettag $0x2  }
0x1de: {  	s0 =	rddreg [dreg:$0x0];
	s2 =	stileid.u32  }
0x1df: {  	s1 =	rddreg [dreg:$0x1];
	p0 =	sne.s32 s2, $0x0  }
0x1e0: {  	s3 =	rddreg [dreg:$0x2];
	[bflag:$0x3] =	sbarrier.arrive $0xFFFF;
	s2 =	simm.s32 @!p0 $0x1C05  }
0x1e1: {  	[timem:s3], [sflag:s2] =	dma.local @!p0 [hbm:s0], s1  }
0x1e2: {  	s0 =	simm.s32 @!p0 $0x5  }
0x1e3: {  	_ =	swait.ge @!p0 [sflag:s0], s1  }
0x1e4: {  	s1 =	ssub.s32 @!p0 $0x0, s1;
	[sflag:s0] =	ssyncset.done @!p0 $0x0  }
0x1e5: {  	[sflag:s0] =	ssyncadd.s32 @!p0 s1  }
0x1e6: {  	[bflag:$0x3] =	sbarrier.arrive $0xFFFF  }
0x1e7: {  	_ =	shalt  }

// kernel: _run.29.cloned.1.call-start
scs
__scs_entry_jumppad:
0x0: {  	(pc) =	sbr.rel $0x88, $3  }
0x1: {  	(tag) =	ssettag $0x0;
	lr =	simm.s32 $0x1  }
0x2: {  	[smem:$0x3F68] =	sst lr;
	_ =	strace $0xD0000000  }
0x3: {  	_ = 	snop  }
0x4: {  	_ = 	snop  }
0x5: {  	_ = 	snop  }
0x6: {  	_ = 	snop  }
0x7: {  	_ = 	snop  }
__scs_overlays_trampoline_lowered:
0x8: {  	[smem:$0x3F77] =	sst s0  }
0x9: {  	[smem:$0x3F78] =	sst s1  }
0xa: {  	[smem:$0x3F79] =	sst s2  }
0xb: {  	[smem:$0x3F7A] =	sst s3  }
0xc: {  	[smem:$0x3F7B] =	sst s4  }
0xd: {  	[smem:$0x3F7C] =	sst s5  }
0xe: {  	[smem:$0x3F7D] =	sst s6  }
0xf: {  	[smem:$0x3F7E] =	sst s7  }
0x10: {  	[smem:$0x3F7F] =	sst s8  }
0x11: {  	[smem:$0x3F80] =	sst s9;
	s0 =	simm.s32 @!p0 $0x0  }
0x12: {  	s1 =	sld [smem:$0x3F66];
	s0 =	simm.s32 @p0 $0x1  }
0x13: {  	[smem:$0x3F81] =	sst s0;
	s0 =	simm.s32 @!p1 $0x0  }
0x14: {  	s2 =	sld [smem:$0x3F65];
	s0 =	simm.s32 @p1 $0x1  }
0x15: {  	[smem:$0x3F82] =	sst s0;
	s0 =	simm.s32 @!p2 $0x0  }
0x16: {  	s3 =	sld [smem:$0x3FDB];
	s0 =	simm.s32 @p2 $0x1  }
0x17: {  	s4 =	simm.s32 $0x1BF5;
	[smem:$0x3F84] =	sst s0  }
0x18: {  	s0 =	sld [smem:$0x3F67];
	_ =	swait.ge [sflag:s4], $0x0  }
0x19: {  	s7 =	sld [smem:$0x3F68]  }
0x1a: {  	s8 =	sadd.s32 $0xFFFFE003, lr  }
0x1b: {  	s9 =	sadd.s32 $0xFFFFFEF7, lr;
	s5 =	simm.s32 $0xFFFFFFFF;
	p2 =	slt.u32 s8, $0xFFFFF086  }
0x1c: {  	p1 =	slt.u32 s9, $0xF7A;
	s5 =	simm.s32 @!p2 $0x0  }
0x1d: {  	s5 =	simm.s32 @p1 $0x1;
	p0 =	seq.s32 s7, s2  }
0x1e: {  	s7 =	smul.u32 @!p0 $0xF7A, s2;
	p2 =	seq.s32 @!p0 s5, $0x0  }
0x1f: {  	s9 =	smul.u32 $0xF7A, s1;
	s8 =	simm.s32 @!p0 $0x1BF5;
	p2 =	por !p2, p0  }
0x20: {  	[sflag:s8] =	ssyncset.s32 @!p0 $0xFFFFF086;
	s6 =	sadd.s32 @!p0 s3, s7;
	s7 =	simm.s32 @!p0 $0x108  }
0x21: {  	s3 =	sadd.s32 s3, s9;
	s6 =	sadd.s32 @!p0 $0x88, s6;
	s7 =	simm.s32 @p2 $0x1082  }
0x22: {  	[simem:s7], [sflag:s8] =	dma.local @!p0 [hbm:s6], $0xF7A  }
0x23: {  	s9 =	sor.u32 $0xD0000000, s2;
	s6 =	simm.s32 $0x108;
	_ =	swait.ge @!p0 [sflag:s8], $0x0  }
0x24: {  	s3 =	sadd.s32 $0x88, s3;
	s6 =	simm.s32 @!p1 $0x1082;
	[sflag:s4] =	ssyncset.s32 $0xFFFFF086  }
0x25: {  	[simem:s6], [sflag:s4] =	dma.local [hbm:s3], $0xF7A  }
0x26: {  	[smem:$0x3F68] =	sst s1;
	(tag) =	ssettag s2;
	_ =	strace s9  }
0x27: {  	s1 =	sld [smem:$0x3F78]  }
0x28: {  	s2 =	sld [smem:$0x3F79]  }
0x29: {  	s4 =	sld [smem:$0x3F7B]  }
0x2a: {  	p0 =	seq.s32 s5, $0x0;
	s5 =	sld [smem:$0x3F7C]  }
0x2b: {  	s6 =	sld [smem:$0x3F7D]  }
0x2c: {  	s7 =	sld [smem:$0x3F7E]  }
0x2d: {  	s3 =	simm.s32 $0x108;
	s8 =	sld [smem:$0x3F7F]  }
0x2e: {  	s3 =	simm.s32 @!p0 $0x1082;
	s9 =	sld [smem:$0x3F80]  }
0x2f: {  	lr =	sadd.s32 s0, s3;
	s0 =	sld [smem:$0x3F77]  }
0x30: {  	s3 =	sld [smem:$0x3F7A]  }
0x31: {  	[smem:$0x3F83] =	sst s10  }
0x32: {  	s10 =	sld [smem:$0x3F81];
	_ =	sdelay $0x3  }
0x33: {  	p0 =	seq.s32 s10, $0x1;
	s10 =	sld [smem:$0x3F83];
	_ =	sdelay $0x3  }
0x34: {  	[smem:$0x3F83] =	sst s10  }
0x35: {  	s10 =	sld [smem:$0x3F82];
	_ =	sdelay $0x3  }
0x36: {  	p1 =	seq.s32 s10, $0x1;
	s10 =	sld [smem:$0x3F83];
	_ =	sdelay $0x3  }
0x37: {  	[smem:$0x3F83] =	sst s10  }
0x38: {  	s10 =	sld [smem:$0x3F84]  }
0x39: {  	_ = 	snop;
	(pc) =	sbr.ind lr, $3  }
0x3a: {  	_ = 	snop  }
0x3b: {  	_ = 	snop  }
0x3c: {  	p2 =	seq.s32 s10, $0x1;
	s10 =	sld [smem:$0x3F83]  }
0x3d: {  	_ =	shalt  }
0x3e: {  	_ =	shalt  }
0x3f: {  	_ =	shalt  }
0x40: {  	_ =	shalt  }
0x41: {  	_ =	shalt  }
0x42: {  	_ =	shalt  }
0x43: {  	_ =	shalt  }
0x44: {  	_ =	shalt  }
0x45: {  	_ =	shalt  }
0x46: {  	_ =	shalt  }
0x47: {  	_ =	shalt  }
0x48: {  	_ =	shalt  }
0x49: {  	_ =	shalt  }
0x4a: {  	_ =	shalt  }
0x4b: {  	_ =	shalt  }
0x4c: {  	_ =	shalt  }
0x4d: {  	_ =	shalt  }
0x4e: {  	_ =	shalt  }
0x4f: {  	_ =	shalt  }
0x50: {  	_ =	shalt  }
0x51: {  	_ =	shalt  }
0x52: {  	_ =	shalt  }
0x53: {  	_ =	shalt  }
0x54: {  	_ =	shalt  }
0x55: {  	_ =	shalt  }
0x56: {  	_ =	shalt  }
0x57: {  	_ =	shalt  }
0x58: {  	_ =	shalt  }
0x59: {  	_ =	shalt  }
0x5a: {  	_ =	shalt  }
0x5b: {  	_ =	shalt  }
0x5c: {  	_ =	shalt  }
0x5d: {  	_ =	shalt  }
0x5e: {  	_ =	shalt  }
0x5f: {  	_ =	shalt  }
0x60: {  	_ =	shalt  }
0x61: {  	_ =	shalt  }
0x62: {  	_ =	shalt  }
0x63: {  	_ =	shalt  }
0x64: {  	_ =	shalt  }
0x65: {  	_ =	shalt  }
0x66: {  	_ =	shalt  }
0x67: {  	_ =	shalt  }
0x68: {  	_ =	shalt  }
0x69: {  	_ =	shalt  }
0x6a: {  	_ =	shalt  }
0x6b: {  	_ =	shalt  }
0x6c: {  	_ =	shalt  }
0x6d: {  	_ =	shalt  }
0x6e: {  	_ =	shalt  }
0x6f: {  	_ =	shalt  }
0x70: {  	_ =	shalt  }
0x71: {  	_ =	shalt  }
0x72: {  	_ =	shalt  }
0x73: {  	_ =	shalt  }
0x74: {  	_ =	shalt  }
0x75: {  	_ =	shalt  }
0x76: {  	_ =	shalt  }
0x77: {  	_ =	shalt  }
0x78: {  	_ =	shalt  }
0x79: {  	_ =	shalt  }
0x7a: {  	_ =	shalt  }
0x7b: {  	_ =	shalt  }
0x7c: {  	_ =	shalt  }
0x7d: {  	_ =	shalt  }
0x7e: {  	_ =	shalt  }
0x7f: {  	_ =	shalt  }
0x80: {  	_ =	shalt  }
0x81: {  	_ =	shalt  }
0x82: {  	_ =	shalt  }
0x83: {  	_ =	shalt  }
0x84: {  	_ =	shalt  }
0x85: {  	_ =	shalt  }
0x86: {  	_ =	shalt  }
0x87: {  	_ =	shalt  }
.Lfunc_end0:
.L_simem_size_0:
called_computation.4_lowered:
.L_overlay_start_0:
0x88: {  	s2 =	sld [smem:$0x3FD9]  }
0x89: {  	s3 =	sld [smem:$0x3FFE];
	_ =	sdelay $0x1  }
0x8a: {  	s1 =	srdreg.scid  }
0x8b: {  	s0 =	sand.u32 $0x1, s1  }
0x8c: {  	s16 =	sshll.u32 s0, $0xA;
	s2 =	sadd.s32 s3, s2  }
0x8d: {  	s2 =	sadd.s32 s2, s16  }
0x8e: {  	[smem:$0x3F8F] =	sst s2  }
0x8f: {  	_ = 	snop  }
0x90: {  	(tm) =	ssettm $0x1  }
0x91: {  	s17 =	sld [smem:$0x3FFB];
	_ =	sdelay $0x3  }
0x92: {  	_ =	strace s17  }
0x93: {  	s2 =	sld [smem:$0x3FFC];
	_ =	sdelay $0x3  }
0x94: {  	_ =	strace s2  }
0x95: {  	s2 =	sld [smem:$0x3FFD];
	_ =	sdelay $0x3  }
0x96: {  	_ =	strace s2  }
0x97: {  	_ =	strace $0x8FFFFFFF  }
0x98: {  	s18 =	sld [smem:$0x3FDB];
	_ =	sdelay $0x1  }
0x99: {  	s19 =	simm.s32 $_scs_section_size  }
0x9a: {  	s4 =	simm.s32 $_size__tile_overlayer_lowered;
	s5 =	simm.s32 $_tile_overlayer_lowered  }
0x9b: {  	s22 =	simm.s32 $0x1BFF;
	s21 =	sshll.u32 s5, $0x1;
	s2 =	sadd.s32 s19, s18  }
0x9c: {  	s6 =	simm.s32 $0x0;
	s20 =	sshll.u32 s4, $0x1;
	s4 =	sadd.s32 s21, s2  }
0x9d: {  	[timem:s6], [sflag:s22] =	dma.local [hbm:s4], s20  }
0x9e: {  	_ =	swait.ge [sflag:s22], s20  }
0x9f: {  	s3 =	ssub.s32 $0x0, s20;
	[sflag:s22] =	ssyncset.done $0x0  }
0xa0: {  	[sflag:s22] =	ssyncadd.s32 s3;
	_ =	sdelay $0x1  }
0xa1: {  	s23 =	simm.s32 $0x1B8B  }
0xa2: {  	_ =	swait.ge [sflag:s23], $0x1  }
0xa3: {  	[sflag:s23] =	ssyncset.done $0x0  }
0xa4: {  	s25 =	simm.s32 $0x1B8E;
	s24 =	sld [smem:$0x3FFE];
	[sflag:s23] =	ssyncadd.s32 $0xFFFFFFFF  }
0xa5: {  	s26 =	simm.s32 $execute0_lowered;
	[smem:$0x3FD2] =	sst s25  }
0xa6: {  	s4 =	sshll.u32 s26, $0x1;
	_ =	strace $0x80000052;
	[dreg:$0x1] =	wrdreg $0xFFFFFFFF  }
0xa7: {  	s28 =	simm.s32 $_size_execute0_lowered;
	s2 =	sadd.s32 s2, s4;
	[dreg:$0x0] =	wrdreg $0x0  }
0xa8: {  	s4 =	sshll.u32 s28, $0x1;
	[dreg:$0x2] =	wrdreg s2  }
0xa9: {  	[dreg:$0x3] =	wrdreg s4  }
0xaa: {  	[dreg:$0x4] =	wrdreg $0xC0  }
0xab: {  	_ =	task [dreg:s6], $0x5FFFF  }
0xac: {  	[dreg:$0x1] =	wrdreg $0xFFFFFFFF  }
0xad: {  	[dreg:$0x0] =	wrdreg $0x60  }
0xae: {  	[dreg:$0x2] =	wrdreg s24  }
0xaf: {  	[dreg:$0x3] =	wrdreg $0x9  }
0xb0: {  	_ =	task.clear_ibuf [dreg:s6], $0x4FFFF;
	_ =	strace $0x90000052  }
0xb1: {  	s29 =	simm.s32 $0x9;
	_ =	strace $0x80000054  }
0xb2: {  	_ =	swait.ge [sflag:s29], $0x1  }
0xb3: {  	[sflag:s29] =	ssyncadd.s32 $0xFFFFFFFF  }
0xb4: {  	_ =	strace $0x90000054  }
0xb5: {  	_ =	sfence  }
0xb6: {  	s30 =	sld [smem:$0x0];
	_ =	sdelay $0x2  }
0xb7: {  	s31 =	sshll.u32 s1, $0xD;
	s1 =	sshrl.u32 s1, $0x2  }
0xb8: {  	s3 =	sand.u32 $0x4000, s31;
	s1 =	sadd.s32 s1, s30  }
0xb9: {  	s0 =	sor.u32 s3, s0;
	s1 =	sshll.u32 s1, $0x11  }
0xba: {  	s0 =	sor.u32 s1, s0  }
0xbb: {  	s0 =	sadd.s32 $0x8F2B, s0  }
0xbc: {  	[sflag:s0] =	ssyncadd.remote.s32 $0x1  }
0xbd: {  	_ =	sfence.sel $0xFFFF  }
0xbe: {  	[dreg:$0x0] =	wrdreg $0xFFFFFFFF;
	(pc) =	sbr.abs _section_cstart, $3  }
0xbf: {  	[dreg:$0x1] =	wrdreg $0xFFFFFFFF  }
0xc0: {  	_ =	task.clear_ibuf [dreg:s6], $0x2FFFF;
	_ =	strace $0x9FFFFFFF  }
0xc1: {  	(tm) =	ssettm $0x7FFFFFFF  }
tec
execute0_lowered:
.L_overlay_start_1:
0x0: {  	(tag) =	ssettag $0x1  }
0x1: {  	s0 =	srdreg.scid;
	s14 =	stileid.u32  }
0x2: {  	s1 =	rddreg [dreg:$0x0];
	s2 =	simm.s32 $0x0;
	s19 =	simm.s32 $0x1  }
0x3: {  	s20 =	simm.s32 $0x2;
	s28 =	simm.s32 $0x3;
	s29 =	simm.s32 $0x4  }
0x4: {  	s30 =	simm.s32 $0x5;
	s31 =	simm.s32 $0x6;
	s12 =	smul.u32 $0x4E20, s14  }
0x5: {  	s0 =	sand.u32 $0x1, s0;
	s3 =	sshll.u32 s14, $0x1;
	s16 =	smul.u32 $0x13880, s14  }
0x6: {  	[smem:$0x7FF] =	sst s2;
	s4 =	sadd.s32 $0x34600, s1;
	s13 =	smul.u32 $0x2710, s0  }
0x7: {  	s5 =	sor.u32 s0, s3;
	s7 =	ssub.s32 $0x2, s0;
	s0 =	smul.u32 $0x9C40, s0  }
0x8: {  	s15 =	sadd.s32 $0x3E400, s1;
	_ =	strace $0x80000053;
	s6 =	smul.u32 $0x2710, s5  }
0x9: {  	s3 =	sadd.s32 $0x16C00, s1;
	s8 =	sshrl.u32 s7, $0x1;
	s9 =	smul.u32 $0x4E200, s5  }
0xa: {  	s5 =	smul.u32 $0x9C40, s5;
	s18 =	sadd.s32 s16, s15;
	s10 =	ssub.s32 s7, s8  }
0xb: {  	s13 =	sadd.s32 s13, s12;
	s6 =	sshrl.u32 s6, $0x3;
	s22 =	sshrl.u32 s9, $0x3  }
0xc: {  	s9 =	smax.u32 s10, $0x1;
	s10 =	sadd.s32 s15, s5;
	s25 =	sshll.u32 s13, $0x2  }
0xd: {  	s6 =	sadd.s32 s6, s1;
	s1 =	sadd.s32 $0x3DDE00, s1;
	s23 =	sadd.s32 $0x9600, s22  }
0xe: {  	s26 =	sadd.s32 $0x12C0, s25;
	s22 =	simm.s32 $0x4E20;
	s25 =	simm.s32 $0x7  }
0xf: {  	s21 =	sadd.s32 $0x2A800, s6;
	s6 =	sadd.s32 $0x20A00, s6;
	s24 =	sadd.s32 s15, s23  }
0x10: {  	s8 =	sadd.s32 s1, s23;
	s11 =	sadd.s32 s1, s5;
	[dreg:$0x2] =	wrdreg s21  }
0x11: {  	s5 =	sadd.s32 $0x640, s5;
	s17 =	sadd.s32 s16, s1;
	[dreg:$0x3] =	wrdreg s6  }
0x12: {  	s14 =	sadd.s32 s26, s15;
	s23 =	simm.s32 $0x8020;
	[dreg:$0x4] =	wrdreg s24  }
0x13: {  	s12 =	sadd.s32 s15, s5;
	s13 =	sadd.s32 s1, s5;
	s17 =	sadd.s32 s0, s17  }
0x14: {  	s15 =	sadd.s32 s26, s1;
	s0 =	sadd.s32 s0, s18;
	s18 =	simm.s32 $0x2710  }
0x15: {  	s21 =	simm.s32 $0x190;
	s24 =	simm.s32 $0xB220;
	s26 =	simm.s32 $0xE420  }
0x16: {  	s1 =	simm.s32 $0x0;
	s16 =	sadd.s32 $0xC80, s17;
	s17 =	sadd.s32 $0xC80, s0  }
.LBB2_1:
0x17: {  	s0 =	rddreg [dreg:$0x2]  }
0x18: {  	[tilespmem:s2], [sflag:$0x1] =	stream.linear.gather [hbm4b:s0+s2], $0x2710, $0x38;
	[tilespmem:$0x11620] =	vst v63  }
0x19: {  	s5 =	rddreg [dreg:$0x3]  }
0x1a: {  	[tilespmem:s18], [sflag:$0x2] =	stream.linear.gather [hbm4b:s5+s2], $0x2710, $0x38;
	[tilespmem:$0x11620] =	vst v63  }
0x1b: {  	_ =	swait.ge [sflag:s19], $0x2710  }
0x1c: {  	[sflag:s19] =	ssyncset.done $0x0  }
0x1d: {  	[sflag:s19] =	ssyncadd.s32 $0xFFFFD8F0  }
0x1e: {  	_ =	swait.ge [sflag:s20], $0x2710  }
0x1f: {  	[sflag:s20] =	ssyncset.done $0x0  }
0x20: {  	[sflag:s20] =	ssyncadd.s32 $0xFFFFD8F0  }
0x21: {  	[tilespmem:s22], [sflag:$0x1] =	stream.indirect.gather [hbm4b:s3+s21], $0x20, s2, s21, $0xb8;
	[tilespmem:$0x11620] =	vst v63  }
0x22: {  	_ = 	snop  }
0x23: {  	[tilespmem:s23], [sflag:$0x1] =	stream.indirect.gather [hbm4b:s4+s21], $0x20, s18, s21, $0xb8;
	[tilespmem:$0x11620] =	vst v63  }
0x24: {  	_ =	swait.ge [sflag:s19], $0x3200  }
0x25: {  	[sflag:s19] =	ssyncset.done $0x0  }
0x26: {  	[sflag:s19] =	ssyncadd.s32 $0xFFFFCE00  }
0x27: {  	_ =	swait.ge [sflag:s19], $0x3200  }
0x28: {  	[sflag:s19] =	ssyncset.done $0x0  }
0x29: {  	[sflag:s19] =	ssyncadd.s32 $0xFFFFCE00  }
0x2a: {  	[hbm4b:s10+s2] =	stream.linear.scatter [tilespmem:s22], [sflag:$0x3], $0x3200, $0x38;
	[tilespmem:$0x11620] =	vst v63  }
0x2b: {  	_ = 	snop  }
0x2c: {  	[hbm4b:s11+s2] =	stream.linear.scatter [tilespmem:s23], [sflag:$0x4], $0x3200, $0x38;
	[tilespmem:$0x11620] =	vst v63  }
0x2d: {  	_ = 	snop  }
0x2e: {  	[tilespmem:s24], [sflag:$0x2] =	stream.indirect.gather [hbm4b:s3+s21], $0x20, s21, s21, $0xb8;
	[tilespmem:$0x11620] =	vst v63  }
0x2f: {  	s6 =	simm.s32 $0x28A0  }
0x30: {  	[tilespmem:s26], [sflag:$0x2] =	stream.indirect.gather [hbm4b:s4+s21], $0x20, s6, s21, $0xb8;
	[tilespmem:$0x11620] =	vst v63  }
0x31: {  	_ =	swait.ge [sflag:s20], $0x3200  }
0x32: {  	[sflag:s20] =	ssyncset.done $0x0  }
0x33: {  	[sflag:s20] =	ssyncadd.s32 $0xFFFFCE00  }
0x34: {  	_ =	swait.ge [sflag:s20], $0x3200  }
0x35: {  	[sflag:s20] =	ssyncset.done $0x0  }
0x36: {  	[sflag:s20] =	ssyncadd.s32 $0xFFFFCE00  }
0x37: {  	[hbm4b:s12+s2] =	stream.linear.scatter [tilespmem:s24], [sflag:$0x5], $0x3200, $0x38;
	[tilespmem:$0x11620] =	vst v63  }
0x38: {  	_ = 	snop  }
0x39: {  	[hbm4b:s13+s2] =	stream.linear.scatter [tilespmem:s26], [sflag:$0x6], $0x3200, $0x38;
	[tilespmem:$0x11620] =	vst v63  }
0x3a: {  	_ =	swait.ge [sflag:s28], $0x3200  }
0x3b: {  	[sflag:s28] =	ssyncset.done $0x0  }
0x3c: {  	[sflag:s28] =	ssyncadd.s32 $0xFFFFCE00  }
0x3d: {  	_ =	swait.ge [sflag:s29], $0x3200  }
0x3e: {  	[sflag:s29] =	ssyncset.done $0x0  }
0x3f: {  	s7 =	simm.s32 $0x320;
	[sflag:s29] =	ssyncadd.s32 $0xFFFFCE00  }
0x40: {  	[tilespmem:s22], [sflag:$0x1] =	stream.indirect.gather [hbm4b:s3+s21], $0x20, s7, s21, $0xb8;
	[tilespmem:$0x11620] =	vst v63  }
0x41: {  	s5 =	simm.s32 $0x2A30  }
0x42: {  	[tilespmem:s23], [sflag:$0x1] =	stream.indirect.gather [hbm4b:s4+s21], $0x20, s5, s21, $0xb8;
	[tilespmem:$0x11620] =	vst v63  }
0x43: {  	_ =	swait.ge [sflag:s19], $0x3200  }
0x44: {  	[sflag:s19] =	ssyncset.done $0x0  }
0x45: {  	[sflag:s19] =	ssyncadd.s32 $0xFFFFCE00  }
0x46: {  	_ =	swait.ge [sflag:s19], $0x3200  }
0x47: {  	[sflag:s19] =	ssyncset.done $0x0  }
0x48: {  	s6 =	sadd.s32 $0x0, s17;
	[sflag:s19] =	ssyncadd.s32 $0xFFFFCE00  }
0x49: {  	[hbm4b:s6+s2] =	stream.linear.scatter [tilespmem:s22], [sflag:$0x3], $0x3200, $0x38;
	[tilespmem:$0x11620] =	vst v63  }
0x4a: {  	s7 =	sadd.s32 $0x0, s16  }
0x4b: {  	[hbm4b:s7+s2] =	stream.linear.scatter [tilespmem:s23], [sflag:$0x4], $0x3200, $0x38;
	[tilespmem:$0x11620] =	vst v63  }
0x4c: {  	_ =	swait.ge [sflag:s30], $0x3200  }
0x4d: {  	[sflag:s30] =	ssyncset.done $0x0  }
0x4e: {  	[sflag:s30] =	ssyncadd.s32 $0xFFFFCE00  }
0x4f: {  	_ =	swait.ge [sflag:s31], $0x3200  }
0x50: {  	[sflag:s31] =	ssyncset.done $0x0  }
0x51: {  	s5 =	simm.s32 $0x4B0;
	[sflag:s31] =	ssyncadd.s32 $0xFFFFCE00  }
0x52: {  	[tilespmem:s24], [sflag:$0x2] =	stream.indirect.gather [hbm4b:s3+s21], $0x20, s5, s21, $0xb8;
	[tilespmem:$0x11620] =	vst v63  }
0x53: {  	s6 =	simm.s32 $0x2BC0  }
0x54: {  	[tilespmem:s26], [sflag:$0x2] =	stream.indirect.gather [hbm4b:s4+s21], $0x20, s6, s21, $0xb8;
	[tilespmem:$0x11620] =	vst v63  }
0x55: {  	_ =	swait.ge [sflag:s20], $0x3200  }
0x56: {  	[sflag:s20] =	ssyncset.done $0x0  }
0x57: {  	[sflag:s20] =	ssyncadd.s32 $0xFFFFCE00  }
0x58: {  	_ =	swait.ge [sflag:s20], $0x3200  }
0x59: {  	s0 =	simm.s32 $0xC80;
	[sflag:s20] =	ssyncset.done $0x0  }
0x5a: {  	s7 =	sadd.s32 $0x0, s14;
	s5 =	sadd.s32 $0x0, s15;
	[sflag:s20] =	ssyncadd.s32 $0xFFFFCE00  }
0x5b: {  	[hbm4b:s7+s2] =	stream.linear.scatter [tilespmem:s24], [sflag:$0x5], $0x3200, $0x38;
	[tilespmem:$0x11620] =	vst v63  }
.LBB2_2:
0x5c: {  	[hbm4b:s5+s2] =	stream.linear.scatter [tilespmem:s26], [sflag:$0x6], $0x3200, $0x38;
	[tilespmem:$0x11620] =	vst v63  }
0x5d: {  	s5 =	smov.u32 s0  }
0x5e: {  	p0 =	sne.s32 s0, $0x7D00;
	s0 =	sadd.s32 $0xC80, s0;
	_ =	swait.ge [sflag:s28], $0x3200  }
0x5f: {  	[sflag:s28] =	ssyncset.done $0x0  }
0x60: {  	[sflag:s28] =	ssyncadd.s32 $0xFFFFCE00  }
0x61: {  	_ =	swait.ge [sflag:s29], $0x3200  }
0x62: {  	s6 =	sshra.s32 s5, $0x2;
	[sflag:s29] =	ssyncset.done $0x0  }
0x63: {  	s7 =	sadd.s32 $0x320, s6;
	[sflag:s29] =	ssyncadd.s32 $0xFFFFCE00  }
0x64: {  	[tilespmem:s22], [sflag:$0x1] =	stream.indirect.gather [hbm4b:s3+s21], $0x20, s7, s21, $0xb8;
	[tilespmem:$0x11620] =	vst v63  }
0x65: {  	s7 =	sadd.s32 $0x2A30, s6  }
0x66: {  	[tilespmem:s23], [sflag:$0x1] =	stream.indirect.gather [hbm4b:s4+s21], $0x20, s7, s21, $0xb8;
	[tilespmem:$0x11620] =	vst v63  }
0x67: {  	_ =	swait.ge [sflag:s19], $0x3200  }
0x68: {  	[sflag:s19] =	ssyncset.done $0x0  }
0x69: {  	[sflag:s19] =	ssyncadd.s32 $0xFFFFCE00  }
0x6a: {  	_ =	swait.ge [sflag:s19], $0x3200  }
0x6b: {  	[sflag:s19] =	ssyncset.done $0x0  }
0x6c: {  	s7 =	sadd.s32 s5, s17;
	[sflag:s19] =	ssyncadd.s32 $0xFFFFCE00  }
0x6d: {  	[hbm4b:s7+s2] =	stream.linear.scatter [tilespmem:s22], [sflag:$0x3], $0x3200, $0x38;
	[tilespmem:$0x11620] =	vst v63  }
0x6e: {  	s7 =	sadd.s32 s5, s16  }
0x6f: {  	[hbm4b:s7+s2] =	stream.linear.scatter [tilespmem:s23], [sflag:$0x4], $0x3200, $0x38;
	[tilespmem:$0x11620] =	vst v63  }
0x70: {  	_ =	swait.ge [sflag:s30], $0x3200  }
0x71: {  	[sflag:s30] =	ssyncset.done $0x0  }
0x72: {  	[sflag:s30] =	ssyncadd.s32 $0xFFFFCE00  }
0x73: {  	_ =	swait.ge [sflag:s31], $0x3200  }
0x74: {  	[sflag:s31] =	ssyncset.done $0x0  }
0x75: {  	s7 =	sadd.s32 $0x4B0, s6;
	[sflag:s31] =	ssyncadd.s32 $0xFFFFCE00  }
0x76: {  	[tilespmem:s24], [sflag:$0x2] =	stream.indirect.gather [hbm4b:s3+s21], $0x20, s7, s21, $0xb8;
	[tilespmem:$0x11620] =	vst v63  }
0x77: {  	s6 =	sadd.s32 $0x2BC0, s6  }
0x78: {  	[tilespmem:s26], [sflag:$0x2] =	stream.indirect.gather [hbm4b:s4+s21], $0x20, s6, s21, $0xb8;
	[tilespmem:$0x11620] =	vst v63  }
0x79: {  	_ =	swait.ge [sflag:s20], $0x3200  }
0x7a: {  	[sflag:s20] =	ssyncset.done $0x0  }
0x7b: {  	[sflag:s20] =	ssyncadd.s32 $0xFFFFCE00  }
.Ltmp0:
0x7c: {  	_ =	swait.ge [sflag:s20], $0x3200;
	(pc) =	sbr.rel @p0 .LBB2_2-.Ltmp0, $4  }
0x7d: {  	[sflag:s20] =	ssyncset.done $0x0  }
0x7e: {  	s6 =	sadd.s32 s5, s14;
	[sflag:s20] =	ssyncadd.s32 $0xFFFFCE00  }
0x7f: {  	[hbm4b:s6+s2] =	stream.linear.scatter [tilespmem:s24], [sflag:$0x5], $0x3200, $0x38;
	[tilespmem:$0x11620] =	vst v63  }
0x80: {  	s5 =	sadd.s32 s5, s15  }
0x81: {  	[hbm4b:s5+s2] =	stream.linear.scatter [tilespmem:s26], [sflag:$0x6], $0x3200, $0x38;
	[tilespmem:$0x11620] =	vst v63  }
0x82: {  	_ =	swait.ge [sflag:s28], $0x3200  }
0x83: {  	[sflag:s28] =	ssyncset.done $0x0  }
0x84: {  	[sflag:s28] =	ssyncadd.s32 $0xFFFFCE00  }
0x85: {  	_ =	swait.ge [sflag:s29], $0x3200  }
0x86: {  	[sflag:s29] =	ssyncset.done $0x0  }
0x87: {  	s0 =	simm.s32 $0x2580;
	[sflag:s29] =	ssyncadd.s32 $0xFFFFCE00  }
0x88: {  	[tilespmem:s22], [sflag:$0x1] =	stream.indirect.gather [hbm4b:s3+s21], $0x20, s0, s21, $0xb8;
	[tilespmem:$0x11620] =	vst v63  }
0x89: {  	s6 =	simm.s32 $0x4C90  }
0x8a: {  	[tilespmem:s23], [sflag:$0x1] =	stream.indirect.gather [hbm4b:s4+s21], $0x20, s6, s21, $0xb8;
	[tilespmem:$0x11620] =	vst v63  }
0x8b: {  	_ =	swait.ge [sflag:s19], $0x3200  }
0x8c: {  	[sflag:s19] =	ssyncset.done $0x0  }
0x8d: {  	[sflag:s19] =	ssyncadd.s32 $0xFFFFCE00  }
0x8e: {  	_ =	swait.ge [sflag:s19], $0x3200  }
0x8f: {  	[sflag:s19] =	ssyncset.done $0x0  }
0x90: {  	s7 =	rddreg [dreg:$0x4];
	[sflag:s19] =	ssyncadd.s32 $0xFFFFCE00  }
0x91: {  	[hbm4b:s7+s2] =	stream.linear.scatter [tilespmem:s22], [sflag:$0x7], $0x3200, $0x38;
	[tilespmem:$0x11620] =	vst v63  }
0x92: {  	_ =	swait.ge [sflag:s25], $0x3200  }
0x93: {  	[sflag:s25] =	ssyncset.done $0x0  }
0x94: {  	[sflag:s25] =	ssyncadd.s32 $0xFFFFCE00  }
0x95: {  	[hbm4b:s8+s2] =	stream.linear.scatter [tilespmem:s23], [sflag:$0x7], $0x3200, $0x38;
	[tilespmem:$0x11620] =	vst v63  }
0x96: {  	_ =	swait.ge [sflag:s25], $0x3200  }
0x97: {  	[sflag:s25] =	ssyncset.done $0x0  }
0x98: {  	s1 =	sadd.s32 $0x1, s1;
	[sflag:s25] =	ssyncadd.s32 $0xFFFFCE00  }
0x99: {  	p0 =	sne.s32 s1, s9;
	_ =	swait.ge [sflag:s30], $0x3200  }
.Ltmp1:
0x9a: {  	[sflag:s30] =	ssyncset.done $0x0;
	(pc) =	sbr.rel @p0 .LBB2_1-.Ltmp1, $4  }
0x9b: {  	[sflag:s30] =	ssyncadd.s32 $0xFFFFCE00  }
0x9c: {  	_ =	swait.ge [sflag:s31], $0x3200  }
0x9d: {  	[sflag:s31] =	ssyncset.done $0x0  }
0x9e: {  	[sflag:s31] =	ssyncadd.s32 $0xFFFFCE00  }
0x9f: {  	_ =	sfence.sel $0x180000  }
0xa0: {  	[bflag:$0x0] =	sbarrier.arrive $0xFFFF  }
0xa1: {  	_ =	strace $0x90000053  }
0xa2: {  	s0 =	stileid.u32;
	[bflag:$0x2] =	sbarrier.arrive $0xFFFF  }
0xa3: {  	p0 =	sne.s32 s0, $0x0;
	s0 =	rddreg [dreg:$0x1]  }
0xa4: {  	s0 =	sadd.s32 @!p0 $0x100000, s0  }
0xa5: {  	[sflag:s0] =	ssyncadd.tile.s32 @!p0 $0x1;
	_ =	shalt  }
.Lfunc_end2:
_tile_overlayer_lowered:
.L_overlay_start_2:
0xa6: {  	(tag) =	ssettag $0x2  }
0xa7: {  	s0 =	rddreg [dreg:$0x0];
	s2 =	stileid.u32  }
0xa8: {  	s1 =	rddreg [dreg:$0x1];
	p0 =	sne.s32 s2, $0x0  }
0xa9: {  	s3 =	rddreg [dreg:$0x2];
	[bflag:$0x3] =	sbarrier.arrive $0xFFFF;
	s2 =	simm.s32 @!p0 $0x1C07  }
0xaa: {  	[timem:s3], [sflag:s2] =	dma.local @!p0 [hbm:s0], s1  }
0xab: {  	s0 =	simm.s32 @!p0 $0x7  }
0xac: {  	_ =	swait.ge @!p0 [sflag:s0], s1  }
0xad: {  	s1 =	ssub.s32 @!p0 $0x0, s1;
	[sflag:s0] =	ssyncset.done @!p0 $0x0  }
0xae: {  	[sflag:s0] =	ssyncadd.s32 @!p0 s1  }
0xaf: {  	[bflag:$0x3] =	sbarrier.arrive $0xFFFF  }
0xb0: {  	_ =	shalt  }

// kernel: _run.32.cloned.1.call-start
scs
__scs_entry_jumppad:
0x0: {  	(pc) =	sbr.rel $0x88, $3  }
0x1: {  	(tag) =	ssettag $0x0;
	lr =	simm.s32 $0x1  }
0x2: {  	[smem:$0x3F68] =	sst lr;
	_ =	strace $0xD0000000  }
0x3: {  	_ = 	snop  }
0x4: {  	_ = 	snop  }
0x5: {  	_ = 	snop  }
0x6: {  	_ = 	snop  }
0x7: {  	_ = 	snop  }
__scs_overlays_trampoline_lowered:
0x8: {  	[smem:$0x3F77] =	sst s0  }
0x9: {  	[smem:$0x3F78] =	sst s1  }
0xa: {  	[smem:$0x3F79] =	sst s2  }
0xb: {  	[smem:$0x3F7A] =	sst s3  }
0xc: {  	[smem:$0x3F7B] =	sst s4  }
0xd: {  	[smem:$0x3F7C] =	sst s5  }
0xe: {  	[smem:$0x3F7D] =	sst s6  }
0xf: {  	[smem:$0x3F7E] =	sst s7  }
0x10: {  	[smem:$0x3F7F] =	sst s8  }
0x11: {  	[smem:$0x3F80] =	sst s9;
	s0 =	simm.s32 @!p0 $0x0  }
0x12: {  	s1 =	sld [smem:$0x3F66];
	s0 =	simm.s32 @p0 $0x1  }
0x13: {  	[smem:$0x3F81] =	sst s0;
	s0 =	simm.s32 @!p1 $0x0  }
0x14: {  	s2 =	sld [smem:$0x3F65];
	s0 =	simm.s32 @p1 $0x1  }
0x15: {  	[smem:$0x3F82] =	sst s0;
	s0 =	simm.s32 @!p2 $0x0  }
0x16: {  	s3 =	sld [smem:$0x3FDB];
	s0 =	simm.s32 @p2 $0x1  }
0x17: {  	s4 =	simm.s32 $0x1BF5;
	[smem:$0x3F84] =	sst s0  }
0x18: {  	s0 =	sld [smem:$0x3F67];
	_ =	swait.ge [sflag:s4], $0x0  }
0x19: {  	s7 =	sld [smem:$0x3F68]  }
0x1a: {  	s8 =	sadd.s32 $0xFFFFE003, lr  }
0x1b: {  	s9 =	sadd.s32 $0xFFFFFEF7, lr;
	s5 =	simm.s32 $0xFFFFFFFF;
	p2 =	slt.u32 s8, $0xFFFFF086  }
0x1c: {  	p1 =	slt.u32 s9, $0xF7A;
	s5 =	simm.s32 @!p2 $0x0  }
0x1d: {  	s5 =	simm.s32 @p1 $0x1;
	p0 =	seq.s32 s7, s2  }
0x1e: {  	s7 =	smul.u32 @!p0 $0xF7A, s2;
	p2 =	seq.s32 @!p0 s5, $0x0  }
0x1f: {  	s9 =	smul.u32 $0xF7A, s1;
	s8 =	simm.s32 @!p0 $0x1BF5;
	p2 =	por !p2, p0  }
0x20: {  	[sflag:s8] =	ssyncset.s32 @!p0 $0xFFFFF086;
	s6 =	sadd.s32 @!p0 s3, s7;
	s7 =	simm.s32 @!p0 $0x108  }
0x21: {  	s3 =	sadd.s32 s3, s9;
	s6 =	sadd.s32 @!p0 $0x88, s6;
	s7 =	simm.s32 @p2 $0x1082  }
0x22: {  	[simem:s7], [sflag:s8] =	dma.local @!p0 [hbm:s6], $0xF7A  }
0x23: {  	s9 =	sor.u32 $0xD0000000, s2;
	s6 =	simm.s32 $0x108;
	_ =	swait.ge @!p0 [sflag:s8], $0x0  }
0x24: {  	s3 =	sadd.s32 $0x88, s3;
	s6 =	simm.s32 @!p1 $0x1082;
	[sflag:s4] =	ssyncset.s32 $0xFFFFF086  }
0x25: {  	[simem:s6], [sflag:s4] =	dma.local [hbm:s3], $0xF7A  }
0x26: {  	[smem:$0x3F68] =	sst s1;
	(tag) =	ssettag s2;
	_ =	strace s9  }
0x27: {  	s1 =	sld [smem:$0x3F78]  }
0x28: {  	s2 =	sld [smem:$0x3F79]  }
0x29: {  	s4 =	sld [smem:$0x3F7B]  }
0x2a: {  	p0 =	seq.s32 s5, $0x0;
	s5 =	sld [smem:$0x3F7C]  }
0x2b: {  	s6 =	sld [smem:$0x3F7D]  }
0x2c: {  	s7 =	sld [smem:$0x3F7E]  }
0x2d: {  	s3 =	simm.s32 $0x108;
	s8 =	sld [smem:$0x3F7F]  }
0x2e: {  	s3 =	simm.s32 @!p0 $0x1082;
	s9 =	sld [smem:$0x3F80]  }
0x2f: {  	lr =	sadd.s32 s0, s3;
	s0 =	sld [smem:$0x3F77]  }
0x30: {  	s3 =	sld [smem:$0x3F7A]  }
0x31: {  	[smem:$0x3F83] =	sst s10  }
0x32: {  	s10 =	sld [smem:$0x3F81];
	_ =	sdelay $0x3  }
0x33: {  	p0 =	seq.s32 s10, $0x1;
	s10 =	sld [smem:$0x3F83];
	_ =	sdelay $0x3  }
0x34: {  	[smem:$0x3F83] =	sst s10  }
0x35: {  	s10 =	sld [smem:$0x3F82];
	_ =	sdelay $0x3  }
0x36: {  	p1 =	seq.s32 s10, $0x1;
	s10 =	sld [smem:$0x3F83];
	_ =	sdelay $0x3  }
0x37: {  	[smem:$0x3F83] =	sst s10  }
0x38: {  	s10 =	sld [smem:$0x3F84]  }
0x39: {  	_ = 	snop;
	(pc) =	sbr.ind lr, $3  }
0x3a: {  	_ = 	snop  }
0x3b: {  	_ = 	snop  }
0x3c: {  	p2 =	seq.s32 s10, $0x1;
	s10 =	sld [smem:$0x3F83]  }
0x3d: {  	_ =	shalt  }
0x3e: {  	_ =	shalt  }
0x3f: {  	_ =	shalt  }
0x40: {  	_ =	shalt  }
0x41: {  	_ =	shalt  }
0x42: {  	_ =	shalt  }
0x43: {  	_ =	shalt  }
0x44: {  	_ =	shalt  }
0x45: {  	_ =	shalt  }
0x46: {  	_ =	shalt  }
0x47: {  	_ =	shalt  }
0x48: {  	_ =	shalt  }
0x49: {  	_ =	shalt  }
0x4a: {  	_ =	shalt  }
0x4b: {  	_ =	shalt  }
0x4c: {  	_ =	shalt  }
0x4d: {  	_ =	shalt  }
0x4e: {  	_ =	shalt  }
0x4f: {  	_ =	shalt  }
0x50: {  	_ =	shalt  }
0x51: {  	_ =	shalt  }
0x52: {  	_ =	shalt  }
0x53: {  	_ =	shalt  }
0x54: {  	_ =	shalt  }
0x55: {  	_ =	shalt  }
0x56: {  	_ =	shalt  }
0x57: {  	_ =	shalt  }
0x58: {  	_ =	shalt  }
0x59: {  	_ =	shalt  }
0x5a: {  	_ =	shalt  }
0x5b: {  	_ =	shalt  }
0x5c: {  	_ =	shalt  }
0x5d: {  	_ =	shalt  }
0x5e: {  	_ =	shalt  }
0x5f: {  	_ =	shalt  }
0x60: {  	_ =	shalt  }
0x61: {  	_ =	shalt  }
0x62: {  	_ =	shalt  }
0x63: {  	_ =	shalt  }
0x64: {  	_ =	shalt  }
0x65: {  	_ =	shalt  }
0x66: {  	_ =	shalt  }
0x67: {  	_ =	shalt  }
0x68: {  	_ =	shalt  }
0x69: {  	_ =	shalt  }
0x6a: {  	_ =	shalt  }
0x6b: {  	_ =	shalt  }
0x6c: {  	_ =	shalt  }
0x6d: {  	_ =	shalt  }
0x6e: {  	_ =	shalt  }
0x6f: {  	_ =	shalt  }
0x70: {  	_ =	shalt  }
0x71: {  	_ =	shalt  }
0x72: {  	_ =	shalt  }
0x73: {  	_ =	shalt  }
0x74: {  	_ =	shalt  }
0x75: {  	_ =	shalt  }
0x76: {  	_ =	shalt  }
0x77: {  	_ =	shalt  }
0x78: {  	_ =	shalt  }
0x79: {  	_ =	shalt  }
0x7a: {  	_ =	shalt  }
0x7b: {  	_ =	shalt  }
0x7c: {  	_ =	shalt  }
0x7d: {  	_ =	shalt  }
0x7e: {  	_ =	shalt  }
0x7f: {  	_ =	shalt  }
0x80: {  	_ =	shalt  }
0x81: {  	_ =	shalt  }
0x82: {  	_ =	shalt  }
0x83: {  	_ =	shalt  }
0x84: {  	_ =	shalt  }
0x85: {  	_ =	shalt  }
0x86: {  	_ =	shalt  }
0x87: {  	_ =	shalt  }
.Lfunc_end0:
.L_simem_size_0:
called_computation.5_lowered:
.L_overlay_start_0:
0x88: {  	s2 =	sld [smem:$0x3FD9]  }
0x89: {  	s3 =	sld [smem:$0x3FFE];
	_ =	sdelay $0x1  }
0x8a: {  	s1 =	srdreg.scid  }
0x8b: {  	s0 =	sand.u32 $0x1, s1  }
0x8c: {  	s16 =	sshll.u32 s0, $0xA;
	s2 =	sadd.s32 s3, s2  }
0x8d: {  	s2 =	sadd.s32 s2, s16  }
0x8e: {  	[smem:$0x3F8F] =	sst s2  }
0x8f: {  	_ = 	snop  }
0x90: {  	(tm) =	ssettm $0x1  }
0x91: {  	s17 =	sld [smem:$0x3FFB];
	_ =	sdelay $0x3  }
0x92: {  	_ =	strace s17  }
0x93: {  	s2 =	sld [smem:$0x3FFC];
	_ =	sdelay $0x3  }
0x94: {  	_ =	strace s2  }
0x95: {  	s2 =	sld [smem:$0x3FFD];
	_ =	sdelay $0x3  }
0x96: {  	_ =	strace s2  }
0x97: {  	_ =	strace $0x8FFFFFFF  }
0x98: {  	s18 =	sld [smem:$0x3FDB];
	_ =	sdelay $0x1  }
0x99: {  	s19 =	simm.s32 $_scs_section_size  }
0x9a: {  	s4 =	simm.s32 $_size__tile_overlayer_lowered;
	s5 =	simm.s32 $_tile_overlayer_lowered  }
0x9b: {  	s22 =	simm.s32 $0x1BFF;
	s21 =	sshll.u32 s5, $0x1;
	s2 =	sadd.s32 s19, s18  }
0x9c: {  	s6 =	simm.s32 $0x0;
	s20 =	sshll.u32 s4, $0x1;
	s4 =	sadd.s32 s21, s2  }
0x9d: {  	[timem:s6], [sflag:s22] =	dma.local [hbm:s4], s20  }
0x9e: {  	_ =	swait.ge [sflag:s22], s20  }
0x9f: {  	s3 =	ssub.s32 $0x0, s20;
	[sflag:s22] =	ssyncset.done $0x0  }
0xa0: {  	[sflag:s22] =	ssyncadd.s32 s3;
	_ =	sdelay $0x1  }
0xa1: {  	s23 =	simm.s32 $0x1B8B  }
0xa2: {  	_ =	swait.ge [sflag:s23], $0x1  }
0xa3: {  	[sflag:s23] =	ssyncset.done $0x0  }
0xa4: {  	s25 =	simm.s32 $0x1B8E;
	s24 =	sld [smem:$0x3FFE];
	[sflag:s23] =	ssyncadd.s32 $0xFFFFFFFF  }
0xa5: {  	s26 =	simm.s32 $execute0_lowered;
	[smem:$0x3FD2] =	sst s25  }
0xa6: {  	s4 =	sshll.u32 s26, $0x1;
	_ =	strace $0x80000055;
	[dreg:$0x1] =	wrdreg $0xFFFFFFFF  }
0xa7: {  	s28 =	simm.s32 $_size_execute0_lowered;
	s2 =	sadd.s32 s2, s4;
	[dreg:$0x0] =	wrdreg $0x0  }
0xa8: {  	s4 =	sshll.u32 s28, $0x1;
	[dreg:$0x2] =	wrdreg s2  }
0xa9: {  	[dreg:$0x3] =	wrdreg s4  }
0xaa: {  	[dreg:$0x4] =	wrdreg $0xC0  }
0xab: {  	_ =	task [dreg:s6], $0x5FFFF  }
0xac: {  	[dreg:$0x1] =	wrdreg $0xFFFFFFFF  }
0xad: {  	[dreg:$0x0] =	wrdreg $0x60  }
0xae: {  	[dreg:$0x2] =	wrdreg s24  }
0xaf: {  	[dreg:$0x3] =	wrdreg $0x121100  }
0xb0: {  	[dreg:$0x4] =	wrdreg $0x9  }
0xb1: {  	_ =	task.clear_ibuf [dreg:s6], $0x5FFFF;
	_ =	strace $0x90000055  }
0xb2: {  	s29 =	simm.s32 $0x9;
	_ =	strace $0x80000057  }
0xb3: {  	_ =	swait.ge [sflag:s29], $0x1  }
0xb4: {  	[sflag:s29] =	ssyncadd.s32 $0xFFFFFFFF  }
0xb5: {  	_ =	strace $0x90000057  }
0xb6: {  	_ =	sfence  }
0xb7: {  	s30 =	sld [smem:$0x0];
	_ =	sdelay $0x2  }
0xb8: {  	s31 =	sshll.u32 s1, $0xD;
	s1 =	sshrl.u32 s1, $0x2  }
0xb9: {  	s3 =	sand.u32 $0x4000, s31;
	s1 =	sadd.s32 s1, s30  }
0xba: {  	s0 =	sor.u32 s3, s0;
	s1 =	sshll.u32 s1, $0x11  }
0xbb: {  	s0 =	sor.u32 s1, s0  }
0xbc: {  	s0 =	sadd.s32 $0x8F2B, s0  }
0xbd: {  	[sflag:s0] =	ssyncadd.remote.s32 $0x1  }
0xbe: {  	_ =	sfence.sel $0xFFFF  }
0xbf: {  	[dreg:$0x0] =	wrdreg $0xFFFFFFFF;
	(pc) =	sbr.abs _section_cstart, $3  }
0xc0: {  	[dreg:$0x1] =	wrdreg $0xFFFFFFFF  }
0xc1: {  	_ =	task.clear_ibuf [dreg:s6], $0x2FFFF;
	_ =	strace $0x9FFFFFFF  }
0xc2: {  	(tm) =	ssettm $0x7FFFFFFF  }
0xc3: {  	_ =	shalt  }
tec
execute0_lowered:
.L_overlay_start_1:
0x0: {  	(tag) =	ssettag $0x1  }
0x1: {  	s1 =	rddreg [dreg:$0x0]  }
0x2: {  	s2 =	rddreg [dreg:$0x1]  }
0x3: {  	s3 =	simm.s32 $0x0;
	s19 =	stileid.u32;
	s0 =	srdreg.scid  }
0x4: {  	s31 =	simm.s32 $0x7D0;
	s29 =	simm.s32 $0xBB8;
	p0 =	por $0x0, $0x0  }
0x5: {  	[smem:$0x7FF] =	sst s3;
	s4 =	smul.u32 $0x4E20, s19;
	s5 =	sand.u32 $0x1, s0  }
0x6: {  	s6 =	smul.u32 $0x9C4, s19;
	s0 =	sadd.s32 $0x516600, s1;
	s8 =	sshll.u32 s19, $0x1  }
0x7: {  	s9 =	sadd.s32 $0x2A800, s1;
	s7 =	smul.u32 $0x9C40, s5;
	s8 =	sor.u32 s5, s8  }
0x8: {  	_ =	strace $0x80000056;
	s5 =	ssub.s32 $0x2, s5;
	s25 =	smul.u32 $0x2710, s8  }
0x9: {  	s10 =	sshrl.u32 s4, $0x3;
	s26 =	sshrl.u32 s5, $0x1;
	s8 =	smul.u32 $0x9C40, s8  }
0xa: {  	s6 =	sadd.s32 s6, s7;
	s10 =	sadd.s32 s10, s1;
	s5 =	ssub.s32 s5, s26  }
0xb: {  	s1 =	sadd.s32 s6, s1;
	s10 =	sadd.s32 $0xCE00, s10;
	s11 =	sshrl.u32 s25, $0x3  }
0xc: {  	s22 =	sadd.s32 $0x1B58, s25;
	s7 =	sadd.s32 $0x2328, s25;
	s8 =	sadd.s32 s0, s8  }
0xd: {  	[dreg:$0x3] =	wrdreg s10;
	s12 =	sadd.s32 s9, s11;
	s10 =	sadd.s32 $0x3E8, s25  }
0xe: {  	s11 =	sadd.s32 $0x7D0, s25;
	s23 =	sshrl.u32 s22, $0x3;
	[dreg:$0xf] =	wrdreg s8  }
0xf: {  	s1 =	sadd.s32 $0x16C00, s1;
	s22 =	sshll.u32 s22, $0x2;
	[dreg:$0x4] =	wrdreg s12  }
0x10: {  	s13 =	sshrl.u32 s10, $0x3;
	s12 =	sshrl.u32 s11, $0x3;
	[dreg:$0xe] =	wrdreg s1  }
0x11: {  	s1 =	rddreg [dreg:$0x3];
	s6 =	sadd.s32 s9, s13;
	s13 =	sadd.s32 $0xBB8, s25  }
0x12: {  	s14 =	sadd.s32 s9, s12;
	s12 =	sadd.s32 $0xFA0, s25;
	[dreg:$0x5] =	wrdreg s6  }
0x13: {  	s15 =	sshrl.u32 s13, $0x3;
	[dreg:$0x6] =	wrdreg s14;
	s17 =	sshrl.u32 s12, $0x3  }
0x14: {  	s14 =	sadd.s32 $0x1388, s25;
	s16 =	sadd.s32 s9, s15;
	s6 =	sadd.s32 s9, s17  }
0x15: {  	s15 =	sshrl.u32 s14, $0x3;
	s14 =	sshll.u32 s14, $0x2;
	[dreg:$0x7] =	wrdreg s16  }
0x16: {  	s16 =	sadd.s32 $0x1770, s25;
	[dreg:$0x8] =	wrdreg s6;
	s18 =	sadd.s32 s9, s15  }
0x17: {  	s6 =	sadd.s32 s9, s23;
	s15 =	simm.s32 $0x1F40;
	[dreg:$0x9] =	wrdreg s18  }
0x18: {  	s20 =	sshrl.u32 s16, $0x3;
	s18 =	sadd.s32 $0x1F40, s25;
	[dreg:$0xb] =	wrdreg s6  }
0x19: {  	s25 =	sshrl.u32 s7, $0x3;
	s6 =	sshll.u32 s19, $0x6;
	s19 =	smax.u32 s5, $0x1  }
0x1a: {  	s5 =	simm.s32 $0x5;
	s21 =	sadd.s32 s9, s20;
	s17 =	sshrl.u32 s18, $0x3  }
0x1b: {  	s26 =	sadd.s32 s9, s25;
	s20 =	sadd.s32 s4, s2;
	s4 =	sor.u32 $0x1C05, s6  }
0x1c: {  	p1 =	sne.s32 s19, $0x1;
	[dreg:$0xa] =	wrdreg s21;
	s24 =	sadd.s32 s9, s17  }
0x1d: {  	[dreg:$0xd] =	wrdreg s26;
	s9 =	sshll.u32 s10, $0x2;
	s10 =	sshll.u32 s11, $0x2  }
0x1e: {  	s11 =	sshll.u32 s13, $0x2;
	s13 =	sshll.u32 s12, $0x2;
	s17 =	sshll.u32 s16, $0x2  }
0x1f: {  	s21 =	sadd.s32 s0, s14;
	s26 =	sshll.u32 s7, $0x2;
	s14 =	sadd.s32 s0, s22  }
0x20: {  	s6 =	sshrl.u32 s20, $0x3;
	s7 =	simm.s32 $0x3E8;
	s22 =	simm.s32 $0x1770  }
0x21: {  	s20 =	simm.s32 $0x1B58;
	s16 =	simm.s32 $0x2;
	s12 =	simm.s32 $0x3  }
0x22: {  	[dreg:$0xc] =	wrdreg s24;
	s30 =	sadd.s32 s0, s9;
	s28 =	sadd.s32 s0, s10  }
.Ltmp0:
0x23: {  	s25 =	sadd.s32 s0, s11;
	s23 =	sadd.s32 s0, s13;
	(pc) =	sbr.rel @!p1 .LBB2_3-.Ltmp0, $4  }
0x24: {  	s17 =	sadd.s32 s0, s17;
	s24 =	sshll.u32 s18, $0x2;
	s8 =	sadd.s32 s0, s26  }
0x25: {  	s26 =	simm.s32 $0xFA0;
	s10 =	simm.s32 $0x2328;
	s18 =	simm.s32 $0x1  }
0x26: {  	s13 =	simm.s32 $0xA410;
	s11 =	simm.s32 $0x4;
	s9 =	sadd.s32 s0, s24  }
0x27: {  	s24 =	simm.s32 $0x1388;
	s0 =	sadd.s32 $0xFFFFFFFF, s19;
	s19 =	simm.s32 $0x2710  }
0x28: {  	[spmem:s6], [sflag:s4] =	dma.local [hbm:s1], $0x9C4  }
0x29: {  	_ =	swait.ge [sflag:s5], $0x9C4  }
0x2a: {  	[dreg:$0x10] =	wrdreg s0;
	[sflag:s5] =	ssyncset.done $0x0  }
0x2b: {  	s1 =	rddreg [dreg:$0x4];
	[sflag:s5] =	ssyncadd.s32 $0xFFFFF63C  }
0x2c: {  	[tilespmem:s3], [sflag:$0x1] =	stream.linear.gather [hbm4b:s1+s3], $0x3E8, $0x38;
	[tilespmem:$0x16F30] =	vst v63  }
0x2d: {  	s0 =	rddreg [dreg:$0x5]  }
0x2e: {  	[tilespmem:s7], [sflag:$0x1] =	stream.linear.gather [hbm4b:s0+s3], $0x3E8, $0x38;
	[tilespmem:$0x16F30] =	vst v63  }
0x2f: {  	s1 =	rddreg [dreg:$0x6]  }
0x30: {  	[tilespmem:s31], [sflag:$0x1] =	stream.linear.gather [hbm4b:s1+s3], $0x3E8, $0x38;
	[tilespmem:$0x16F30] =	vst v63  }
0x31: {  	s0 =	rddreg [dreg:$0x7]  }
0x32: {  	[tilespmem:s29], [sflag:$0x1] =	stream.linear.gather [hbm4b:s0+s3], $0x3E8, $0x38;
	[tilespmem:$0x16F30] =	vst v63  }
0x33: {  	s1 =	rddreg [dreg:$0x8]  }
0x34: {  	[tilespmem:s26], [sflag:$0x1] =	stream.linear.gather [hbm4b:s1+s3], $0x3E8, $0x38;
	[tilespmem:$0x16F30] =	vst v63  }
0x35: {  	s0 =	rddreg [dreg:$0x9]  }
0x36: {  	[tilespmem:s24], [sflag:$0x1] =	stream.linear.gather [hbm4b:s0+s3], $0x3E8, $0x38;
	[tilespmem:$0x16F30] =	vst v63  }
0x37: {  	s1 =	rddreg [dreg:$0xa]  }
0x38: {  	[tilespmem:s22], [sflag:$0x1] =	stream.linear.gather [hbm4b:s1+s3], $0x3E8, $0x38;
	[tilespmem:$0x16F30] =	vst v63  }
0x39: {  	s0 =	rddreg [dreg:$0xb]  }
0x3a: {  	[tilespmem:s20], [sflag:$0x1] =	stream.linear.gather [hbm4b:s0+s3], $0x3E8, $0x38;
	[tilespmem:$0x16F30] =	vst v63  }
0x3b: {  	s1 =	rddreg [dreg:$0xc]  }
0x3c: {  	[tilespmem:s15], [sflag:$0x1] =	stream.linear.gather [hbm4b:s1+s3], $0x3E8, $0x38;
	[tilespmem:$0x16F30] =	vst v63  }
0x3d: {  	s0 =	rddreg [dreg:$0xd]  }
0x3e: {  	[tilespmem:s10], [sflag:$0x1] =	stream.linear.gather [hbm4b:s0+s3], $0x3E8, $0x38;
	[tilespmem:$0x16F30] =	vst v63  }
0x3f: {  	_ =	swait.ge [sflag:s18], $0x3E8  }
0x40: {  	[sflag:s18] =	ssyncset.done $0x0  }
0x41: {  	[sflag:s18] =	ssyncadd.s32 $0xFFFFFC18  }
0x42: {  	_ =	swait.ge [sflag:s18], $0x3E8  }
0x43: {  	[sflag:s18] =	ssyncset.done $0x0  }
0x44: {  	[sflag:s18] =	ssyncadd.s32 $0xFFFFFC18  }
0x45: {  	_ =	swait.ge [sflag:s18], $0x3E8  }
0x46: {  	[sflag:s18] =	ssyncset.done $0x0  }
0x47: {  	[sflag:s18] =	ssyncadd.s32 $0xFFFFFC18  }
0x48: {  	_ =	swait.ge [sflag:s18], $0x3E8  }
0x49: {  	[sflag:s18] =	ssyncset.done $0x0  }
0x4a: {  	[sflag:s18] =	ssyncadd.s32 $0xFFFFFC18  }
0x4b: {  	_ =	swait.ge [sflag:s18], $0x3E8  }
0x4c: {  	[sflag:s18] =	ssyncset.done $0x0  }
0x4d: {  	[sflag:s18] =	ssyncadd.s32 $0xFFFFFC18  }
0x4e: {  	_ =	swait.ge [sflag:s18], $0x3E8  }
0x4f: {  	[sflag:s18] =	ssyncset.done $0x0  }
0x50: {  	[sflag:s18] =	ssyncadd.s32 $0xFFFFFC18  }
0x51: {  	_ =	swait.ge [sflag:s18], $0x3E8  }
0x52: {  	[sflag:s18] =	ssyncset.done $0x0  }
0x53: {  	[sflag:s18] =	ssyncadd.s32 $0xFFFFFC18  }
0x54: {  	_ =	swait.ge [sflag:s18], $0x3E8  }
0x55: {  	[sflag:s18] =	ssyncset.done $0x0  }
0x56: {  	[sflag:s18] =	ssyncadd.s32 $0xFFFFFC18  }
0x57: {  	_ =	swait.ge [sflag:s18], $0x3E8  }
0x58: {  	[sflag:s18] =	ssyncset.done $0x0  }
0x59: {  	[sflag:s18] =	ssyncadd.s32 $0xFFFFFC18  }
0x5a: {  	_ =	swait.ge [sflag:s18], $0x3E8  }
0x5b: {  	[sflag:s18] =	ssyncset.done $0x0  }
0x5c: {  	[sflag:s18] =	ssyncadd.s32 $0xFFFFFC18  }
0x5d: {  	[bflag:$0x0] =	sbarrier.arrive $0xFFFF  }
0x5e: {  	s1 =	rddreg [dreg:$0xf]  }
0x5f: {  	[tilespmem:s19], [sflag:$0x1] =	stream.linear.gather [hbm4b:s1+s3], $0x7D00, $0x38;
	[tilespmem:$0x16F30] =	vst v63  }
0x60: {  	_ =	swait.ge [sflag:s18], $0x7D00  }
0x61: {  	[sflag:s18] =	ssyncset.done $0x0  }
0x62: {  	[sflag:s18] =	ssyncadd.s32 $0xFFFF8300  }
0x63: {  	[spmem:s2] =	stream.indirect.scatter.add.f32 [tilespmem:s19], [sflag:$0x3], $0x20, s3, s7, $0xb8;
	[tilespmem:$0x16F30] =	vst v63  }
0x64: {  	_ = 	snop  }
0x65: {  	[tilespmem:s13], [sflag:$0x2] =	stream.linear.gather [hbm4b:s30+s3], $0x7D00, $0x38;
	[tilespmem:$0x16F30] =	vst v63  }
0x66: {  	_ =	swait.ge [sflag:s16], $0x7D00  }
0x67: {  	[sflag:s16] =	ssyncset.done $0x0  }
0x68: {  	[sflag:s16] =	ssyncadd.s32 $0xFFFF8300  }
0x69: {  	[spmem:s2] =	stream.indirect.scatter.add.f32 [tilespmem:s13], [sflag:$0x4], $0x20, s7, s7, $0xb8;
	[tilespmem:$0x16F30] =	vst v63  }
0x6a: {  	_ =	swait.ge [sflag:s12], $0x7D00  }
0x6b: {  	[sflag:s12] =	ssyncset.done $0x0  }
0x6c: {  	[sflag:s12] =	ssyncadd.s32 $0xFFFF8300  }
0x6d: {  	[tilespmem:s19], [sflag:$0x1] =	stream.linear.gather [hbm4b:s28+s3], $0x7D00, $0x38;
	[tilespmem:$0x16F30] =	vst v63  }
0x6e: {  	_ =	swait.ge [sflag:s18], $0x7D00  }
0x6f: {  	[sflag:s18] =	ssyncset.done $0x0  }
0x70: {  	[sflag:s18] =	ssyncadd.s32 $0xFFFF8300  }
0x71: {  	[spmem:s2] =	stream.indirect.scatter.add.f32 [tilespmem:s19], [sflag:$0x3], $0x20, s31, s7, $0xb8;
	[tilespmem:$0x16F30] =	vst v63  }
0x72: {  	_ =	swait.ge [sflag:s11], $0x7D00  }
0x73: {  	[sflag:s11] =	ssyncset.done $0x0  }
0x74: {  	[sflag:s11] =	ssyncadd.s32 $0xFFFF8300  }
0x75: {  	[tilespmem:s13], [sflag:$0x2] =	stream.linear.gather [hbm4b:s25+s3], $0x7D00, $0x38;
	[tilespmem:$0x16F30] =	vst v63  }
0x76: {  	_ =	swait.ge [sflag:s16], $0x7D00  }
0x77: {  	[sflag:s16] =	ssyncset.done $0x0  }
0x78: {  	[sflag:s16] =	ssyncadd.s32 $0xFFFF8300  }
0x79: {  	[spmem:s2] =	stream.indirect.scatter.add.f32 [tilespmem:s13], [sflag:$0x4], $0x20, s29, s7, $0xb8;
	[tilespmem:$0x16F30] =	vst v63  }
0x7a: {  	_ =	swait.ge [sflag:s12], $0x7D00  }
0x7b: {  	[sflag:s12] =	ssyncset.done $0x0  }
0x7c: {  	[sflag:s12] =	ssyncadd.s32 $0xFFFF8300  }
0x7d: {  	[tilespmem:s19], [sflag:$0x1] =	stream.linear.gather [hbm4b:s23+s3], $0x7D00, $0x38;
	[tilespmem:$0x16F30] =	vst v63  }
0x7e: {  	_ =	swait.ge [sflag:s18], $0x7D00  }
0x7f: {  	[sflag:s18] =	ssyncset.done $0x0  }
0x80: {  	[sflag:s18] =	ssyncadd.s32 $0xFFFF8300  }
0x81: {  	[spmem:s2] =	stream.indirect.scatter.add.f32 [tilespmem:s19], [sflag:$0x3], $0x20, s26, s7, $0xb8;
	[tilespmem:$0x16F30] =	vst v63  }
0x82: {  	_ =	swait.ge [sflag:s11], $0x7D00  }
0x83: {  	[sflag:s11] =	ssyncset.done $0x0  }
0x84: {  	[sflag:s11] =	ssyncadd.s32 $0xFFFF8300  }
0x85: {  	[tilespmem:s13], [sflag:$0x2] =	stream.linear.gather [hbm4b:s21+s3], $0x7D00, $0x38;
	[tilespmem:$0x16F30] =	vst v63  }
0x86: {  	_ =	swait.ge [sflag:s16], $0x7D00  }
0x87: {  	[sflag:s16] =	ssyncset.done $0x0  }
0x88: {  	[sflag:s16] =	ssyncadd.s32 $0xFFFF8300  }
0x89: {  	[spmem:s2] =	stream.indirect.scatter.add.f32 [tilespmem:s13], [sflag:$0x4], $0x20, s24, s7, $0xb8;
	[tilespmem:$0x16F30] =	vst v63  }
0x8a: {  	_ =	swait.ge [sflag:s12], $0x7D00  }
0x8b: {  	[sflag:s12] =	ssyncset.done $0x0  }
0x8c: {  	[sflag:s12] =	ssyncadd.s32 $0xFFFF8300  }
0x8d: {  	[tilespmem:s19], [sflag:$0x1] =	stream.linear.gather [hbm4b:s17+s3], $0x7D00, $0x38;
	[tilespmem:$0x16F30] =	vst v63  }
0x8e: {  	_ =	swait.ge [sflag:s18], $0x7D00  }
0x8f: {  	[sflag:s18] =	ssyncset.done $0x0  }
0x90: {  	[sflag:s18] =	ssyncadd.s32 $0xFFFF8300  }
0x91: {  	[spmem:s2] =	stream.indirect.scatter.add.f32 [tilespmem:s19], [sflag:$0x3], $0x20, s22, s7, $0xb8;
	[tilespmem:$0x16F30] =	vst v63  }
0x92: {  	_ =	swait.ge [sflag:s11], $0x7D00  }
0x93: {  	[sflag:s11] =	ssyncset.done $0x0  }
0x94: {  	[sflag:s11] =	ssyncadd.s32 $0xFFFF8300  }
0x95: {  	[tilespmem:s13], [sflag:$0x2] =	stream.linear.gather [hbm4b:s14+s3], $0x7D00, $0x38;
	[tilespmem:$0x16F30] =	vst v63  }
0x96: {  	_ =	swait.ge [sflag:s16], $0x7D00  }
0x97: {  	[sflag:s16] =	ssyncset.done $0x0  }
0x98: {  	[sflag:s16] =	ssyncadd.s32 $0xFFFF8300  }
0x99: {  	[spmem:s2] =	stream.indirect.scatter.add.f32 [tilespmem:s13], [sflag:$0x4], $0x20, s20, s7, $0xb8;
	[tilespmem:$0x16F30] =	vst v63  }
0x9a: {  	_ =	swait.ge [sflag:s12], $0x7D00  }
0x9b: {  	[sflag:s12] =	ssyncset.done $0x0  }
0x9c: {  	[sflag:s12] =	ssyncadd.s32 $0xFFFF8300  }
0x9d: {  	[tilespmem:s19], [sflag:$0x1] =	stream.linear.gather [hbm4b:s9+s3], $0x7D00, $0x38;
	[tilespmem:$0x16F30] =	vst v63  }
0x9e: {  	_ =	swait.ge [sflag:s18], $0x7D00  }
0x9f: {  	[sflag:s18] =	ssyncset.done $0x0  }
0xa0: {  	[sflag:s18] =	ssyncadd.s32 $0xFFFF8300  }
0xa1: {  	[spmem:s2] =	stream.indirect.scatter.add.f32 [tilespmem:s19], [sflag:$0x3], $0x20, s15, s7, $0xb8;
	[tilespmem:$0x16F30] =	vst v63  }
0xa2: {  	_ =	swait.ge [sflag:s11], $0x7D00  }
0xa3: {  	[sflag:s11] =	ssyncset.done $0x0  }
0xa4: {  	[sflag:s11] =	ssyncadd.s32 $0xFFFF8300  }
0xa5: {  	[tilespmem:s13], [sflag:$0x2] =	stream.linear.gather [hbm4b:s8+s3], $0x7D00, $0x38;
	[tilespmem:$0x16F30] =	vst v63  }
0xa6: {  	_ =	swait.ge [sflag:s16], $0x7D00  }
0xa7: {  	[sflag:s16] =	ssyncset.done $0x0  }
0xa8: {  	[sflag:s16] =	ssyncadd.s32 $0xFFFF8300  }
0xa9: {  	[spmem:s2] =	stream.indirect.scatter.add.f32 [tilespmem:s13], [sflag:$0x4], $0x20, s10, s7, $0xb8;
	[tilespmem:$0x16F30] =	vst v63  }
0xaa: {  	_ =	swait.ge [sflag:s12], $0x7D00  }
0xab: {  	[sflag:s12] =	ssyncset.done $0x0  }
0xac: {  	[sflag:s12] =	ssyncadd.s32 $0xFFFF8300  }
0xad: {  	_ =	swait.ge [sflag:s11], $0x7D00  }
0xae: {  	[sflag:s11] =	ssyncset.done $0x0  }
0xaf: {  	[sflag:s11] =	ssyncadd.s32 $0xFFFF8300  }
0xb0: {  	[bflag:$0x0] =	sbarrier.arrive $0xFFFF  }
0xb1: {  	s1 =	rddreg [dreg:$0xe]  }
0xb2: {  	[hbm:s1], [sflag:s4] =	dma.local [spmem:s6], $0x9C4  }
0xb3: {  	s0 =	rddreg [dreg:$0x10]  }
0xb4: {  	p1 =	sne.s32 s0, $0x1  }
.Ltmp1:
0xb5: {  	_ = 	snop;
	(pc) =	sbr.rel @!p1 .LBB2_3-.Ltmp1, $3  }
0xb6: {  	_ =	sdelay $0x1  }
0xb7: {  	p0 =	por $0x1, $0x1;
	_ =	swait.ge [sflag:s5], $0x9C4  }
0xb8: {  	s0 =	sadd.s32 $0xFFFFFFFF, s0;
	s1 =	rddreg [dreg:$0x3];
	[sflag:s5] =	ssyncset.done $0x0  }
.LBB2_2:
0xb9: {  	[sflag:s5] =	ssyncadd.s32 $0xFFFFF63C  }
0xba: {  	[spmem:s6], [sflag:s4] =	dma.local [hbm:s1], $0x9C4  }
0xbb: {  	_ =	swait.ge [sflag:s5], $0x9C4  }
0xbc: {  	[sflag:s5] =	ssyncset.done $0x0  }
0xbd: {  	s1 =	rddreg [dreg:$0x4];
	[sflag:s5] =	ssyncadd.s32 $0xFFFFF63C  }
0xbe: {  	[tilespmem:s3], [sflag:$0x1] =	stream.linear.gather [hbm4b:s1+s3], $0x3E8, $0x38;
	[tilespmem:$0x16F30] =	vst v63  }
0xbf: {  	s10 =	smov.u32 s8;
	s8 =	rddreg [dreg:$0x5]  }
0xc0: {  	[tilespmem:s7], [sflag:$0x1] =	stream.linear.gather [hbm4b:s8+s3], $0x3E8, $0x38;
	[tilespmem:$0x16F30] =	vst v63  }
0xc1: {  	s5 =	simm.s32 $0x7D0;
	s1 =	rddreg [dreg:$0x6]  }
0xc2: {  	[tilespmem:s5], [sflag:$0x1] =	stream.linear.gather [hbm4b:s1+s3], $0x3E8, $0x38;
	[tilespmem:$0x16F30] =	vst v63  }
0xc3: {  	s31 =	simm.s32 $0xBB8;
	s8 =	rddreg [dreg:$0x7]  }
0xc4: {  	[tilespmem:s31], [sflag:$0x1] =	stream.linear.gather [hbm4b:s8+s3], $0x3E8, $0x38;
	[tilespmem:$0x16F30] =	vst v63  }
0xc5: {  	s29 =	simm.s32 $0xFA0;
	s1 =	rddreg [dreg:$0x8]  }
0xc6: {  	[tilespmem:s29], [sflag:$0x1] =	stream.linear.gather [hbm4b:s1+s3], $0x3E8, $0x38;
	[tilespmem:$0x16F30] =	vst v63  }
0xc7: {  	s26 =	simm.s32 $0x1388;
	s8 =	rddreg [dreg:$0x9]  }
0xc8: {  	[tilespmem:s26], [sflag:$0x1] =	stream.linear.gather [hbm4b:s8+s3], $0x3E8, $0x38;
	[tilespmem:$0x16F30] =	vst v63  }
0xc9: {  	s24 =	simm.s32 $0x1770;
	s1 =	rddreg [dreg:$0xa]  }
0xca: {  	[tilespmem:s24], [sflag:$0x1] =	stream.linear.gather [hbm4b:s1+s3], $0x3E8, $0x38;
	[tilespmem:$0x16F30] =	vst v63  }
0xcb: {  	s22 =	simm.s32 $0x1B58;
	s8 =	rddreg [dreg:$0xb]  }
0xcc: {  	[tilespmem:s22], [sflag:$0x1] =	stream.linear.gather [hbm4b:s8+s3], $0x3E8, $0x38;
	[tilespmem:$0x16F30] =	vst v63  }
0xcd: {  	s20 =	simm.s32 $0x1F40;
	s1 =	rddreg [dreg:$0xc]  }
0xce: {  	[tilespmem:s20], [sflag:$0x1] =	stream.linear.gather [hbm4b:s1+s3], $0x3E8, $0x38;
	[tilespmem:$0x16F30] =	vst v63  }
0xcf: {  	s15 =	simm.s32 $0x2328;
	s8 =	rddreg [dreg:$0xd]  }
0xd0: {  	[tilespmem:s15], [sflag:$0x1] =	stream.linear.gather [hbm4b:s8+s3], $0x3E8, $0x38;
	[tilespmem:$0x16F30] =	vst v63  }
0xd1: {  	_ =	swait.ge [sflag:s18], $0x3E8  }
0xd2: {  	[sflag:s18] =	ssyncset.done $0x0  }
0xd3: {  	[sflag:s18] =	ssyncadd.s32 $0xFFFFFC18  }
0xd4: {  	_ =	swait.ge [sflag:s18], $0x3E8  }
0xd5: {  	[sflag:s18] =	ssyncset.done $0x0  }
0xd6: {  	[sflag:s18] =	ssyncadd.s32 $0xFFFFFC18  }
0xd7: {  	_ =	swait.ge [sflag:s18], $0x3E8  }
0xd8: {  	[sflag:s18] =	ssyncset.done $0x0  }
0xd9: {  	[sflag:s18] =	ssyncadd.s32 $0xFFFFFC18  }
0xda: {  	_ =	swait.ge [sflag:s18], $0x3E8  }
0xdb: {  	[sflag:s18] =	ssyncset.done $0x0  }
0xdc: {  	[sflag:s18] =	ssyncadd.s32 $0xFFFFFC18  }
0xdd: {  	_ =	swait.ge [sflag:s18], $0x3E8  }
0xde: {  	[sflag:s18] =	ssyncset.done $0x0  }
0xdf: {  	[sflag:s18] =	ssyncadd.s32 $0xFFFFFC18  }
0xe0: {  	_ =	swait.ge [sflag:s18], $0x3E8  }
0xe1: {  	[sflag:s18] =	ssyncset.done $0x0  }
0xe2: {  	[sflag:s18] =	ssyncadd.s32 $0xFFFFFC18  }
0xe3: {  	_ =	swait.ge [sflag:s18], $0x3E8  }
0xe4: {  	[sflag:s18] =	ssyncset.done $0x0  }
0xe5: {  	[sflag:s18] =	ssyncadd.s32 $0xFFFFFC18  }
0xe6: {  	_ =	swait.ge [sflag:s18], $0x3E8  }
0xe7: {  	[sflag:s18] =	ssyncset.done $0x0  }
0xe8: {  	[sflag:s18] =	ssyncadd.s32 $0xFFFFFC18  }
0xe9: {  	_ =	swait.ge [sflag:s18], $0x3E8  }
0xea: {  	[sflag:s18] =	ssyncset.done $0x0  }
0xeb: {  	[sflag:s18] =	ssyncadd.s32 $0xFFFFFC18  }
0xec: {  	_ =	swait.ge [sflag:s18], $0x3E8  }
0xed: {  	[sflag:s18] =	ssyncset.done $0x0  }
0xee: {  	[sflag:s18] =	ssyncadd.s32 $0xFFFFFC18  }
0xef: {  	[bflag:$0x0] =	sbarrier.arrive $0xFFFF  }
0xf0: {  	s1 =	rddreg [dreg:$0xf]  }
0xf1: {  	[tilespmem:s19], [sflag:$0x1] =	stream.linear.gather [hbm4b:s1+s3], $0x7D00, $0x38;
	[tilespmem:$0x16F30] =	vst v63  }
0xf2: {  	_ =	swait.ge [sflag:s18], $0x7D00  }
0xf3: {  	[sflag:s18] =	ssyncset.done $0x0  }
0xf4: {  	[sflag:s18] =	ssyncadd.s32 $0xFFFF8300  }
0xf5: {  	[spmem:s2] =	stream.indirect.scatter.add.f32 [tilespmem:s19], [sflag:$0x3], $0x20, s3, s7, $0xb8;
	[tilespmem:$0x16F30] =	vst v63  }
0xf6: {  	_ = 	snop  }
0xf7: {  	[tilespmem:s13], [sflag:$0x2] =	stream.linear.gather [hbm4b:s30+s3], $0x7D00, $0x38;
	[tilespmem:$0x16F30] =	vst v63  }
0xf8: {  	_ =	swait.ge [sflag:s16], $0x7D00  }
0xf9: {  	[sflag:s16] =	ssyncset.done $0x0  }
0xfa: {  	[sflag:s16] =	ssyncadd.s32 $0xFFFF8300  }
0xfb: {  	[spmem:s2] =	stream.indirect.scatter.add.f32 [tilespmem:s13], [sflag:$0x4], $0x20, s7, s7, $0xb8;
	[tilespmem:$0x16F30] =	vst v63  }
0xfc: {  	_ =	swait.ge [sflag:s12], $0x7D00  }
0xfd: {  	[sflag:s12] =	ssyncset.done $0x0  }
0xfe: {  	[sflag:s12] =	ssyncadd.s32 $0xFFFF8300  }
0xff: {  	[tilespmem:s19], [sflag:$0x1] =	stream.linear.gather [hbm4b:s28+s3], $0x7D00, $0x38;
	[tilespmem:$0x16F30] =	vst v63  }
0x100: {  	_ =	swait.ge [sflag:s18], $0x7D00  }
0x101: {  	[sflag:s18] =	ssyncset.done $0x0  }
0x102: {  	s31 =	simm.s32 $0x7D0;
	[sflag:s18] =	ssyncadd.s32 $0xFFFF8300  }
0x103: {  	[spmem:s2] =	stream.indirect.scatter.add.f32 [tilespmem:s19], [sflag:$0x3], $0x20, s31, s7, $0xb8;
	[tilespmem:$0x16F30] =	vst v63  }
0x104: {  	_ =	swait.ge [sflag:s11], $0x7D00  }
0x105: {  	[sflag:s11] =	ssyncset.done $0x0  }
0x106: {  	[sflag:s11] =	ssyncadd.s32 $0xFFFF8300  }
0x107: {  	[tilespmem:s13], [sflag:$0x2] =	stream.linear.gather [hbm4b:s25+s3], $0x7D00, $0x38;
	[tilespmem:$0x16F30] =	vst v63  }
0x108: {  	_ =	swait.ge [sflag:s16], $0x7D00  }
0x109: {  	[sflag:s16] =	ssyncset.done $0x0  }
0x10a: {  	s29 =	simm.s32 $0xBB8;
	[sflag:s16] =	ssyncadd.s32 $0xFFFF8300  }
0x10b: {  	[spmem:s2] =	stream.indirect.scatter.add.f32 [tilespmem:s13], [sflag:$0x4], $0x20, s29, s7, $0xb8;
	[tilespmem:$0x16F30] =	vst v63  }
0x10c: {  	_ =	swait.ge [sflag:s12], $0x7D00  }
0x10d: {  	[sflag:s12] =	ssyncset.done $0x0  }
0x10e: {  	[sflag:s12] =	ssyncadd.s32 $0xFFFF8300  }
0x10f: {  	[tilespmem:s19], [sflag:$0x1] =	stream.linear.gather [hbm4b:s23+s3], $0x7D00, $0x38;
	[tilespmem:$0x16F30] =	vst v63  }
0x110: {  	_ =	swait.ge [sflag:s18], $0x7D00  }
0x111: {  	[sflag:s18] =	ssyncset.done $0x0  }
0x112: {  	s26 =	simm.s32 $0xFA0;
	[sflag:s18] =	ssyncadd.s32 $0xFFFF8300  }
0x113: {  	[spmem:s2] =	stream.indirect.scatter.add.f32 [tilespmem:s19], [sflag:$0x3], $0x20, s26, s7, $0xb8;
	[tilespmem:$0x16F30] =	vst v63  }
0x114: {  	_ =	swait.ge [sflag:s11], $0x7D00  }
0x115: {  	[sflag:s11] =	ssyncset.done $0x0  }
0x116: {  	[sflag:s11] =	ssyncadd.s32 $0xFFFF8300  }
0x117: {  	[tilespmem:s13], [sflag:$0x2] =	stream.linear.gather [hbm4b:s21+s3], $0x7D00, $0x38;
	[tilespmem:$0x16F30] =	vst v63  }
0x118: {  	_ =	swait.ge [sflag:s16], $0x7D00  }
0x119: {  	[sflag:s16] =	ssyncset.done $0x0  }
0x11a: {  	s24 =	simm.s32 $0x1388;
	[sflag:s16] =	ssyncadd.s32 $0xFFFF8300  }
0x11b: {  	[spmem:s2] =	stream.indirect.scatter.add.f32 [tilespmem:s13], [sflag:$0x4], $0x20, s24, s7, $0xb8;
	[tilespmem:$0x16F30] =	vst v63  }
0x11c: {  	_ =	swait.ge [sflag:s12], $0x7D00  }
0x11d: {  	[sflag:s12] =	ssyncset.done $0x0  }
0x11e: {  	[sflag:s12] =	ssyncadd.s32 $0xFFFF8300  }
0x11f: {  	[tilespmem:s19], [sflag:$0x1] =	stream.linear.gather [hbm4b:s17+s3], $0x7D00, $0x38;
	[tilespmem:$0x16F30] =	vst v63  }
0x120: {  	_ =	swait.ge [sflag:s18], $0x7D00  }
0x121: {  	[sflag:s18] =	ssyncset.done $0x0  }
0x122: {  	s22 =	simm.s32 $0x1770;
	[sflag:s18] =	ssyncadd.s32 $0xFFFF8300  }
0x123: {  	[spmem:s2] =	stream.indirect.scatter.add.f32 [tilespmem:s19], [sflag:$0x3], $0x20, s22, s7, $0xb8;
	[tilespmem:$0x16F30] =	vst v63  }
0x124: {  	_ =	swait.ge [sflag:s11], $0x7D00  }
0x125: {  	[sflag:s11] =	ssyncset.done $0x0  }
0x126: {  	[sflag:s11] =	ssyncadd.s32 $0xFFFF8300  }
0x127: {  	[tilespmem:s13], [sflag:$0x2] =	stream.linear.gather [hbm4b:s14+s3], $0x7D00, $0x38;
	[tilespmem:$0x16F30] =	vst v63  }
0x128: {  	_ =	swait.ge [sflag:s16], $0x7D00  }
0x129: {  	[sflag:s16] =	ssyncset.done $0x0  }
0x12a: {  	s20 =	simm.s32 $0x1B58;
	[sflag:s16] =	ssyncadd.s32 $0xFFFF8300  }
0x12b: {  	[spmem:s2] =	stream.indirect.scatter.add.f32 [tilespmem:s13], [sflag:$0x4], $0x20, s20, s7, $0xb8;
	[tilespmem:$0x16F30] =	vst v63  }
0x12c: {  	_ =	swait.ge [sflag:s12], $0x7D00  }
0x12d: {  	[sflag:s12] =	ssyncset.done $0x0  }
0x12e: {  	[sflag:s12] =	ssyncadd.s32 $0xFFFF8300  }
0x12f: {  	[tilespmem:s19], [sflag:$0x1] =	stream.linear.gather [hbm4b:s9+s3], $0x7D00, $0x38;
	[tilespmem:$0x16F30] =	vst v63  }
0x130: {  	_ =	swait.ge [sflag:s18], $0x7D00  }
0x131: {  	[sflag:s18] =	ssyncset.done $0x0  }
0x132: {  	s15 =	simm.s32 $0x1F40;
	[sflag:s18] =	ssyncadd.s32 $0xFFFF8300  }
0x133: {  	[spmem:s2] =	stream.indirect.scatter.add.f32 [tilespmem:s19], [sflag:$0x3], $0x20, s15, s7, $0xb8;
	[tilespmem:$0x16F30] =	vst v63  }
0x134: {  	_ =	swait.ge [sflag:s11], $0x7D00  }
0x135: {  	[sflag:s11] =	ssyncset.done $0x0  }
0x136: {  	s8 =	smov.u32 s10;
	[sflag:s11] =	ssyncadd.s32 $0xFFFF8300  }
0x137: {  	[tilespmem:s13], [sflag:$0x2] =	stream.linear.gather [hbm4b:s8+s3], $0x7D00, $0x38;
	[tilespmem:$0x16F30] =	vst v63  }
0x138: {  	_ =	swait.ge [sflag:s16], $0x7D00  }
0x139: {  	[sflag:s16] =	ssyncset.done $0x0  }
0x13a: {  	s10 =	simm.s32 $0x2328;
	[sflag:s16] =	ssyncadd.s32 $0xFFFF8300  }
0x13b: {  	[spmem:s2] =	stream.indirect.scatter.add.f32 [tilespmem:s13], [sflag:$0x4], $0x20, s10, s7, $0xb8;
	[tilespmem:$0x16F30] =	vst v63  }
0x13c: {  	_ =	swait.ge [sflag:s12], $0x7D00  }
0x13d: {  	[sflag:s12] =	ssyncset.done $0x0  }
0x13e: {  	[sflag:s12] =	ssyncadd.s32 $0xFFFF8300  }
0x13f: {  	_ =	swait.ge [sflag:s11], $0x7D00  }
0x140: {  	[sflag:s11] =	ssyncset.done $0x0  }
0x141: {  	p1 =	sne.s32 s0, $0x1;
	[sflag:s11] =	ssyncadd.s32 $0xFFFF8300  }
.Ltmp2:
0x142: {  	[bflag:$0x0] =	sbarrier.arrive $0xFFFF;
	(pc) =	sbr.rel @p1 .LBB2_2-.Ltmp2, $4  }
0x143: {  	s5 =	simm.s32 $0x5;
	s1 =	rddreg [dreg:$0xe]  }
0x144: {  	[hbm:s1], [sflag:s4] =	dma.local [spmem:s6], $0x9C4  }
0x145: {  	_ =	swait.ge [sflag:s5], $0x9C4  }
0x146: {  	s0 =	sadd.s32 $0xFFFFFFFF, s0;
	s1 =	rddreg [dreg:$0x3];
	[sflag:s5] =	ssyncset.done $0x0  }
.LBB2_3:
0x147: {  	[sflag:s5] =	ssyncadd.s32 @p0 $0xFFFFF63C  }
0x148: {  	[spmem:s6], [sflag:s4] =	dma.local [hbm:s1], $0x9C4  }
0x149: {  	_ =	swait.ge [sflag:s5], $0x9C4  }
0x14a: {  	[sflag:s5] =	ssyncset.done $0x0  }
0x14b: {  	s0 =	rddreg [dreg:$0x4];
	[sflag:s5] =	ssyncadd.s32 $0xFFFFF63C  }
0x14c: {  	[tilespmem:s3], [sflag:$0x1] =	stream.linear.gather [hbm4b:s0+s3], $0x3E8, $0x38;
	[tilespmem:$0x16F30] =	vst v63  }
0x14d: {  	s1 =	rddreg [dreg:$0x5]  }
0x14e: {  	[tilespmem:s7], [sflag:$0x1] =	stream.linear.gather [hbm4b:s1+s3], $0x3E8, $0x38;
	[tilespmem:$0x16F30] =	vst v63  }
0x14f: {  	s0 =	rddreg [dreg:$0x6]  }
0x150: {  	[tilespmem:s31], [sflag:$0x1] =	stream.linear.gather [hbm4b:s0+s3], $0x3E8, $0x38;
	[tilespmem:$0x16F30] =	vst v63  }
0x151: {  	s1 =	rddreg [dreg:$0x7]  }
0x152: {  	[tilespmem:s29], [sflag:$0x1] =	stream.linear.gather [hbm4b:s1+s3], $0x3E8, $0x38;
	[tilespmem:$0x16F30] =	vst v63  }
0x153: {  	s0 =	rddreg [dreg:$0x8]  }
0x154: {  	[tilespmem:s26], [sflag:$0x1] =	stream.linear.gather [hbm4b:s0+s3], $0x3E8, $0x38;
	[tilespmem:$0x16F30] =	vst v63  }
0x155: {  	s1 =	rddreg [dreg:$0x9]  }
0x156: {  	[tilespmem:s24], [sflag:$0x1] =	stream.linear.gather [hbm4b:s1+s3], $0x3E8, $0x38;
	[tilespmem:$0x16F30] =	vst v63  }
0x157: {  	s0 =	rddreg [dreg:$0xa]  }
0x158: {  	[tilespmem:s22], [sflag:$0x1] =	stream.linear.gather [hbm4b:s0+s3], $0x3E8, $0x38;
	[tilespmem:$0x16F30] =	vst v63  }
0x159: {  	s1 =	rddreg [dreg:$0xb]  }
0x15a: {  	[tilespmem:s20], [sflag:$0x1] =	stream.linear.gather [hbm4b:s1+s3], $0x3E8, $0x38;
	[tilespmem:$0x16F30] =	vst v63  }
0x15b: {  	s0 =	rddreg [dreg:$0xc]  }
0x15c: {  	[tilespmem:s15], [sflag:$0x1] =	stream.linear.gather [hbm4b:s0+s3], $0x3E8, $0x38;
	[tilespmem:$0x16F30] =	vst v63  }
0x15d: {  	s1 =	rddreg [dreg:$0xd]  }
0x15e: {  	[tilespmem:s10], [sflag:$0x1] =	stream.linear.gather [hbm4b:s1+s3], $0x3E8, $0x38;
	[tilespmem:$0x16F30] =	vst v63  }
0x15f: {  	_ =	swait.ge [sflag:s18], $0x3E8  }
0x160: {  	[sflag:s18] =	ssyncset.done $0x0  }
0x161: {  	[sflag:s18] =	ssyncadd.s32 $0xFFFFFC18  }
0x162: {  	_ =	swait.ge [sflag:s18], $0x3E8  }
0x163: {  	[sflag:s18] =	ssyncset.done $0x0  }
0x164: {  	[sflag:s18] =	ssyncadd.s32 $0xFFFFFC18  }
0x165: {  	_ =	swait.ge [sflag:s18], $0x3E8  }
0x166: {  	[sflag:s18] =	ssyncset.done $0x0  }
0x167: {  	[sflag:s18] =	ssyncadd.s32 $0xFFFFFC18  }
0x168: {  	_ =	swait.ge [sflag:s18], $0x3E8  }
0x169: {  	[sflag:s18] =	ssyncset.done $0x0  }
0x16a: {  	[sflag:s18] =	ssyncadd.s32 $0xFFFFFC18  }
0x16b: {  	_ =	swait.ge [sflag:s18], $0x3E8  }
0x16c: {  	[sflag:s18] =	ssyncset.done $0x0  }
0x16d: {  	[sflag:s18] =	ssyncadd.s32 $0xFFFFFC18  }
0x16e: {  	_ =	swait.ge [sflag:s18], $0x3E8  }
0x16f: {  	[sflag:s18] =	ssyncset.done $0x0  }
0x170: {  	[sflag:s18] =	ssyncadd.s32 $0xFFFFFC18  }
0x171: {  	_ =	swait.ge [sflag:s18], $0x3E8  }
0x172: {  	[sflag:s18] =	ssyncset.done $0x0  }
0x173: {  	[sflag:s18] =	ssyncadd.s32 $0xFFFFFC18  }
0x174: {  	_ =	swait.ge [sflag:s18], $0x3E8  }
0x175: {  	[sflag:s18] =	ssyncset.done $0x0  }
0x176: {  	[sflag:s18] =	ssyncadd.s32 $0xFFFFFC18  }
0x177: {  	_ =	swait.ge [sflag:s18], $0x3E8  }
0x178: {  	[sflag:s18] =	ssyncset.done $0x0  }
0x179: {  	[sflag:s18] =	ssyncadd.s32 $0xFFFFFC18  }
0x17a: {  	_ =	swait.ge [sflag:s18], $0x3E8  }
0x17b: {  	[sflag:s18] =	ssyncset.done $0x0  }
0x17c: {  	[sflag:s18] =	ssyncadd.s32 $0xFFFFFC18  }
0x17d: {  	[bflag:$0x0] =	sbarrier.arrive $0xFFFF  }
0x17e: {  	s1 =	rddreg [dreg:$0xf]  }
0x17f: {  	[tilespmem:s19], [sflag:$0x1] =	stream.linear.gather [hbm4b:s1+s3], $0x7D00, $0x38;
	[tilespmem:$0x16F30] =	vst v63  }
0x180: {  	_ =	swait.ge [sflag:s18], $0x7D00  }
0x181: {  	[sflag:s18] =	ssyncset.done $0x0  }
0x182: {  	[sflag:s18] =	ssyncadd.s32 $0xFFFF8300  }
0x183: {  	[spmem:s2] =	stream.indirect.scatter.add.f32 [tilespmem:s19], [sflag:$0x3], $0x20, s3, s7, $0xb8;
	[tilespmem:$0x16F30] =	vst v63  }
0x184: {  	_ = 	snop  }
0x185: {  	[tilespmem:s13], [sflag:$0x2] =	stream.linear.gather [hbm4b:s30+s3], $0x7D00, $0x38;
	[tilespmem:$0x16F30] =	vst v63  }
0x186: {  	_ =	swait.ge [sflag:s16], $0x7D00  }
0x187: {  	[sflag:s16] =	ssyncset.done $0x0  }
0x188: {  	[sflag:s16] =	ssyncadd.s32 $0xFFFF8300  }
0x189: {  	[spmem:s2] =	stream.indirect.scatter.add.f32 [tilespmem:s13], [sflag:$0x4], $0x20, s7, s7, $0xb8;
	[tilespmem:$0x16F30] =	vst v63  }
0x18a: {  	_ =	swait.ge [sflag:s12], $0x7D00  }
0x18b: {  	[sflag:s12] =	ssyncset.done $0x0  }
0x18c: {  	[sflag:s12] =	ssyncadd.s32 $0xFFFF8300  }
0x18d: {  	[tilespmem:s19], [sflag:$0x1] =	stream.linear.gather [hbm4b:s28+s3], $0x7D00, $0x38;
	[tilespmem:$0x16F30] =	vst v63  }
0x18e: {  	_ =	swait.ge [sflag:s18], $0x7D00  }
0x18f: {  	[sflag:s18] =	ssyncset.done $0x0  }
0x190: {  	[sflag:s18] =	ssyncadd.s32 $0xFFFF8300  }
0x191: {  	[spmem:s2] =	stream.indirect.scatter.add.f32 [tilespmem:s19], [sflag:$0x3], $0x20, s31, s7, $0xb8;
	[tilespmem:$0x16F30] =	vst v63  }
0x192: {  	_ =	swait.ge [sflag:s11], $0x7D00  }
0x193: {  	[sflag:s11] =	ssyncset.done $0x0  }
0x194: {  	[sflag:s11] =	ssyncadd.s32 $0xFFFF8300  }
0x195: {  	[tilespmem:s13], [sflag:$0x2] =	stream.linear.gather [hbm4b:s25+s3], $0x7D00, $0x38;
	[tilespmem:$0x16F30] =	vst v63  }
0x196: {  	_ =	swait.ge [sflag:s16], $0x7D00  }
0x197: {  	[sflag:s16] =	ssyncset.done $0x0  }
0x198: {  	[sflag:s16] =	ssyncadd.s32 $0xFFFF8300  }
0x199: {  	[spmem:s2] =	stream.indirect.scatter.add.f32 [tilespmem:s13], [sflag:$0x4], $0x20, s29, s7, $0xb8;
	[tilespmem:$0x16F30] =	vst v63  }
0x19a: {  	_ =	swait.ge [sflag:s12], $0x7D00  }
0x19b: {  	[sflag:s12] =	ssyncset.done $0x0  }
0x19c: {  	[sflag:s12] =	ssyncadd.s32 $0xFFFF8300  }
0x19d: {  	[tilespmem:s19], [sflag:$0x1] =	stream.linear.gather [hbm4b:s23+s3], $0x7D00, $0x38;
	[tilespmem:$0x16F30] =	vst v63  }
0x19e: {  	_ =	swait.ge [sflag:s18], $0x7D00  }
0x19f: {  	[sflag:s18] =	ssyncset.done $0x0  }
0x1a0: {  	[sflag:s18] =	ssyncadd.s32 $0xFFFF8300  }
0x1a1: {  	[spmem:s2] =	stream.indirect.scatter.add.f32 [tilespmem:s19], [sflag:$0x3], $0x20, s26, s7, $0xb8;
	[tilespmem:$0x16F30] =	vst v63  }
0x1a2: {  	_ =	swait.ge [sflag:s11], $0x7D00  }
0x1a3: {  	[sflag:s11] =	ssyncset.done $0x0  }
0x1a4: {  	[sflag:s11] =	ssyncadd.s32 $0xFFFF8300  }
0x1a5: {  	[tilespmem:s13], [sflag:$0x2] =	stream.linear.gather [hbm4b:s21+s3], $0x7D00, $0x38;
	[tilespmem:$0x16F30] =	vst v63  }
0x1a6: {  	_ =	swait.ge [sflag:s16], $0x7D00  }
0x1a7: {  	[sflag:s16] =	ssyncset.done $0x0  }
0x1a8: {  	[sflag:s16] =	ssyncadd.s32 $0xFFFF8300  }
0x1a9: {  	[spmem:s2] =	stream.indirect.scatter.add.f32 [tilespmem:s13], [sflag:$0x4], $0x20, s24, s7, $0xb8;
	[tilespmem:$0x16F30] =	vst v63  }
0x1aa: {  	_ =	swait.ge [sflag:s12], $0x7D00  }
0x1ab: {  	[sflag:s12] =	ssyncset.done $0x0  }
0x1ac: {  	[sflag:s12] =	ssyncadd.s32 $0xFFFF8300  }
0x1ad: {  	[tilespmem:s19], [sflag:$0x1] =	stream.linear.gather [hbm4b:s17+s3], $0x7D00, $0x38;
	[tilespmem:$0x16F30] =	vst v63  }
0x1ae: {  	_ =	swait.ge [sflag:s18], $0x7D00  }
0x1af: {  	[sflag:s18] =	ssyncset.done $0x0  }
0x1b0: {  	[sflag:s18] =	ssyncadd.s32 $0xFFFF8300  }
0x1b1: {  	[spmem:s2] =	stream.indirect.scatter.add.f32 [tilespmem:s19], [sflag:$0x3], $0x20, s22, s7, $0xb8;
	[tilespmem:$0x16F30] =	vst v63  }
0x1b2: {  	_ =	swait.ge [sflag:s11], $0x7D00  }
0x1b3: {  	[sflag:s11] =	ssyncset.done $0x0  }
0x1b4: {  	[sflag:s11] =	ssyncadd.s32 $0xFFFF8300  }
0x1b5: {  	[tilespmem:s13], [sflag:$0x2] =	stream.linear.gather [hbm4b:s14+s3], $0x7D00, $0x38;
	[tilespmem:$0x16F30] =	vst v63  }
0x1b6: {  	_ =	swait.ge [sflag:s16], $0x7D00  }
0x1b7: {  	[sflag:s16] =	ssyncset.done $0x0  }
0x1b8: {  	[sflag:s16] =	ssyncadd.s32 $0xFFFF8300  }
0x1b9: {  	[spmem:s2] =	stream.indirect.scatter.add.f32 [tilespmem:s13], [sflag:$0x4], $0x20, s20, s7, $0xb8;
	[tilespmem:$0x16F30] =	vst v63  }
0x1ba: {  	_ =	swait.ge [sflag:s12], $0x7D00  }
0x1bb: {  	[sflag:s12] =	ssyncset.done $0x0  }
0x1bc: {  	[sflag:s12] =	ssyncadd.s32 $0xFFFF8300  }
0x1bd: {  	[tilespmem:s19], [sflag:$0x1] =	stream.linear.gather [hbm4b:s9+s3], $0x7D00, $0x38;
	[tilespmem:$0x16F30] =	vst v63  }
0x1be: {  	_ =	swait.ge [sflag:s18], $0x7D00  }
0x1bf: {  	[sflag:s18] =	ssyncset.done $0x0  }
0x1c0: {  	[sflag:s18] =	ssyncadd.s32 $0xFFFF8300  }
0x1c1: {  	[spmem:s2] =	stream.indirect.scatter.add.f32 [tilespmem:s19], [sflag:$0x3], $0x20, s15, s7, $0xb8;
	[tilespmem:$0x16F30] =	vst v63  }
0x1c2: {  	_ =	swait.ge [sflag:s11], $0x7D00  }
0x1c3: {  	[sflag:s11] =	ssyncset.done $0x0  }
0x1c4: {  	[sflag:s11] =	ssyncadd.s32 $0xFFFF8300  }
0x1c5: {  	[tilespmem:s13], [sflag:$0x2] =	stream.linear.gather [hbm4b:s8+s3], $0x7D00, $0x38;
	[tilespmem:$0x16F30] =	vst v63  }
0x1c6: {  	_ =	swait.ge [sflag:s16], $0x7D00  }
0x1c7: {  	[sflag:s16] =	ssyncset.done $0x0  }
0x1c8: {  	[sflag:s16] =	ssyncadd.s32 $0xFFFF8300  }
0x1c9: {  	[spmem:s2] =	stream.indirect.scatter.add.f32 [tilespmem:s13], [sflag:$0x4], $0x20, s10, s7, $0xb8;
	[tilespmem:$0x16F30] =	vst v63  }
0x1ca: {  	_ =	swait.ge [sflag:s12], $0x7D00  }
0x1cb: {  	[sflag:s12] =	ssyncset.done $0x0  }
0x1cc: {  	[sflag:s12] =	ssyncadd.s32 $0xFFFF8300  }
0x1cd: {  	_ =	swait.ge [sflag:s11], $0x7D00  }
0x1ce: {  	[sflag:s11] =	ssyncset.done $0x0  }
0x1cf: {  	[sflag:s11] =	ssyncadd.s32 $0xFFFF8300  }
0x1d0: {  	[bflag:$0x0] =	sbarrier.arrive $0xFFFF  }
0x1d1: {  	s30 =	rddreg [dreg:$0xe]  }
0x1d2: {  	[hbm:s30], [sflag:s4] =	dma.local [spmem:s6], $0x9C4  }
0x1d3: {  	_ =	swait.ge [sflag:s5], $0x9C4  }
0x1d4: {  	[sflag:s5] =	ssyncset.done $0x0  }
0x1d5: {  	[sflag:s5] =	ssyncadd.s32 $0xFFFFF63C  }
0x1d6: {  	_ =	sfence.sel $0x180000  }
0x1d7: {  	[bflag:$0x0] =	sbarrier.arrive $0xFFFF  }
0x1d8: {  	_ =	strace $0x90000056  }
0x1d9: {  	s31 =	stileid.u32;
	[bflag:$0x2] =	sbarrier.arrive $0xFFFF  }
0x1da: {  	p0 =	sne.s32 s31, $0x0;
	s0 =	rddreg [dreg:$0x2]  }
0x1db: {  	s0 =	sadd.s32 @!p0 $0x100000, s0  }
0x1dc: {  	[sflag:s0] =	ssyncadd.tile.s32 @!p0 $0x1;
	_ =	shalt  }
.Lfunc_end2:
_tile_overlayer_lowered:
.L_overlay_start_2:
0x1dd: {  	(tag) =	ssettag $0x2  }
0x1de: {  	s0 =	rddreg [dreg:$0x0];
	s2 =	stileid.u32  }
0x1df: {  	s1 =	rddreg [dreg:$0x1];
	p0 =	sne.s32 s2, $0x0  }
0x1e0: {  	s3 =	rddreg [dreg:$0x2];
	[bflag:$0x3] =	sbarrier.arrive $0xFFFF;
	s2 =	simm.s32 @!p0 $0x1C05  }
0x1e1: {  	[timem:s3], [sflag:s2] =	dma.local @!p0 [hbm:s0], s1  }
0x1e2: {  	s0 =	simm.s32 @!p0 $0x5  }
0x1e3: {  	_ =	swait.ge @!p0 [sflag:s0], s1  }
0x1e4: {  	s1 =	ssub.s32 @!p0 $0x0, s1;
	[sflag:s0] =	ssyncset.done @!p0 $0x0  }
0x1e5: {  	[sflag:s0] =	ssyncadd.s32 @!p0 s1  }
0x1e6: {  	[bflag:$0x3] =	sbarrier.arrive $0xFFFF  }
0x1e7: {  	_ =	shalt  }

</sc_bundles>
